<compile_context>
chip_gen: v7x
topology: tpu7x:2x2x1
jax: 0.10.2.dev20260603
libtpu: 0.0.44.dev20260713+nightly
codegen_flags: <defaults>
</compile_context>

<pallas_src>
import functools

import jax
import jax.numpy as jnp
from jax import lax
from jax.experimental import pallas as pl
from jax.experimental.pallas import tpu as pltpu
from jax.experimental.pallas import tpu_sc as plsc

N = 4096
D = 2048
NT = 16
NC = 2
NS = 16
NW = NC * NS
RPW = N // NW
LANES = 16
UNROLL = 4


def _sc_body(idx_hbm, *refs):
    tbls = refs[:NT]
    out_hbm = refs[NT]
    idx_v, rows_v, acc_v, cur_s, slot_s, mask_s, sem = refs[NT + 1:]

    wid = lax.axis_index("s") * NC + lax.axis_index("c")
    pltpu.sync_copy(idx_hbm.at[wid], idx_v)

    def zero_body(i, carry):
        acc_v[pl.ds(i * LANES, LANES)] = jnp.zeros((LANES,), jnp.float32)
        return carry

    lax.fori_loop(0, D // LANES, zero_body, 0)

    for bq in range(RPW // LANES):
        mvec = idx_v[NT, pl.ds(bq * LANES, LANES)]
        for u in range(LANES):
            mask_s[bq * LANES + u] = mvec[u]
    for t in range(NT):
        cur_s[t] = 0

    def fire_cond(c):
        m = mask_s[c]
        for t in range(NT):
            @pl.when((m >> t) & 1 != 0)
            def _():
                ns = 1 - cur_s[t]
                cur_s[t] = ns
                pltpu.make_async_copy(
                    tbls[t].at[idx_v.at[t, pl.ds(c, 1)]],
                    rows_v.at[ns, t], sem).start()

    def drain_cond(c):
        m = mask_s[c]
        for t in range(NT):
            @pl.when((m >> t) & 1 != 0)
            def _():
                pltpu.make_async_copy(
                    tbls[t].at[idx_v.at[t, pl.ds(0, 1)]],
                    rows_v.at[0, t], sem).wait()

    def save_slots():
        for t in range(NT):
            slot_s[t] = cur_s[t]

    def compute():
        s = [slot_s[t] for t in range(NT)]

        def lane_body(j, carry):
            for u in range(UNROLL):
                o = j * (LANES * UNROLL) + u * LANES
                v = [rows_v[s[t], t, 0, pl.ds(o, LANES)] for t in range(NT)]
                bracket = (v[1] * v[2] * v[3] + v[4] + v[5]
                           + (v[6] * v[7] * v[8] * v[9] * v[10] * v[11]
                              + v[12] * v[13] + v[14] * v[15]))
                plsc.addupdate(acc_v.at[pl.ds(o, LANES)], bracket * v[0])
            return carry

        lax.fori_loop(0, D // (LANES * UNROLL), lane_body, 0)

    fire_cond(0)

    def pipe_body(c, carry):
        save_slots()
        fire_cond(c + 1)
        drain_cond(c)
        compute()
        return carry

    lax.fori_loop(0, RPW - 1, pipe_body, 0)

    save_slots()
    drain_cond(RPW - 1)
    compute()
    pltpu.sync_copy(acc_v, out_hbm.at[wid])


def _final_body(p_ref, o_ref):
    o_ref[...] = jnp.tanh(jnp.sum(p_ref[...], axis=0, keepdims=True))


def _bucket(values, low, high, num):
    idx = jnp.clip(jnp.round((values - low) / (high - low) * (num - 1)),
                   0, num - 1).astype(jnp.int32)
    return idx


def kernel(input, t_time, t_x, t_y, t_z, t_mag, t_energy, t_x_fft, t_y_fft,
           t_z_fft, t_mag_fft, t_energy_fft, t_x_fft_i, t_y_fft_i, t_z_fft_i,
           t_mag_fft_i, t_energy_fft_i):
    inp = input.at[:, 0].add(-input[0, 0])
    n = inp.shape[0]
    xyz = inp[:, 1:]
    mags = jnp.sqrt(jnp.sum(jnp.square(xyz), axis=1))
    energy = jnp.sum(jnp.square(xyz), axis=1) / max(n, 1)
    fft = jnp.fft.fft(xyz, axis=0)
    fr = jnp.real(fft)
    fi = jnp.imag(fft)

    LV = t_x.shape[0]
    idx = jnp.stack([
        _bucket(inp[:, 0], 0.0, float(t_time.shape[0]), t_time.shape[0]),
        _bucket(inp[:, 1], 0.0, 1.0, LV),
        _bucket(inp[:, 2], 0.0, 1.0, LV),
        _bucket(inp[:, 3], 0.0, 1.0, LV),
        _bucket(mags, 0.0, 1.0, LV),
        _bucket(energy, 0.0, 1.0, LV),
        _bucket(fr[:, 0], 0.0, 1.0, LV),
        _bucket(fr[:, 1], 0.0, 1.0, LV),
        _bucket(fr[:, 2], 0.0, 1.0, LV),
        _bucket(fi[:, 0], 0.0, 1.0, LV),
        _bucket(fi[:, 1], 0.0, 1.0, LV),
        _bucket(fi[:, 2], 0.0, 1.0, LV),
        _bucket(jnp.sqrt(jnp.sum(jnp.square(fr), axis=1)), 0.0, 1.0, LV),
        _bucket(jnp.sqrt(jnp.sum(jnp.square(fi), axis=1)), 0.0, 1.0, LV),
        _bucket(jnp.sum(jnp.square(fr), axis=1) / max(n, 1), 0.0, 1.0, LV),
        _bucket(jnp.sum(jnp.square(fi), axis=1) / max(n, 1), 0.0, 1.0, LV),
    ], axis=0)
    idx3 = idx.reshape(NT, NW, RPW).transpose(1, 0, 2)
    changed = idx3[:, :, 1:] != idx3[:, :, :-1]
    weights = (1 << jnp.arange(NT, dtype=jnp.int32))[None, :, None]
    mask = jnp.sum(changed.astype(jnp.int32) * weights, axis=1)
    mask = jnp.concatenate(
        [jnp.full((NW, 1), (1 << NT) - 1, jnp.int32), mask], axis=1)
    idx4 = jnp.concatenate([idx3, mask[:, None, :]], axis=1)

    mesh = plsc.VectorSubcoreMesh(core_axis_name="c", subcore_axis_name="s")
    partials = pl.kernel(
        _sc_body,
        mesh=mesh,
        out_type=jax.ShapeDtypeStruct((NW, D), jnp.float32),
        scratch_types=[
            pltpu.VMEM((NT + 1, RPW), jnp.int32),
            pltpu.VMEM((2, NT, 1, D), jnp.float32),
            pltpu.VMEM((D,), jnp.float32),
            pltpu.SMEM((NT,), jnp.int32),
            pltpu.SMEM((NT,), jnp.int32),
            pltpu.SMEM((RPW,), jnp.int32),
            pltpu.SemaphoreType.DMA,
        ],
    )(idx4, t_time, t_x, t_y, t_z, t_mag, t_energy, t_x_fft, t_y_fft,
      t_z_fft, t_x_fft_i, t_y_fft_i, t_z_fft_i, t_mag_fft, t_mag_fft_i,
      t_energy_fft, t_energy_fft_i)

    out = pl.pallas_call(
        _final_body,
        out_shape=jax.ShapeDtypeStruct((1, D), jnp.float32),
    )(partials)
    return out.reshape(D)

# --- scband reference (transcript-rebuilt; emitter-appended) ---
"""Pipeline reference for scband-hdc-level-encoder-62225486185031 (READ-ONLY COPY).

The authoritative reference and input builder live on the scoring server;
editing this copy changes nothing except your own understanding.
"""

import jax, jax.numpy as jnp
import numpy as np

LEVELS = 1000
TIMESTAMPS = 4096
OUT_DIM = 2048
N = 4096

TABLE_NAMES = ['t_time', 't_x', 't_y', 't_z', 't_mag', 't_energy', 't_x_fft', 't_y_fft', 't_z_fft', 't_mag_fft', 't_energy_fft', 't_x_fft_i', 't_y_fft_i', 't_z_fft_i', 't_mag_fft_i', 't_energy_fft_i']


def _bipolar(key, shape):
    return jnp.where(jax.random.uniform(key, shape) < 0.5, -1.0, 1.0).astype(jnp.float32)


def setup_inputs(seed: int = 0) -> dict:
    key = jax.random.key(seed)
    ks = jax.random.split(key, 1 + len(TABLE_NAMES))
    inp = jax.random.uniform(ks[0], (N, 4), dtype=jnp.float32)
    # realistic monotone timestamps in column 0 (Level(timestamps,...) has high=TIMESTAMPS)
    inp = inp.at[:, 0].set(jnp.arange(N, dtype=jnp.float32))
    out = {'input': inp}
    for i, name in enumerate(TABLE_NAMES):
        rows = TIMESTAMPS if name == 't_time' else LEVELS
        out[name] = _bipolar(ks[1 + i], (rows, OUT_DIM))
    return out


def _level_lookup(table, values, low, high):
    num = table.shape[0]
    idx = jnp.clip(jnp.round((values - low) / (high - low) * (num - 1)), 0, num - 1).astype(jnp.int32)
    return jnp.take(table, idx, axis=0)


def reference(input, t_time, t_x, t_y, t_z, t_mag, t_energy, t_x_fft, t_y_fft, t_z_fft, t_mag_fft, t_energy_fft, t_x_fft_i, t_y_fft_i, t_z_fft_i, t_mag_fft_i, t_energy_fft_i):
    inp = input.at[:, 0].add(-input[0, 0])
    n = inp.shape[0]
    xyz = inp[:, 1:]
    xl = _level_lookup(t_x, inp[:, 1], 0.0, 1.0)
    yl = _level_lookup(t_y, inp[:, 2], 0.0, 1.0)
    zl = _level_lookup(t_z, inp[:, 3], 0.0, 1.0)
    mags = jnp.sqrt(jnp.sum(jnp.square(xyz), axis=1))
    energy = jnp.sum(jnp.square(xyz), axis=1) / max(n, 1)
    magl = _level_lookup(t_mag, mags, 0.0, 1.0)
    enl = _level_lookup(t_energy, energy, 0.0, 1.0)
    fft = jnp.fft.fft(xyz, axis=0)
    fr = jnp.real(fft)
    fi = jnp.imag(fft)
    xfl = _level_lookup(t_x_fft, fr[:, 0], 0.0, 1.0)
    yfl = _level_lookup(t_y_fft, fr[:, 1], 0.0, 1.0)
    zfl = _level_lookup(t_z_fft, fr[:, 2], 0.0, 1.0)
    xfil = _level_lookup(t_x_fft_i, fi[:, 0], 0.0, 1.0)
    yfil = _level_lookup(t_y_fft_i, fi[:, 1], 0.0, 1.0)
    zfil = _level_lookup(t_z_fft_i, fi[:, 2], 0.0, 1.0)
    fft_magl = _level_lookup(t_mag_fft, jnp.sqrt(jnp.sum(jnp.square(fr), axis=1)), 0.0, 1.0)
    fft_mag_il = _level_lookup(t_mag_fft_i, jnp.sqrt(jnp.sum(jnp.square(fi), axis=1)), 0.0, 1.0)
    en_fl = _level_lookup(t_energy_fft, jnp.sum(jnp.square(fr), axis=1) / max(n, 1), 0.0, 1.0)
    en_fil = _level_lookup(t_energy_fft_i, jnp.sum(jnp.square(fi), axis=1) / max(n, 1), 0.0, 1.0)
    times = _level_lookup(t_time, inp[:, 0], 0.0, float(TIMESTAMPS))
    sample_hvs = (xl * yl * zl + magl + enl + (xfl * yfl * zfl * xfil * yfil * zfil + fft_magl * fft_mag_il + en_fl * en_fil)) * times
    sample_hv = jnp.sum(sample_hvs, axis=0)
    return jnp.tanh(sample_hv)

if __name__ == "__main__":
    import jax
    _d = setup_inputs()
    print(jax.jit(kernel)(*tuple(_d.values())))

</pallas_src>

<mosaic_0001>
#map = affine_map<(d0, d1) -> (0, 0, 0)>
#map1 = affine_map<(d0, d1) -> (0, 0)>
module attributes {stable_mosaic.version = 14 : i64} {
  func.func @_sc_body(%arg0: i32, %arg1: i32, %arg2: memref<32x17x128xi32, #tpu.memory_space<hbm>>, %arg3: memref<4096x2048xf32, #tpu.memory_space<hbm>>, %arg4: memref<1000x2048xf32, #tpu.memory_space<hbm>>, %arg5: memref<1000x2048xf32, #tpu.memory_space<hbm>>, %arg6: memref<1000x2048xf32, #tpu.memory_space<hbm>>, %arg7: memref<1000x2048xf32, #tpu.memory_space<hbm>>, %arg8: memref<1000x2048xf32, #tpu.memory_space<hbm>>, %arg9: memref<1000x2048xf32, #tpu.memory_space<hbm>>, %arg10: memref<1000x2048xf32, #tpu.memory_space<hbm>>, %arg11: memref<1000x2048xf32, #tpu.memory_space<hbm>>, %arg12: memref<1000x2048xf32, #tpu.memory_space<hbm>>, %arg13: memref<1000x2048xf32, #tpu.memory_space<hbm>>, %arg14: memref<1000x2048xf32, #tpu.memory_space<hbm>>, %arg15: memref<1000x2048xf32, #tpu.memory_space<hbm>>, %arg16: memref<1000x2048xf32, #tpu.memory_space<hbm>>, %arg17: memref<1000x2048xf32, #tpu.memory_space<hbm>>, %arg18: memref<1000x2048xf32, #tpu.memory_space<hbm>>, %arg19: memref<32x2048xf32, #tpu.memory_space<hbm>>, %arg20: memref<17x128xi32, #tpu.memory_space<vmem>>, %arg21: memref<2x16x1x2048xf32, #tpu.memory_space<vmem>>, %arg22: memref<2048xf32, #tpu.memory_space<vmem>>, %arg23: memref<16xi32, #tpu.memory_space<smem>>, %arg24: memref<16xi32, #tpu.memory_space<smem>>, %arg25: memref<128xi32, #tpu.memory_space<smem>>, %arg26: memref<!tpu.dma_semaphore, #tpu.memory_space<semaphore_mem>>) attributes {dimension_semantics = [#tpu.dimension_semantics<core_parallel>, #tpu.dimension_semantics<subcore_parallel>], iteration_bounds = array<i64: 2, 16>, scalar_prefetch = 0 : i64, scratch_operands = 7 : i64, tpu.core_type = #tpu.core_type<sc_vector_subcore>, window_params = [{transform_indices = #map}, {transform_indices = #map1}, {transform_indices = #map1}, {transform_indices = #map1}, {transform_indices = #map1}, {transform_indices = #map1}, {transform_indices = #map1}, {transform_indices = #map1}, {transform_indices = #map1}, {transform_indices = #map1}, {transform_indices = #map1}, {transform_indices = #map1}, {transform_indices = #map1}, {transform_indices = #map1}, {transform_indices = #map1}, {transform_indices = #map1}, {transform_indices = #map1}, {transform_indices = #map1}]} {
    %mul3A = arith.constant 2 : i32
    %mul3A_0 = arith.muli %arg1, %mul3A : i32
    %add3A = arith.addi %mul3A_0, %arg0 : i32
    "tpu.region"() ({
      %run_scoped3A = tpu.sem_alloc : memref<!tpu.dma_semaphore, #tpu.memory_space<semaphore_mem>>
      %dma_start3A = arith.constant 0 : i32
      %dma_start3A_1191 = arith.constant 0 : i32
      %dma_start3A_1192 = tpu.memref_slice %arg2[%add3A, %dma_start3A, %dma_start3A_1191] : memref<32x17x128xi32, #tpu.memory_space<hbm>> -> memref<1x17x128xi32, #tpu.memory_space<hbm>>
      %dma_start3A_1193 = tpu.memref_squeeze %dma_start3A_1192 : memref<1x17x128xi32, #tpu.memory_space<hbm>> -> memref<17x128xi32, #tpu.memory_space<hbm>>
      %dma_start3A_1194 = arith.constant 0 : i32
      %dma_start3A_1195 = arith.constant 0 : i32
      %dma_start3A_1196 = tpu.memref_slice %arg2[%add3A, %dma_start3A_1194, %dma_start3A_1195] : memref<32x17x128xi32, #tpu.memory_space<hbm>> -> memref<1x17x128xi32, #tpu.memory_space<hbm>>
      %dma_start3A_1197 = tpu.memref_squeeze %dma_start3A_1196 : memref<1x17x128xi32, #tpu.memory_space<hbm>> -> memref<17x128xi32, #tpu.memory_space<hbm>>
      tpu.enqueue_dma source(%dma_start3A_1197 : memref<17x128xi32, #tpu.memory_space<hbm>>) target(%arg20 : memref<17x128xi32, #tpu.memory_space<vmem>>) target_semaphore(%run_scoped3A : memref<!tpu.dma_semaphore, #tpu.memory_space<semaphore_mem>>)
      %dma_wait3A = arith.constant 0 : i32
      %dma_wait3A_1198 = arith.constant 0 : i32
      %dma_wait3A_1199 = tpu.memref_slice %arg2[%add3A, %dma_wait3A, %dma_wait3A_1198] : memref<32x17x128xi32, #tpu.memory_space<hbm>> -> memref<1x17x128xi32, #tpu.memory_space<hbm>>
      %dma_wait3A_1200 = tpu.memref_squeeze %dma_wait3A_1199 : memref<1x17x128xi32, #tpu.memory_space<hbm>> -> memref<17x128xi32, #tpu.memory_space<hbm>>
      %dma_wait3A_1201 = arith.constant 0 : i32
      %dma_wait3A_1202 = arith.constant 0 : i32
      %dma_wait3A_1203 = tpu.memref_slice %arg2[%add3A, %dma_wait3A_1201, %dma_wait3A_1202] : memref<32x17x128xi32, #tpu.memory_space<hbm>> -> memref<1x17x128xi32, #tpu.memory_space<hbm>>
      %dma_wait3A_1204 = tpu.memref_squeeze %dma_wait3A_1203 : memref<1x17x128xi32, #tpu.memory_space<hbm>> -> memref<17x128xi32, #tpu.memory_space<hbm>>
      tpu.wait_dma2 semaphore(%run_scoped3A : memref<!tpu.dma_semaphore, #tpu.memory_space<semaphore_mem>>) src(%dma_wait3A_1204 : memref<17x128xi32, #tpu.memory_space<hbm>>) dst(%arg20 : memref<17x128xi32, #tpu.memory_space<vmem>>)
      tpu.yield
    }) : () -> ()
    %scan3A = arith.constant 0 : i32
    %scan3A_1 = arith.constant 0 : i32
    %scan3A_2 = arith.constant 128 : i32
    %scan3A_3 = arith.addi %scan3A_1, %scan3A_2 : i32
    %scan3A_4 = arith.constant 1 : i32
    scf.for %scan3A_1191 = %scan3A_1 to %scan3A_3 step %scan3A_4  : i32 {
      %broadcast_in_dim3A = arith.constant 0.000000e+00 : f32
      %broadcast_in_dim3A_1192 = vector.broadcast %broadcast_in_dim3A : f32 to vector<16xf32>
      %mul3A_1193 = arith.constant 16 : i32
      %mul3A_1194 = arith.muli %scan3A_1191, %mul3A_1193 : i32
      %swap3A_1195 = arith.index_cast %mul3A_1194 : i32 to index
      %swap3A_1196 = tpu.vector_load %arg22[%swap3A_1195] {strides = array<i32>} : memref<2048xf32, #tpu.memory_space<vmem>>, vector<16xf32>,
      %swap3A_1197 = vector.shape_cast %swap3A_1196 : vector<16xf32> to vector<16xf32>
      %swap3A_1198 = vector.shape_cast %broadcast_in_dim3A_1192 : vector<16xf32> to vector<16xf32>
      tpu.vector_store %arg22[%swap3A_1195], %swap3A_1198 {strides = array<i32>} : memref<2048xf32, #tpu.memory_space<vmem>>, vector<16xf32>,
    }
    %scan3A_5 = arith.constant 128 : i32
    %get3A = arith.constant 16 : i32
    %get3A_6 = arith.index_cast %get3A : i32 to index
    %get3A_7 = arith.constant 0 : index
    %get3A_8 = tpu.vector_load %arg20[%get3A_6, %get3A_7] {strides = array<i32>} : memref<17x128xi32, #tpu.memory_space<vmem>>, vector<1x16xi32>,
    %get3A_9 = vector.shape_cast %get3A_8 : vector<1x16xi32> to vector<16xi32>
    %slice3A = vector.extract_strided_slice %get3A_9 {offsets = [0], sizes = [1], strides = [1]} : vector<16xi32> to vector<1xi32>
    %squeeze3A = vector.extract %slice3A[0] : i32 from vector<1xi32>
    %swap3A = arith.constant 0 : i32
    %swap3A_10 = arith.index_cast %swap3A : i32 to index
    %swap3A_11 = memref.load %arg25[%swap3A_10] : memref<128xi32, #tpu.memory_space<smem>>
    memref.store %squeeze3A, %arg25[%swap3A_10] : memref<128xi32, #tpu.memory_space<smem>>
    %slice3A_12 = vector.extract_strided_slice %get3A_9 {offsets = [1], sizes = [1], strides = [1]} : vector<16xi32> to vector<1xi32>
    %squeeze3A_13 = vector.extract %slice3A_12[0] : i32 from vector<1xi32>
    %swap3A_14 = arith.constant 1 : i32
    %swap3A_15 = arith.index_cast %swap3A_14 : i32 to index
    %swap3A_16 = memref.load %arg25[%swap3A_15] : memref<128xi32, #tpu.memory_space<smem>>
    memref.store %squeeze3A_13, %arg25[%swap3A_15] : memref<128xi32, #tpu.memory_space<smem>>
    %slice3A_17 = vector.extract_strided_slice %get3A_9 {offsets = [2], sizes = [1], strides = [1]} : vector<16xi32> to vector<1xi32>
    %squeeze3A_18 = vector.extract %slice3A_17[0] : i32 from vector<1xi32>
    %swap3A_19 = arith.constant 2 : i32
    %swap3A_20 = arith.index_cast %swap3A_19 : i32 to index
    %swap3A_21 = memref.load %arg25[%swap3A_20] : memref<128xi32, #tpu.memory_space<smem>>
    memref.store %squeeze3A_18, %arg25[%swap3A_20] : memref<128xi32, #tpu.memory_space<smem>>
    %slice3A_22 = vector.extract_strided_slice %get3A_9 {offsets = [3], sizes = [1], strides = [1]} : vector<16xi32> to vector<1xi32>
    %squeeze3A_23 = vector.extract %slice3A_22[0] : i32 from vector<1xi32>
    %swap3A_24 = arith.constant 3 : i32
    %swap3A_25 = arith.index_cast %swap3A_24 : i32 to index
    %swap3A_26 = memref.load %arg25[%swap3A_25] : memref<128xi32, #tpu.memory_space<smem>>
    memref.store %squeeze3A_23, %arg25[%swap3A_25] : memref<128xi32, #tpu.memory_space<smem>>
    %slice3A_27 = vector.extract_strided_slice %get3A_9 {offsets = [4], sizes = [1], strides = [1]} : vector<16xi32> to vector<1xi32>
    %squeeze3A_28 = vector.extract %slice3A_27[0] : i32 from vector<1xi32>
    %swap3A_29 = arith.constant 4 : i32
    %swap3A_30 = arith.index_cast %swap3A_29 : i32 to index
    %swap3A_31 = memref.load %arg25[%swap3A_30] : memref<128xi32, #tpu.memory_space<smem>>
    memref.store %squeeze3A_28, %arg25[%swap3A_30] : memref<128xi32, #tpu.memory_space<smem>>
    %slice3A_32 = vector.extract_strided_slice %get3A_9 {offsets = [5], sizes = [1], strides = [1]} : vector<16xi32> to vector<1xi32>
    %squeeze3A_33 = vector.extract %slice3A_32[0] : i32 from vector<1xi32>
    %swap3A_34 = arith.constant 5 : i32
    %swap3A_35 = arith.index_cast %swap3A_34 : i32 to index
    %swap3A_36 = memref.load %arg25[%swap3A_35] : memref<128xi32, #tpu.memory_space<smem>>
    memref.store %squeeze3A_33, %arg25[%swap3A_35] : memref<128xi32, #tpu.memory_space<smem>>
    %slice3A_37 = vector.extract_strided_slice %get3A_9 {offsets = [6], sizes = [1], strides = [1]} : vector<16xi32> to vector<1xi32>
    %squeeze3A_38 = vector.extract %slice3A_37[0] : i32 from vector<1xi32>
    %swap3A_39 = arith.constant 6 : i32
    %swap3A_40 = arith.index_cast %swap3A_39 : i32 to index
    %swap3A_41 = memref.load %arg25[%swap3A_40] : memref<128xi32, #tpu.memory_space<smem>>
    memref.store %squeeze3A_38, %arg25[%swap3A_40] : memref<128xi32, #tpu.memory_space<smem>>
    %slice3A_42 = vector.extract_strided_slice %get3A_9 {offsets = [7], sizes = [1], strides = [1]} : vector<16xi32> to vector<1xi32>
    %squeeze3A_43 = vector.extract %slice3A_42[0] : i32 from vector<1xi32>
    %swap3A_44 = arith.constant 7 : i32
    %swap3A_45 = arith.index_cast %swap3A_44 : i32 to index
    %swap3A_46 = memref.load %arg25[%swap3A_45] : memref<128xi32, #tpu.memory_space<smem>>
    memref.store %squeeze3A_43, %arg25[%swap3A_45] : memref<128xi32, #tpu.memory_space<smem>>
    %slice3A_47 = vector.extract_strided_slice %get3A_9 {offsets = [8], sizes = [1], strides = [1]} : vector<16xi32> to vector<1xi32>
    %squeeze3A_48 = vector.extract %slice3A_47[0] : i32 from vector<1xi32>
    %swap3A_49 = arith.constant 8 : i32
    %swap3A_50 = arith.index_cast %swap3A_49 : i32 to index
    %swap3A_51 = memref.load %arg25[%swap3A_50] : memref<128xi32, #tpu.memory_space<smem>>
    memref.store %squeeze3A_48, %arg25[%swap3A_50] : memref<128xi32, #tpu.memory_space<smem>>
    %slice3A_52 = vector.extract_strided_slice %get3A_9 {offsets = [9], sizes = [1], strides = [1]} : vector<16xi32> to vector<1xi32>
    %squeeze3A_53 = vector.extract %slice3A_52[0] : i32 from vector<1xi32>
    %swap3A_54 = arith.constant 9 : i32
    %swap3A_55 = arith.index_cast %swap3A_54 : i32 to index
    %swap3A_56 = memref.load %arg25[%swap3A_55] : memref<128xi32, #tpu.memory_space<smem>>
    memref.store %squeeze3A_53, %arg25[%swap3A_55] : memref<128xi32, #tpu.memory_space<smem>>
    %slice3A_57 = vector.extract_strided_slice %get3A_9 {offsets = [10], sizes = [1], strides = [1]} : vector<16xi32> to vector<1xi32>
    %squeeze3A_58 = vector.extract %slice3A_57[0] : i32 from vector<1xi32>
    %swap3A_59 = arith.constant 10 : i32
    %swap3A_60 = arith.index_cast %swap3A_59 : i32 to index
    %swap3A_61 = memref.load %arg25[%swap3A_60] : memref<128xi32, #tpu.memory_space<smem>>
    memref.store %squeeze3A_58, %arg25[%swap3A_60] : memref<128xi32, #tpu.memory_space<smem>>
    %slice3A_62 = vector.extract_strided_slice %get3A_9 {offsets = [11], sizes = [1], strides = [1]} : vector<16xi32> to vector<1xi32>
    %squeeze3A_63 = vector.extract %slice3A_62[0] : i32 from vector<1xi32>
    %swap3A_64 = arith.constant 11 : i32
    %swap3A_65 = arith.index_cast %swap3A_64 : i32 to index
    %swap3A_66 = memref.load %arg25[%swap3A_65] : memref<128xi32, #tpu.memory_space<smem>>
    memref.store %squeeze3A_63, %arg25[%swap3A_65] : memref<128xi32, #tpu.memory_space<smem>>
    %slice3A_67 = vector.extract_strided_slice %get3A_9 {offsets = [12], sizes = [1], strides = [1]} : vector<16xi32> to vector<1xi32>
    %squeeze3A_68 = vector.extract %slice3A_67[0] : i32 from vector<1xi32>
    %swap3A_69 = arith.constant 12 : i32
    %swap3A_70 = arith.index_cast %swap3A_69 : i32 to index
    %swap3A_71 = memref.load %arg25[%swap3A_70] : memref<128xi32, #tpu.memory_space<smem>>
    memref.store %squeeze3A_68, %arg25[%swap3A_70] : memref<128xi32, #tpu.memory_space<smem>>
    %slice3A_72 = vector.extract_strided_slice %get3A_9 {offsets = [13], sizes = [1], strides = [1]} : vector<16xi32> to vector<1xi32>
    %squeeze3A_73 = vector.extract %slice3A_72[0] : i32 from vector<1xi32>
    %swap3A_74 = arith.constant 13 : i32
    %swap3A_75 = arith.index_cast %swap3A_74 : i32 to index
    %swap3A_76 = memref.load %arg25[%swap3A_75] : memref<128xi32, #tpu.memory_space<smem>>
    memref.store %squeeze3A_73, %arg25[%swap3A_75] : memref<128xi32, #tpu.memory_space<smem>>
    %slice3A_77 = vector.extract_strided_slice %get3A_9 {offsets = [14], sizes = [1], strides = [1]} : vector<16xi32> to vector<1xi32>
    %squeeze3A_78 = vector.extract %slice3A_77[0] : i32 from vector<1xi32>
    %swap3A_79 = arith.constant 14 : i32
    %swap3A_80 = arith.index_cast %swap3A_79 : i32 to index
    %swap3A_81 = memref.load %arg25[%swap3A_80] : memref<128xi32, #tpu.memory_space<smem>>
    memref.store %squeeze3A_78, %arg25[%swap3A_80] : memref<128xi32, #tpu.memory_space<smem>>
    %slice3A_82 = vector.extract_strided_slice %get3A_9 {offsets = [15], sizes = [1], strides = [1]} : vector<16xi32> to vector<1xi32>
    %squeeze3A_83 = vector.extract %slice3A_82[0] : i32 from vector<1xi32>
    %swap3A_84 = arith.constant 15 : i32
    %swap3A_85 = arith.index_cast %swap3A_84 : i32 to index
    %swap3A_86 = memref.load %arg25[%swap3A_85] : memref<128xi32, #tpu.memory_space<smem>>
    memref.store %squeeze3A_83, %arg25[%swap3A_85] : memref<128xi32, #tpu.memory_space<smem>>
    %get3A_87 = arith.constant 16 : i32
    %get3A_88 = arith.index_cast %get3A_87 : i32 to index
    %get3A_89 = arith.constant 16 : index
    %get3A_90 = tpu.vector_load %arg20[%get3A_88, %get3A_89] {strides = array<i32>} : memref<17x128xi32, #tpu.memory_space<vmem>>, vector<1x16xi32>,
    %get3A_91 = vector.shape_cast %get3A_90 : vector<1x16xi32> to vector<16xi32>
    %slice3A_92 = vector.extract_strided_slice %get3A_91 {offsets = [0], sizes = [1], strides = [1]} : vector<16xi32> to vector<1xi32>
    %squeeze3A_93 = vector.extract %slice3A_92[0] : i32 from vector<1xi32>
    %swap3A_94 = arith.constant 16 : i32
    %swap3A_95 = arith.index_cast %swap3A_94 : i32 to index
    %swap3A_96 = memref.load %arg25[%swap3A_95] : memref<128xi32, #tpu.memory_space<smem>>
    memref.store %squeeze3A_93, %arg25[%swap3A_95] : memref<128xi32, #tpu.memory_space<smem>>
    %slice3A_97 = vector.extract_strided_slice %get3A_91 {offsets = [1], sizes = [1], strides = [1]} : vector<16xi32> to vector<1xi32>
    %squeeze3A_98 = vector.extract %slice3A_97[0] : i32 from vector<1xi32>
    %swap3A_99 = arith.constant 17 : i32
    %swap3A_100 = arith.index_cast %swap3A_99 : i32 to index
    %swap3A_101 = memref.load %arg25[%swap3A_100] : memref<128xi32, #tpu.memory_space<smem>>
    memref.store %squeeze3A_98, %arg25[%swap3A_100] : memref<128xi32, #tpu.memory_space<smem>>
    %slice3A_102 = vector.extract_strided_slice %get3A_91 {offsets = [2], sizes = [1], strides = [1]} : vector<16xi32> to vector<1xi32>
    %squeeze3A_103 = vector.extract %slice3A_102[0] : i32 from vector<1xi32>
    %swap3A_104 = arith.constant 18 : i32
    %swap3A_105 = arith.index_cast %swap3A_104 : i32 to index
    %swap3A_106 = memref.load %arg25[%swap3A_105] : memref<128xi32, #tpu.memory_space<smem>>
    memref.store %squeeze3A_103, %arg25[%swap3A_105] : memref<128xi32, #tpu.memory_space<smem>>
    %slice3A_107 = vector.extract_strided_slice %get3A_91 {offsets = [3], sizes = [1], strides = [1]} : vector<16xi32> to vector<1xi32>
    %squeeze3A_108 = vector.extract %slice3A_107[0] : i32 from vector<1xi32>
    %swap3A_109 = arith.constant 19 : i32
    %swap3A_110 = arith.index_cast %swap3A_109 : i32 to index
    %swap3A_111 = memref.load %arg25[%swap3A_110] : memref<128xi32, #tpu.memory_space<smem>>
    memref.store %squeeze3A_108, %arg25[%swap3A_110] : memref<128xi32, #tpu.memory_space<smem>>
    %slice3A_112 = vector.extract_strided_slice %get3A_91 {offsets = [4], sizes = [1], strides = [1]} : vector<16xi32> to vector<1xi32>
    %squeeze3A_113 = vector.extract %slice3A_112[0] : i32 from vector<1xi32>
    %swap3A_114 = arith.constant 20 : i32
    %swap3A_115 = arith.index_cast %swap3A_114 : i32 to index
    %swap3A_116 = memref.load %arg25[%swap3A_115] : memref<128xi32, #tpu.memory_space<smem>>
    memref.store %squeeze3A_113, %arg25[%swap3A_115] : memref<128xi32, #tpu.memory_space<smem>>
    %slice3A_117 = vector.extract_strided_slice %get3A_91 {offsets = [5], sizes = [1], strides = [1]} : vector<16xi32> to vector<1xi32>
    %squeeze3A_118 = vector.extract %slice3A_117[0] : i32 from vector<1xi32>
    %swap3A_119 = arith.constant 21 : i32
    %swap3A_120 = arith.index_cast %swap3A_119 : i32 to index
    %swap3A_121 = memref.load %arg25[%swap3A_120] : memref<128xi32, #tpu.memory_space<smem>>
    memref.store %squeeze3A_118, %arg25[%swap3A_120] : memref<128xi32, #tpu.memory_space<smem>>
    %slice3A_122 = vector.extract_strided_slice %get3A_91 {offsets = [6], sizes = [1], strides = [1]} : vector<16xi32> to vector<1xi32>
    %squeeze3A_123 = vector.extract %slice3A_122[0] : i32 from vector<1xi32>
    %swap3A_124 = arith.constant 22 : i32
    %swap3A_125 = arith.index_cast %swap3A_124 : i32 to index
    %swap3A_126 = memref.load %arg25[%swap3A_125] : memref<128xi32, #tpu.memory_space<smem>>
    memref.store %squeeze3A_123, %arg25[%swap3A_125] : memref<128xi32, #tpu.memory_space<smem>>
    %slice3A_127 = vector.extract_strided_slice %get3A_91 {offsets = [7], sizes = [1], strides = [1]} : vector<16xi32> to vector<1xi32>
    %squeeze3A_128 = vector.extract %slice3A_127[0] : i32 from vector<1xi32>
    %swap3A_129 = arith.constant 23 : i32
    %swap3A_130 = arith.index_cast %swap3A_129 : i32 to index
    %swap3A_131 = memref.load %arg25[%swap3A_130] : memref<128xi32, #tpu.memory_space<smem>>
    memref.store %squeeze3A_128, %arg25[%swap3A_130] : memref<128xi32, #tpu.memory_space<smem>>
    %slice3A_132 = vector.extract_strided_slice %get3A_91 {offsets = [8], sizes = [1], strides = [1]} : vector<16xi32> to vector<1xi32>
    %squeeze3A_133 = vector.extract %slice3A_132[0] : i32 from vector<1xi32>
    %swap3A_134 = arith.constant 24 : i32
    %swap3A_135 = arith.index_cast %swap3A_134 : i32 to index
    %swap3A_136 = memref.load %arg25[%swap3A_135] : memref<128xi32, #tpu.memory_space<smem>>
    memref.store %squeeze3A_133, %arg25[%swap3A_135] : memref<128xi32, #tpu.memory_space<smem>>
    %slice3A_137 = vector.extract_strided_slice %get3A_91 {offsets = [9], sizes = [1], strides = [1]} : vector<16xi32> to vector<1xi32>
    %squeeze3A_138 = vector.extract %slice3A_137[0] : i32 from vector<1xi32>
    %swap3A_139 = arith.constant 25 : i32
    %swap3A_140 = arith.index_cast %swap3A_139 : i32 to index
    %swap3A_141 = memref.load %arg25[%swap3A_140] : memref<128xi32, #tpu.memory_space<smem>>
    memref.store %squeeze3A_138, %arg25[%swap3A_140] : memref<128xi32, #tpu.memory_space<smem>>
    %slice3A_142 = vector.extract_strided_slice %get3A_91 {offsets = [10], sizes = [1], strides = [1]} : vector<16xi32> to vector<1xi32>
    %squeeze3A_143 = vector.extract %slice3A_142[0] : i32 from vector<1xi32>
    %swap3A_144 = arith.constant 26 : i32
    %swap3A_145 = arith.index_cast %swap3A_144 : i32 to index
    %swap3A_146 = memref.load %arg25[%swap3A_145] : memref<128xi32, #tpu.memory_space<smem>>
    memref.store %squeeze3A_143, %arg25[%swap3A_145] : memref<128xi32, #tpu.memory_space<smem>>
    %slice3A_147 = vector.extract_strided_slice %get3A_91 {offsets = [11], sizes = [1], strides = [1]} : vector<16xi32> to vector<1xi32>
    %squeeze3A_148 = vector.extract %slice3A_147[0] : i32 from vector<1xi32>
    %swap3A_149 = arith.constant 27 : i32
    %swap3A_150 = arith.index_cast %swap3A_149 : i32 to index
    %swap3A_151 = memref.load %arg25[%swap3A_150] : memref<128xi32, #tpu.memory_space<smem>>
    memref.store %squeeze3A_148, %arg25[%swap3A_150] : memref<128xi32, #tpu.memory_space<smem>>
    %slice3A_152 = vector.extract_strided_slice %get3A_91 {offsets = [12], sizes = [1], strides = [1]} : vector<16xi32> to vector<1xi32>
    %squeeze3A_153 = vector.extract %slice3A_152[0] : i32 from vector<1xi32>
    %swap3A_154 = arith.constant 28 : i32
    %swap3A_155 = arith.index_cast %swap3A_154 : i32 to index
    %swap3A_156 = memref.load %arg25[%swap3A_155] : memref<128xi32, #tpu.memory_space<smem>>
    memref.store %squeeze3A_153, %arg25[%swap3A_155] : memref<128xi32, #tpu.memory_space<smem>>
    %slice3A_157 = vector.extract_strided_slice %get3A_91 {offsets = [13], sizes = [1], strides = [1]} : vector<16xi32> to vector<1xi32>
    %squeeze3A_158 = vector.extract %slice3A_157[0] : i32 from vector<1xi32>
    %swap3A_159 = arith.constant 29 : i32
    %swap3A_160 = arith.index_cast %swap3A_159 : i32 to index
    %swap3A_161 = memref.load %arg25[%swap3A_160] : memref<128xi32, #tpu.memory_space<smem>>
    memref.store %squeeze3A_158, %arg25[%swap3A_160] : memref<128xi32, #tpu.memory_space<smem>>
    %slice3A_162 = vector.extract_strided_slice %get3A_91 {offsets = [14], sizes = [1], strides = [1]} : vector<16xi32> to vector<1xi32>
    %squeeze3A_163 = vector.extract %slice3A_162[0] : i32 from vector<1xi32>
    %swap3A_164 = arith.constant 30 : i32
    %swap3A_165 = arith.index_cast %swap3A_164 : i32 to index
    %swap3A_166 = memref.load %arg25[%swap3A_165] : memref<128xi32, #tpu.memory_space<smem>>
    memref.store %squeeze3A_163, %arg25[%swap3A_165] : memref<128xi32, #tpu.memory_space<smem>>
    %slice3A_167 = vector.extract_strided_slice %get3A_91 {offsets = [15], sizes = [1], strides = [1]} : vector<16xi32> to vector<1xi32>
    %squeeze3A_168 = vector.extract %slice3A_167[0] : i32 from vector<1xi32>
    %swap3A_169 = arith.constant 31 : i32
    %swap3A_170 = arith.index_cast %swap3A_169 : i32 to index
    %swap3A_171 = memref.load %arg25[%swap3A_170] : memref<128xi32, #tpu.memory_space<smem>>
    memref.store %squeeze3A_168, %arg25[%swap3A_170] : memref<128xi32, #tpu.memory_space<smem>>
    %get3A_172 = arith.constant 16 : i32
    %get3A_173 = arith.index_cast %get3A_172 : i32 to index
    %get3A_174 = arith.constant 32 : index
    %get3A_175 = tpu.vector_load %arg20[%get3A_173, %get3A_174] {strides = array<i32>} : memref<17x128xi32, #tpu.memory_space<vmem>>, vector<1x16xi32>,
    %get3A_176 = vector.shape_cast %get3A_175 : vector<1x16xi32> to vector<16xi32>
    %slice3A_177 = vector.extract_strided_slice %get3A_176 {offsets = [0], sizes = [1], strides = [1]} : vector<16xi32> to vector<1xi32>
    %squeeze3A_178 = vector.extract %slice3A_177[0] : i32 from vector<1xi32>
    %swap3A_179 = arith.constant 32 : i32
    %swap3A_180 = arith.index_cast %swap3A_179 : i32 to index
    %swap3A_181 = memref.load %arg25[%swap3A_180] : memref<128xi32, #tpu.memory_space<smem>>
    memref.store %squeeze3A_178, %arg25[%swap3A_180] : memref<128xi32, #tpu.memory_space<smem>>
    %slice3A_182 = vector.extract_strided_slice %get3A_176 {offsets = [1], sizes = [1], strides = [1]} : vector<16xi32> to vector<1xi32>
    %squeeze3A_183 = vector.extract %slice3A_182[0] : i32 from vector<1xi32>
    %swap3A_184 = arith.constant 33 : i32
    %swap3A_185 = arith.index_cast %swap3A_184 : i32 to index
    %swap3A_186 = memref.load %arg25[%swap3A_185] : memref<128xi32, #tpu.memory_space<smem>>
    memref.store %squeeze3A_183, %arg25[%swap3A_185] : memref<128xi32, #tpu.memory_space<smem>>
    %slice3A_187 = vector.extract_strided_slice %get3A_176 {offsets = [2], sizes = [1], strides = [1]} : vector<16xi32> to vector<1xi32>
    %squeeze3A_188 = vector.extract %slice3A_187[0] : i32 from vector<1xi32>
    %swap3A_189 = arith.constant 34 : i32
    %swap3A_190 = arith.index_cast %swap3A_189 : i32 to index
    %swap3A_191 = memref.load %arg25[%swap3A_190] : memref<128xi32, #tpu.memory_space<smem>>
    memref.store %squeeze3A_188, %arg25[%swap3A_190] : memref<128xi32, #tpu.memory_space<smem>>
    %slice3A_192 = vector.extract_strided_slice %get3A_176 {offsets = [3], sizes = [1], strides = [1]} : vector<16xi32> to vector<1xi32>
    %squeeze3A_193 = vector.extract %slice3A_192[0] : i32 from vector<1xi32>
    %swap3A_194 = arith.constant 35 : i32
    %swap3A_195 = arith.index_cast %swap3A_194 : i32 to index
    %swap3A_196 = memref.load %arg25[%swap3A_195] : memref<128xi32, #tpu.memory_space<smem>>
    memref.store %squeeze3A_193, %arg25[%swap3A_195] : memref<128xi32, #tpu.memory_space<smem>>
    %slice3A_197 = vector.extract_strided_slice %get3A_176 {offsets = [4], sizes = [1], strides = [1]} : vector<16xi32> to vector<1xi32>
    %squeeze3A_198 = vector.extract %slice3A_197[0] : i32 from vector<1xi32>
    %swap3A_199 = arith.constant 36 : i32
    %swap3A_200 = arith.index_cast %swap3A_199 : i32 to index
    %swap3A_201 = memref.load %arg25[%swap3A_200] : memref<128xi32, #tpu.memory_space<smem>>
    memref.store %squeeze3A_198, %arg25[%swap3A_200] : memref<128xi32, #tpu.memory_space<smem>>
    %slice3A_202 = vector.extract_strided_slice %get3A_176 {offsets = [5], sizes = [1], strides = [1]} : vector<16xi32> to vector<1xi32>
    %squeeze3A_203 = vector.extract %slice3A_202[0] : i32 from vector<1xi32>
    %swap3A_204 = arith.constant 37 : i32
    %swap3A_205 = arith.index_cast %swap3A_204 : i32 to index
    %swap3A_206 = memref.load %arg25[%swap3A_205] : memref<128xi32, #tpu.memory_space<smem>>
    memref.store %squeeze3A_203, %arg25[%swap3A_205] : memref<128xi32, #tpu.memory_space<smem>>
    %slice3A_207 = vector.extract_strided_slice %get3A_176 {offsets = [6], sizes = [1], strides = [1]} : vector<16xi32> to vector<1xi32>
    %squeeze3A_208 = vector.extract %slice3A_207[0] : i32 from vector<1xi32>
    %swap3A_209 = arith.constant 38 : i32
    %swap3A_210 = arith.index_cast %swap3A_209 : i32 to index
    %swap3A_211 = memref.load %arg25[%swap3A_210] : memref<128xi32, #tpu.memory_space<smem>>
    memref.store %squeeze3A_208, %arg25[%swap3A_210] : memref<128xi32, #tpu.memory_space<smem>>
    %slice3A_212 = vector.extract_strided_slice %get3A_176 {offsets = [7], sizes = [1], strides = [1]} : vector<16xi32> to vector<1xi32>
    %squeeze3A_213 = vector.extract %slice3A_212[0] : i32 from vector<1xi32>
    %swap3A_214 = arith.constant 39 : i32
    %swap3A_215 = arith.index_cast %swap3A_214 : i32 to index
    %swap3A_216 = memref.load %arg25[%swap3A_215] : memref<128xi32, #tpu.memory_space<smem>>
    memref.store %squeeze3A_213, %arg25[%swap3A_215] : memref<128xi32, #tpu.memory_space<smem>>
    %slice3A_217 = vector.extract_strided_slice %get3A_176 {offsets = [8], sizes = [1], strides = [1]} : vector<16xi32> to vector<1xi32>
    %squeeze3A_218 = vector.extract %slice3A_217[0] : i32 from vector<1xi32>
    %swap3A_219 = arith.constant 40 : i32
    %swap3A_220 = arith.index_cast %swap3A_219 : i32 to index
    %swap3A_221 = memref.load %arg25[%swap3A_220] : memref<128xi32, #tpu.memory_space<smem>>
    memref.store %squeeze3A_218, %arg25[%swap3A_220] : memref<128xi32, #tpu.memory_space<smem>>
    %slice3A_222 = vector.extract_strided_slice %get3A_176 {offsets = [9], sizes = [1], strides = [1]} : vector<16xi32> to vector<1xi32>
    %squeeze3A_223 = vector.extract %slice3A_222[0] : i32 from vector<1xi32>
    %swap3A_224 = arith.constant 41 : i32
    %swap3A_225 = arith.index_cast %swap3A_224 : i32 to index
    %swap3A_226 = memref.load %arg25[%swap3A_225] : memref<128xi32, #tpu.memory_space<smem>>
    memref.store %squeeze3A_223, %arg25[%swap3A_225] : memref<128xi32, #tpu.memory_space<smem>>
    %slice3A_227 = vector.extract_strided_slice %get3A_176 {offsets = [10], sizes = [1], strides = [1]} : vector<16xi32> to vector<1xi32>
    %squeeze3A_228 = vector.extract %slice3A_227[0] : i32 from vector<1xi32>
    %swap3A_229 = arith.constant 42 : i32
    %swap3A_230 = arith.index_cast %swap3A_229 : i32 to index
    %swap3A_231 = memref.load %arg25[%swap3A_230] : memref<128xi32, #tpu.memory_space<smem>>
    memref.store %squeeze3A_228, %arg25[%swap3A_230] : memref<128xi32, #tpu.memory_space<smem>>
    %slice3A_232 = vector.extract_strided_slice %get3A_176 {offsets = [11], sizes = [1], strides = [1]} : vector<16xi32> to vector<1xi32>
    %squeeze3A_233 = vector.extract %slice3A_232[0] : i32 from vector<1xi32>
    %swap3A_234 = arith.constant 43 : i32
    %swap3A_235 = arith.index_cast %swap3A_234 : i32 to index
    %swap3A_236 = memref.load %arg25[%swap3A_235] : memref<128xi32, #tpu.memory_space<smem>>
    memref.store %squeeze3A_233, %arg25[%swap3A_235] : memref<128xi32, #tpu.memory_space<smem>>
    %slice3A_237 = vector.extract_strided_slice %get3A_176 {offsets = [12], sizes = [1], strides = [1]} : vector<16xi32> to vector<1xi32>
    %squeeze3A_238 = vector.extract %slice3A_237[0] : i32 from vector<1xi32>
    %swap3A_239 = arith.constant 44 : i32
    %swap3A_240 = arith.index_cast %swap3A_239 : i32 to index
    %swap3A_241 = memref.load %arg25[%swap3A_240] : memref<128xi32, #tpu.memory_space<smem>>
    memref.store %squeeze3A_238, %arg25[%swap3A_240] : memref<128xi32, #tpu.memory_space<smem>>
    %slice3A_242 = vector.extract_strided_slice %get3A_176 {offsets = [13], sizes = [1], strides = [1]} : vector<16xi32> to vector<1xi32>
    %squeeze3A_243 = vector.extract %slice3A_242[0] : i32 from vector<1xi32>
    %swap3A_244 = arith.constant 45 : i32
    %swap3A_245 = arith.index_cast %swap3A_244 : i32 to index
    %swap3A_246 = memref.load %arg25[%swap3A_245] : memref<128xi32, #tpu.memory_space<smem>>
    memref.store %squeeze3A_243, %arg25[%swap3A_245] : memref<128xi32, #tpu.memory_space<smem>>
    %slice3A_247 = vector.extract_strided_slice %get3A_176 {offsets = [14], sizes = [1], strides = [1]} : vector<16xi32> to vector<1xi32>
    %squeeze3A_248 = vector.extract %slice3A_247[0] : i32 from vector<1xi32>
    %swap3A_249 = arith.constant 46 : i32
    %swap3A_250 = arith.index_cast %swap3A_249 : i32 to index
    %swap3A_251 = memref.load %arg25[%swap3A_250] : memref<128xi32, #tpu.memory_space<smem>>
    memref.store %squeeze3A_248, %arg25[%swap3A_250] : memref<128xi32, #tpu.memory_space<smem>>
    %slice3A_252 = vector.extract_strided_slice %get3A_176 {offsets = [15], sizes = [1], strides = [1]} : vector<16xi32> to vector<1xi32>
    %squeeze3A_253 = vector.extract %slice3A_252[0] : i32 from vector<1xi32>
    %swap3A_254 = arith.constant 47 : i32
    %swap3A_255 = arith.index_cast %swap3A_254 : i32 to index
    %swap3A_256 = memref.load %arg25[%swap3A_255] : memref<128xi32, #tpu.memory_space<smem>>
    memref.store %squeeze3A_253, %arg25[%swap3A_255] : memref<128xi32, #tpu.memory_space<smem>>
    %get3A_257 = arith.constant 16 : i32
    %get3A_258 = arith.index_cast %get3A_257 : i32 to index
    %get3A_259 = arith.constant 48 : index
    %get3A_260 = tpu.vector_load %arg20[%get3A_258, %get3A_259] {strides = array<i32>} : memref<17x128xi32, #tpu.memory_space<vmem>>, vector<1x16xi32>,
    %get3A_261 = vector.shape_cast %get3A_260 : vector<1x16xi32> to vector<16xi32>
    %slice3A_262 = vector.extract_strided_slice %get3A_261 {offsets = [0], sizes = [1], strides = [1]} : vector<16xi32> to vector<1xi32>
    %squeeze3A_263 = vector.extract %slice3A_262[0] : i32 from vector<1xi32>
    %swap3A_264 = arith.constant 48 : i32
    %swap3A_265 = arith.index_cast %swap3A_264 : i32 to index
    %swap3A_266 = memref.load %arg25[%swap3A_265] : memref<128xi32, #tpu.memory_space<smem>>
    memref.store %squeeze3A_263, %arg25[%swap3A_265] : memref<128xi32, #tpu.memory_space<smem>>
    %slice3A_267 = vector.extract_strided_slice %get3A_261 {offsets = [1], sizes = [1], strides = [1]} : vector<16xi32> to vector<1xi32>
    %squeeze3A_268 = vector.extract %slice3A_267[0] : i32 from vector<1xi32>
    %swap3A_269 = arith.constant 49 : i32
    %swap3A_270 = arith.index_cast %swap3A_269 : i32 to index
    %swap3A_271 = memref.load %arg25[%swap3A_270] : memref<128xi32, #tpu.memory_space<smem>>
    memref.store %squeeze3A_268, %arg25[%swap3A_270] : memref<128xi32, #tpu.memory_space<smem>>
    %slice3A_272 = vector.extract_strided_slice %get3A_261 {offsets = [2], sizes = [1], strides = [1]} : vector<16xi32> to vector<1xi32>
    %squeeze3A_273 = vector.extract %slice3A_272[0] : i32 from vector<1xi32>
    %swap3A_274 = arith.constant 50 : i32
    %swap3A_275 = arith.index_cast %swap3A_274 : i32 to index
    %swap3A_276 = memref.load %arg25[%swap3A_275] : memref<128xi32, #tpu.memory_space<smem>>
    memref.store %squeeze3A_273, %arg25[%swap3A_275] : memref<128xi32, #tpu.memory_space<smem>>
    %slice3A_277 = vector.extract_strided_slice %get3A_261 {offsets = [3], sizes = [1], strides = [1]} : vector<16xi32> to vector<1xi32>
    %squeeze3A_278 = vector.extract %slice3A_277[0] : i32 from vector<1xi32>
    %swap3A_279 = arith.constant 51 : i32
    %swap3A_280 = arith.index_cast %swap3A_279 : i32 to index
    %swap3A_281 = memref.load %arg25[%swap3A_280] : memref<128xi32, #tpu.memory_space<smem>>
    memref.store %squeeze3A_278, %arg25[%swap3A_280] : memref<128xi32, #tpu.memory_space<smem>>
    %slice3A_282 = vector.extract_strided_slice %get3A_261 {offsets = [4], sizes = [1], strides = [1]} : vector<16xi32> to vector<1xi32>
    %squeeze3A_283 = vector.extract %slice3A_282[0] : i32 from vector<1xi32>
    %swap3A_284 = arith.constant 52 : i32
    %swap3A_285 = arith.index_cast %swap3A_284 : i32 to index
    %swap3A_286 = memref.load %arg25[%swap3A_285] : memref<128xi32, #tpu.memory_space<smem>>
    memref.store %squeeze3A_283, %arg25[%swap3A_285] : memref<128xi32, #tpu.memory_space<smem>>
    %slice3A_287 = vector.extract_strided_slice %get3A_261 {offsets = [5], sizes = [1], strides = [1]} : vector<16xi32> to vector<1xi32>
    %squeeze3A_288 = vector.extract %slice3A_287[0] : i32 from vector<1xi32>
    %swap3A_289 = arith.constant 53 : i32
    %swap3A_290 = arith.index_cast %swap3A_289 : i32 to index
    %swap3A_291 = memref.load %arg25[%swap3A_290] : memref<128xi32, #tpu.memory_space<smem>>
    memref.store %squeeze3A_288, %arg25[%swap3A_290] : memref<128xi32, #tpu.memory_space<smem>>
    %slice3A_292 = vector.extract_strided_slice %get3A_261 {offsets = [6], sizes = [1], strides = [1]} : vector<16xi32> to vector<1xi32>
    %squeeze3A_293 = vector.extract %slice3A_292[0] : i32 from vector<1xi32>
    %swap3A_294 = arith.constant 54 : i32
    %swap3A_295 = arith.index_cast %swap3A_294 : i32 to index
    %swap3A_296 = memref.load %arg25[%swap3A_295] : memref<128xi32, #tpu.memory_space<smem>>
    memref.store %squeeze3A_293, %arg25[%swap3A_295] : memref<128xi32, #tpu.memory_space<smem>>
    %slice3A_297 = vector.extract_strided_slice %get3A_261 {offsets = [7], sizes = [1], strides = [1]} : vector<16xi32> to vector<1xi32>
    %squeeze3A_298 = vector.extract %slice3A_297[0] : i32 from vector<1xi32>
    %swap3A_299 = arith.constant 55 : i32
    %swap3A_300 = arith.index_cast %swap3A_299 : i32 to index
    %swap3A_301 = memref.load %arg25[%swap3A_300] : memref<128xi32, #tpu.memory_space<smem>>
    memref.store %squeeze3A_298, %arg25[%swap3A_300] : memref<128xi32, #tpu.memory_space<smem>>
    %slice3A_302 = vector.extract_strided_slice %get3A_261 {offsets = [8], sizes = [1], strides = [1]} : vector<16xi32> to vector<1xi32>
    %squeeze3A_303 = vector.extract %slice3A_302[0] : i32 from vector<1xi32>
    %swap3A_304 = arith.constant 56 : i32
    %swap3A_305 = arith.index_cast %swap3A_304 : i32 to index
    %swap3A_306 = memref.load %arg25[%swap3A_305] : memref<128xi32, #tpu.memory_space<smem>>
    memref.store %squeeze3A_303, %arg25[%swap3A_305] : memref<128xi32, #tpu.memory_space<smem>>
    %slice3A_307 = vector.extract_strided_slice %get3A_261 {offsets = [9], sizes = [1], strides = [1]} : vector<16xi32> to vector<1xi32>
    %squeeze3A_308 = vector.extract %slice3A_307[0] : i32 from vector<1xi32>
    %swap3A_309 = arith.constant 57 : i32
    %swap3A_310 = arith.index_cast %swap3A_309 : i32 to index
    %swap3A_311 = memref.load %arg25[%swap3A_310] : memref<128xi32, #tpu.memory_space<smem>>
    memref.store %squeeze3A_308, %arg25[%swap3A_310] : memref<128xi32, #tpu.memory_space<smem>>
    %slice3A_312 = vector.extract_strided_slice %get3A_261 {offsets = [10], sizes = [1], strides = [1]} : vector<16xi32> to vector<1xi32>
    %squeeze3A_313 = vector.extract %slice3A_312[0] : i32 from vector<1xi32>
    %swap3A_314 = arith.constant 58 : i32
    %swap3A_315 = arith.index_cast %swap3A_314 : i32 to index
    %swap3A_316 = memref.load %arg25[%swap3A_315] : memref<128xi32, #tpu.memory_space<smem>>
    memref.store %squeeze3A_313, %arg25[%swap3A_315] : memref<128xi32, #tpu.memory_space<smem>>
    %slice3A_317 = vector.extract_strided_slice %get3A_261 {offsets = [11], sizes = [1], strides = [1]} : vector<16xi32> to vector<1xi32>
    %squeeze3A_318 = vector.extract %slice3A_317[0] : i32 from vector<1xi32>
    %swap3A_319 = arith.constant 59 : i32
    %swap3A_320 = arith.index_cast %swap3A_319 : i32 to index
    %swap3A_321 = memref.load %arg25[%swap3A_320] : memref<128xi32, #tpu.memory_space<smem>>
    memref.store %squeeze3A_318, %arg25[%swap3A_320] : memref<128xi32, #tpu.memory_space<smem>>
    %slice3A_322 = vector.extract_strided_slice %get3A_261 {offsets = [12], sizes = [1], strides = [1]} : vector<16xi32> to vector<1xi32>
    %squeeze3A_323 = vector.extract %slice3A_322[0] : i32 from vector<1xi32>
    %swap3A_324 = arith.constant 60 : i32
    %swap3A_325 = arith.index_cast %swap3A_324 : i32 to index
    %swap3A_326 = memref.load %arg25[%swap3A_325] : memref<128xi32, #tpu.memory_space<smem>>
    memref.store %squeeze3A_323, %arg25[%swap3A_325] : memref<128xi32, #tpu.memory_space<smem>>
    %slice3A_327 = vector.extract_strided_slice %get3A_261 {offsets = [13], sizes = [1], strides = [1]} : vector<16xi32> to vector<1xi32>
    %squeeze3A_328 = vector.extract %slice3A_327[0] : i32 from vector<1xi32>
    %swap3A_329 = arith.constant 61 : i32
    %swap3A_330 = arith.index_cast %swap3A_329 : i32 to index
    %swap3A_331 = memref.load %arg25[%swap3A_330] : memref<128xi32, #tpu.memory_space<smem>>
    memref.store %squeeze3A_328, %arg25[%swap3A_330] : memref<128xi32, #tpu.memory_space<smem>>
    %slice3A_332 = vector.extract_strided_slice %get3A_261 {offsets = [14], sizes = [1], strides = [1]} : vector<16xi32> to vector<1xi32>
    %squeeze3A_333 = vector.extract %slice3A_332[0] : i32 from vector<1xi32>
    %swap3A_334 = arith.constant 62 : i32
    %swap3A_335 = arith.index_cast %swap3A_334 : i32 to index
    %swap3A_336 = memref.load %arg25[%swap3A_335] : memref<128xi32, #tpu.memory_space<smem>>
    memref.store %squeeze3A_333, %arg25[%swap3A_335] : memref<128xi32, #tpu.memory_space<smem>>
    %slice3A_337 = vector.extract_strided_slice %get3A_261 {offsets = [15], sizes = [1], strides = [1]} : vector<16xi32> to vector<1xi32>
    %squeeze3A_338 = vector.extract %slice3A_337[0] : i32 from vector<1xi32>
    %swap3A_339 = arith.constant 63 : i32
    %swap3A_340 = arith.index_cast %swap3A_339 : i32 to index
    %swap3A_341 = memref.load %arg25[%swap3A_340] : memref<128xi32, #tpu.memory_space<smem>>
    memref.store %squeeze3A_338, %arg25[%swap3A_340] : memref<128xi32, #tpu.memory_space<smem>>
    %get3A_342 = arith.constant 16 : i32
    %get3A_343 = arith.index_cast %get3A_342 : i32 to index
    %get3A_344 = arith.constant 64 : index
    %get3A_345 = tpu.vector_load %arg20[%get3A_343, %get3A_344] {strides = array<i32>} : memref<17x128xi32, #tpu.memory_space<vmem>>, vector<1x16xi32>,
    %get3A_346 = vector.shape_cast %get3A_345 : vector<1x16xi32> to vector<16xi32>
    %slice3A_347 = vector.extract_strided_slice %get3A_346 {offsets = [0], sizes = [1], strides = [1]} : vector<16xi32> to vector<1xi32>
    %squeeze3A_348 = vector.extract %slice3A_347[0] : i32 from vector<1xi32>
    %swap3A_349 = arith.constant 64 : i32
    %swap3A_350 = arith.index_cast %swap3A_349 : i32 to index
    %swap3A_351 = memref.load %arg25[%swap3A_350] : memref<128xi32, #tpu.memory_space<smem>>
    memref.store %squeeze3A_348, %arg25[%swap3A_350] : memref<128xi32, #tpu.memory_space<smem>>
    %slice3A_352 = vector.extract_strided_slice %get3A_346 {offsets = [1], sizes = [1], strides = [1]} : vector<16xi32> to vector<1xi32>
    %squeeze3A_353 = vector.extract %slice3A_352[0] : i32 from vector<1xi32>
    %swap3A_354 = arith.constant 65 : i32
    %swap3A_355 = arith.index_cast %swap3A_354 : i32 to index
    %swap3A_356 = memref.load %arg25[%swap3A_355] : memref<128xi32, #tpu.memory_space<smem>>
    memref.store %squeeze3A_353, %arg25[%swap3A_355] : memref<128xi32, #tpu.memory_space<smem>>
    %slice3A_357 = vector.extract_strided_slice %get3A_346 {offsets = [2], sizes = [1], strides = [1]} : vector<16xi32> to vector<1xi32>
    %squeeze3A_358 = vector.extract %slice3A_357[0] : i32 from vector<1xi32>
    %swap3A_359 = arith.constant 66 : i32
    %swap3A_360 = arith.index_cast %swap3A_359 : i32 to index
    %swap3A_361 = memref.load %arg25[%swap3A_360] : memref<128xi32, #tpu.memory_space<smem>>
    memref.store %squeeze3A_358, %arg25[%swap3A_360] : memref<128xi32, #tpu.memory_space<smem>>
    %slice3A_362 = vector.extract_strided_slice %get3A_346 {offsets = [3], sizes = [1], strides = [1]} : vector<16xi32> to vector<1xi32>
    %squeeze3A_363 = vector.extract %slice3A_362[0] : i32 from vector<1xi32>
    %swap3A_364 = arith.constant 67 : i32
    %swap3A_365 = arith.index_cast %swap3A_364 : i32 to index
    %swap3A_366 = memref.load %arg25[%swap3A_365] : memref<128xi32, #tpu.memory_space<smem>>
    memref.store %squeeze3A_363, %arg25[%swap3A_365] : memref<128xi32, #tpu.memory_space<smem>>
    %slice3A_367 = vector.extract_strided_slice %get3A_346 {offsets = [4], sizes = [1], strides = [1]} : vector<16xi32> to vector<1xi32>
    %squeeze3A_368 = vector.extract %slice3A_367[0] : i32 from vector<1xi32>
    %swap3A_369 = arith.constant 68 : i32
    %swap3A_370 = arith.index_cast %swap3A_369 : i32 to index
    %swap3A_371 = memref.load %arg25[%swap3A_370] : memref<128xi32, #tpu.memory_space<smem>>
    memref.store %squeeze3A_368, %arg25[%swap3A_370] : memref<128xi32, #tpu.memory_space<smem>>
    %slice3A_372 = vector.extract_strided_slice %get3A_346 {offsets = [5], sizes = [1], strides = [1]} : vector<16xi32> to vector<1xi32>
    %squeeze3A_373 = vector.extract %slice3A_372[0] : i32 from vector<1xi32>
    %swap3A_374 = arith.constant 69 : i32
    %swap3A_375 = arith.index_cast %swap3A_374 : i32 to index
    %swap3A_376 = memref.load %arg25[%swap3A_375] : memref<128xi32, #tpu.memory_space<smem>>
    memref.store %squeeze3A_373, %arg25[%swap3A_375] : memref<128xi32, #tpu.memory_space<smem>>
    %slice3A_377 = vector.extract_strided_slice %get3A_346 {offsets = [6], sizes = [1], strides = [1]} : vector<16xi32> to vector<1xi32>
    %squeeze3A_378 = vector.extract %slice3A_377[0] : i32 from vector<1xi32>
    %swap3A_379 = arith.constant 70 : i32
    %swap3A_380 = arith.index_cast %swap3A_379 : i32 to index
    %swap3A_381 = memref.load %arg25[%swap3A_380] : memref<128xi32, #tpu.memory_space<smem>>
    memref.store %squeeze3A_378, %arg25[%swap3A_380] : memref<128xi32, #tpu.memory_space<smem>>
    %slice3A_382 = vector.extract_strided_slice %get3A_346 {offsets = [7], sizes = [1], strides = [1]} : vector<16xi32> to vector<1xi32>
    %squeeze3A_383 = vector.extract %slice3A_382[0] : i32 from vector<1xi32>
    %swap3A_384 = arith.constant 71 : i32
    %swap3A_385 = arith.index_cast %swap3A_384 : i32 to index
    %swap3A_386 = memref.load %arg25[%swap3A_385] : memref<128xi32, #tpu.memory_space<smem>>
    memref.store %squeeze3A_383, %arg25[%swap3A_385] : memref<128xi32, #tpu.memory_space<smem>>
    %slice3A_387 = vector.extract_strided_slice %get3A_346 {offsets = [8], sizes = [1], strides = [1]} : vector<16xi32> to vector<1xi32>
    %squeeze3A_388 = vector.extract %slice3A_387[0] : i32 from vector<1xi32>
    %swap3A_389 = arith.constant 72 : i32
    %swap3A_390 = arith.index_cast %swap3A_389 : i32 to index
    %swap3A_391 = memref.load %arg25[%swap3A_390] : memref<128xi32, #tpu.memory_space<smem>>
    memref.store %squeeze3A_388, %arg25[%swap3A_390] : memref<128xi32, #tpu.memory_space<smem>>
    %slice3A_392 = vector.extract_strided_slice %get3A_346 {offsets = [9], sizes = [1], strides = [1]} : vector<16xi32> to vector<1xi32>
    %squeeze3A_393 = vector.extract %slice3A_392[0] : i32 from vector<1xi32>
    %swap3A_394 = arith.constant 73 : i32
    %swap3A_395 = arith.index_cast %swap3A_394 : i32 to index
    %swap3A_396 = memref.load %arg25[%swap3A_395] : memref<128xi32, #tpu.memory_space<smem>>
    memref.store %squeeze3A_393, %arg25[%swap3A_395] : memref<128xi32, #tpu.memory_space<smem>>
    %slice3A_397 = vector.extract_strided_slice %get3A_346 {offsets = [10], sizes = [1], strides = [1]} : vector<16xi32> to vector<1xi32>
    %squeeze3A_398 = vector.extract %slice3A_397[0] : i32 from vector<1xi32>
    %swap3A_399 = arith.constant 74 : i32
    %swap3A_400 = arith.index_cast %swap3A_399 : i32 to index
    %swap3A_401 = memref.load %arg25[%swap3A_400] : memref<128xi32, #tpu.memory_space<smem>>
    memref.store %squeeze3A_398, %arg25[%swap3A_400] : memref<128xi32, #tpu.memory_space<smem>>
    %slice3A_402 = vector.extract_strided_slice %get3A_346 {offsets = [11], sizes = [1], strides = [1]} : vector<16xi32> to vector<1xi32>
    %squeeze3A_403 = vector.extract %slice3A_402[0] : i32 from vector<1xi32>
    %swap3A_404 = arith.constant 75 : i32
    %swap3A_405 = arith.index_cast %swap3A_404 : i32 to index
    %swap3A_406 = memref.load %arg25[%swap3A_405] : memref<128xi32, #tpu.memory_space<smem>>
    memref.store %squeeze3A_403, %arg25[%swap3A_405] : memref<128xi32, #tpu.memory_space<smem>>
    %slice3A_407 = vector.extract_strided_slice %get3A_346 {offsets = [12], sizes = [1], strides = [1]} : vector<16xi32> to vector<1xi32>
    %squeeze3A_408 = vector.extract %slice3A_407[0] : i32 from vector<1xi32>
    %swap3A_409 = arith.constant 76 : i32
    %swap3A_410 = arith.index_cast %swap3A_409 : i32 to index
    %swap3A_411 = memref.load %arg25[%swap3A_410] : memref<128xi32, #tpu.memory_space<smem>>
    memref.store %squeeze3A_408, %arg25[%swap3A_410] : memref<128xi32, #tpu.memory_space<smem>>
    %slice3A_412 = vector.extract_strided_slice %get3A_346 {offsets = [13], sizes = [1], strides = [1]} : vector<16xi32> to vector<1xi32>
    %squeeze3A_413 = vector.extract %slice3A_412[0] : i32 from vector<1xi32>
    %swap3A_414 = arith.constant 77 : i32
    %swap3A_415 = arith.index_cast %swap3A_414 : i32 to index
    %swap3A_416 = memref.load %arg25[%swap3A_415] : memref<128xi32, #tpu.memory_space<smem>>
    memref.store %squeeze3A_413, %arg25[%swap3A_415] : memref<128xi32, #tpu.memory_space<smem>>
    %slice3A_417 = vector.extract_strided_slice %get3A_346 {offsets = [14], sizes = [1], strides = [1]} : vector<16xi32> to vector<1xi32>
    %squeeze3A_418 = vector.extract %slice3A_417[0] : i32 from vector<1xi32>
    %swap3A_419 = arith.constant 78 : i32
    %swap3A_420 = arith.index_cast %swap3A_419 : i32 to index
    %swap3A_421 = memref.load %arg25[%swap3A_420] : memref<128xi32, #tpu.memory_space<smem>>
    memref.store %squeeze3A_418, %arg25[%swap3A_420] : memref<128xi32, #tpu.memory_space<smem>>
    %slice3A_422 = vector.extract_strided_slice %get3A_346 {offsets = [15], sizes = [1], strides = [1]} : vector<16xi32> to vector<1xi32>
    %squeeze3A_423 = vector.extract %slice3A_422[0] : i32 from vector<1xi32>
    %swap3A_424 = arith.constant 79 : i32
    %swap3A_425 = arith.index_cast %swap3A_424 : i32 to index
    %swap3A_426 = memref.load %arg25[%swap3A_425] : memref<128xi32, #tpu.memory_space<smem>>
    memref.store %squeeze3A_423, %arg25[%swap3A_425] : memref<128xi32, #tpu.memory_space<smem>>
    %get3A_427 = arith.constant 16 : i32
    %get3A_428 = arith.index_cast %get3A_427 : i32 to index
    %get3A_429 = arith.constant 80 : index
    %get3A_430 = tpu.vector_load %arg20[%get3A_428, %get3A_429] {strides = array<i32>} : memref<17x128xi32, #tpu.memory_space<vmem>>, vector<1x16xi32>,
    %get3A_431 = vector.shape_cast %get3A_430 : vector<1x16xi32> to vector<16xi32>
    %slice3A_432 = vector.extract_strided_slice %get3A_431 {offsets = [0], sizes = [1], strides = [1]} : vector<16xi32> to vector<1xi32>
    %squeeze3A_433 = vector.extract %slice3A_432[0] : i32 from vector<1xi32>
    %swap3A_434 = arith.constant 80 : i32
    %swap3A_435 = arith.index_cast %swap3A_434 : i32 to index
    %swap3A_436 = memref.load %arg25[%swap3A_435] : memref<128xi32, #tpu.memory_space<smem>>
    memref.store %squeeze3A_433, %arg25[%swap3A_435] : memref<128xi32, #tpu.memory_space<smem>>
    %slice3A_437 = vector.extract_strided_slice %get3A_431 {offsets = [1], sizes = [1], strides = [1]} : vector<16xi32> to vector<1xi32>
    %squeeze3A_438 = vector.extract %slice3A_437[0] : i32 from vector<1xi32>
    %swap3A_439 = arith.constant 81 : i32
    %swap3A_440 = arith.index_cast %swap3A_439 : i32 to index
    %swap3A_441 = memref.load %arg25[%swap3A_440] : memref<128xi32, #tpu.memory_space<smem>>
    memref.store %squeeze3A_438, %arg25[%swap3A_440] : memref<128xi32, #tpu.memory_space<smem>>
    %slice3A_442 = vector.extract_strided_slice %get3A_431 {offsets = [2], sizes = [1], strides = [1]} : vector<16xi32> to vector<1xi32>
    %squeeze3A_443 = vector.extract %slice3A_442[0] : i32 from vector<1xi32>
    %swap3A_444 = arith.constant 82 : i32
    %swap3A_445 = arith.index_cast %swap3A_444 : i32 to index
    %swap3A_446 = memref.load %arg25[%swap3A_445] : memref<128xi32, #tpu.memory_space<smem>>
    memref.store %squeeze3A_443, %arg25[%swap3A_445] : memref<128xi32, #tpu.memory_space<smem>>
    %slice3A_447 = vector.extract_strided_slice %get3A_431 {offsets = [3], sizes = [1], strides = [1]} : vector<16xi32> to vector<1xi32>
    %squeeze3A_448 = vector.extract %slice3A_447[0] : i32 from vector<1xi32>
    %swap3A_449 = arith.constant 83 : i32
    %swap3A_450 = arith.index_cast %swap3A_449 : i32 to index
    %swap3A_451 = memref.load %arg25[%swap3A_450] : memref<128xi32, #tpu.memory_space<smem>>
    memref.store %squeeze3A_448, %arg25[%swap3A_450] : memref<128xi32, #tpu.memory_space<smem>>
    %slice3A_452 = vector.extract_strided_slice %get3A_431 {offsets = [4], sizes = [1], strides = [1]} : vector<16xi32> to vector<1xi32>
    %squeeze3A_453 = vector.extract %slice3A_452[0] : i32 from vector<1xi32>
    %swap3A_454 = arith.constant 84 : i32
    %swap3A_455 = arith.index_cast %swap3A_454 : i32 to index
    %swap3A_456 = memref.load %arg25[%swap3A_455] : memref<128xi32, #tpu.memory_space<smem>>
    memref.store %squeeze3A_453, %arg25[%swap3A_455] : memref<128xi32, #tpu.memory_space<smem>>
    %slice3A_457 = vector.extract_strided_slice %get3A_431 {offsets = [5], sizes = [1], strides = [1]} : vector<16xi32> to vector<1xi32>
    %squeeze3A_458 = vector.extract %slice3A_457[0] : i32 from vector<1xi32>
    %swap3A_459 = arith.constant 85 : i32
    %swap3A_460 = arith.index_cast %swap3A_459 : i32 to index
    %swap3A_461 = memref.load %arg25[%swap3A_460] : memref<128xi32, #tpu.memory_space<smem>>
    memref.store %squeeze3A_458, %arg25[%swap3A_460] : memref<128xi32, #tpu.memory_space<smem>>
    %slice3A_462 = vector.extract_strided_slice %get3A_431 {offsets = [6], sizes = [1], strides = [1]} : vector<16xi32> to vector<1xi32>
    %squeeze3A_463 = vector.extract %slice3A_462[0] : i32 from vector<1xi32>
    %swap3A_464 = arith.constant 86 : i32
    %swap3A_465 = arith.index_cast %swap3A_464 : i32 to index
    %swap3A_466 = memref.load %arg25[%swap3A_465] : memref<128xi32, #tpu.memory_space<smem>>
    memref.store %squeeze3A_463, %arg25[%swap3A_465] : memref<128xi32, #tpu.memory_space<smem>>
    %slice3A_467 = vector.extract_strided_slice %get3A_431 {offsets = [7], sizes = [1], strides = [1]} : vector<16xi32> to vector<1xi32>
    %squeeze3A_468 = vector.extract %slice3A_467[0] : i32 from vector<1xi32>
    %swap3A_469 = arith.constant 87 : i32
    %swap3A_470 = arith.index_cast %swap3A_469 : i32 to index
    %swap3A_471 = memref.load %arg25[%swap3A_470] : memref<128xi32, #tpu.memory_space<smem>>
    memref.store %squeeze3A_468, %arg25[%swap3A_470] : memref<128xi32, #tpu.memory_space<smem>>
    %slice3A_472 = vector.extract_strided_slice %get3A_431 {offsets = [8], sizes = [1], strides = [1]} : vector<16xi32> to vector<1xi32>
    %squeeze3A_473 = vector.extract %slice3A_472[0] : i32 from vector<1xi32>
    %swap3A_474 = arith.constant 88 : i32
    %swap3A_475 = arith.index_cast %swap3A_474 : i32 to index
    %swap3A_476 = memref.load %arg25[%swap3A_475] : memref<128xi32, #tpu.memory_space<smem>>
    memref.store %squeeze3A_473, %arg25[%swap3A_475] : memref<128xi32, #tpu.memory_space<smem>>
    %slice3A_477 = vector.extract_strided_slice %get3A_431 {offsets = [9], sizes = [1], strides = [1]} : vector<16xi32> to vector<1xi32>
    %squeeze3A_478 = vector.extract %slice3A_477[0] : i32 from vector<1xi32>
    %swap3A_479 = arith.constant 89 : i32
    %swap3A_480 = arith.index_cast %swap3A_479 : i32 to index
    %swap3A_481 = memref.load %arg25[%swap3A_480] : memref<128xi32, #tpu.memory_space<smem>>
    memref.store %squeeze3A_478, %arg25[%swap3A_480] : memref<128xi32, #tpu.memory_space<smem>>
    %slice3A_482 = vector.extract_strided_slice %get3A_431 {offsets = [10], sizes = [1], strides = [1]} : vector<16xi32> to vector<1xi32>
    %squeeze3A_483 = vector.extract %slice3A_482[0] : i32 from vector<1xi32>
    %swap3A_484 = arith.constant 90 : i32
    %swap3A_485 = arith.index_cast %swap3A_484 : i32 to index
    %swap3A_486 = memref.load %arg25[%swap3A_485] : memref<128xi32, #tpu.memory_space<smem>>
    memref.store %squeeze3A_483, %arg25[%swap3A_485] : memref<128xi32, #tpu.memory_space<smem>>
    %slice3A_487 = vector.extract_strided_slice %get3A_431 {offsets = [11], sizes = [1], strides = [1]} : vector<16xi32> to vector<1xi32>
    %squeeze3A_488 = vector.extract %slice3A_487[0] : i32 from vector<1xi32>
    %swap3A_489 = arith.constant 91 : i32
    %swap3A_490 = arith.index_cast %swap3A_489 : i32 to index
    %swap3A_491 = memref.load %arg25[%swap3A_490] : memref<128xi32, #tpu.memory_space<smem>>
    memref.store %squeeze3A_488, %arg25[%swap3A_490] : memref<128xi32, #tpu.memory_space<smem>>
    %slice3A_492 = vector.extract_strided_slice %get3A_431 {offsets = [12], sizes = [1], strides = [1]} : vector<16xi32> to vector<1xi32>
    %squeeze3A_493 = vector.extract %slice3A_492[0] : i32 from vector<1xi32>
    %swap3A_494 = arith.constant 92 : i32
    %swap3A_495 = arith.index_cast %swap3A_494 : i32 to index
    %swap3A_496 = memref.load %arg25[%swap3A_495] : memref<128xi32, #tpu.memory_space<smem>>
    memref.store %squeeze3A_493, %arg25[%swap3A_495] : memref<128xi32, #tpu.memory_space<smem>>
    %slice3A_497 = vector.extract_strided_slice %get3A_431 {offsets = [13], sizes = [1], strides = [1]} : vector<16xi32> to vector<1xi32>
    %squeeze3A_498 = vector.extract %slice3A_497[0] : i32 from vector<1xi32>
    %swap3A_499 = arith.constant 93 : i32
    %swap3A_500 = arith.index_cast %swap3A_499 : i32 to index
    %swap3A_501 = memref.load %arg25[%swap3A_500] : memref<128xi32, #tpu.memory_space<smem>>
    memref.store %squeeze3A_498, %arg25[%swap3A_500] : memref<128xi32, #tpu.memory_space<smem>>
    %slice3A_502 = vector.extract_strided_slice %get3A_431 {offsets = [14], sizes = [1], strides = [1]} : vector<16xi32> to vector<1xi32>
    %squeeze3A_503 = vector.extract %slice3A_502[0] : i32 from vector<1xi32>
    %swap3A_504 = arith.constant 94 : i32
    %swap3A_505 = arith.index_cast %swap3A_504 : i32 to index
    %swap3A_506 = memref.load %arg25[%swap3A_505] : memref<128xi32, #tpu.memory_space<smem>>
    memref.store %squeeze3A_503, %arg25[%swap3A_505] : memref<128xi32, #tpu.memory_space<smem>>
    %slice3A_507 = vector.extract_strided_slice %get3A_431 {offsets = [15], sizes = [1], strides = [1]} : vector<16xi32> to vector<1xi32>
    %squeeze3A_508 = vector.extract %slice3A_507[0] : i32 from vector<1xi32>
    %swap3A_509 = arith.constant 95 : i32
    %swap3A_510 = arith.index_cast %swap3A_509 : i32 to index
    %swap3A_511 = memref.load %arg25[%swap3A_510] : memref<128xi32, #tpu.memory_space<smem>>
    memref.store %squeeze3A_508, %arg25[%swap3A_510] : memref<128xi32, #tpu.memory_space<smem>>
    %get3A_512 = arith.constant 16 : i32
    %get3A_513 = arith.index_cast %get3A_512 : i32 to index
    %get3A_514 = arith.constant 96 : index
    %get3A_515 = tpu.vector_load %arg20[%get3A_513, %get3A_514] {strides = array<i32>} : memref<17x128xi32, #tpu.memory_space<vmem>>, vector<1x16xi32>,
    %get3A_516 = vector.shape_cast %get3A_515 : vector<1x16xi32> to vector<16xi32>
    %slice3A_517 = vector.extract_strided_slice %get3A_516 {offsets = [0], sizes = [1], strides = [1]} : vector<16xi32> to vector<1xi32>
    %squeeze3A_518 = vector.extract %slice3A_517[0] : i32 from vector<1xi32>
    %swap3A_519 = arith.constant 96 : i32
    %swap3A_520 = arith.index_cast %swap3A_519 : i32 to index
    %swap3A_521 = memref.load %arg25[%swap3A_520] : memref<128xi32, #tpu.memory_space<smem>>
    memref.store %squeeze3A_518, %arg25[%swap3A_520] : memref<128xi32, #tpu.memory_space<smem>>
    %slice3A_522 = vector.extract_strided_slice %get3A_516 {offsets = [1], sizes = [1], strides = [1]} : vector<16xi32> to vector<1xi32>
    %squeeze3A_523 = vector.extract %slice3A_522[0] : i32 from vector<1xi32>
    %swap3A_524 = arith.constant 97 : i32
    %swap3A_525 = arith.index_cast %swap3A_524 : i32 to index
    %swap3A_526 = memref.load %arg25[%swap3A_525] : memref<128xi32, #tpu.memory_space<smem>>
    memref.store %squeeze3A_523, %arg25[%swap3A_525] : memref<128xi32, #tpu.memory_space<smem>>
    %slice3A_527 = vector.extract_strided_slice %get3A_516 {offsets = [2], sizes = [1], strides = [1]} : vector<16xi32> to vector<1xi32>
    %squeeze3A_528 = vector.extract %slice3A_527[0] : i32 from vector<1xi32>
    %swap3A_529 = arith.constant 98 : i32
    %swap3A_530 = arith.index_cast %swap3A_529 : i32 to index
    %swap3A_531 = memref.load %arg25[%swap3A_530] : memref<128xi32, #tpu.memory_space<smem>>
    memref.store %squeeze3A_528, %arg25[%swap3A_530] : memref<128xi32, #tpu.memory_space<smem>>
    %slice3A_532 = vector.extract_strided_slice %get3A_516 {offsets = [3], sizes = [1], strides = [1]} : vector<16xi32> to vector<1xi32>
    %squeeze3A_533 = vector.extract %slice3A_532[0] : i32 from vector<1xi32>
    %swap3A_534 = arith.constant 99 : i32
    %swap3A_535 = arith.index_cast %swap3A_534 : i32 to index
    %swap3A_536 = memref.load %arg25[%swap3A_535] : memref<128xi32, #tpu.memory_space<smem>>
    memref.store %squeeze3A_533, %arg25[%swap3A_535] : memref<128xi32, #tpu.memory_space<smem>>
    %slice3A_537 = vector.extract_strided_slice %get3A_516 {offsets = [4], sizes = [1], strides = [1]} : vector<16xi32> to vector<1xi32>
    %squeeze3A_538 = vector.extract %slice3A_537[0] : i32 from vector<1xi32>
    %swap3A_539 = arith.constant 100 : i32
    %swap3A_540 = arith.index_cast %swap3A_539 : i32 to index
    %swap3A_541 = memref.load %arg25[%swap3A_540] : memref<128xi32, #tpu.memory_space<smem>>
    memref.store %squeeze3A_538, %arg25[%swap3A_540] : memref<128xi32, #tpu.memory_space<smem>>
    %slice3A_542 = vector.extract_strided_slice %get3A_516 {offsets = [5], sizes = [1], strides = [1]} : vector<16xi32> to vector<1xi32>
    %squeeze3A_543 = vector.extract %slice3A_542[0] : i32 from vector<1xi32>
    %swap3A_544 = arith.constant 101 : i32
    %swap3A_545 = arith.index_cast %swap3A_544 : i32 to index
    %swap3A_546 = memref.load %arg25[%swap3A_545] : memref<128xi32, #tpu.memory_space<smem>>
    memref.store %squeeze3A_543, %arg25[%swap3A_545] : memref<128xi32, #tpu.memory_space<smem>>
    %slice3A_547 = vector.extract_strided_slice %get3A_516 {offsets = [6], sizes = [1], strides = [1]} : vector<16xi32> to vector<1xi32>
    %squeeze3A_548 = vector.extract %slice3A_547[0] : i32 from vector<1xi32>
    %swap3A_549 = arith.constant 102 : i32
    %swap3A_550 = arith.index_cast %swap3A_549 : i32 to index
    %swap3A_551 = memref.load %arg25[%swap3A_550] : memref<128xi32, #tpu.memory_space<smem>>
    memref.store %squeeze3A_548, %arg25[%swap3A_550] : memref<128xi32, #tpu.memory_space<smem>>
    %slice3A_552 = vector.extract_strided_slice %get3A_516 {offsets = [7], sizes = [1], strides = [1]} : vector<16xi32> to vector<1xi32>
    %squeeze3A_553 = vector.extract %slice3A_552[0] : i32 from vector<1xi32>
    %swap3A_554 = arith.constant 103 : i32
    %swap3A_555 = arith.index_cast %swap3A_554 : i32 to index
    %swap3A_556 = memref.load %arg25[%swap3A_555] : memref<128xi32, #tpu.memory_space<smem>>
    memref.store %squeeze3A_553, %arg25[%swap3A_555] : memref<128xi32, #tpu.memory_space<smem>>
    %slice3A_557 = vector.extract_strided_slice %get3A_516 {offsets = [8], sizes = [1], strides = [1]} : vector<16xi32> to vector<1xi32>
    %squeeze3A_558 = vector.extract %slice3A_557[0] : i32 from vector<1xi32>
    %swap3A_559 = arith.constant 104 : i32
    %swap3A_560 = arith.index_cast %swap3A_559 : i32 to index
    %swap3A_561 = memref.load %arg25[%swap3A_560] : memref<128xi32, #tpu.memory_space<smem>>
    memref.store %squeeze3A_558, %arg25[%swap3A_560] : memref<128xi32, #tpu.memory_space<smem>>
    %slice3A_562 = vector.extract_strided_slice %get3A_516 {offsets = [9], sizes = [1], strides = [1]} : vector<16xi32> to vector<1xi32>
    %squeeze3A_563 = vector.extract %slice3A_562[0] : i32 from vector<1xi32>
    %swap3A_564 = arith.constant 105 : i32
    %swap3A_565 = arith.index_cast %swap3A_564 : i32 to index
    %swap3A_566 = memref.load %arg25[%swap3A_565] : memref<128xi32, #tpu.memory_space<smem>>
    memref.store %squeeze3A_563, %arg25[%swap3A_565] : memref<128xi32, #tpu.memory_space<smem>>
    %slice3A_567 = vector.extract_strided_slice %get3A_516 {offsets = [10], sizes = [1], strides = [1]} : vector<16xi32> to vector<1xi32>
    %squeeze3A_568 = vector.extract %slice3A_567[0] : i32 from vector<1xi32>
    %swap3A_569 = arith.constant 106 : i32
    %swap3A_570 = arith.index_cast %swap3A_569 : i32 to index
    %swap3A_571 = memref.load %arg25[%swap3A_570] : memref<128xi32, #tpu.memory_space<smem>>
    memref.store %squeeze3A_568, %arg25[%swap3A_570] : memref<128xi32, #tpu.memory_space<smem>>
    %slice3A_572 = vector.extract_strided_slice %get3A_516 {offsets = [11], sizes = [1], strides = [1]} : vector<16xi32> to vector<1xi32>
    %squeeze3A_573 = vector.extract %slice3A_572[0] : i32 from vector<1xi32>
    %swap3A_574 = arith.constant 107 : i32
    %swap3A_575 = arith.index_cast %swap3A_574 : i32 to index
    %swap3A_576 = memref.load %arg25[%swap3A_575] : memref<128xi32, #tpu.memory_space<smem>>
    memref.store %squeeze3A_573, %arg25[%swap3A_575] : memref<128xi32, #tpu.memory_space<smem>>
    %slice3A_577 = vector.extract_strided_slice %get3A_516 {offsets = [12], sizes = [1], strides = [1]} : vector<16xi32> to vector<1xi32>
    %squeeze3A_578 = vector.extract %slice3A_577[0] : i32 from vector<1xi32>
    %swap3A_579 = arith.constant 108 : i32
    %swap3A_580 = arith.index_cast %swap3A_579 : i32 to index
    %swap3A_581 = memref.load %arg25[%swap3A_580] : memref<128xi32, #tpu.memory_space<smem>>
    memref.store %squeeze3A_578, %arg25[%swap3A_580] : memref<128xi32, #tpu.memory_space<smem>>
    %slice3A_582 = vector.extract_strided_slice %get3A_516 {offsets = [13], sizes = [1], strides = [1]} : vector<16xi32> to vector<1xi32>
    %squeeze3A_583 = vector.extract %slice3A_582[0] : i32 from vector<1xi32>
    %swap3A_584 = arith.constant 109 : i32
    %swap3A_585 = arith.index_cast %swap3A_584 : i32 to index
    %swap3A_586 = memref.load %arg25[%swap3A_585] : memref<128xi32, #tpu.memory_space<smem>>
    memref.store %squeeze3A_583, %arg25[%swap3A_585] : memref<128xi32, #tpu.memory_space<smem>>
    %slice3A_587 = vector.extract_strided_slice %get3A_516 {offsets = [14], sizes = [1], strides = [1]} : vector<16xi32> to vector<1xi32>
    %squeeze3A_588 = vector.extract %slice3A_587[0] : i32 from vector<1xi32>
    %swap3A_589 = arith.constant 110 : i32
    %swap3A_590 = arith.index_cast %swap3A_589 : i32 to index
    %swap3A_591 = memref.load %arg25[%swap3A_590] : memref<128xi32, #tpu.memory_space<smem>>
    memref.store %squeeze3A_588, %arg25[%swap3A_590] : memref<128xi32, #tpu.memory_space<smem>>
    %slice3A_592 = vector.extract_strided_slice %get3A_516 {offsets = [15], sizes = [1], strides = [1]} : vector<16xi32> to vector<1xi32>
    %squeeze3A_593 = vector.extract %slice3A_592[0] : i32 from vector<1xi32>
    %swap3A_594 = arith.constant 111 : i32
    %swap3A_595 = arith.index_cast %swap3A_594 : i32 to index
    %swap3A_596 = memref.load %arg25[%swap3A_595] : memref<128xi32, #tpu.memory_space<smem>>
    memref.store %squeeze3A_593, %arg25[%swap3A_595] : memref<128xi32, #tpu.memory_space<smem>>
    %get3A_597 = arith.constant 16 : i32
    %get3A_598 = arith.index_cast %get3A_597 : i32 to index
    %get3A_599 = arith.constant 112 : index
    %get3A_600 = tpu.vector_load %arg20[%get3A_598, %get3A_599] {strides = array<i32>} : memref<17x128xi32, #tpu.memory_space<vmem>>, vector<1x16xi32>,
    %get3A_601 = vector.shape_cast %get3A_600 : vector<1x16xi32> to vector<16xi32>
    %slice3A_602 = vector.extract_strided_slice %get3A_601 {offsets = [0], sizes = [1], strides = [1]} : vector<16xi32> to vector<1xi32>
    %squeeze3A_603 = vector.extract %slice3A_602[0] : i32 from vector<1xi32>
    %swap3A_604 = arith.constant 112 : i32
    %swap3A_605 = arith.index_cast %swap3A_604 : i32 to index
    %swap3A_606 = memref.load %arg25[%swap3A_605] : memref<128xi32, #tpu.memory_space<smem>>
    memref.store %squeeze3A_603, %arg25[%swap3A_605] : memref<128xi32, #tpu.memory_space<smem>>
    %slice3A_607 = vector.extract_strided_slice %get3A_601 {offsets = [1], sizes = [1], strides = [1]} : vector<16xi32> to vector<1xi32>
    %squeeze3A_608 = vector.extract %slice3A_607[0] : i32 from vector<1xi32>
    %swap3A_609 = arith.constant 113 : i32
    %swap3A_610 = arith.index_cast %swap3A_609 : i32 to index
    %swap3A_611 = memref.load %arg25[%swap3A_610] : memref<128xi32, #tpu.memory_space<smem>>
    memref.store %squeeze3A_608, %arg25[%swap3A_610] : memref<128xi32, #tpu.memory_space<smem>>
    %slice3A_612 = vector.extract_strided_slice %get3A_601 {offsets = [2], sizes = [1], strides = [1]} : vector<16xi32> to vector<1xi32>
    %squeeze3A_613 = vector.extract %slice3A_612[0] : i32 from vector<1xi32>
    %swap3A_614 = arith.constant 114 : i32
    %swap3A_615 = arith.index_cast %swap3A_614 : i32 to index
    %swap3A_616 = memref.load %arg25[%swap3A_615] : memref<128xi32, #tpu.memory_space<smem>>
    memref.store %squeeze3A_613, %arg25[%swap3A_615] : memref<128xi32, #tpu.memory_space<smem>>
    %slice3A_617 = vector.extract_strided_slice %get3A_601 {offsets = [3], sizes = [1], strides = [1]} : vector<16xi32> to vector<1xi32>
    %squeeze3A_618 = vector.extract %slice3A_617[0] : i32 from vector<1xi32>
    %swap3A_619 = arith.constant 115 : i32
    %swap3A_620 = arith.index_cast %swap3A_619 : i32 to index
    %swap3A_621 = memref.load %arg25[%swap3A_620] : memref<128xi32, #tpu.memory_space<smem>>
    memref.store %squeeze3A_618, %arg25[%swap3A_620] : memref<128xi32, #tpu.memory_space<smem>>
    %slice3A_622 = vector.extract_strided_slice %get3A_601 {offsets = [4], sizes = [1], strides = [1]} : vector<16xi32> to vector<1xi32>
    %squeeze3A_623 = vector.extract %slice3A_622[0] : i32 from vector<1xi32>
    %swap3A_624 = arith.constant 116 : i32
    %swap3A_625 = arith.index_cast %swap3A_624 : i32 to index
    %swap3A_626 = memref.load %arg25[%swap3A_625] : memref<128xi32, #tpu.memory_space<smem>>
    memref.store %squeeze3A_623, %arg25[%swap3A_625] : memref<128xi32, #tpu.memory_space<smem>>
    %slice3A_627 = vector.extract_strided_slice %get3A_601 {offsets = [5], sizes = [1], strides = [1]} : vector<16xi32> to vector<1xi32>
    %squeeze3A_628 = vector.extract %slice3A_627[0] : i32 from vector<1xi32>
    %swap3A_629 = arith.constant 117 : i32
    %swap3A_630 = arith.index_cast %swap3A_629 : i32 to index
    %swap3A_631 = memref.load %arg25[%swap3A_630] : memref<128xi32, #tpu.memory_space<smem>>
    memref.store %squeeze3A_628, %arg25[%swap3A_630] : memref<128xi32, #tpu.memory_space<smem>>
    %slice3A_632 = vector.extract_strided_slice %get3A_601 {offsets = [6], sizes = [1], strides = [1]} : vector<16xi32> to vector<1xi32>
    %squeeze3A_633 = vector.extract %slice3A_632[0] : i32 from vector<1xi32>
    %swap3A_634 = arith.constant 118 : i32
    %swap3A_635 = arith.index_cast %swap3A_634 : i32 to index
    %swap3A_636 = memref.load %arg25[%swap3A_635] : memref<128xi32, #tpu.memory_space<smem>>
    memref.store %squeeze3A_633, %arg25[%swap3A_635] : memref<128xi32, #tpu.memory_space<smem>>
    %slice3A_637 = vector.extract_strided_slice %get3A_601 {offsets = [7], sizes = [1], strides = [1]} : vector<16xi32> to vector<1xi32>
    %squeeze3A_638 = vector.extract %slice3A_637[0] : i32 from vector<1xi32>
    %swap3A_639 = arith.constant 119 : i32
    %swap3A_640 = arith.index_cast %swap3A_639 : i32 to index
    %swap3A_641 = memref.load %arg25[%swap3A_640] : memref<128xi32, #tpu.memory_space<smem>>
    memref.store %squeeze3A_638, %arg25[%swap3A_640] : memref<128xi32, #tpu.memory_space<smem>>
    %slice3A_642 = vector.extract_strided_slice %get3A_601 {offsets = [8], sizes = [1], strides = [1]} : vector<16xi32> to vector<1xi32>
    %squeeze3A_643 = vector.extract %slice3A_642[0] : i32 from vector<1xi32>
    %swap3A_644 = arith.constant 120 : i32
    %swap3A_645 = arith.index_cast %swap3A_644 : i32 to index
    %swap3A_646 = memref.load %arg25[%swap3A_645] : memref<128xi32, #tpu.memory_space<smem>>
    memref.store %squeeze3A_643, %arg25[%swap3A_645] : memref<128xi32, #tpu.memory_space<smem>>
    %slice3A_647 = vector.extract_strided_slice %get3A_601 {offsets = [9], sizes = [1], strides = [1]} : vector<16xi32> to vector<1xi32>
    %squeeze3A_648 = vector.extract %slice3A_647[0] : i32 from vector<1xi32>
    %swap3A_649 = arith.constant 121 : i32
    %swap3A_650 = arith.index_cast %swap3A_649 : i32 to index
    %swap3A_651 = memref.load %arg25[%swap3A_650] : memref<128xi32, #tpu.memory_space<smem>>
    memref.store %squeeze3A_648, %arg25[%swap3A_650] : memref<128xi32, #tpu.memory_space<smem>>
    %slice3A_652 = vector.extract_strided_slice %get3A_601 {offsets = [10], sizes = [1], strides = [1]} : vector<16xi32> to vector<1xi32>
    %squeeze3A_653 = vector.extract %slice3A_652[0] : i32 from vector<1xi32>
    %swap3A_654 = arith.constant 122 : i32
    %swap3A_655 = arith.index_cast %swap3A_654 : i32 to index
    %swap3A_656 = memref.load %arg25[%swap3A_655] : memref<128xi32, #tpu.memory_space<smem>>
    memref.store %squeeze3A_653, %arg25[%swap3A_655] : memref<128xi32, #tpu.memory_space<smem>>
    %slice3A_657 = vector.extract_strided_slice %get3A_601 {offsets = [11], sizes = [1], strides = [1]} : vector<16xi32> to vector<1xi32>
    %squeeze3A_658 = vector.extract %slice3A_657[0] : i32 from vector<1xi32>
    %swap3A_659 = arith.constant 123 : i32
    %swap3A_660 = arith.index_cast %swap3A_659 : i32 to index
    %swap3A_661 = memref.load %arg25[%swap3A_660] : memref<128xi32, #tpu.memory_space<smem>>
    memref.store %squeeze3A_658, %arg25[%swap3A_660] : memref<128xi32, #tpu.memory_space<smem>>
    %slice3A_662 = vector.extract_strided_slice %get3A_601 {offsets = [12], sizes = [1], strides = [1]} : vector<16xi32> to vector<1xi32>
    %squeeze3A_663 = vector.extract %slice3A_662[0] : i32 from vector<1xi32>
    %swap3A_664 = arith.constant 124 : i32
    %swap3A_665 = arith.index_cast %swap3A_664 : i32 to index
    %swap3A_666 = memref.load %arg25[%swap3A_665] : memref<128xi32, #tpu.memory_space<smem>>
    memref.store %squeeze3A_663, %arg25[%swap3A_665] : memref<128xi32, #tpu.memory_space<smem>>
    %slice3A_667 = vector.extract_strided_slice %get3A_601 {offsets = [13], sizes = [1], strides = [1]} : vector<16xi32> to vector<1xi32>
    %squeeze3A_668 = vector.extract %slice3A_667[0] : i32 from vector<1xi32>
    %swap3A_669 = arith.constant 125 : i32
    %swap3A_670 = arith.index_cast %swap3A_669 : i32 to index
    %swap3A_671 = memref.load %arg25[%swap3A_670] : memref<128xi32, #tpu.memory_space<smem>>
    memref.store %squeeze3A_668, %arg25[%swap3A_670] : memref<128xi32, #tpu.memory_space<smem>>
    %slice3A_672 = vector.extract_strided_slice %get3A_601 {offsets = [14], sizes = [1], strides = [1]} : vector<16xi32> to vector<1xi32>
    %squeeze3A_673 = vector.extract %slice3A_672[0] : i32 from vector<1xi32>
    %swap3A_674 = arith.constant 126 : i32
    %swap3A_675 = arith.index_cast %swap3A_674 : i32 to index
    %swap3A_676 = memref.load %arg25[%swap3A_675] : memref<128xi32, #tpu.memory_space<smem>>
    memref.store %squeeze3A_673, %arg25[%swap3A_675] : memref<128xi32, #tpu.memory_space<smem>>
    %slice3A_677 = vector.extract_strided_slice %get3A_601 {offsets = [15], sizes = [1], strides = [1]} : vector<16xi32> to vector<1xi32>
    %squeeze3A_678 = vector.extract %slice3A_677[0] : i32 from vector<1xi32>
    %swap3A_679 = arith.constant 127 : i32
    %swap3A_680 = arith.index_cast %swap3A_679 : i32 to index
    %swap3A_681 = memref.load %arg25[%swap3A_680] : memref<128xi32, #tpu.memory_space<smem>>
    memref.store %squeeze3A_678, %arg25[%swap3A_680] : memref<128xi32, #tpu.memory_space<smem>>
    %swap3A_682 = arith.constant 0 : i32
    %swap3A_683 = arith.constant 0 : i32
    %swap3A_684 = arith.index_cast %swap3A_683 : i32 to index
    %swap3A_685 = memref.load %arg23[%swap3A_684] : memref<16xi32, #tpu.memory_space<smem>>
    memref.store %swap3A_682, %arg23[%swap3A_684] : memref<16xi32, #tpu.memory_space<smem>>
    %swap3A_686 = arith.constant 0 : i32
    %swap3A_687 = arith.constant 1 : i32
    %swap3A_688 = arith.index_cast %swap3A_687 : i32 to index
    %swap3A_689 = memref.load %arg23[%swap3A_688] : memref<16xi32, #tpu.memory_space<smem>>
    memref.store %swap3A_686, %arg23[%swap3A_688] : memref<16xi32, #tpu.memory_space<smem>>
    %swap3A_690 = arith.constant 0 : i32
    %swap3A_691 = arith.constant 2 : i32
    %swap3A_692 = arith.index_cast %swap3A_691 : i32 to index
    %swap3A_693 = memref.load %arg23[%swap3A_692] : memref<16xi32, #tpu.memory_space<smem>>
    memref.store %swap3A_690, %arg23[%swap3A_692] : memref<16xi32, #tpu.memory_space<smem>>
    %swap3A_694 = arith.constant 0 : i32
    %swap3A_695 = arith.constant 3 : i32
    %swap3A_696 = arith.index_cast %swap3A_695 : i32 to index
    %swap3A_697 = memref.load %arg23[%swap3A_696] : memref<16xi32, #tpu.memory_space<smem>>
    memref.store %swap3A_694, %arg23[%swap3A_696] : memref<16xi32, #tpu.memory_space<smem>>
    %swap3A_698 = arith.constant 0 : i32
    %swap3A_699 = arith.constant 4 : i32
    %swap3A_700 = arith.index_cast %swap3A_699 : i32 to index
    %swap3A_701 = memref.load %arg23[%swap3A_700] : memref<16xi32, #tpu.memory_space<smem>>
    memref.store %swap3A_698, %arg23[%swap3A_700] : memref<16xi32, #tpu.memory_space<smem>>
    %swap3A_702 = arith.constant 0 : i32
    %swap3A_703 = arith.constant 5 : i32
    %swap3A_704 = arith.index_cast %swap3A_703 : i32 to index
    %swap3A_705 = memref.load %arg23[%swap3A_704] : memref<16xi32, #tpu.memory_space<smem>>
    memref.store %swap3A_702, %arg23[%swap3A_704] : memref<16xi32, #tpu.memory_space<smem>>
    %swap3A_706 = arith.constant 0 : i32
    %swap3A_707 = arith.constant 6 : i32
    %swap3A_708 = arith.index_cast %swap3A_707 : i32 to index
    %swap3A_709 = memref.load %arg23[%swap3A_708] : memref<16xi32, #tpu.memory_space<smem>>
    memref.store %swap3A_706, %arg23[%swap3A_708] : memref<16xi32, #tpu.memory_space<smem>>
    %swap3A_710 = arith.constant 0 : i32
    %swap3A_711 = arith.constant 7 : i32
    %swap3A_712 = arith.index_cast %swap3A_711 : i32 to index
    %swap3A_713 = memref.load %arg23[%swap3A_712] : memref<16xi32, #tpu.memory_space<smem>>
    memref.store %swap3A_710, %arg23[%swap3A_712] : memref<16xi32, #tpu.memory_space<smem>>
    %swap3A_714 = arith.constant 0 : i32
    %swap3A_715 = arith.constant 8 : i32
    %swap3A_716 = arith.index_cast %swap3A_715 : i32 to index
    %swap3A_717 = memref.load %arg23[%swap3A_716] : memref<16xi32, #tpu.memory_space<smem>>
    memref.store %swap3A_714, %arg23[%swap3A_716] : memref<16xi32, #tpu.memory_space<smem>>
    %swap3A_718 = arith.constant 0 : i32
    %swap3A_719 = arith.constant 9 : i32
    %swap3A_720 = arith.index_cast %swap3A_719 : i32 to index
    %swap3A_721 = memref.load %arg23[%swap3A_720] : memref<16xi32, #tpu.memory_space<smem>>
    memref.store %swap3A_718, %arg23[%swap3A_720] : memref<16xi32, #tpu.memory_space<smem>>
    %swap3A_722 = arith.constant 0 : i32
    %swap3A_723 = arith.constant 10 : i32
    %swap3A_724 = arith.index_cast %swap3A_723 : i32 to index
    %swap3A_725 = memref.load %arg23[%swap3A_724] : memref<16xi32, #tpu.memory_space<smem>>
    memref.store %swap3A_722, %arg23[%swap3A_724] : memref<16xi32, #tpu.memory_space<smem>>
    %swap3A_726 = arith.constant 0 : i32
    %swap3A_727 = arith.constant 11 : i32
    %swap3A_728 = arith.index_cast %swap3A_727 : i32 to index
    %swap3A_729 = memref.load %arg23[%swap3A_728] : memref<16xi32, #tpu.memory_space<smem>>
    memref.store %swap3A_726, %arg23[%swap3A_728] : memref<16xi32, #tpu.memory_space<smem>>
    %swap3A_730 = arith.constant 0 : i32
    %swap3A_731 = arith.constant 12 : i32
    %swap3A_732 = arith.index_cast %swap3A_731 : i32 to index
    %swap3A_733 = memref.load %arg23[%swap3A_732] : memref<16xi32, #tpu.memory_space<smem>>
    memref.store %swap3A_730, %arg23[%swap3A_732] : memref<16xi32, #tpu.memory_space<smem>>
    %swap3A_734 = arith.constant 0 : i32
    %swap3A_735 = arith.constant 13 : i32
    %swap3A_736 = arith.index_cast %swap3A_735 : i32 to index
    %swap3A_737 = memref.load %arg23[%swap3A_736] : memref<16xi32, #tpu.memory_space<smem>>
    memref.store %swap3A_734, %arg23[%swap3A_736] : memref<16xi32, #tpu.memory_space<smem>>
    %swap3A_738 = arith.constant 0 : i32
    %swap3A_739 = arith.constant 14 : i32
    %swap3A_740 = arith.index_cast %swap3A_739 : i32 to index
    %swap3A_741 = memref.load %arg23[%swap3A_740] : memref<16xi32, #tpu.memory_space<smem>>
    memref.store %swap3A_738, %arg23[%swap3A_740] : memref<16xi32, #tpu.memory_space<smem>>
    %swap3A_742 = arith.constant 0 : i32
    %swap3A_743 = arith.constant 15 : i32
    %swap3A_744 = arith.index_cast %swap3A_743 : i32 to index
    %swap3A_745 = memref.load %arg23[%swap3A_744] : memref<16xi32, #tpu.memory_space<smem>>
    memref.store %swap3A_742, %arg23[%swap3A_744] : memref<16xi32, #tpu.memory_space<smem>>
    %get3A_746 = arith.constant 0 : i32
    %get3A_747 = arith.index_cast %get3A_746 : i32 to index
    %get3A_748 = memref.load %arg25[%get3A_747] : memref<128xi32, #tpu.memory_space<smem>>
    %shift_right_arithmetic3A = arith.constant 0 : i32
    %shift_right_arithmetic3A_749 = arith.shrsi %get3A_748, %shift_right_arithmetic3A : i32
    %and3A = arith.constant 1 : i32
    %and3A_750 = arith.andi %shift_right_arithmetic3A_749, %and3A : i32
    %ne3A = arith.constant 0 : i32
    %ne3A_751 = arith.cmpi ne, %and3A_750, %ne3A : i32
    %convert_element_type3A = arith.extui %ne3A_751 : i1 to i32
    %cond3A = arith.constant 0 : i32
    %cond3A_752 = arith.cmpi ne, %convert_element_type3A, %cond3A : i32
    scf.if %cond3A_752 {
      %get3A_1191 = arith.constant 0 : i32
      %get3A_1192 = arith.index_cast %get3A_1191 : i32 to index
      %get3A_1193 = memref.load %arg23[%get3A_1192] : memref<16xi32, #tpu.memory_space<smem>>
      %sub3A = arith.constant 1 : i32
      %sub3A_1194 = arith.subi %sub3A, %get3A_1193 : i32
      %swap3A_1195 = arith.constant 0 : i32
      %swap3A_1196 = arith.index_cast %swap3A_1195 : i32 to index
      %swap3A_1197 = memref.load %arg23[%swap3A_1196] : memref<16xi32, #tpu.memory_space<smem>>
      memref.store %sub3A_1194, %arg23[%swap3A_1196] : memref<16xi32, #tpu.memory_space<smem>>
      %dma_start3A = arith.constant 0 : i32
      %dma_start3A_1198 = arith.constant 0 : i32
      %dma_start3A_1199 = arith.constant 0 : i32
      %dma_start3A_1200 = arith.constant 0 : i32
      %dma_start3A_1201 = tpu.memref_slice %arg21[%sub3A_1194, %dma_start3A_1198, %dma_start3A_1199, %dma_start3A_1200] : memref<2x16x1x2048xf32, #tpu.memory_space<vmem>> -> memref<1x1x1x2048xf32, #tpu.memory_space<vmem>>
      %dma_start3A_1202 = tpu.memref_squeeze %dma_start3A_1201 : memref<1x1x1x2048xf32, #tpu.memory_space<vmem>> -> memref<1x2048xf32, #tpu.memory_space<vmem>>
      %dma_start3A_1203 = arith.constant 0 : i32
      %dma_start3A_1204 = tpu.memref_slice %arg20[%dma_start3A, %dma_start3A_1203] : memref<17x128xi32, #tpu.memory_space<vmem>> -> memref<1x1xi32, #tpu.memory_space<vmem>>
      %dma_start3A_1205 = tpu.memref_squeeze %dma_start3A_1204 : memref<1x1xi32, #tpu.memory_space<vmem>> -> memref<1xi32, #tpu.memory_space<vmem>>
      %dma_start3A_1206 = arith.constant 0 : i32
      %dma_start3A_1207 = arith.constant 0 : i32
      %dma_start3A_1208 = tpu.memref_slice %arg3[%dma_start3A_1206, %dma_start3A_1207] : memref<4096x2048xf32, #tpu.memory_space<hbm>> -> memref<4096x2048xf32, #tpu.memory_space<hbm>>
      tpu.enqueue_indirect_dma source(%dma_start3A_1208 : memref<4096x2048xf32, #tpu.memory_space<hbm>>) target(%dma_start3A_1202 : memref<1x2048xf32, #tpu.memory_space<vmem>>) offsets(%dma_start3A_1205 : memref<1xi32, #tpu.memory_space<vmem>>) semaphore(%arg26 : memref<!tpu.dma_semaphore, #tpu.memory_space<semaphore_mem>>)
    } else {
    }
    %shift_right_arithmetic3A_753 = arith.constant 1 : i32
    %shift_right_arithmetic3A_754 = arith.shrsi %get3A_748, %shift_right_arithmetic3A_753 : i32
    %and3A_755 = arith.constant 1 : i32
    %and3A_756 = arith.andi %shift_right_arithmetic3A_754, %and3A_755 : i32
    %ne3A_757 = arith.constant 0 : i32
    %ne3A_758 = arith.cmpi ne, %and3A_756, %ne3A_757 : i32
    %convert_element_type3A_759 = arith.extui %ne3A_758 : i1 to i32
    %cond3A_760 = arith.constant 0 : i32
    %cond3A_761 = arith.cmpi ne, %convert_element_type3A_759, %cond3A_760 : i32
    scf.if %cond3A_761 {
      %get3A_1191 = arith.constant 1 : i32
      %get3A_1192 = arith.index_cast %get3A_1191 : i32 to index
      %get3A_1193 = memref.load %arg23[%get3A_1192] : memref<16xi32, #tpu.memory_space<smem>>
      %sub3A = arith.constant 1 : i32
      %sub3A_1194 = arith.subi %sub3A, %get3A_1193 : i32
      %swap3A_1195 = arith.constant 1 : i32
      %swap3A_1196 = arith.index_cast %swap3A_1195 : i32 to index
      %swap3A_1197 = memref.load %arg23[%swap3A_1196] : memref<16xi32, #tpu.memory_space<smem>>
      memref.store %sub3A_1194, %arg23[%swap3A_1196] : memref<16xi32, #tpu.memory_space<smem>>
      %dma_start3A = arith.constant 1 : i32
      %dma_start3A_1198 = arith.constant 1 : i32
      %dma_start3A_1199 = arith.constant 0 : i32
      %dma_start3A_1200 = arith.constant 0 : i32
      %dma_start3A_1201 = tpu.memref_slice %arg21[%sub3A_1194, %dma_start3A_1198, %dma_start3A_1199, %dma_start3A_1200] : memref<2x16x1x2048xf32, #tpu.memory_space<vmem>> -> memref<1x1x1x2048xf32, #tpu.memory_space<vmem>>
      %dma_start3A_1202 = tpu.memref_squeeze %dma_start3A_1201 : memref<1x1x1x2048xf32, #tpu.memory_space<vmem>> -> memref<1x2048xf32, #tpu.memory_space<vmem>>
      %dma_start3A_1203 = arith.constant 0 : i32
      %dma_start3A_1204 = tpu.memref_slice %arg20[%dma_start3A, %dma_start3A_1203] : memref<17x128xi32, #tpu.memory_space<vmem>> -> memref<1x1xi32, #tpu.memory_space<vmem>>
      %dma_start3A_1205 = tpu.memref_squeeze %dma_start3A_1204 : memref<1x1xi32, #tpu.memory_space<vmem>> -> memref<1xi32, #tpu.memory_space<vmem>>
      %dma_start3A_1206 = arith.constant 0 : i32
      %dma_start3A_1207 = arith.constant 0 : i32
      %dma_start3A_1208 = tpu.memref_slice %arg4[%dma_start3A_1206, %dma_start3A_1207] : memref<1000x2048xf32, #tpu.memory_space<hbm>> -> memref<1000x2048xf32, #tpu.memory_space<hbm>>
      tpu.enqueue_indirect_dma source(%dma_start3A_1208 : memref<1000x2048xf32, #tpu.memory_space<hbm>>) target(%dma_start3A_1202 : memref<1x2048xf32, #tpu.memory_space<vmem>>) offsets(%dma_start3A_1205 : memref<1xi32, #tpu.memory_space<vmem>>) semaphore(%arg26 : memref<!tpu.dma_semaphore, #tpu.memory_space<semaphore_mem>>)
    } else {
    }
    %shift_right_arithmetic3A_762 = arith.constant 2 : i32
    %shift_right_arithmetic3A_763 = arith.shrsi %get3A_748, %shift_right_arithmetic3A_762 : i32
    %and3A_764 = arith.constant 1 : i32
    %and3A_765 = arith.andi %shift_right_arithmetic3A_763, %and3A_764 : i32
    %ne3A_766 = arith.constant 0 : i32
    %ne3A_767 = arith.cmpi ne, %and3A_765, %ne3A_766 : i32
    %convert_element_type3A_768 = arith.extui %ne3A_767 : i1 to i32
    %cond3A_769 = arith.constant 0 : i32
    %cond3A_770 = arith.cmpi ne, %convert_element_type3A_768, %cond3A_769 : i32
    scf.if %cond3A_770 {
      %get3A_1191 = arith.constant 2 : i32
      %get3A_1192 = arith.index_cast %get3A_1191 : i32 to index
      %get3A_1193 = memref.load %arg23[%get3A_1192] : memref<16xi32, #tpu.memory_space<smem>>
      %sub3A = arith.constant 1 : i32
      %sub3A_1194 = arith.subi %sub3A, %get3A_1193 : i32
      %swap3A_1195 = arith.constant 2 : i32
      %swap3A_1196 = arith.index_cast %swap3A_1195 : i32 to index
      %swap3A_1197 = memref.load %arg23[%swap3A_1196] : memref<16xi32, #tpu.memory_space<smem>>
      memref.store %sub3A_1194, %arg23[%swap3A_1196] : memref<16xi32, #tpu.memory_space<smem>>
      %dma_start3A = arith.constant 2 : i32
      %dma_start3A_1198 = arith.constant 2 : i32
      %dma_start3A_1199 = arith.constant 0 : i32
      %dma_start3A_1200 = arith.constant 0 : i32
      %dma_start3A_1201 = tpu.memref_slice %arg21[%sub3A_1194, %dma_start3A_1198, %dma_start3A_1199, %dma_start3A_1200] : memref<2x16x1x2048xf32, #tpu.memory_space<vmem>> -> memref<1x1x1x2048xf32, #tpu.memory_space<vmem>>
      %dma_start3A_1202 = tpu.memref_squeeze %dma_start3A_1201 : memref<1x1x1x2048xf32, #tpu.memory_space<vmem>> -> memref<1x2048xf32, #tpu.memory_space<vmem>>
      %dma_start3A_1203 = arith.constant 0 : i32
      %dma_start3A_1204 = tpu.memref_slice %arg20[%dma_start3A, %dma_start3A_1203] : memref<17x128xi32, #tpu.memory_space<vmem>> -> memref<1x1xi32, #tpu.memory_space<vmem>>
      %dma_start3A_1205 = tpu.memref_squeeze %dma_start3A_1204 : memref<1x1xi32, #tpu.memory_space<vmem>> -> memref<1xi32, #tpu.memory_space<vmem>>
      %dma_start3A_1206 = arith.constant 0 : i32
      %dma_start3A_1207 = arith.constant 0 : i32
      %dma_start3A_1208 = tpu.memref_slice %arg5[%dma_start3A_1206, %dma_start3A_1207] : memref<1000x2048xf32, #tpu.memory_space<hbm>> -> memref<1000x2048xf32, #tpu.memory_space<hbm>>
      tpu.enqueue_indirect_dma source(%dma_start3A_1208 : memref<1000x2048xf32, #tpu.memory_space<hbm>>) target(%dma_start3A_1202 : memref<1x2048xf32, #tpu.memory_space<vmem>>) offsets(%dma_start3A_1205 : memref<1xi32, #tpu.memory_space<vmem>>) semaphore(%arg26 : memref<!tpu.dma_semaphore, #tpu.memory_space<semaphore_mem>>)
    } else {
    }
    %shift_right_arithmetic3A_771 = arith.constant 3 : i32
    %shift_right_arithmetic3A_772 = arith.shrsi %get3A_748, %shift_right_arithmetic3A_771 : i32
    %and3A_773 = arith.constant 1 : i32
    %and3A_774 = arith.andi %shift_right_arithmetic3A_772, %and3A_773 : i32
    %ne3A_775 = arith.constant 0 : i32
    %ne3A_776 = arith.cmpi ne, %and3A_774, %ne3A_775 : i32
    %convert_element_type3A_777 = arith.extui %ne3A_776 : i1 to i32
    %cond3A_778 = arith.constant 0 : i32
    %cond3A_779 = arith.cmpi ne, %convert_element_type3A_777, %cond3A_778 : i32
    scf.if %cond3A_779 {
      %get3A_1191 = arith.constant 3 : i32
      %get3A_1192 = arith.index_cast %get3A_1191 : i32 to index
      %get3A_1193 = memref.load %arg23[%get3A_1192] : memref<16xi32, #tpu.memory_space<smem>>
      %sub3A = arith.constant 1 : i32
      %sub3A_1194 = arith.subi %sub3A, %get3A_1193 : i32
      %swap3A_1195 = arith.constant 3 : i32
      %swap3A_1196 = arith.index_cast %swap3A_1195 : i32 to index
      %swap3A_1197 = memref.load %arg23[%swap3A_1196] : memref<16xi32, #tpu.memory_space<smem>>
      memref.store %sub3A_1194, %arg23[%swap3A_1196] : memref<16xi32, #tpu.memory_space<smem>>
      %dma_start3A = arith.constant 3 : i32
      %dma_start3A_1198 = arith.constant 3 : i32
      %dma_start3A_1199 = arith.constant 0 : i32
      %dma_start3A_1200 = arith.constant 0 : i32
      %dma_start3A_1201 = tpu.memref_slice %arg21[%sub3A_1194, %dma_start3A_1198, %dma_start3A_1199, %dma_start3A_1200] : memref<2x16x1x2048xf32, #tpu.memory_space<vmem>> -> memref<1x1x1x2048xf32, #tpu.memory_space<vmem>>
      %dma_start3A_1202 = tpu.memref_squeeze %dma_start3A_1201 : memref<1x1x1x2048xf32, #tpu.memory_space<vmem>> -> memref<1x2048xf32, #tpu.memory_space<vmem>>
      %dma_start3A_1203 = arith.constant 0 : i32
      %dma_start3A_1204 = tpu.memref_slice %arg20[%dma_start3A, %dma_start3A_1203] : memref<17x128xi32, #tpu.memory_space<vmem>> -> memref<1x1xi32, #tpu.memory_space<vmem>>
      %dma_start3A_1205 = tpu.memref_squeeze %dma_start3A_1204 : memref<1x1xi32, #tpu.memory_space<vmem>> -> memref<1xi32, #tpu.memory_space<vmem>>
      %dma_start3A_1206 = arith.constant 0 : i32
      %dma_start3A_1207 = arith.constant 0 : i32
      %dma_start3A_1208 = tpu.memref_slice %arg6[%dma_start3A_1206, %dma_start3A_1207] : memref<1000x2048xf32, #tpu.memory_space<hbm>> -> memref<1000x2048xf32, #tpu.memory_space<hbm>>
      tpu.enqueue_indirect_dma source(%dma_start3A_1208 : memref<1000x2048xf32, #tpu.memory_space<hbm>>) target(%dma_start3A_1202 : memref<1x2048xf32, #tpu.memory_space<vmem>>) offsets(%dma_start3A_1205 : memref<1xi32, #tpu.memory_space<vmem>>) semaphore(%arg26 : memref<!tpu.dma_semaphore, #tpu.memory_space<semaphore_mem>>)
    } else {
    }
    %shift_right_arithmetic3A_780 = arith.constant 4 : i32
    %shift_right_arithmetic3A_781 = arith.shrsi %get3A_748, %shift_right_arithmetic3A_780 : i32
    %and3A_782 = arith.constant 1 : i32
    %and3A_783 = arith.andi %shift_right_arithmetic3A_781, %and3A_782 : i32
    %ne3A_784 = arith.constant 0 : i32
    %ne3A_785 = arith.cmpi ne, %and3A_783, %ne3A_784 : i32
    %convert_element_type3A_786 = arith.extui %ne3A_785 : i1 to i32
    %cond3A_787 = arith.constant 0 : i32
    %cond3A_788 = arith.cmpi ne, %convert_element_type3A_786, %cond3A_787 : i32
    scf.if %cond3A_788 {
      %get3A_1191 = arith.constant 4 : i32
      %get3A_1192 = arith.index_cast %get3A_1191 : i32 to index
      %get3A_1193 = memref.load %arg23[%get3A_1192] : memref<16xi32, #tpu.memory_space<smem>>
      %sub3A = arith.constant 1 : i32
      %sub3A_1194 = arith.subi %sub3A, %get3A_1193 : i32
      %swap3A_1195 = arith.constant 4 : i32
      %swap3A_1196 = arith.index_cast %swap3A_1195 : i32 to index
      %swap3A_1197 = memref.load %arg23[%swap3A_1196] : memref<16xi32, #tpu.memory_space<smem>>
      memref.store %sub3A_1194, %arg23[%swap3A_1196] : memref<16xi32, #tpu.memory_space<smem>>
      %dma_start3A = arith.constant 4 : i32
      %dma_start3A_1198 = arith.constant 4 : i32
      %dma_start3A_1199 = arith.constant 0 : i32
      %dma_start3A_1200 = arith.constant 0 : i32
      %dma_start3A_1201 = tpu.memref_slice %arg21[%sub3A_1194, %dma_start3A_1198, %dma_start3A_1199, %dma_start3A_1200] : memref<2x16x1x2048xf32, #tpu.memory_space<vmem>> -> memref<1x1x1x2048xf32, #tpu.memory_space<vmem>>
      %dma_start3A_1202 = tpu.memref_squeeze %dma_start3A_1201 : memref<1x1x1x2048xf32, #tpu.memory_space<vmem>> -> memref<1x2048xf32, #tpu.memory_space<vmem>>
      %dma_start3A_1203 = arith.constant 0 : i32
      %dma_start3A_1204 = tpu.memref_slice %arg20[%dma_start3A, %dma_start3A_1203] : memref<17x128xi32, #tpu.memory_space<vmem>> -> memref<1x1xi32, #tpu.memory_space<vmem>>
      %dma_start3A_1205 = tpu.memref_squeeze %dma_start3A_1204 : memref<1x1xi32, #tpu.memory_space<vmem>> -> memref<1xi32, #tpu.memory_space<vmem>>
      %dma_start3A_1206 = arith.constant 0 : i32
      %dma_start3A_1207 = arith.constant 0 : i32
      %dma_start3A_1208 = tpu.memref_slice %arg7[%dma_start3A_1206, %dma_start3A_1207] : memref<1000x2048xf32, #tpu.memory_space<hbm>> -> memref<1000x2048xf32, #tpu.memory_space<hbm>>
      tpu.enqueue_indirect_dma source(%dma_start3A_1208 : memref<1000x2048xf32, #tpu.memory_space<hbm>>) target(%dma_start3A_1202 : memref<1x2048xf32, #tpu.memory_space<vmem>>) offsets(%dma_start3A_1205 : memref<1xi32, #tpu.memory_space<vmem>>) semaphore(%arg26 : memref<!tpu.dma_semaphore, #tpu.memory_space<semaphore_mem>>)
    } else {
    }
    %shift_right_arithmetic3A_789 = arith.constant 5 : i32
    %shift_right_arithmetic3A_790 = arith.shrsi %get3A_748, %shift_right_arithmetic3A_789 : i32
    %and3A_791 = arith.constant 1 : i32
    %and3A_792 = arith.andi %shift_right_arithmetic3A_790, %and3A_791 : i32
    %ne3A_793 = arith.constant 0 : i32
    %ne3A_794 = arith.cmpi ne, %and3A_792, %ne3A_793 : i32
    %convert_element_type3A_795 = arith.extui %ne3A_794 : i1 to i32
    %cond3A_796 = arith.constant 0 : i32
    %cond3A_797 = arith.cmpi ne, %convert_element_type3A_795, %cond3A_796 : i32
    scf.if %cond3A_797 {
      %get3A_1191 = arith.constant 5 : i32
      %get3A_1192 = arith.index_cast %get3A_1191 : i32 to index
      %get3A_1193 = memref.load %arg23[%get3A_1192] : memref<16xi32, #tpu.memory_space<smem>>
      %sub3A = arith.constant 1 : i32
      %sub3A_1194 = arith.subi %sub3A, %get3A_1193 : i32
      %swap3A_1195 = arith.constant 5 : i32
      %swap3A_1196 = arith.index_cast %swap3A_1195 : i32 to index
      %swap3A_1197 = memref.load %arg23[%swap3A_1196] : memref<16xi32, #tpu.memory_space<smem>>
      memref.store %sub3A_1194, %arg23[%swap3A_1196] : memref<16xi32, #tpu.memory_space<smem>>
      %dma_start3A = arith.constant 5 : i32
      %dma_start3A_1198 = arith.constant 5 : i32
      %dma_start3A_1199 = arith.constant 0 : i32
      %dma_start3A_1200 = arith.constant 0 : i32
      %dma_start3A_1201 = tpu.memref_slice %arg21[%sub3A_1194, %dma_start3A_1198, %dma_start3A_1199, %dma_start3A_1200] : memref<2x16x1x2048xf32, #tpu.memory_space<vmem>> -> memref<1x1x1x2048xf32, #tpu.memory_space<vmem>>
      %dma_start3A_1202 = tpu.memref_squeeze %dma_start3A_1201 : memref<1x1x1x2048xf32, #tpu.memory_space<vmem>> -> memref<1x2048xf32, #tpu.memory_space<vmem>>
      %dma_start3A_1203 = arith.constant 0 : i32
      %dma_start3A_1204 = tpu.memref_slice %arg20[%dma_start3A, %dma_start3A_1203] : memref<17x128xi32, #tpu.memory_space<vmem>> -> memref<1x1xi32, #tpu.memory_space<vmem>>
      %dma_start3A_1205 = tpu.memref_squeeze %dma_start3A_1204 : memref<1x1xi32, #tpu.memory_space<vmem>> -> memref<1xi32, #tpu.memory_space<vmem>>
      %dma_start3A_1206 = arith.constant 0 : i32
      %dma_start3A_1207 = arith.constant 0 : i32
      %dma_start3A_1208 = tpu.memref_slice %arg8[%dma_start3A_1206, %dma_start3A_1207] : memref<1000x2048xf32, #tpu.memory_space<hbm>> -> memref<1000x2048xf32, #tpu.memory_space<hbm>>
      tpu.enqueue_indirect_dma source(%dma_start3A_1208 : memref<1000x2048xf32, #tpu.memory_space<hbm>>) target(%dma_start3A_1202 : memref<1x2048xf32, #tpu.memory_space<vmem>>) offsets(%dma_start3A_1205 : memref<1xi32, #tpu.memory_space<vmem>>) semaphore(%arg26 : memref<!tpu.dma_semaphore, #tpu.memory_space<semaphore_mem>>)
    } else {
    }
    %shift_right_arithmetic3A_798 = arith.constant 6 : i32
    %shift_right_arithmetic3A_799 = arith.shrsi %get3A_748, %shift_right_arithmetic3A_798 : i32
    %and3A_800 = arith.constant 1 : i32
    %and3A_801 = arith.andi %shift_right_arithmetic3A_799, %and3A_800 : i32
    %ne3A_802 = arith.constant 0 : i32
    %ne3A_803 = arith.cmpi ne, %and3A_801, %ne3A_802 : i32
    %convert_element_type3A_804 = arith.extui %ne3A_803 : i1 to i32
    %cond3A_805 = arith.constant 0 : i32
    %cond3A_806 = arith.cmpi ne, %convert_element_type3A_804, %cond3A_805 : i32
    scf.if %cond3A_806 {
      %get3A_1191 = arith.constant 6 : i32
      %get3A_1192 = arith.index_cast %get3A_1191 : i32 to index
      %get3A_1193 = memref.load %arg23[%get3A_1192] : memref<16xi32, #tpu.memory_space<smem>>
      %sub3A = arith.constant 1 : i32
      %sub3A_1194 = arith.subi %sub3A, %get3A_1193 : i32
      %swap3A_1195 = arith.constant 6 : i32
      %swap3A_1196 = arith.index_cast %swap3A_1195 : i32 to index
      %swap3A_1197 = memref.load %arg23[%swap3A_1196] : memref<16xi32, #tpu.memory_space<smem>>
      memref.store %sub3A_1194, %arg23[%swap3A_1196] : memref<16xi32, #tpu.memory_space<smem>>
      %dma_start3A = arith.constant 6 : i32
      %dma_start3A_1198 = arith.constant 6 : i32
      %dma_start3A_1199 = arith.constant 0 : i32
      %dma_start3A_1200 = arith.constant 0 : i32
      %dma_start3A_1201 = tpu.memref_slice %arg21[%sub3A_1194, %dma_start3A_1198, %dma_start3A_1199, %dma_start3A_1200] : memref<2x16x1x2048xf32, #tpu.memory_space<vmem>> -> memref<1x1x1x2048xf32, #tpu.memory_space<vmem>>
      %dma_start3A_1202 = tpu.memref_squeeze %dma_start3A_1201 : memref<1x1x1x2048xf32, #tpu.memory_space<vmem>> -> memref<1x2048xf32, #tpu.memory_space<vmem>>
      %dma_start3A_1203 = arith.constant 0 : i32
      %dma_start3A_1204 = tpu.memref_slice %arg20[%dma_start3A, %dma_start3A_1203] : memref<17x128xi32, #tpu.memory_space<vmem>> -> memref<1x1xi32, #tpu.memory_space<vmem>>
      %dma_start3A_1205 = tpu.memref_squeeze %dma_start3A_1204 : memref<1x1xi32, #tpu.memory_space<vmem>> -> memref<1xi32, #tpu.memory_space<vmem>>
      %dma_start3A_1206 = arith.constant 0 : i32
      %dma_start3A_1207 = arith.constant 0 : i32
      %dma_start3A_1208 = tpu.memref_slice %arg9[%dma_start3A_1206, %dma_start3A_1207] : memref<1000x2048xf32, #tpu.memory_space<hbm>> -> memref<1000x2048xf32, #tpu.memory_space<hbm>>
      tpu.enqueue_indirect_dma source(%dma_start3A_1208 : memref<1000x2048xf32, #tpu.memory_space<hbm>>) target(%dma_start3A_1202 : memref<1x2048xf32, #tpu.memory_space<vmem>>) offsets(%dma_start3A_1205 : memref<1xi32, #tpu.memory_space<vmem>>) semaphore(%arg26 : memref<!tpu.dma_semaphore, #tpu.memory_space<semaphore_mem>>)
    } else {
    }
    %shift_right_arithmetic3A_807 = arith.constant 7 : i32
    %shift_right_arithmetic3A_808 = arith.shrsi %get3A_748, %shift_right_arithmetic3A_807 : i32
    %and3A_809 = arith.constant 1 : i32
    %and3A_810 = arith.andi %shift_right_arithmetic3A_808, %and3A_809 : i32
    %ne3A_811 = arith.constant 0 : i32
    %ne3A_812 = arith.cmpi ne, %and3A_810, %ne3A_811 : i32
    %convert_element_type3A_813 = arith.extui %ne3A_812 : i1 to i32
    %cond3A_814 = arith.constant 0 : i32
    %cond3A_815 = arith.cmpi ne, %convert_element_type3A_813, %cond3A_814 : i32
    scf.if %cond3A_815 {
      %get3A_1191 = arith.constant 7 : i32
      %get3A_1192 = arith.index_cast %get3A_1191 : i32 to index
      %get3A_1193 = memref.load %arg23[%get3A_1192] : memref<16xi32, #tpu.memory_space<smem>>
      %sub3A = arith.constant 1 : i32
      %sub3A_1194 = arith.subi %sub3A, %get3A_1193 : i32
      %swap3A_1195 = arith.constant 7 : i32
      %swap3A_1196 = arith.index_cast %swap3A_1195 : i32 to index
      %swap3A_1197 = memref.load %arg23[%swap3A_1196] : memref<16xi32, #tpu.memory_space<smem>>
      memref.store %sub3A_1194, %arg23[%swap3A_1196] : memref<16xi32, #tpu.memory_space<smem>>
      %dma_start3A = arith.constant 7 : i32
      %dma_start3A_1198 = arith.constant 7 : i32
      %dma_start3A_1199 = arith.constant 0 : i32
      %dma_start3A_1200 = arith.constant 0 : i32
      %dma_start3A_1201 = tpu.memref_slice %arg21[%sub3A_1194, %dma_start3A_1198, %dma_start3A_1199, %dma_start3A_1200] : memref<2x16x1x2048xf32, #tpu.memory_space<vmem>> -> memref<1x1x1x2048xf32, #tpu.memory_space<vmem>>
      %dma_start3A_1202 = tpu.memref_squeeze %dma_start3A_1201 : memref<1x1x1x2048xf32, #tpu.memory_space<vmem>> -> memref<1x2048xf32, #tpu.memory_space<vmem>>
      %dma_start3A_1203 = arith.constant 0 : i32
      %dma_start3A_1204 = tpu.memref_slice %arg20[%dma_start3A, %dma_start3A_1203] : memref<17x128xi32, #tpu.memory_space<vmem>> -> memref<1x1xi32, #tpu.memory_space<vmem>>
      %dma_start3A_1205 = tpu.memref_squeeze %dma_start3A_1204 : memref<1x1xi32, #tpu.memory_space<vmem>> -> memref<1xi32, #tpu.memory_space<vmem>>
      %dma_start3A_1206 = arith.constant 0 : i32
      %dma_start3A_1207 = arith.constant 0 : i32
      %dma_start3A_1208 = tpu.memref_slice %arg10[%dma_start3A_1206, %dma_start3A_1207] : memref<1000x2048xf32, #tpu.memory_space<hbm>> -> memref<1000x2048xf32, #tpu.memory_space<hbm>>
      tpu.enqueue_indirect_dma source(%dma_start3A_1208 : memref<1000x2048xf32, #tpu.memory_space<hbm>>) target(%dma_start3A_1202 : memref<1x2048xf32, #tpu.memory_space<vmem>>) offsets(%dma_start3A_1205 : memref<1xi32, #tpu.memory_space<vmem>>) semaphore(%arg26 : memref<!tpu.dma_semaphore, #tpu.memory_space<semaphore_mem>>)
    } else {
    }
    %shift_right_arithmetic3A_816 = arith.constant 8 : i32
    %shift_right_arithmetic3A_817 = arith.shrsi %get3A_748, %shift_right_arithmetic3A_816 : i32
    %and3A_818 = arith.constant 1 : i32
    %and3A_819 = arith.andi %shift_right_arithmetic3A_817, %and3A_818 : i32
    %ne3A_820 = arith.constant 0 : i32
    %ne3A_821 = arith.cmpi ne, %and3A_819, %ne3A_820 : i32
    %convert_element_type3A_822 = arith.extui %ne3A_821 : i1 to i32
    %cond3A_823 = arith.constant 0 : i32
    %cond3A_824 = arith.cmpi ne, %convert_element_type3A_822, %cond3A_823 : i32
    scf.if %cond3A_824 {
      %get3A_1191 = arith.constant 8 : i32
      %get3A_1192 = arith.index_cast %get3A_1191 : i32 to index
      %get3A_1193 = memref.load %arg23[%get3A_1192] : memref<16xi32, #tpu.memory_space<smem>>
      %sub3A = arith.constant 1 : i32
      %sub3A_1194 = arith.subi %sub3A, %get3A_1193 : i32
      %swap3A_1195 = arith.constant 8 : i32
      %swap3A_1196 = arith.index_cast %swap3A_1195 : i32 to index
      %swap3A_1197 = memref.load %arg23[%swap3A_1196] : memref<16xi32, #tpu.memory_space<smem>>
      memref.store %sub3A_1194, %arg23[%swap3A_1196] : memref<16xi32, #tpu.memory_space<smem>>
      %dma_start3A = arith.constant 8 : i32
      %dma_start3A_1198 = arith.constant 8 : i32
      %dma_start3A_1199 = arith.constant 0 : i32
      %dma_start3A_1200 = arith.constant 0 : i32
      %dma_start3A_1201 = tpu.memref_slice %arg21[%sub3A_1194, %dma_start3A_1198, %dma_start3A_1199, %dma_start3A_1200] : memref<2x16x1x2048xf32, #tpu.memory_space<vmem>> -> memref<1x1x1x2048xf32, #tpu.memory_space<vmem>>
      %dma_start3A_1202 = tpu.memref_squeeze %dma_start3A_1201 : memref<1x1x1x2048xf32, #tpu.memory_space<vmem>> -> memref<1x2048xf32, #tpu.memory_space<vmem>>
      %dma_start3A_1203 = arith.constant 0 : i32
      %dma_start3A_1204 = tpu.memref_slice %arg20[%dma_start3A, %dma_start3A_1203] : memref<17x128xi32, #tpu.memory_space<vmem>> -> memref<1x1xi32, #tpu.memory_space<vmem>>
      %dma_start3A_1205 = tpu.memref_squeeze %dma_start3A_1204 : memref<1x1xi32, #tpu.memory_space<vmem>> -> memref<1xi32, #tpu.memory_space<vmem>>
      %dma_start3A_1206 = arith.constant 0 : i32
      %dma_start3A_1207 = arith.constant 0 : i32
      %dma_start3A_1208 = tpu.memref_slice %arg11[%dma_start3A_1206, %dma_start3A_1207] : memref<1000x2048xf32, #tpu.memory_space<hbm>> -> memref<1000x2048xf32, #tpu.memory_space<hbm>>
      tpu.enqueue_indirect_dma source(%dma_start3A_1208 : memref<1000x2048xf32, #tpu.memory_space<hbm>>) target(%dma_start3A_1202 : memref<1x2048xf32, #tpu.memory_space<vmem>>) offsets(%dma_start3A_1205 : memref<1xi32, #tpu.memory_space<vmem>>) semaphore(%arg26 : memref<!tpu.dma_semaphore, #tpu.memory_space<semaphore_mem>>)
    } else {
    }
    %shift_right_arithmetic3A_825 = arith.constant 9 : i32
    %shift_right_arithmetic3A_826 = arith.shrsi %get3A_748, %shift_right_arithmetic3A_825 : i32
    %and3A_827 = arith.constant 1 : i32
    %and3A_828 = arith.andi %shift_right_arithmetic3A_826, %and3A_827 : i32
    %ne3A_829 = arith.constant 0 : i32
    %ne3A_830 = arith.cmpi ne, %and3A_828, %ne3A_829 : i32
    %convert_element_type3A_831 = arith.extui %ne3A_830 : i1 to i32
    %cond3A_832 = arith.constant 0 : i32
    %cond3A_833 = arith.cmpi ne, %convert_element_type3A_831, %cond3A_832 : i32
    scf.if %cond3A_833 {
      %get3A_1191 = arith.constant 9 : i32
      %get3A_1192 = arith.index_cast %get3A_1191 : i32 to index
      %get3A_1193 = memref.load %arg23[%get3A_1192] : memref<16xi32, #tpu.memory_space<smem>>
      %sub3A = arith.constant 1 : i32
      %sub3A_1194 = arith.subi %sub3A, %get3A_1193 : i32
      %swap3A_1195 = arith.constant 9 : i32
      %swap3A_1196 = arith.index_cast %swap3A_1195 : i32 to index
      %swap3A_1197 = memref.load %arg23[%swap3A_1196] : memref<16xi32, #tpu.memory_space<smem>>
      memref.store %sub3A_1194, %arg23[%swap3A_1196] : memref<16xi32, #tpu.memory_space<smem>>
      %dma_start3A = arith.constant 9 : i32
      %dma_start3A_1198 = arith.constant 9 : i32
      %dma_start3A_1199 = arith.constant 0 : i32
      %dma_start3A_1200 = arith.constant 0 : i32
      %dma_start3A_1201 = tpu.memref_slice %arg21[%sub3A_1194, %dma_start3A_1198, %dma_start3A_1199, %dma_start3A_1200] : memref<2x16x1x2048xf32, #tpu.memory_space<vmem>> -> memref<1x1x1x2048xf32, #tpu.memory_space<vmem>>
      %dma_start3A_1202 = tpu.memref_squeeze %dma_start3A_1201 : memref<1x1x1x2048xf32, #tpu.memory_space<vmem>> -> memref<1x2048xf32, #tpu.memory_space<vmem>>
      %dma_start3A_1203 = arith.constant 0 : i32
      %dma_start3A_1204 = tpu.memref_slice %arg20[%dma_start3A, %dma_start3A_1203] : memref<17x128xi32, #tpu.memory_space<vmem>> -> memref<1x1xi32, #tpu.memory_space<vmem>>
      %dma_start3A_1205 = tpu.memref_squeeze %dma_start3A_1204 : memref<1x1xi32, #tpu.memory_space<vmem>> -> memref<1xi32, #tpu.memory_space<vmem>>
      %dma_start3A_1206 = arith.constant 0 : i32
      %dma_start3A_1207 = arith.constant 0 : i32
      %dma_start3A_1208 = tpu.memref_slice %arg12[%dma_start3A_1206, %dma_start3A_1207] : memref<1000x2048xf32, #tpu.memory_space<hbm>> -> memref<1000x2048xf32, #tpu.memory_space<hbm>>
      tpu.enqueue_indirect_dma source(%dma_start3A_1208 : memref<1000x2048xf32, #tpu.memory_space<hbm>>) target(%dma_start3A_1202 : memref<1x2048xf32, #tpu.memory_space<vmem>>) offsets(%dma_start3A_1205 : memref<1xi32, #tpu.memory_space<vmem>>) semaphore(%arg26 : memref<!tpu.dma_semaphore, #tpu.memory_space<semaphore_mem>>)
    } else {
    }
    %shift_right_arithmetic3A_834 = arith.constant 10 : i32
    %shift_right_arithmetic3A_835 = arith.shrsi %get3A_748, %shift_right_arithmetic3A_834 : i32
    %and3A_836 = arith.constant 1 : i32
    %and3A_837 = arith.andi %shift_right_arithmetic3A_835, %and3A_836 : i32
    %ne3A_838 = arith.constant 0 : i32
    %ne3A_839 = arith.cmpi ne, %and3A_837, %ne3A_838 : i32
    %convert_element_type3A_840 = arith.extui %ne3A_839 : i1 to i32
    %cond3A_841 = arith.constant 0 : i32
    %cond3A_842 = arith.cmpi ne, %convert_element_type3A_840, %cond3A_841 : i32
    scf.if %cond3A_842 {
      %get3A_1191 = arith.constant 10 : i32
      %get3A_1192 = arith.index_cast %get3A_1191 : i32 to index
      %get3A_1193 = memref.load %arg23[%get3A_1192] : memref<16xi32, #tpu.memory_space<smem>>
      %sub3A = arith.constant 1 : i32
      %sub3A_1194 = arith.subi %sub3A, %get3A_1193 : i32
      %swap3A_1195 = arith.constant 10 : i32
      %swap3A_1196 = arith.index_cast %swap3A_1195 : i32 to index
      %swap3A_1197 = memref.load %arg23[%swap3A_1196] : memref<16xi32, #tpu.memory_space<smem>>
      memref.store %sub3A_1194, %arg23[%swap3A_1196] : memref<16xi32, #tpu.memory_space<smem>>
      %dma_start3A = arith.constant 10 : i32
      %dma_start3A_1198 = arith.constant 10 : i32
      %dma_start3A_1199 = arith.constant 0 : i32
      %dma_start3A_1200 = arith.constant 0 : i32
      %dma_start3A_1201 = tpu.memref_slice %arg21[%sub3A_1194, %dma_start3A_1198, %dma_start3A_1199, %dma_start3A_1200] : memref<2x16x1x2048xf32, #tpu.memory_space<vmem>> -> memref<1x1x1x2048xf32, #tpu.memory_space<vmem>>
      %dma_start3A_1202 = tpu.memref_squeeze %dma_start3A_1201 : memref<1x1x1x2048xf32, #tpu.memory_space<vmem>> -> memref<1x2048xf32, #tpu.memory_space<vmem>>
      %dma_start3A_1203 = arith.constant 0 : i32
      %dma_start3A_1204 = tpu.memref_slice %arg20[%dma_start3A, %dma_start3A_1203] : memref<17x128xi32, #tpu.memory_space<vmem>> -> memref<1x1xi32, #tpu.memory_space<vmem>>
      %dma_start3A_1205 = tpu.memref_squeeze %dma_start3A_1204 : memref<1x1xi32, #tpu.memory_space<vmem>> -> memref<1xi32, #tpu.memory_space<vmem>>
      %dma_start3A_1206 = arith.constant 0 : i32
      %dma_start3A_1207 = arith.constant 0 : i32
      %dma_start3A_1208 = tpu.memref_slice %arg13[%dma_start3A_1206, %dma_start3A_1207] : memref<1000x2048xf32, #tpu.memory_space<hbm>> -> memref<1000x2048xf32, #tpu.memory_space<hbm>>
      tpu.enqueue_indirect_dma source(%dma_start3A_1208 : memref<1000x2048xf32, #tpu.memory_space<hbm>>) target(%dma_start3A_1202 : memref<1x2048xf32, #tpu.memory_space<vmem>>) offsets(%dma_start3A_1205 : memref<1xi32, #tpu.memory_space<vmem>>) semaphore(%arg26 : memref<!tpu.dma_semaphore, #tpu.memory_space<semaphore_mem>>)
    } else {
    }
    %shift_right_arithmetic3A_843 = arith.constant 11 : i32
    %shift_right_arithmetic3A_844 = arith.shrsi %get3A_748, %shift_right_arithmetic3A_843 : i32
    %and3A_845 = arith.constant 1 : i32
    %and3A_846 = arith.andi %shift_right_arithmetic3A_844, %and3A_845 : i32
    %ne3A_847 = arith.constant 0 : i32
    %ne3A_848 = arith.cmpi ne, %and3A_846, %ne3A_847 : i32
    %convert_element_type3A_849 = arith.extui %ne3A_848 : i1 to i32
    %cond3A_850 = arith.constant 0 : i32
    %cond3A_851 = arith.cmpi ne, %convert_element_type3A_849, %cond3A_850 : i32
    scf.if %cond3A_851 {
      %get3A_1191 = arith.constant 11 : i32
      %get3A_1192 = arith.index_cast %get3A_1191 : i32 to index
      %get3A_1193 = memref.load %arg23[%get3A_1192] : memref<16xi32, #tpu.memory_space<smem>>
      %sub3A = arith.constant 1 : i32
      %sub3A_1194 = arith.subi %sub3A, %get3A_1193 : i32
      %swap3A_1195 = arith.constant 11 : i32
      %swap3A_1196 = arith.index_cast %swap3A_1195 : i32 to index
      %swap3A_1197 = memref.load %arg23[%swap3A_1196] : memref<16xi32, #tpu.memory_space<smem>>
      memref.store %sub3A_1194, %arg23[%swap3A_1196] : memref<16xi32, #tpu.memory_space<smem>>
      %dma_start3A = arith.constant 11 : i32
      %dma_start3A_1198 = arith.constant 11 : i32
      %dma_start3A_1199 = arith.constant 0 : i32
      %dma_start3A_1200 = arith.constant 0 : i32
      %dma_start3A_1201 = tpu.memref_slice %arg21[%sub3A_1194, %dma_start3A_1198, %dma_start3A_1199, %dma_start3A_1200] : memref<2x16x1x2048xf32, #tpu.memory_space<vmem>> -> memref<1x1x1x2048xf32, #tpu.memory_space<vmem>>
      %dma_start3A_1202 = tpu.memref_squeeze %dma_start3A_1201 : memref<1x1x1x2048xf32, #tpu.memory_space<vmem>> -> memref<1x2048xf32, #tpu.memory_space<vmem>>
      %dma_start3A_1203 = arith.constant 0 : i32
      %dma_start3A_1204 = tpu.memref_slice %arg20[%dma_start3A, %dma_start3A_1203] : memref<17x128xi32, #tpu.memory_space<vmem>> -> memref<1x1xi32, #tpu.memory_space<vmem>>
      %dma_start3A_1205 = tpu.memref_squeeze %dma_start3A_1204 : memref<1x1xi32, #tpu.memory_space<vmem>> -> memref<1xi32, #tpu.memory_space<vmem>>
      %dma_start3A_1206 = arith.constant 0 : i32
      %dma_start3A_1207 = arith.constant 0 : i32
      %dma_start3A_1208 = tpu.memref_slice %arg14[%dma_start3A_1206, %dma_start3A_1207] : memref<1000x2048xf32, #tpu.memory_space<hbm>> -> memref<1000x2048xf32, #tpu.memory_space<hbm>>
      tpu.enqueue_indirect_dma source(%dma_start3A_1208 : memref<1000x2048xf32, #tpu.memory_space<hbm>>) target(%dma_start3A_1202 : memref<1x2048xf32, #tpu.memory_space<vmem>>) offsets(%dma_start3A_1205 : memref<1xi32, #tpu.memory_space<vmem>>) semaphore(%arg26 : memref<!tpu.dma_semaphore, #tpu.memory_space<semaphore_mem>>)
    } else {
    }
    %shift_right_arithmetic3A_852 = arith.constant 12 : i32
    %shift_right_arithmetic3A_853 = arith.shrsi %get3A_748, %shift_right_arithmetic3A_852 : i32
    %and3A_854 = arith.constant 1 : i32
    %and3A_855 = arith.andi %shift_right_arithmetic3A_853, %and3A_854 : i32
    %ne3A_856 = arith.constant 0 : i32
    %ne3A_857 = arith.cmpi ne, %and3A_855, %ne3A_856 : i32
    %convert_element_type3A_858 = arith.extui %ne3A_857 : i1 to i32
    %cond3A_859 = arith.constant 0 : i32
    %cond3A_860 = arith.cmpi ne, %convert_element_type3A_858, %cond3A_859 : i32
    scf.if %cond3A_860 {
      %get3A_1191 = arith.constant 12 : i32
      %get3A_1192 = arith.index_cast %get3A_1191 : i32 to index
      %get3A_1193 = memref.load %arg23[%get3A_1192] : memref<16xi32, #tpu.memory_space<smem>>
      %sub3A = arith.constant 1 : i32
      %sub3A_1194 = arith.subi %sub3A, %get3A_1193 : i32
      %swap3A_1195 = arith.constant 12 : i32
      %swap3A_1196 = arith.index_cast %swap3A_1195 : i32 to index
      %swap3A_1197 = memref.load %arg23[%swap3A_1196] : memref<16xi32, #tpu.memory_space<smem>>
      memref.store %sub3A_1194, %arg23[%swap3A_1196] : memref<16xi32, #tpu.memory_space<smem>>
      %dma_start3A = arith.constant 12 : i32
      %dma_start3A_1198 = arith.constant 12 : i32
      %dma_start3A_1199 = arith.constant 0 : i32
      %dma_start3A_1200 = arith.constant 0 : i32
      %dma_start3A_1201 = tpu.memref_slice %arg21[%sub3A_1194, %dma_start3A_1198, %dma_start3A_1199, %dma_start3A_1200] : memref<2x16x1x2048xf32, #tpu.memory_space<vmem>> -> memref<1x1x1x2048xf32, #tpu.memory_space<vmem>>
      %dma_start3A_1202 = tpu.memref_squeeze %dma_start3A_1201 : memref<1x1x1x2048xf32, #tpu.memory_space<vmem>> -> memref<1x2048xf32, #tpu.memory_space<vmem>>
      %dma_start3A_1203 = arith.constant 0 : i32
      %dma_start3A_1204 = tpu.memref_slice %arg20[%dma_start3A, %dma_start3A_1203] : memref<17x128xi32, #tpu.memory_space<vmem>> -> memref<1x1xi32, #tpu.memory_space<vmem>>
      %dma_start3A_1205 = tpu.memref_squeeze %dma_start3A_1204 : memref<1x1xi32, #tpu.memory_space<vmem>> -> memref<1xi32, #tpu.memory_space<vmem>>
      %dma_start3A_1206 = arith.constant 0 : i32
      %dma_start3A_1207 = arith.constant 0 : i32
      %dma_start3A_1208 = tpu.memref_slice %arg15[%dma_start3A_1206, %dma_start3A_1207] : memref<1000x2048xf32, #tpu.memory_space<hbm>> -> memref<1000x2048xf32, #tpu.memory_space<hbm>>
      tpu.enqueue_indirect_dma source(%dma_start3A_1208 : memref<1000x2048xf32, #tpu.memory_space<hbm>>) target(%dma_start3A_1202 : memref<1x2048xf32, #tpu.memory_space<vmem>>) offsets(%dma_start3A_1205 : memref<1xi32, #tpu.memory_space<vmem>>) semaphore(%arg26 : memref<!tpu.dma_semaphore, #tpu.memory_space<semaphore_mem>>)
    } else {
    }
    %shift_right_arithmetic3A_861 = arith.constant 13 : i32
    %shift_right_arithmetic3A_862 = arith.shrsi %get3A_748, %shift_right_arithmetic3A_861 : i32
    %and3A_863 = arith.constant 1 : i32
    %and3A_864 = arith.andi %shift_right_arithmetic3A_862, %and3A_863 : i32
    %ne3A_865 = arith.constant 0 : i32
    %ne3A_866 = arith.cmpi ne, %and3A_864, %ne3A_865 : i32
    %convert_element_type3A_867 = arith.extui %ne3A_866 : i1 to i32
    %cond3A_868 = arith.constant 0 : i32
    %cond3A_869 = arith.cmpi ne, %convert_element_type3A_867, %cond3A_868 : i32
    scf.if %cond3A_869 {
      %get3A_1191 = arith.constant 13 : i32
      %get3A_1192 = arith.index_cast %get3A_1191 : i32 to index
      %get3A_1193 = memref.load %arg23[%get3A_1192] : memref<16xi32, #tpu.memory_space<smem>>
      %sub3A = arith.constant 1 : i32
      %sub3A_1194 = arith.subi %sub3A, %get3A_1193 : i32
      %swap3A_1195 = arith.constant 13 : i32
      %swap3A_1196 = arith.index_cast %swap3A_1195 : i32 to index
      %swap3A_1197 = memref.load %arg23[%swap3A_1196] : memref<16xi32, #tpu.memory_space<smem>>
      memref.store %sub3A_1194, %arg23[%swap3A_1196] : memref<16xi32, #tpu.memory_space<smem>>
      %dma_start3A = arith.constant 13 : i32
      %dma_start3A_1198 = arith.constant 13 : i32
      %dma_start3A_1199 = arith.constant 0 : i32
      %dma_start3A_1200 = arith.constant 0 : i32
      %dma_start3A_1201 = tpu.memref_slice %arg21[%sub3A_1194, %dma_start3A_1198, %dma_start3A_1199, %dma_start3A_1200] : memref<2x16x1x2048xf32, #tpu.memory_space<vmem>> -> memref<1x1x1x2048xf32, #tpu.memory_space<vmem>>
      %dma_start3A_1202 = tpu.memref_squeeze %dma_start3A_1201 : memref<1x1x1x2048xf32, #tpu.memory_space<vmem>> -> memref<1x2048xf32, #tpu.memory_space<vmem>>
      %dma_start3A_1203 = arith.constant 0 : i32
      %dma_start3A_1204 = tpu.memref_slice %arg20[%dma_start3A, %dma_start3A_1203] : memref<17x128xi32, #tpu.memory_space<vmem>> -> memref<1x1xi32, #tpu.memory_space<vmem>>
      %dma_start3A_1205 = tpu.memref_squeeze %dma_start3A_1204 : memref<1x1xi32, #tpu.memory_space<vmem>> -> memref<1xi32, #tpu.memory_space<vmem>>
      %dma_start3A_1206 = arith.constant 0 : i32
      %dma_start3A_1207 = arith.constant 0 : i32
      %dma_start3A_1208 = tpu.memref_slice %arg16[%dma_start3A_1206, %dma_start3A_1207] : memref<1000x2048xf32, #tpu.memory_space<hbm>> -> memref<1000x2048xf32, #tpu.memory_space<hbm>>
      tpu.enqueue_indirect_dma source(%dma_start3A_1208 : memref<1000x2048xf32, #tpu.memory_space<hbm>>) target(%dma_start3A_1202 : memref<1x2048xf32, #tpu.memory_space<vmem>>) offsets(%dma_start3A_1205 : memref<1xi32, #tpu.memory_space<vmem>>) semaphore(%arg26 : memref<!tpu.dma_semaphore, #tpu.memory_space<semaphore_mem>>)
    } else {
    }
    %shift_right_arithmetic3A_870 = arith.constant 14 : i32
    %shift_right_arithmetic3A_871 = arith.shrsi %get3A_748, %shift_right_arithmetic3A_870 : i32
    %and3A_872 = arith.constant 1 : i32
    %and3A_873 = arith.andi %shift_right_arithmetic3A_871, %and3A_872 : i32
    %ne3A_874 = arith.constant 0 : i32
    %ne3A_875 = arith.cmpi ne, %and3A_873, %ne3A_874 : i32
    %convert_element_type3A_876 = arith.extui %ne3A_875 : i1 to i32
    %cond3A_877 = arith.constant 0 : i32
    %cond3A_878 = arith.cmpi ne, %convert_element_type3A_876, %cond3A_877 : i32
    scf.if %cond3A_878 {
      %get3A_1191 = arith.constant 14 : i32
      %get3A_1192 = arith.index_cast %get3A_1191 : i32 to index
      %get3A_1193 = memref.load %arg23[%get3A_1192] : memref<16xi32, #tpu.memory_space<smem>>
      %sub3A = arith.constant 1 : i32
      %sub3A_1194 = arith.subi %sub3A, %get3A_1193 : i32
      %swap3A_1195 = arith.constant 14 : i32
      %swap3A_1196 = arith.index_cast %swap3A_1195 : i32 to index
      %swap3A_1197 = memref.load %arg23[%swap3A_1196] : memref<16xi32, #tpu.memory_space<smem>>
      memref.store %sub3A_1194, %arg23[%swap3A_1196] : memref<16xi32, #tpu.memory_space<smem>>
      %dma_start3A = arith.constant 14 : i32
      %dma_start3A_1198 = arith.constant 14 : i32
      %dma_start3A_1199 = arith.constant 0 : i32
      %dma_start3A_1200 = arith.constant 0 : i32
      %dma_start3A_1201 = tpu.memref_slice %arg21[%sub3A_1194, %dma_start3A_1198, %dma_start3A_1199, %dma_start3A_1200] : memref<2x16x1x2048xf32, #tpu.memory_space<vmem>> -> memref<1x1x1x2048xf32, #tpu.memory_space<vmem>>
      %dma_start3A_1202 = tpu.memref_squeeze %dma_start3A_1201 : memref<1x1x1x2048xf32, #tpu.memory_space<vmem>> -> memref<1x2048xf32, #tpu.memory_space<vmem>>
      %dma_start3A_1203 = arith.constant 0 : i32
      %dma_start3A_1204 = tpu.memref_slice %arg20[%dma_start3A, %dma_start3A_1203] : memref<17x128xi32, #tpu.memory_space<vmem>> -> memref<1x1xi32, #tpu.memory_space<vmem>>
      %dma_start3A_1205 = tpu.memref_squeeze %dma_start3A_1204 : memref<1x1xi32, #tpu.memory_space<vmem>> -> memref<1xi32, #tpu.memory_space<vmem>>
      %dma_start3A_1206 = arith.constant 0 : i32
      %dma_start3A_1207 = arith.constant 0 : i32
      %dma_start3A_1208 = tpu.memref_slice %arg17[%dma_start3A_1206, %dma_start3A_1207] : memref<1000x2048xf32, #tpu.memory_space<hbm>> -> memref<1000x2048xf32, #tpu.memory_space<hbm>>
      tpu.enqueue_indirect_dma source(%dma_start3A_1208 : memref<1000x2048xf32, #tpu.memory_space<hbm>>) target(%dma_start3A_1202 : memref<1x2048xf32, #tpu.memory_space<vmem>>) offsets(%dma_start3A_1205 : memref<1xi32, #tpu.memory_space<vmem>>) semaphore(%arg26 : memref<!tpu.dma_semaphore, #tpu.memory_space<semaphore_mem>>)
    } else {
    }
    %shift_right_arithmetic3A_879 = arith.constant 15 : i32
    %shift_right_arithmetic3A_880 = arith.shrsi %get3A_748, %shift_right_arithmetic3A_879 : i32
    %and3A_881 = arith.constant 1 : i32
    %and3A_882 = arith.andi %shift_right_arithmetic3A_880, %and3A_881 : i32
    %ne3A_883 = arith.constant 0 : i32
    %ne3A_884 = arith.cmpi ne, %and3A_882, %ne3A_883 : i32
    %convert_element_type3A_885 = arith.extui %ne3A_884 : i1 to i32
    %cond3A_886 = arith.constant 0 : i32
    %cond3A_887 = arith.cmpi ne, %convert_element_type3A_885, %cond3A_886 : i32
    scf.if %cond3A_887 {
      %get3A_1191 = arith.constant 15 : i32
      %get3A_1192 = arith.index_cast %get3A_1191 : i32 to index
      %get3A_1193 = memref.load %arg23[%get3A_1192] : memref<16xi32, #tpu.memory_space<smem>>
      %sub3A = arith.constant 1 : i32
      %sub3A_1194 = arith.subi %sub3A, %get3A_1193 : i32
      %swap3A_1195 = arith.constant 15 : i32
      %swap3A_1196 = arith.index_cast %swap3A_1195 : i32 to index
      %swap3A_1197 = memref.load %arg23[%swap3A_1196] : memref<16xi32, #tpu.memory_space<smem>>
      memref.store %sub3A_1194, %arg23[%swap3A_1196] : memref<16xi32, #tpu.memory_space<smem>>
      %dma_start3A = arith.constant 15 : i32
      %dma_start3A_1198 = arith.constant 15 : i32
      %dma_start3A_1199 = arith.constant 0 : i32
      %dma_start3A_1200 = arith.constant 0 : i32
      %dma_start3A_1201 = tpu.memref_slice %arg21[%sub3A_1194, %dma_start3A_1198, %dma_start3A_1199, %dma_start3A_1200] : memref<2x16x1x2048xf32, #tpu.memory_space<vmem>> -> memref<1x1x1x2048xf32, #tpu.memory_space<vmem>>
      %dma_start3A_1202 = tpu.memref_squeeze %dma_start3A_1201 : memref<1x1x1x2048xf32, #tpu.memory_space<vmem>> -> memref<1x2048xf32, #tpu.memory_space<vmem>>
      %dma_start3A_1203 = arith.constant 0 : i32
      %dma_start3A_1204 = tpu.memref_slice %arg20[%dma_start3A, %dma_start3A_1203] : memref<17x128xi32, #tpu.memory_space<vmem>> -> memref<1x1xi32, #tpu.memory_space<vmem>>
      %dma_start3A_1205 = tpu.memref_squeeze %dma_start3A_1204 : memref<1x1xi32, #tpu.memory_space<vmem>> -> memref<1xi32, #tpu.memory_space<vmem>>
      %dma_start3A_1206 = arith.constant 0 : i32
      %dma_start3A_1207 = arith.constant 0 : i32
      %dma_start3A_1208 = tpu.memref_slice %arg18[%dma_start3A_1206, %dma_start3A_1207] : memref<1000x2048xf32, #tpu.memory_space<hbm>> -> memref<1000x2048xf32, #tpu.memory_space<hbm>>
      tpu.enqueue_indirect_dma source(%dma_start3A_1208 : memref<1000x2048xf32, #tpu.memory_space<hbm>>) target(%dma_start3A_1202 : memref<1x2048xf32, #tpu.memory_space<vmem>>) offsets(%dma_start3A_1205 : memref<1xi32, #tpu.memory_space<vmem>>) semaphore(%arg26 : memref<!tpu.dma_semaphore, #tpu.memory_space<semaphore_mem>>)
    } else {
    }
    %scan3A_888 = arith.constant 0 : i32
    %scan3A_889 = arith.constant 0 : i32
    %scan3A_890 = arith.constant 127 : i32
    %scan3A_891 = arith.addi %scan3A_889, %scan3A_890 : i32
    %scan3A_892 = arith.constant 1 : i32
    scf.for %scan3A_1191 = %scan3A_889 to %scan3A_891 step %scan3A_892  : i32 {
      %get3A_1192 = arith.constant 0 : i32
      %get3A_1193 = arith.index_cast %get3A_1192 : i32 to index
      %get3A_1194 = memref.load %arg23[%get3A_1193] : memref<16xi32, #tpu.memory_space<smem>>
      %swap3A_1195 = arith.constant 0 : i32
      %swap3A_1196 = arith.index_cast %swap3A_1195 : i32 to index
      %swap3A_1197 = memref.load %arg24[%swap3A_1196] : memref<16xi32, #tpu.memory_space<smem>>
      memref.store %get3A_1194, %arg24[%swap3A_1196] : memref<16xi32, #tpu.memory_space<smem>>
      %get3A_1198 = arith.constant 1 : i32
      %get3A_1199 = arith.index_cast %get3A_1198 : i32 to index
      %get3A_1200 = memref.load %arg23[%get3A_1199] : memref<16xi32, #tpu.memory_space<smem>>
      %swap3A_1201 = arith.constant 1 : i32
      %swap3A_1202 = arith.index_cast %swap3A_1201 : i32 to index
      %swap3A_1203 = memref.load %arg24[%swap3A_1202] : memref<16xi32, #tpu.memory_space<smem>>
      memref.store %get3A_1200, %arg24[%swap3A_1202] : memref<16xi32, #tpu.memory_space<smem>>
      %get3A_1204 = arith.constant 2 : i32
      %get3A_1205 = arith.index_cast %get3A_1204 : i32 to index
      %get3A_1206 = memref.load %arg23[%get3A_1205] : memref<16xi32, #tpu.memory_space<smem>>
      %swap3A_1207 = arith.constant 2 : i32
      %swap3A_1208 = arith.index_cast %swap3A_1207 : i32 to index
      %swap3A_1209 = memref.load %arg24[%swap3A_1208] : memref<16xi32, #tpu.memory_space<smem>>
      memref.store %get3A_1206, %arg24[%swap3A_1208] : memref<16xi32, #tpu.memory_space<smem>>
      %get3A_1210 = arith.constant 3 : i32
      %get3A_1211 = arith.index_cast %get3A_1210 : i32 to index
      %get3A_1212 = memref.load %arg23[%get3A_1211] : memref<16xi32, #tpu.memory_space<smem>>
      %swap3A_1213 = arith.constant 3 : i32
      %swap3A_1214 = arith.index_cast %swap3A_1213 : i32 to index
      %swap3A_1215 = memref.load %arg24[%swap3A_1214] : memref<16xi32, #tpu.memory_space<smem>>
      memref.store %get3A_1212, %arg24[%swap3A_1214] : memref<16xi32, #tpu.memory_space<smem>>
      %get3A_1216 = arith.constant 4 : i32
      %get3A_1217 = arith.index_cast %get3A_1216 : i32 to index
      %get3A_1218 = memref.load %arg23[%get3A_1217] : memref<16xi32, #tpu.memory_space<smem>>
      %swap3A_1219 = arith.constant 4 : i32
      %swap3A_1220 = arith.index_cast %swap3A_1219 : i32 to index
      %swap3A_1221 = memref.load %arg24[%swap3A_1220] : memref<16xi32, #tpu.memory_space<smem>>
      memref.store %get3A_1218, %arg24[%swap3A_1220] : memref<16xi32, #tpu.memory_space<smem>>
      %get3A_1222 = arith.constant 5 : i32
      %get3A_1223 = arith.index_cast %get3A_1222 : i32 to index
      %get3A_1224 = memref.load %arg23[%get3A_1223] : memref<16xi32, #tpu.memory_space<smem>>
      %swap3A_1225 = arith.constant 5 : i32
      %swap3A_1226 = arith.index_cast %swap3A_1225 : i32 to index
      %swap3A_1227 = memref.load %arg24[%swap3A_1226] : memref<16xi32, #tpu.memory_space<smem>>
      memref.store %get3A_1224, %arg24[%swap3A_1226] : memref<16xi32, #tpu.memory_space<smem>>
      %get3A_1228 = arith.constant 6 : i32
      %get3A_1229 = arith.index_cast %get3A_1228 : i32 to index
      %get3A_1230 = memref.load %arg23[%get3A_1229] : memref<16xi32, #tpu.memory_space<smem>>
      %swap3A_1231 = arith.constant 6 : i32
      %swap3A_1232 = arith.index_cast %swap3A_1231 : i32 to index
      %swap3A_1233 = memref.load %arg24[%swap3A_1232] : memref<16xi32, #tpu.memory_space<smem>>
      memref.store %get3A_1230, %arg24[%swap3A_1232] : memref<16xi32, #tpu.memory_space<smem>>
      %get3A_1234 = arith.constant 7 : i32
      %get3A_1235 = arith.index_cast %get3A_1234 : i32 to index
      %get3A_1236 = memref.load %arg23[%get3A_1235] : memref<16xi32, #tpu.memory_space<smem>>
      %swap3A_1237 = arith.constant 7 : i32
      %swap3A_1238 = arith.index_cast %swap3A_1237 : i32 to index
      %swap3A_1239 = memref.load %arg24[%swap3A_1238] : memref<16xi32, #tpu.memory_space<smem>>
      memref.store %get3A_1236, %arg24[%swap3A_1238] : memref<16xi32, #tpu.memory_space<smem>>
      %get3A_1240 = arith.constant 8 : i32
      %get3A_1241 = arith.index_cast %get3A_1240 : i32 to index
      %get3A_1242 = memref.load %arg23[%get3A_1241] : memref<16xi32, #tpu.memory_space<smem>>
      %swap3A_1243 = arith.constant 8 : i32
      %swap3A_1244 = arith.index_cast %swap3A_1243 : i32 to index
      %swap3A_1245 = memref.load %arg24[%swap3A_1244] : memref<16xi32, #tpu.memory_space<smem>>
      memref.store %get3A_1242, %arg24[%swap3A_1244] : memref<16xi32, #tpu.memory_space<smem>>
      %get3A_1246 = arith.constant 9 : i32
      %get3A_1247 = arith.index_cast %get3A_1246 : i32 to index
      %get3A_1248 = memref.load %arg23[%get3A_1247] : memref<16xi32, #tpu.memory_space<smem>>
      %swap3A_1249 = arith.constant 9 : i32
      %swap3A_1250 = arith.index_cast %swap3A_1249 : i32 to index
      %swap3A_1251 = memref.load %arg24[%swap3A_1250] : memref<16xi32, #tpu.memory_space<smem>>
      memref.store %get3A_1248, %arg24[%swap3A_1250] : memref<16xi32, #tpu.memory_space<smem>>
      %get3A_1252 = arith.constant 10 : i32
      %get3A_1253 = arith.index_cast %get3A_1252 : i32 to index
      %get3A_1254 = memref.load %arg23[%get3A_1253] : memref<16xi32, #tpu.memory_space<smem>>
      %swap3A_1255 = arith.constant 10 : i32
      %swap3A_1256 = arith.index_cast %swap3A_1255 : i32 to index
      %swap3A_1257 = memref.load %arg24[%swap3A_1256] : memref<16xi32, #tpu.memory_space<smem>>
      memref.store %get3A_1254, %arg24[%swap3A_1256] : memref<16xi32, #tpu.memory_space<smem>>
      %get3A_1258 = arith.constant 11 : i32
      %get3A_1259 = arith.index_cast %get3A_1258 : i32 to index
      %get3A_1260 = memref.load %arg23[%get3A_1259] : memref<16xi32, #tpu.memory_space<smem>>
      %swap3A_1261 = arith.constant 11 : i32
      %swap3A_1262 = arith.index_cast %swap3A_1261 : i32 to index
      %swap3A_1263 = memref.load %arg24[%swap3A_1262] : memref<16xi32, #tpu.memory_space<smem>>
      memref.store %get3A_1260, %arg24[%swap3A_1262] : memref<16xi32, #tpu.memory_space<smem>>
      %get3A_1264 = arith.constant 12 : i32
      %get3A_1265 = arith.index_cast %get3A_1264 : i32 to index
      %get3A_1266 = memref.load %arg23[%get3A_1265] : memref<16xi32, #tpu.memory_space<smem>>
      %swap3A_1267 = arith.constant 12 : i32
      %swap3A_1268 = arith.index_cast %swap3A_1267 : i32 to index
      %swap3A_1269 = memref.load %arg24[%swap3A_1268] : memref<16xi32, #tpu.memory_space<smem>>
      memref.store %get3A_1266, %arg24[%swap3A_1268] : memref<16xi32, #tpu.memory_space<smem>>
      %get3A_1270 = arith.constant 13 : i32
      %get3A_1271 = arith.index_cast %get3A_1270 : i32 to index
      %get3A_1272 = memref.load %arg23[%get3A_1271] : memref<16xi32, #tpu.memory_space<smem>>
      %swap3A_1273 = arith.constant 13 : i32
      %swap3A_1274 = arith.index_cast %swap3A_1273 : i32 to index
      %swap3A_1275 = memref.load %arg24[%swap3A_1274] : memref<16xi32, #tpu.memory_space<smem>>
      memref.store %get3A_1272, %arg24[%swap3A_1274] : memref<16xi32, #tpu.memory_space<smem>>
      %get3A_1276 = arith.constant 14 : i32
      %get3A_1277 = arith.index_cast %get3A_1276 : i32 to index
      %get3A_1278 = memref.load %arg23[%get3A_1277] : memref<16xi32, #tpu.memory_space<smem>>
      %swap3A_1279 = arith.constant 14 : i32
      %swap3A_1280 = arith.index_cast %swap3A_1279 : i32 to index
      %swap3A_1281 = memref.load %arg24[%swap3A_1280] : memref<16xi32, #tpu.memory_space<smem>>
      memref.store %get3A_1278, %arg24[%swap3A_1280] : memref<16xi32, #tpu.memory_space<smem>>
      %get3A_1282 = arith.constant 15 : i32
      %get3A_1283 = arith.index_cast %get3A_1282 : i32 to index
      %get3A_1284 = memref.load %arg23[%get3A_1283] : memref<16xi32, #tpu.memory_space<smem>>
      %swap3A_1285 = arith.constant 15 : i32
      %swap3A_1286 = arith.index_cast %swap3A_1285 : i32 to index
      %swap3A_1287 = memref.load %arg24[%swap3A_1286] : memref<16xi32, #tpu.memory_space<smem>>
      memref.store %get3A_1284, %arg24[%swap3A_1286] : memref<16xi32, #tpu.memory_space<smem>>
      %add3A_1288 = arith.constant 1 : i32
      %add3A_1289 = arith.addi %scan3A_1191, %add3A_1288 : i32
      %get3A_1290 = arith.index_cast %add3A_1289 : i32 to index
      %get3A_1291 = memref.load %arg25[%get3A_1290] : memref<128xi32, #tpu.memory_space<smem>>
      %shift_right_arithmetic3A_1292 = arith.constant 0 : i32
      %shift_right_arithmetic3A_1293 = arith.shrsi %get3A_1291, %shift_right_arithmetic3A_1292 : i32
      %and3A_1294 = arith.constant 1 : i32
      %and3A_1295 = arith.andi %shift_right_arithmetic3A_1293, %and3A_1294 : i32
      %ne3A_1296 = arith.constant 0 : i32
      %ne3A_1297 = arith.cmpi ne, %and3A_1295, %ne3A_1296 : i32
      %convert_element_type3A_1298 = arith.extui %ne3A_1297 : i1 to i32
      %cond3A_1299 = arith.constant 0 : i32
      %cond3A_1300 = arith.cmpi ne, %convert_element_type3A_1298, %cond3A_1299 : i32
      scf.if %cond3A_1300 {
        %get3A_1636 = arith.constant 0 : i32
        %get3A_1637 = arith.index_cast %get3A_1636 : i32 to index
        %get3A_1638 = memref.load %arg23[%get3A_1637] : memref<16xi32, #tpu.memory_space<smem>>
        %sub3A = arith.constant 1 : i32
        %sub3A_1639 = arith.subi %sub3A, %get3A_1638 : i32
        %swap3A_1640 = arith.constant 0 : i32
        %swap3A_1641 = arith.index_cast %swap3A_1640 : i32 to index
        %swap3A_1642 = memref.load %arg23[%swap3A_1641] : memref<16xi32, #tpu.memory_space<smem>>
        memref.store %sub3A_1639, %arg23[%swap3A_1641] : memref<16xi32, #tpu.memory_space<smem>>
        %dma_start3A = arith.constant 0 : i32
        %dma_start3A_1643 = arith.constant 0 : i32
        %dma_start3A_1644 = arith.constant 0 : i32
        %dma_start3A_1645 = arith.constant 0 : i32
        %dma_start3A_1646 = tpu.memref_slice %arg21[%sub3A_1639, %dma_start3A_1643, %dma_start3A_1644, %dma_start3A_1645] : memref<2x16x1x2048xf32, #tpu.memory_space<vmem>> -> memref<1x1x1x2048xf32, #tpu.memory_space<vmem>>
        %dma_start3A_1647 = tpu.memref_squeeze %dma_start3A_1646 : memref<1x1x1x2048xf32, #tpu.memory_space<vmem>> -> memref<1x2048xf32, #tpu.memory_space<vmem>>
        %dma_start3A_1648 = tpu.memref_slice %arg20[%dma_start3A, %add3A_1289] : memref<17x128xi32, #tpu.memory_space<vmem>> -> memref<1x1xi32, #tpu.memory_space<vmem>>
        %dma_start3A_1649 = tpu.memref_squeeze %dma_start3A_1648 : memref<1x1xi32, #tpu.memory_space<vmem>> -> memref<1xi32, #tpu.memory_space<vmem>>
        %dma_start3A_1650 = arith.constant 0 : i32
        %dma_start3A_1651 = arith.constant 0 : i32
        %dma_start3A_1652 = tpu.memref_slice %arg3[%dma_start3A_1650, %dma_start3A_1651] : memref<4096x2048xf32, #tpu.memory_space<hbm>> -> memref<4096x2048xf32, #tpu.memory_space<hbm>>
        tpu.enqueue_indirect_dma source(%dma_start3A_1652 : memref<4096x2048xf32, #tpu.memory_space<hbm>>) target(%dma_start3A_1647 : memref<1x2048xf32, #tpu.memory_space<vmem>>) offsets(%dma_start3A_1649 : memref<1xi32, #tpu.memory_space<vmem>>) semaphore(%arg26 : memref<!tpu.dma_semaphore, #tpu.memory_space<semaphore_mem>>)
      } else {
      }
      %shift_right_arithmetic3A_1301 = arith.constant 1 : i32
      %shift_right_arithmetic3A_1302 = arith.shrsi %get3A_1291, %shift_right_arithmetic3A_1301 : i32
      %and3A_1303 = arith.constant 1 : i32
      %and3A_1304 = arith.andi %shift_right_arithmetic3A_1302, %and3A_1303 : i32
      %ne3A_1305 = arith.constant 0 : i32
      %ne3A_1306 = arith.cmpi ne, %and3A_1304, %ne3A_1305 : i32
      %convert_element_type3A_1307 = arith.extui %ne3A_1306 : i1 to i32
      %cond3A_1308 = arith.constant 0 : i32
      %cond3A_1309 = arith.cmpi ne, %convert_element_type3A_1307, %cond3A_1308 : i32
      scf.if %cond3A_1309 {
        %get3A_1636 = arith.constant 1 : i32
        %get3A_1637 = arith.index_cast %get3A_1636 : i32 to index
        %get3A_1638 = memref.load %arg23[%get3A_1637] : memref<16xi32, #tpu.memory_space<smem>>
        %sub3A = arith.constant 1 : i32
        %sub3A_1639 = arith.subi %sub3A, %get3A_1638 : i32
        %swap3A_1640 = arith.constant 1 : i32
        %swap3A_1641 = arith.index_cast %swap3A_1640 : i32 to index
        %swap3A_1642 = memref.load %arg23[%swap3A_1641] : memref<16xi32, #tpu.memory_space<smem>>
        memref.store %sub3A_1639, %arg23[%swap3A_1641] : memref<16xi32, #tpu.memory_space<smem>>
        %dma_start3A = arith.constant 1 : i32
        %dma_start3A_1643 = arith.constant 1 : i32
        %dma_start3A_1644 = arith.constant 0 : i32
        %dma_start3A_1645 = arith.constant 0 : i32
        %dma_start3A_1646 = tpu.memref_slice %arg21[%sub3A_1639, %dma_start3A_1643, %dma_start3A_1644, %dma_start3A_1645] : memref<2x16x1x2048xf32, #tpu.memory_space<vmem>> -> memref<1x1x1x2048xf32, #tpu.memory_space<vmem>>
        %dma_start3A_1647 = tpu.memref_squeeze %dma_start3A_1646 : memref<1x1x1x2048xf32, #tpu.memory_space<vmem>> -> memref<1x2048xf32, #tpu.memory_space<vmem>>
        %dma_start3A_1648 = tpu.memref_slice %arg20[%dma_start3A, %add3A_1289] : memref<17x128xi32, #tpu.memory_space<vmem>> -> memref<1x1xi32, #tpu.memory_space<vmem>>
        %dma_start3A_1649 = tpu.memref_squeeze %dma_start3A_1648 : memref<1x1xi32, #tpu.memory_space<vmem>> -> memref<1xi32, #tpu.memory_space<vmem>>
        %dma_start3A_1650 = arith.constant 0 : i32
        %dma_start3A_1651 = arith.constant 0 : i32
        %dma_start3A_1652 = tpu.memref_slice %arg4[%dma_start3A_1650, %dma_start3A_1651] : memref<1000x2048xf32, #tpu.memory_space<hbm>> -> memref<1000x2048xf32, #tpu.memory_space<hbm>>
        tpu.enqueue_indirect_dma source(%dma_start3A_1652 : memref<1000x2048xf32, #tpu.memory_space<hbm>>) target(%dma_start3A_1647 : memref<1x2048xf32, #tpu.memory_space<vmem>>) offsets(%dma_start3A_1649 : memref<1xi32, #tpu.memory_space<vmem>>) semaphore(%arg26 : memref<!tpu.dma_semaphore, #tpu.memory_space<semaphore_mem>>)
      } else {
      }
      %shift_right_arithmetic3A_1310 = arith.constant 2 : i32
      %shift_right_arithmetic3A_1311 = arith.shrsi %get3A_1291, %shift_right_arithmetic3A_1310 : i32
      %and3A_1312 = arith.constant 1 : i32
      %and3A_1313 = arith.andi %shift_right_arithmetic3A_1311, %and3A_1312 : i32
      %ne3A_1314 = arith.constant 0 : i32
      %ne3A_1315 = arith.cmpi ne, %and3A_1313, %ne3A_1314 : i32
      %convert_element_type3A_1316 = arith.extui %ne3A_1315 : i1 to i32
      %cond3A_1317 = arith.constant 0 : i32
      %cond3A_1318 = arith.cmpi ne, %convert_element_type3A_1316, %cond3A_1317 : i32
      scf.if %cond3A_1318 {
        %get3A_1636 = arith.constant 2 : i32
        %get3A_1637 = arith.index_cast %get3A_1636 : i32 to index
        %get3A_1638 = memref.load %arg23[%get3A_1637] : memref<16xi32, #tpu.memory_space<smem>>
        %sub3A = arith.constant 1 : i32
        %sub3A_1639 = arith.subi %sub3A, %get3A_1638 : i32
        %swap3A_1640 = arith.constant 2 : i32
        %swap3A_1641 = arith.index_cast %swap3A_1640 : i32 to index
        %swap3A_1642 = memref.load %arg23[%swap3A_1641] : memref<16xi32, #tpu.memory_space<smem>>
        memref.store %sub3A_1639, %arg23[%swap3A_1641] : memref<16xi32, #tpu.memory_space<smem>>
        %dma_start3A = arith.constant 2 : i32
        %dma_start3A_1643 = arith.constant 2 : i32
        %dma_start3A_1644 = arith.constant 0 : i32
        %dma_start3A_1645 = arith.constant 0 : i32
        %dma_start3A_1646 = tpu.memref_slice %arg21[%sub3A_1639, %dma_start3A_1643, %dma_start3A_1644, %dma_start3A_1645] : memref<2x16x1x2048xf32, #tpu.memory_space<vmem>> -> memref<1x1x1x2048xf32, #tpu.memory_space<vmem>>
        %dma_start3A_1647 = tpu.memref_squeeze %dma_start3A_1646 : memref<1x1x1x2048xf32, #tpu.memory_space<vmem>> -> memref<1x2048xf32, #tpu.memory_space<vmem>>
        %dma_start3A_1648 = tpu.memref_slice %arg20[%dma_start3A, %add3A_1289] : memref<17x128xi32, #tpu.memory_space<vmem>> -> memref<1x1xi32, #tpu.memory_space<vmem>>
        %dma_start3A_1649 = tpu.memref_squeeze %dma_start3A_1648 : memref<1x1xi32, #tpu.memory_space<vmem>> -> memref<1xi32, #tpu.memory_space<vmem>>
        %dma_start3A_1650 = arith.constant 0 : i32
        %dma_start3A_1651 = arith.constant 0 : i32
        %dma_start3A_1652 = tpu.memref_slice %arg5[%dma_start3A_1650, %dma_start3A_1651] : memref<1000x2048xf32, #tpu.memory_space<hbm>> -> memref<1000x2048xf32, #tpu.memory_space<hbm>>
        tpu.enqueue_indirect_dma source(%dma_start3A_1652 : memref<1000x2048xf32, #tpu.memory_space<hbm>>) target(%dma_start3A_1647 : memref<1x2048xf32, #tpu.memory_space<vmem>>) offsets(%dma_start3A_1649 : memref<1xi32, #tpu.memory_space<vmem>>) semaphore(%arg26 : memref<!tpu.dma_semaphore, #tpu.memory_space<semaphore_mem>>)
      } else {
      }
      %shift_right_arithmetic3A_1319 = arith.constant 3 : i32
      %shift_right_arithmetic3A_1320 = arith.shrsi %get3A_1291, %shift_right_arithmetic3A_1319 : i32
      %and3A_1321 = arith.constant 1 : i32
      %and3A_1322 = arith.andi %shift_right_arithmetic3A_1320, %and3A_1321 : i32
      %ne3A_1323 = arith.constant 0 : i32
      %ne3A_1324 = arith.cmpi ne, %and3A_1322, %ne3A_1323 : i32
      %convert_element_type3A_1325 = arith.extui %ne3A_1324 : i1 to i32
      %cond3A_1326 = arith.constant 0 : i32
      %cond3A_1327 = arith.cmpi ne, %convert_element_type3A_1325, %cond3A_1326 : i32
      scf.if %cond3A_1327 {
        %get3A_1636 = arith.constant 3 : i32
        %get3A_1637 = arith.index_cast %get3A_1636 : i32 to index
        %get3A_1638 = memref.load %arg23[%get3A_1637] : memref<16xi32, #tpu.memory_space<smem>>
        %sub3A = arith.constant 1 : i32
        %sub3A_1639 = arith.subi %sub3A, %get3A_1638 : i32
        %swap3A_1640 = arith.constant 3 : i32
        %swap3A_1641 = arith.index_cast %swap3A_1640 : i32 to index
        %swap3A_1642 = memref.load %arg23[%swap3A_1641] : memref<16xi32, #tpu.memory_space<smem>>
        memref.store %sub3A_1639, %arg23[%swap3A_1641] : memref<16xi32, #tpu.memory_space<smem>>
        %dma_start3A = arith.constant 3 : i32
        %dma_start3A_1643 = arith.constant 3 : i32
        %dma_start3A_1644 = arith.constant 0 : i32
        %dma_start3A_1645 = arith.constant 0 : i32
        %dma_start3A_1646 = tpu.memref_slice %arg21[%sub3A_1639, %dma_start3A_1643, %dma_start3A_1644, %dma_start3A_1645] : memref<2x16x1x2048xf32, #tpu.memory_space<vmem>> -> memref<1x1x1x2048xf32, #tpu.memory_space<vmem>>
        %dma_start3A_1647 = tpu.memref_squeeze %dma_start3A_1646 : memref<1x1x1x2048xf32, #tpu.memory_space<vmem>> -> memref<1x2048xf32, #tpu.memory_space<vmem>>
        %dma_start3A_1648 = tpu.memref_slice %arg20[%dma_start3A, %add3A_1289] : memref<17x128xi32, #tpu.memory_space<vmem>> -> memref<1x1xi32, #tpu.memory_space<vmem>>
        %dma_start3A_1649 = tpu.memref_squeeze %dma_start3A_1648 : memref<1x1xi32, #tpu.memory_space<vmem>> -> memref<1xi32, #tpu.memory_space<vmem>>
        %dma_start3A_1650 = arith.constant 0 : i32
        %dma_start3A_1651 = arith.constant 0 : i32
        %dma_start3A_1652 = tpu.memref_slice %arg6[%dma_start3A_1650, %dma_start3A_1651] : memref<1000x2048xf32, #tpu.memory_space<hbm>> -> memref<1000x2048xf32, #tpu.memory_space<hbm>>
        tpu.enqueue_indirect_dma source(%dma_start3A_1652 : memref<1000x2048xf32, #tpu.memory_space<hbm>>) target(%dma_start3A_1647 : memref<1x2048xf32, #tpu.memory_space<vmem>>) offsets(%dma_start3A_1649 : memref<1xi32, #tpu.memory_space<vmem>>) semaphore(%arg26 : memref<!tpu.dma_semaphore, #tpu.memory_space<semaphore_mem>>)
      } else {
      }
      %shift_right_arithmetic3A_1328 = arith.constant 4 : i32
      %shift_right_arithmetic3A_1329 = arith.shrsi %get3A_1291, %shift_right_arithmetic3A_1328 : i32
      %and3A_1330 = arith.constant 1 : i32
      %and3A_1331 = arith.andi %shift_right_arithmetic3A_1329, %and3A_1330 : i32
      %ne3A_1332 = arith.constant 0 : i32
      %ne3A_1333 = arith.cmpi ne, %and3A_1331, %ne3A_1332 : i32
      %convert_element_type3A_1334 = arith.extui %ne3A_1333 : i1 to i32
      %cond3A_1335 = arith.constant 0 : i32
      %cond3A_1336 = arith.cmpi ne, %convert_element_type3A_1334, %cond3A_1335 : i32
      scf.if %cond3A_1336 {
        %get3A_1636 = arith.constant 4 : i32
        %get3A_1637 = arith.index_cast %get3A_1636 : i32 to index
        %get3A_1638 = memref.load %arg23[%get3A_1637] : memref<16xi32, #tpu.memory_space<smem>>
        %sub3A = arith.constant 1 : i32
        %sub3A_1639 = arith.subi %sub3A, %get3A_1638 : i32
        %swap3A_1640 = arith.constant 4 : i32
        %swap3A_1641 = arith.index_cast %swap3A_1640 : i32 to index
        %swap3A_1642 = memref.load %arg23[%swap3A_1641] : memref<16xi32, #tpu.memory_space<smem>>
        memref.store %sub3A_1639, %arg23[%swap3A_1641] : memref<16xi32, #tpu.memory_space<smem>>
        %dma_start3A = arith.constant 4 : i32
        %dma_start3A_1643 = arith.constant 4 : i32
        %dma_start3A_1644 = arith.constant 0 : i32
        %dma_start3A_1645 = arith.constant 0 : i32
        %dma_start3A_1646 = tpu.memref_slice %arg21[%sub3A_1639, %dma_start3A_1643, %dma_start3A_1644, %dma_start3A_1645] : memref<2x16x1x2048xf32, #tpu.memory_space<vmem>> -> memref<1x1x1x2048xf32, #tpu.memory_space<vmem>>
        %dma_start3A_1647 = tpu.memref_squeeze %dma_start3A_1646 : memref<1x1x1x2048xf32, #tpu.memory_space<vmem>> -> memref<1x2048xf32, #tpu.memory_space<vmem>>
        %dma_start3A_1648 = tpu.memref_slice %arg20[%dma_start3A, %add3A_1289] : memref<17x128xi32, #tpu.memory_space<vmem>> -> memref<1x1xi32, #tpu.memory_space<vmem>>
        %dma_start3A_1649 = tpu.memref_squeeze %dma_start3A_1648 : memref<1x1xi32, #tpu.memory_space<vmem>> -> memref<1xi32, #tpu.memory_space<vmem>>
        %dma_start3A_1650 = arith.constant 0 : i32
        %dma_start3A_1651 = arith.constant 0 : i32
        %dma_start3A_1652 = tpu.memref_slice %arg7[%dma_start3A_1650, %dma_start3A_1651] : memref<1000x2048xf32, #tpu.memory_space<hbm>> -> memref<1000x2048xf32, #tpu.memory_space<hbm>>
        tpu.enqueue_indirect_dma source(%dma_start3A_1652 : memref<1000x2048xf32, #tpu.memory_space<hbm>>) target(%dma_start3A_1647 : memref<1x2048xf32, #tpu.memory_space<vmem>>) offsets(%dma_start3A_1649 : memref<1xi32, #tpu.memory_space<vmem>>) semaphore(%arg26 : memref<!tpu.dma_semaphore, #tpu.memory_space<semaphore_mem>>)
      } else {
      }
      %shift_right_arithmetic3A_1337 = arith.constant 5 : i32
      %shift_right_arithmetic3A_1338 = arith.shrsi %get3A_1291, %shift_right_arithmetic3A_1337 : i32
      %and3A_1339 = arith.constant 1 : i32
      %and3A_1340 = arith.andi %shift_right_arithmetic3A_1338, %and3A_1339 : i32
      %ne3A_1341 = arith.constant 0 : i32
      %ne3A_1342 = arith.cmpi ne, %and3A_1340, %ne3A_1341 : i32
      %convert_element_type3A_1343 = arith.extui %ne3A_1342 : i1 to i32
      %cond3A_1344 = arith.constant 0 : i32
      %cond3A_1345 = arith.cmpi ne, %convert_element_type3A_1343, %cond3A_1344 : i32
      scf.if %cond3A_1345 {
        %get3A_1636 = arith.constant 5 : i32
        %get3A_1637 = arith.index_cast %get3A_1636 : i32 to index
        %get3A_1638 = memref.load %arg23[%get3A_1637] : memref<16xi32, #tpu.memory_space<smem>>
        %sub3A = arith.constant 1 : i32
        %sub3A_1639 = arith.subi %sub3A, %get3A_1638 : i32
        %swap3A_1640 = arith.constant 5 : i32
        %swap3A_1641 = arith.index_cast %swap3A_1640 : i32 to index
        %swap3A_1642 = memref.load %arg23[%swap3A_1641] : memref<16xi32, #tpu.memory_space<smem>>
        memref.store %sub3A_1639, %arg23[%swap3A_1641] : memref<16xi32, #tpu.memory_space<smem>>
        %dma_start3A = arith.constant 5 : i32
        %dma_start3A_1643 = arith.constant 5 : i32
        %dma_start3A_1644 = arith.constant 0 : i32
        %dma_start3A_1645 = arith.constant 0 : i32
        %dma_start3A_1646 = tpu.memref_slice %arg21[%sub3A_1639, %dma_start3A_1643, %dma_start3A_1644, %dma_start3A_1645] : memref<2x16x1x2048xf32, #tpu.memory_space<vmem>> -> memref<1x1x1x2048xf32, #tpu.memory_space<vmem>>
        %dma_start3A_1647 = tpu.memref_squeeze %dma_start3A_1646 : memref<1x1x1x2048xf32, #tpu.memory_space<vmem>> -> memref<1x2048xf32, #tpu.memory_space<vmem>>
        %dma_start3A_1648 = tpu.memref_slice %arg20[%dma_start3A, %add3A_1289] : memref<17x128xi32, #tpu.memory_space<vmem>> -> memref<1x1xi32, #tpu.memory_space<vmem>>
        %dma_start3A_1649 = tpu.memref_squeeze %dma_start3A_1648 : memref<1x1xi32, #tpu.memory_space<vmem>> -> memref<1xi32, #tpu.memory_space<vmem>>
        %dma_start3A_1650 = arith.constant 0 : i32
        %dma_start3A_1651 = arith.constant 0 : i32
        %dma_start3A_1652 = tpu.memref_slice %arg8[%dma_start3A_1650, %dma_start3A_1651] : memref<1000x2048xf32, #tpu.memory_space<hbm>> -> memref<1000x2048xf32, #tpu.memory_space<hbm>>
        tpu.enqueue_indirect_dma source(%dma_start3A_1652 : memref<1000x2048xf32, #tpu.memory_space<hbm>>) target(%dma_start3A_1647 : memref<1x2048xf32, #tpu.memory_space<vmem>>) offsets(%dma_start3A_1649 : memref<1xi32, #tpu.memory_space<vmem>>) semaphore(%arg26 : memref<!tpu.dma_semaphore, #tpu.memory_space<semaphore_mem>>)
      } else {
      }
      %shift_right_arithmetic3A_1346 = arith.constant 6 : i32
      %shift_right_arithmetic3A_1347 = arith.shrsi %get3A_1291, %shift_right_arithmetic3A_1346 : i32
      %and3A_1348 = arith.constant 1 : i32
      %and3A_1349 = arith.andi %shift_right_arithmetic3A_1347, %and3A_1348 : i32
      %ne3A_1350 = arith.constant 0 : i32
      %ne3A_1351 = arith.cmpi ne, %and3A_1349, %ne3A_1350 : i32
      %convert_element_type3A_1352 = arith.extui %ne3A_1351 : i1 to i32
      %cond3A_1353 = arith.constant 0 : i32
      %cond3A_1354 = arith.cmpi ne, %convert_element_type3A_1352, %cond3A_1353 : i32
      scf.if %cond3A_1354 {
        %get3A_1636 = arith.constant 6 : i32
        %get3A_1637 = arith.index_cast %get3A_1636 : i32 to index
        %get3A_1638 = memref.load %arg23[%get3A_1637] : memref<16xi32, #tpu.memory_space<smem>>
        %sub3A = arith.constant 1 : i32
        %sub3A_1639 = arith.subi %sub3A, %get3A_1638 : i32
        %swap3A_1640 = arith.constant 6 : i32
        %swap3A_1641 = arith.index_cast %swap3A_1640 : i32 to index
        %swap3A_1642 = memref.load %arg23[%swap3A_1641] : memref<16xi32, #tpu.memory_space<smem>>
        memref.store %sub3A_1639, %arg23[%swap3A_1641] : memref<16xi32, #tpu.memory_space<smem>>
        %dma_start3A = arith.constant 6 : i32
        %dma_start3A_1643 = arith.constant 6 : i32
        %dma_start3A_1644 = arith.constant 0 : i32
        %dma_start3A_1645 = arith.constant 0 : i32
        %dma_start3A_1646 = tpu.memref_slice %arg21[%sub3A_1639, %dma_start3A_1643, %dma_start3A_1644, %dma_start3A_1645] : memref<2x16x1x2048xf32, #tpu.memory_space<vmem>> -> memref<1x1x1x2048xf32, #tpu.memory_space<vmem>>
        %dma_start3A_1647 = tpu.memref_squeeze %dma_start3A_1646 : memref<1x1x1x2048xf32, #tpu.memory_space<vmem>> -> memref<1x2048xf32, #tpu.memory_space<vmem>>
        %dma_start3A_1648 = tpu.memref_slice %arg20[%dma_start3A, %add3A_1289] : memref<17x128xi32, #tpu.memory_space<vmem>> -> memref<1x1xi32, #tpu.memory_space<vmem>>
        %dma_start3A_1649 = tpu.memref_squeeze %dma_start3A_1648 : memref<1x1xi32, #tpu.memory_space<vmem>> -> memref<1xi32, #tpu.memory_space<vmem>>
        %dma_start3A_1650 = arith.constant 0 : i32
        %dma_start3A_1651 = arith.constant 0 : i32
        %dma_start3A_1652 = tpu.memref_slice %arg9[%dma_start3A_1650, %dma_start3A_1651] : memref<1000x2048xf32, #tpu.memory_space<hbm>> -> memref<1000x2048xf32, #tpu.memory_space<hbm>>
        tpu.enqueue_indirect_dma source(%dma_start3A_1652 : memref<1000x2048xf32, #tpu.memory_space<hbm>>) target(%dma_start3A_1647 : memref<1x2048xf32, #tpu.memory_space<vmem>>) offsets(%dma_start3A_1649 : memref<1xi32, #tpu.memory_space<vmem>>) semaphore(%arg26 : memref<!tpu.dma_semaphore, #tpu.memory_space<semaphore_mem>>)
      } else {
      }
      %shift_right_arithmetic3A_1355 = arith.constant 7 : i32
      %shift_right_arithmetic3A_1356 = arith.shrsi %get3A_1291, %shift_right_arithmetic3A_1355 : i32
      %and3A_1357 = arith.constant 1 : i32
      %and3A_1358 = arith.andi %shift_right_arithmetic3A_1356, %and3A_1357 : i32
      %ne3A_1359 = arith.constant 0 : i32
      %ne3A_1360 = arith.cmpi ne, %and3A_1358, %ne3A_1359 : i32
      %convert_element_type3A_1361 = arith.extui %ne3A_1360 : i1 to i32
      %cond3A_1362 = arith.constant 0 : i32
      %cond3A_1363 = arith.cmpi ne, %convert_element_type3A_1361, %cond3A_1362 : i32
      scf.if %cond3A_1363 {
        %get3A_1636 = arith.constant 7 : i32
        %get3A_1637 = arith.index_cast %get3A_1636 : i32 to index
        %get3A_1638 = memref.load %arg23[%get3A_1637] : memref<16xi32, #tpu.memory_space<smem>>
        %sub3A = arith.constant 1 : i32
        %sub3A_1639 = arith.subi %sub3A, %get3A_1638 : i32
        %swap3A_1640 = arith.constant 7 : i32
        %swap3A_1641 = arith.index_cast %swap3A_1640 : i32 to index
        %swap3A_1642 = memref.load %arg23[%swap3A_1641] : memref<16xi32, #tpu.memory_space<smem>>
        memref.store %sub3A_1639, %arg23[%swap3A_1641] : memref<16xi32, #tpu.memory_space<smem>>
        %dma_start3A = arith.constant 7 : i32
        %dma_start3A_1643 = arith.constant 7 : i32
        %dma_start3A_1644 = arith.constant 0 : i32
        %dma_start3A_1645 = arith.constant 0 : i32
        %dma_start3A_1646 = tpu.memref_slice %arg21[%sub3A_1639, %dma_start3A_1643, %dma_start3A_1644, %dma_start3A_1645] : memref<2x16x1x2048xf32, #tpu.memory_space<vmem>> -> memref<1x1x1x2048xf32, #tpu.memory_space<vmem>>
        %dma_start3A_1647 = tpu.memref_squeeze %dma_start3A_1646 : memref<1x1x1x2048xf32, #tpu.memory_space<vmem>> -> memref<1x2048xf32, #tpu.memory_space<vmem>>
        %dma_start3A_1648 = tpu.memref_slice %arg20[%dma_start3A, %add3A_1289] : memref<17x128xi32, #tpu.memory_space<vmem>> -> memref<1x1xi32, #tpu.memory_space<vmem>>
        %dma_start3A_1649 = tpu.memref_squeeze %dma_start3A_1648 : memref<1x1xi32, #tpu.memory_space<vmem>> -> memref<1xi32, #tpu.memory_space<vmem>>
        %dma_start3A_1650 = arith.constant 0 : i32
        %dma_start3A_1651 = arith.constant 0 : i32
        %dma_start3A_1652 = tpu.memref_slice %arg10[%dma_start3A_1650, %dma_start3A_1651] : memref<1000x2048xf32, #tpu.memory_space<hbm>> -> memref<1000x2048xf32, #tpu.memory_space<hbm>>
        tpu.enqueue_indirect_dma source(%dma_start3A_1652 : memref<1000x2048xf32, #tpu.memory_space<hbm>>) target(%dma_start3A_1647 : memref<1x2048xf32, #tpu.memory_space<vmem>>) offsets(%dma_start3A_1649 : memref<1xi32, #tpu.memory_space<vmem>>) semaphore(%arg26 : memref<!tpu.dma_semaphore, #tpu.memory_space<semaphore_mem>>)
      } else {
      }
      %shift_right_arithmetic3A_1364 = arith.constant 8 : i32
      %shift_right_arithmetic3A_1365 = arith.shrsi %get3A_1291, %shift_right_arithmetic3A_1364 : i32
      %and3A_1366 = arith.constant 1 : i32
      %and3A_1367 = arith.andi %shift_right_arithmetic3A_1365, %and3A_1366 : i32
      %ne3A_1368 = arith.constant 0 : i32
      %ne3A_1369 = arith.cmpi ne, %and3A_1367, %ne3A_1368 : i32
      %convert_element_type3A_1370 = arith.extui %ne3A_1369 : i1 to i32
      %cond3A_1371 = arith.constant 0 : i32
      %cond3A_1372 = arith.cmpi ne, %convert_element_type3A_1370, %cond3A_1371 : i32
      scf.if %cond3A_1372 {
        %get3A_1636 = arith.constant 8 : i32
        %get3A_1637 = arith.index_cast %get3A_1636 : i32 to index
        %get3A_1638 = memref.load %arg23[%get3A_1637] : memref<16xi32, #tpu.memory_space<smem>>
        %sub3A = arith.constant 1 : i32
        %sub3A_1639 = arith.subi %sub3A, %get3A_1638 : i32
        %swap3A_1640 = arith.constant 8 : i32
        %swap3A_1641 = arith.index_cast %swap3A_1640 : i32 to index
        %swap3A_1642 = memref.load %arg23[%swap3A_1641] : memref<16xi32, #tpu.memory_space<smem>>
        memref.store %sub3A_1639, %arg23[%swap3A_1641] : memref<16xi32, #tpu.memory_space<smem>>
        %dma_start3A = arith.constant 8 : i32
        %dma_start3A_1643 = arith.constant 8 : i32
        %dma_start3A_1644 = arith.constant 0 : i32
        %dma_start3A_1645 = arith.constant 0 : i32
        %dma_start3A_1646 = tpu.memref_slice %arg21[%sub3A_1639, %dma_start3A_1643, %dma_start3A_1644, %dma_start3A_1645] : memref<2x16x1x2048xf32, #tpu.memory_space<vmem>> -> memref<1x1x1x2048xf32, #tpu.memory_space<vmem>>
        %dma_start3A_1647 = tpu.memref_squeeze %dma_start3A_1646 : memref<1x1x1x2048xf32, #tpu.memory_space<vmem>> -> memref<1x2048xf32, #tpu.memory_space<vmem>>
        %dma_start3A_1648 = tpu.memref_slice %arg20[%dma_start3A, %add3A_1289] : memref<17x128xi32, #tpu.memory_space<vmem>> -> memref<1x1xi32, #tpu.memory_space<vmem>>
        %dma_start3A_1649 = tpu.memref_squeeze %dma_start3A_1648 : memref<1x1xi32, #tpu.memory_space<vmem>> -> memref<1xi32, #tpu.memory_space<vmem>>
        %dma_start3A_1650 = arith.constant 0 : i32
        %dma_start3A_1651 = arith.constant 0 : i32
        %dma_start3A_1652 = tpu.memref_slice %arg11[%dma_start3A_1650, %dma_start3A_1651] : memref<1000x2048xf32, #tpu.memory_space<hbm>> -> memref<1000x2048xf32, #tpu.memory_space<hbm>>
        tpu.enqueue_indirect_dma source(%dma_start3A_1652 : memref<1000x2048xf32, #tpu.memory_space<hbm>>) target(%dma_start3A_1647 : memref<1x2048xf32, #tpu.memory_space<vmem>>) offsets(%dma_start3A_1649 : memref<1xi32, #tpu.memory_space<vmem>>) semaphore(%arg26 : memref<!tpu.dma_semaphore, #tpu.memory_space<semaphore_mem>>)
      } else {
      }
      %shift_right_arithmetic3A_1373 = arith.constant 9 : i32
      %shift_right_arithmetic3A_1374 = arith.shrsi %get3A_1291, %shift_right_arithmetic3A_1373 : i32
      %and3A_1375 = arith.constant 1 : i32
      %and3A_1376 = arith.andi %shift_right_arithmetic3A_1374, %and3A_1375 : i32
      %ne3A_1377 = arith.constant 0 : i32
      %ne3A_1378 = arith.cmpi ne, %and3A_1376, %ne3A_1377 : i32
      %convert_element_type3A_1379 = arith.extui %ne3A_1378 : i1 to i32
      %cond3A_1380 = arith.constant 0 : i32
      %cond3A_1381 = arith.cmpi ne, %convert_element_type3A_1379, %cond3A_1380 : i32
      scf.if %cond3A_1381 {
        %get3A_1636 = arith.constant 9 : i32
        %get3A_1637 = arith.index_cast %get3A_1636 : i32 to index
        %get3A_1638 = memref.load %arg23[%get3A_1637] : memref<16xi32, #tpu.memory_space<smem>>
        %sub3A = arith.constant 1 : i32
        %sub3A_1639 = arith.subi %sub3A, %get3A_1638 : i32
        %swap3A_1640 = arith.constant 9 : i32
        %swap3A_1641 = arith.index_cast %swap3A_1640 : i32 to index
        %swap3A_1642 = memref.load %arg23[%swap3A_1641] : memref<16xi32, #tpu.memory_space<smem>>
        memref.store %sub3A_1639, %arg23[%swap3A_1641] : memref<16xi32, #tpu.memory_space<smem>>
        %dma_start3A = arith.constant 9 : i32
        %dma_start3A_1643 = arith.constant 9 : i32
        %dma_start3A_1644 = arith.constant 0 : i32
        %dma_start3A_1645 = arith.constant 0 : i32
        %dma_start3A_1646 = tpu.memref_slice %arg21[%sub3A_1639, %dma_start3A_1643, %dma_start3A_1644, %dma_start3A_1645] : memref<2x16x1x2048xf32, #tpu.memory_space<vmem>> -> memref<1x1x1x2048xf32, #tpu.memory_space<vmem>>
        %dma_start3A_1647 = tpu.memref_squeeze %dma_start3A_1646 : memref<1x1x1x2048xf32, #tpu.memory_space<vmem>> -> memref<1x2048xf32, #tpu.memory_space<vmem>>
        %dma_start3A_1648 = tpu.memref_slice %arg20[%dma_start3A, %add3A_1289] : memref<17x128xi32, #tpu.memory_space<vmem>> -> memref<1x1xi32, #tpu.memory_space<vmem>>
        %dma_start3A_1649 = tpu.memref_squeeze %dma_start3A_1648 : memref<1x1xi32, #tpu.memory_space<vmem>> -> memref<1xi32, #tpu.memory_space<vmem>>
        %dma_start3A_1650 = arith.constant 0 : i32
        %dma_start3A_1651 = arith.constant 0 : i32
        %dma_start3A_1652 = tpu.memref_slice %arg12[%dma_start3A_1650, %dma_start3A_1651] : memref<1000x2048xf32, #tpu.memory_space<hbm>> -> memref<1000x2048xf32, #tpu.memory_space<hbm>>
        tpu.enqueue_indirect_dma source(%dma_start3A_1652 : memref<1000x2048xf32, #tpu.memory_space<hbm>>) target(%dma_start3A_1647 : memref<1x2048xf32, #tpu.memory_space<vmem>>) offsets(%dma_start3A_1649 : memref<1xi32, #tpu.memory_space<vmem>>) semaphore(%arg26 : memref<!tpu.dma_semaphore, #tpu.memory_space<semaphore_mem>>)
      } else {
      }
      %shift_right_arithmetic3A_1382 = arith.constant 10 : i32
      %shift_right_arithmetic3A_1383 = arith.shrsi %get3A_1291, %shift_right_arithmetic3A_1382 : i32
      %and3A_1384 = arith.constant 1 : i32
      %and3A_1385 = arith.andi %shift_right_arithmetic3A_1383, %and3A_1384 : i32
      %ne3A_1386 = arith.constant 0 : i32
      %ne3A_1387 = arith.cmpi ne, %and3A_1385, %ne3A_1386 : i32
      %convert_element_type3A_1388 = arith.extui %ne3A_1387 : i1 to i32
      %cond3A_1389 = arith.constant 0 : i32
      %cond3A_1390 = arith.cmpi ne, %convert_element_type3A_1388, %cond3A_1389 : i32
      scf.if %cond3A_1390 {
        %get3A_1636 = arith.constant 10 : i32
        %get3A_1637 = arith.index_cast %get3A_1636 : i32 to index
        %get3A_1638 = memref.load %arg23[%get3A_1637] : memref<16xi32, #tpu.memory_space<smem>>
        %sub3A = arith.constant 1 : i32
        %sub3A_1639 = arith.subi %sub3A, %get3A_1638 : i32
        %swap3A_1640 = arith.constant 10 : i32
        %swap3A_1641 = arith.index_cast %swap3A_1640 : i32 to index
        %swap3A_1642 = memref.load %arg23[%swap3A_1641] : memref<16xi32, #tpu.memory_space<smem>>
        memref.store %sub3A_1639, %arg23[%swap3A_1641] : memref<16xi32, #tpu.memory_space<smem>>
        %dma_start3A = arith.constant 10 : i32
        %dma_start3A_1643 = arith.constant 10 : i32
        %dma_start3A_1644 = arith.constant 0 : i32
        %dma_start3A_1645 = arith.constant 0 : i32
        %dma_start3A_1646 = tpu.memref_slice %arg21[%sub3A_1639, %dma_start3A_1643, %dma_start3A_1644, %dma_start3A_1645] : memref<2x16x1x2048xf32, #tpu.memory_space<vmem>> -> memref<1x1x1x2048xf32, #tpu.memory_space<vmem>>
        %dma_start3A_1647 = tpu.memref_squeeze %dma_start3A_1646 : memref<1x1x1x2048xf32, #tpu.memory_space<vmem>> -> memref<1x2048xf32, #tpu.memory_space<vmem>>
        %dma_start3A_1648 = tpu.memref_slice %arg20[%dma_start3A, %add3A_1289] : memref<17x128xi32, #tpu.memory_space<vmem>> -> memref<1x1xi32, #tpu.memory_space<vmem>>
        %dma_start3A_1649 = tpu.memref_squeeze %dma_start3A_1648 : memref<1x1xi32, #tpu.memory_space<vmem>> -> memref<1xi32, #tpu.memory_space<vmem>>
        %dma_start3A_1650 = arith.constant 0 : i32
        %dma_start3A_1651 = arith.constant 0 : i32
        %dma_start3A_1652 = tpu.memref_slice %arg13[%dma_start3A_1650, %dma_start3A_1651] : memref<1000x2048xf32, #tpu.memory_space<hbm>> -> memref<1000x2048xf32, #tpu.memory_space<hbm>>
        tpu.enqueue_indirect_dma source(%dma_start3A_1652 : memref<1000x2048xf32, #tpu.memory_space<hbm>>) target(%dma_start3A_1647 : memref<1x2048xf32, #tpu.memory_space<vmem>>) offsets(%dma_start3A_1649 : memref<1xi32, #tpu.memory_space<vmem>>) semaphore(%arg26 : memref<!tpu.dma_semaphore, #tpu.memory_space<semaphore_mem>>)
      } else {
      }
      %shift_right_arithmetic3A_1391 = arith.constant 11 : i32
      %shift_right_arithmetic3A_1392 = arith.shrsi %get3A_1291, %shift_right_arithmetic3A_1391 : i32
      %and3A_1393 = arith.constant 1 : i32
      %and3A_1394 = arith.andi %shift_right_arithmetic3A_1392, %and3A_1393 : i32
      %ne3A_1395 = arith.constant 0 : i32
      %ne3A_1396 = arith.cmpi ne, %and3A_1394, %ne3A_1395 : i32
      %convert_element_type3A_1397 = arith.extui %ne3A_1396 : i1 to i32
      %cond3A_1398 = arith.constant 0 : i32
      %cond3A_1399 = arith.cmpi ne, %convert_element_type3A_1397, %cond3A_1398 : i32
      scf.if %cond3A_1399 {
        %get3A_1636 = arith.constant 11 : i32
        %get3A_1637 = arith.index_cast %get3A_1636 : i32 to index
        %get3A_1638 = memref.load %arg23[%get3A_1637] : memref<16xi32, #tpu.memory_space<smem>>
        %sub3A = arith.constant 1 : i32
        %sub3A_1639 = arith.subi %sub3A, %get3A_1638 : i32
        %swap3A_1640 = arith.constant 11 : i32
        %swap3A_1641 = arith.index_cast %swap3A_1640 : i32 to index
        %swap3A_1642 = memref.load %arg23[%swap3A_1641] : memref<16xi32, #tpu.memory_space<smem>>
        memref.store %sub3A_1639, %arg23[%swap3A_1641] : memref<16xi32, #tpu.memory_space<smem>>
        %dma_start3A = arith.constant 11 : i32
        %dma_start3A_1643 = arith.constant 11 : i32
        %dma_start3A_1644 = arith.constant 0 : i32
        %dma_start3A_1645 = arith.constant 0 : i32
        %dma_start3A_1646 = tpu.memref_slice %arg21[%sub3A_1639, %dma_start3A_1643, %dma_start3A_1644, %dma_start3A_1645] : memref<2x16x1x2048xf32, #tpu.memory_space<vmem>> -> memref<1x1x1x2048xf32, #tpu.memory_space<vmem>>
        %dma_start3A_1647 = tpu.memref_squeeze %dma_start3A_1646 : memref<1x1x1x2048xf32, #tpu.memory_space<vmem>> -> memref<1x2048xf32, #tpu.memory_space<vmem>>
        %dma_start3A_1648 = tpu.memref_slice %arg20[%dma_start3A, %add3A_1289] : memref<17x128xi32, #tpu.memory_space<vmem>> -> memref<1x1xi32, #tpu.memory_space<vmem>>
        %dma_start3A_1649 = tpu.memref_squeeze %dma_start3A_1648 : memref<1x1xi32, #tpu.memory_space<vmem>> -> memref<1xi32, #tpu.memory_space<vmem>>
        %dma_start3A_1650 = arith.constant 0 : i32
        %dma_start3A_1651 = arith.constant 0 : i32
        %dma_start3A_1652 = tpu.memref_slice %arg14[%dma_start3A_1650, %dma_start3A_1651] : memref<1000x2048xf32, #tpu.memory_space<hbm>> -> memref<1000x2048xf32, #tpu.memory_space<hbm>>
        tpu.enqueue_indirect_dma source(%dma_start3A_1652 : memref<1000x2048xf32, #tpu.memory_space<hbm>>) target(%dma_start3A_1647 : memref<1x2048xf32, #tpu.memory_space<vmem>>) offsets(%dma_start3A_1649 : memref<1xi32, #tpu.memory_space<vmem>>) semaphore(%arg26 : memref<!tpu.dma_semaphore, #tpu.memory_space<semaphore_mem>>)
      } else {
      }
      %shift_right_arithmetic3A_1400 = arith.constant 12 : i32
      %shift_right_arithmetic3A_1401 = arith.shrsi %get3A_1291, %shift_right_arithmetic3A_1400 : i32
      %and3A_1402 = arith.constant 1 : i32
      %and3A_1403 = arith.andi %shift_right_arithmetic3A_1401, %and3A_1402 : i32
      %ne3A_1404 = arith.constant 0 : i32
      %ne3A_1405 = arith.cmpi ne, %and3A_1403, %ne3A_1404 : i32
      %convert_element_type3A_1406 = arith.extui %ne3A_1405 : i1 to i32
      %cond3A_1407 = arith.constant 0 : i32
      %cond3A_1408 = arith.cmpi ne, %convert_element_type3A_1406, %cond3A_1407 : i32
      scf.if %cond3A_1408 {
        %get3A_1636 = arith.constant 12 : i32
        %get3A_1637 = arith.index_cast %get3A_1636 : i32 to index
        %get3A_1638 = memref.load %arg23[%get3A_1637] : memref<16xi32, #tpu.memory_space<smem>>
        %sub3A = arith.constant 1 : i32
        %sub3A_1639 = arith.subi %sub3A, %get3A_1638 : i32
        %swap3A_1640 = arith.constant 12 : i32
        %swap3A_1641 = arith.index_cast %swap3A_1640 : i32 to index
        %swap3A_1642 = memref.load %arg23[%swap3A_1641] : memref<16xi32, #tpu.memory_space<smem>>
        memref.store %sub3A_1639, %arg23[%swap3A_1641] : memref<16xi32, #tpu.memory_space<smem>>
        %dma_start3A = arith.constant 12 : i32
        %dma_start3A_1643 = arith.constant 12 : i32
        %dma_start3A_1644 = arith.constant 0 : i32
        %dma_start3A_1645 = arith.constant 0 : i32
        %dma_start3A_1646 = tpu.memref_slice %arg21[%sub3A_1639, %dma_start3A_1643, %dma_start3A_1644, %dma_start3A_1645] : memref<2x16x1x2048xf32, #tpu.memory_space<vmem>> -> memref<1x1x1x2048xf32, #tpu.memory_space<vmem>>
        %dma_start3A_1647 = tpu.memref_squeeze %dma_start3A_1646 : memref<1x1x1x2048xf32, #tpu.memory_space<vmem>> -> memref<1x2048xf32, #tpu.memory_space<vmem>>
        %dma_start3A_1648 = tpu.memref_slice %arg20[%dma_start3A, %add3A_1289] : memref<17x128xi32, #tpu.memory_space<vmem>> -> memref<1x1xi32, #tpu.memory_space<vmem>>
        %dma_start3A_1649 = tpu.memref_squeeze %dma_start3A_1648 : memref<1x1xi32, #tpu.memory_space<vmem>> -> memref<1xi32, #tpu.memory_space<vmem>>
        %dma_start3A_1650 = arith.constant 0 : i32
        %dma_start3A_1651 = arith.constant 0 : i32
        %dma_start3A_1652 = tpu.memref_slice %arg15[%dma_start3A_1650, %dma_start3A_1651] : memref<1000x2048xf32, #tpu.memory_space<hbm>> -> memref<1000x2048xf32, #tpu.memory_space<hbm>>
        tpu.enqueue_indirect_dma source(%dma_start3A_1652 : memref<1000x2048xf32, #tpu.memory_space<hbm>>) target(%dma_start3A_1647 : memref<1x2048xf32, #tpu.memory_space<vmem>>) offsets(%dma_start3A_1649 : memref<1xi32, #tpu.memory_space<vmem>>) semaphore(%arg26 : memref<!tpu.dma_semaphore, #tpu.memory_space<semaphore_mem>>)
      } else {
      }
      %shift_right_arithmetic3A_1409 = arith.constant 13 : i32
      %shift_right_arithmetic3A_1410 = arith.shrsi %get3A_1291, %shift_right_arithmetic3A_1409 : i32
      %and3A_1411 = arith.constant 1 : i32
      %and3A_1412 = arith.andi %shift_right_arithmetic3A_1410, %and3A_1411 : i32
      %ne3A_1413 = arith.constant 0 : i32
      %ne3A_1414 = arith.cmpi ne, %and3A_1412, %ne3A_1413 : i32
      %convert_element_type3A_1415 = arith.extui %ne3A_1414 : i1 to i32
      %cond3A_1416 = arith.constant 0 : i32
      %cond3A_1417 = arith.cmpi ne, %convert_element_type3A_1415, %cond3A_1416 : i32
      scf.if %cond3A_1417 {
        %get3A_1636 = arith.constant 13 : i32
        %get3A_1637 = arith.index_cast %get3A_1636 : i32 to index
        %get3A_1638 = memref.load %arg23[%get3A_1637] : memref<16xi32, #tpu.memory_space<smem>>
        %sub3A = arith.constant 1 : i32
        %sub3A_1639 = arith.subi %sub3A, %get3A_1638 : i32
        %swap3A_1640 = arith.constant 13 : i32
        %swap3A_1641 = arith.index_cast %swap3A_1640 : i32 to index
        %swap3A_1642 = memref.load %arg23[%swap3A_1641] : memref<16xi32, #tpu.memory_space<smem>>
        memref.store %sub3A_1639, %arg23[%swap3A_1641] : memref<16xi32, #tpu.memory_space<smem>>
        %dma_start3A = arith.constant 13 : i32
        %dma_start3A_1643 = arith.constant 13 : i32
        %dma_start3A_1644 = arith.constant 0 : i32
        %dma_start3A_1645 = arith.constant 0 : i32
        %dma_start3A_1646 = tpu.memref_slice %arg21[%sub3A_1639, %dma_start3A_1643, %dma_start3A_1644, %dma_start3A_1645] : memref<2x16x1x2048xf32, #tpu.memory_space<vmem>> -> memref<1x1x1x2048xf32, #tpu.memory_space<vmem>>
        %dma_start3A_1647 = tpu.memref_squeeze %dma_start3A_1646 : memref<1x1x1x2048xf32, #tpu.memory_space<vmem>> -> memref<1x2048xf32, #tpu.memory_space<vmem>>
        %dma_start3A_1648 = tpu.memref_slice %arg20[%dma_start3A, %add3A_1289] : memref<17x128xi32, #tpu.memory_space<vmem>> -> memref<1x1xi32, #tpu.memory_space<vmem>>
        %dma_start3A_1649 = tpu.memref_squeeze %dma_start3A_1648 : memref<1x1xi32, #tpu.memory_space<vmem>> -> memref<1xi32, #tpu.memory_space<vmem>>
        %dma_start3A_1650 = arith.constant 0 : i32
        %dma_start3A_1651 = arith.constant 0 : i32
        %dma_start3A_1652 = tpu.memref_slice %arg16[%dma_start3A_1650, %dma_start3A_1651] : memref<1000x2048xf32, #tpu.memory_space<hbm>> -> memref<1000x2048xf32, #tpu.memory_space<hbm>>
        tpu.enqueue_indirect_dma source(%dma_start3A_1652 : memref<1000x2048xf32, #tpu.memory_space<hbm>>) target(%dma_start3A_1647 : memref<1x2048xf32, #tpu.memory_space<vmem>>) offsets(%dma_start3A_1649 : memref<1xi32, #tpu.memory_space<vmem>>) semaphore(%arg26 : memref<!tpu.dma_semaphore, #tpu.memory_space<semaphore_mem>>)
      } else {
      }
      %shift_right_arithmetic3A_1418 = arith.constant 14 : i32
      %shift_right_arithmetic3A_1419 = arith.shrsi %get3A_1291, %shift_right_arithmetic3A_1418 : i32
      %and3A_1420 = arith.constant 1 : i32
      %and3A_1421 = arith.andi %shift_right_arithmetic3A_1419, %and3A_1420 : i32
      %ne3A_1422 = arith.constant 0 : i32
      %ne3A_1423 = arith.cmpi ne, %and3A_1421, %ne3A_1422 : i32
      %convert_element_type3A_1424 = arith.extui %ne3A_1423 : i1 to i32
      %cond3A_1425 = arith.constant 0 : i32
      %cond3A_1426 = arith.cmpi ne, %convert_element_type3A_1424, %cond3A_1425 : i32
      scf.if %cond3A_1426 {
        %get3A_1636 = arith.constant 14 : i32
        %get3A_1637 = arith.index_cast %get3A_1636 : i32 to index
        %get3A_1638 = memref.load %arg23[%get3A_1637] : memref<16xi32, #tpu.memory_space<smem>>
        %sub3A = arith.constant 1 : i32
        %sub3A_1639 = arith.subi %sub3A, %get3A_1638 : i32
        %swap3A_1640 = arith.constant 14 : i32
        %swap3A_1641 = arith.index_cast %swap3A_1640 : i32 to index
        %swap3A_1642 = memref.load %arg23[%swap3A_1641] : memref<16xi32, #tpu.memory_space<smem>>
        memref.store %sub3A_1639, %arg23[%swap3A_1641] : memref<16xi32, #tpu.memory_space<smem>>
        %dma_start3A = arith.constant 14 : i32
        %dma_start3A_1643 = arith.constant 14 : i32
        %dma_start3A_1644 = arith.constant 0 : i32
        %dma_start3A_1645 = arith.constant 0 : i32
        %dma_start3A_1646 = tpu.memref_slice %arg21[%sub3A_1639, %dma_start3A_1643, %dma_start3A_1644, %dma_start3A_1645] : memref<2x16x1x2048xf32, #tpu.memory_space<vmem>> -> memref<1x1x1x2048xf32, #tpu.memory_space<vmem>>
        %dma_start3A_1647 = tpu.memref_squeeze %dma_start3A_1646 : memref<1x1x1x2048xf32, #tpu.memory_space<vmem>> -> memref<1x2048xf32, #tpu.memory_space<vmem>>
        %dma_start3A_1648 = tpu.memref_slice %arg20[%dma_start3A, %add3A_1289] : memref<17x128xi32, #tpu.memory_space<vmem>> -> memref<1x1xi32, #tpu.memory_space<vmem>>
        %dma_start3A_1649 = tpu.memref_squeeze %dma_start3A_1648 : memref<1x1xi32, #tpu.memory_space<vmem>> -> memref<1xi32, #tpu.memory_space<vmem>>
        %dma_start3A_1650 = arith.constant 0 : i32
        %dma_start3A_1651 = arith.constant 0 : i32
        %dma_start3A_1652 = tpu.memref_slice %arg17[%dma_start3A_1650, %dma_start3A_1651] : memref<1000x2048xf32, #tpu.memory_space<hbm>> -> memref<1000x2048xf32, #tpu.memory_space<hbm>>
        tpu.enqueue_indirect_dma source(%dma_start3A_1652 : memref<1000x2048xf32, #tpu.memory_space<hbm>>) target(%dma_start3A_1647 : memref<1x2048xf32, #tpu.memory_space<vmem>>) offsets(%dma_start3A_1649 : memref<1xi32, #tpu.memory_space<vmem>>) semaphore(%arg26 : memref<!tpu.dma_semaphore, #tpu.memory_space<semaphore_mem>>)
      } else {
      }
      %shift_right_arithmetic3A_1427 = arith.constant 15 : i32
      %shift_right_arithmetic3A_1428 = arith.shrsi %get3A_1291, %shift_right_arithmetic3A_1427 : i32
      %and3A_1429 = arith.constant 1 : i32
      %and3A_1430 = arith.andi %shift_right_arithmetic3A_1428, %and3A_1429 : i32
      %ne3A_1431 = arith.constant 0 : i32
      %ne3A_1432 = arith.cmpi ne, %and3A_1430, %ne3A_1431 : i32
      %convert_element_type3A_1433 = arith.extui %ne3A_1432 : i1 to i32
      %cond3A_1434 = arith.constant 0 : i32
      %cond3A_1435 = arith.cmpi ne, %convert_element_type3A_1433, %cond3A_1434 : i32
      scf.if %cond3A_1435 {
        %get3A_1636 = arith.constant 15 : i32
        %get3A_1637 = arith.index_cast %get3A_1636 : i32 to index
        %get3A_1638 = memref.load %arg23[%get3A_1637] : memref<16xi32, #tpu.memory_space<smem>>
        %sub3A = arith.constant 1 : i32
        %sub3A_1639 = arith.subi %sub3A, %get3A_1638 : i32
        %swap3A_1640 = arith.constant 15 : i32
        %swap3A_1641 = arith.index_cast %swap3A_1640 : i32 to index
        %swap3A_1642 = memref.load %arg23[%swap3A_1641] : memref<16xi32, #tpu.memory_space<smem>>
        memref.store %sub3A_1639, %arg23[%swap3A_1641] : memref<16xi32, #tpu.memory_space<smem>>
        %dma_start3A = arith.constant 15 : i32
        %dma_start3A_1643 = arith.constant 15 : i32
        %dma_start3A_1644 = arith.constant 0 : i32
        %dma_start3A_1645 = arith.constant 0 : i32
        %dma_start3A_1646 = tpu.memref_slice %arg21[%sub3A_1639, %dma_start3A_1643, %dma_start3A_1644, %dma_start3A_1645] : memref<2x16x1x2048xf32, #tpu.memory_space<vmem>> -> memref<1x1x1x2048xf32, #tpu.memory_space<vmem>>
        %dma_start3A_1647 = tpu.memref_squeeze %dma_start3A_1646 : memref<1x1x1x2048xf32, #tpu.memory_space<vmem>> -> memref<1x2048xf32, #tpu.memory_space<vmem>>
        %dma_start3A_1648 = tpu.memref_slice %arg20[%dma_start3A, %add3A_1289] : memref<17x128xi32, #tpu.memory_space<vmem>> -> memref<1x1xi32, #tpu.memory_space<vmem>>
        %dma_start3A_1649 = tpu.memref_squeeze %dma_start3A_1648 : memref<1x1xi32, #tpu.memory_space<vmem>> -> memref<1xi32, #tpu.memory_space<vmem>>
        %dma_start3A_1650 = arith.constant 0 : i32
        %dma_start3A_1651 = arith.constant 0 : i32
        %dma_start3A_1652 = tpu.memref_slice %arg18[%dma_start3A_1650, %dma_start3A_1651] : memref<1000x2048xf32, #tpu.memory_space<hbm>> -> memref<1000x2048xf32, #tpu.memory_space<hbm>>
        tpu.enqueue_indirect_dma source(%dma_start3A_1652 : memref<1000x2048xf32, #tpu.memory_space<hbm>>) target(%dma_start3A_1647 : memref<1x2048xf32, #tpu.memory_space<vmem>>) offsets(%dma_start3A_1649 : memref<1xi32, #tpu.memory_space<vmem>>) semaphore(%arg26 : memref<!tpu.dma_semaphore, #tpu.memory_space<semaphore_mem>>)
      } else {
      }
      %get3A_1436 = arith.index_cast %scan3A_1191 : i32 to index
      %get3A_1437 = memref.load %arg25[%get3A_1436] : memref<128xi32, #tpu.memory_space<smem>>
      %shift_right_arithmetic3A_1438 = arith.constant 0 : i32
      %shift_right_arithmetic3A_1439 = arith.shrsi %get3A_1437, %shift_right_arithmetic3A_1438 : i32
      %and3A_1440 = arith.constant 1 : i32
      %and3A_1441 = arith.andi %shift_right_arithmetic3A_1439, %and3A_1440 : i32
      %ne3A_1442 = arith.constant 0 : i32
      %ne3A_1443 = arith.cmpi ne, %and3A_1441, %ne3A_1442 : i32
      %convert_element_type3A_1444 = arith.extui %ne3A_1443 : i1 to i32
      %cond3A_1445 = arith.constant 0 : i32
      %cond3A_1446 = arith.cmpi ne, %convert_element_type3A_1444, %cond3A_1445 : i32
      scf.if %cond3A_1446 {
        %dma_wait3A = arith.constant 0 : i32
        %dma_wait3A_1636 = arith.constant 0 : i32
        %dma_wait3A_1637 = arith.constant 0 : i32
        %dma_wait3A_1638 = arith.constant 0 : i32
        %dma_wait3A_1639 = arith.constant 0 : i32
        %dma_wait3A_1640 = tpu.memref_slice %arg21[%dma_wait3A_1636, %dma_wait3A_1637, %dma_wait3A_1638, %dma_wait3A_1639] : memref<2x16x1x2048xf32, #tpu.memory_space<vmem>> -> memref<1x1x1x2048xf32, #tpu.memory_space<vmem>>
        %dma_wait3A_1641 = tpu.memref_squeeze %dma_wait3A_1640 : memref<1x1x1x2048xf32, #tpu.memory_space<vmem>> -> memref<1x2048xf32, #tpu.memory_space<vmem>>
        %dma_wait3A_1642 = arith.constant 0 : i32
        %dma_wait3A_1643 = tpu.memref_slice %arg20[%dma_wait3A, %dma_wait3A_1642] : memref<17x128xi32, #tpu.memory_space<vmem>> -> memref<1x1xi32, #tpu.memory_space<vmem>>
        %dma_wait3A_1644 = tpu.memref_squeeze %dma_wait3A_1643 : memref<1x1xi32, #tpu.memory_space<vmem>> -> memref<1xi32, #tpu.memory_space<vmem>>
        %dma_wait3A_1645 = arith.constant 0 : i32
        %dma_wait3A_1646 = arith.constant 0 : i32
        %dma_wait3A_1647 = tpu.memref_slice %arg3[%dma_wait3A_1645, %dma_wait3A_1646] : memref<4096x2048xf32, #tpu.memory_space<hbm>> -> memref<4096x2048xf32, #tpu.memory_space<hbm>>
        tpu.wait_indirect_dma semaphore(%arg26 : memref<!tpu.dma_semaphore, #tpu.memory_space<semaphore_mem>>) src(%dma_wait3A_1647 : memref<4096x2048xf32, #tpu.memory_space<hbm>>) dst(%dma_wait3A_1641 : memref<1x2048xf32, #tpu.memory_space<vmem>>)
      } else {
      }
      %shift_right_arithmetic3A_1447 = arith.constant 1 : i32
      %shift_right_arithmetic3A_1448 = arith.shrsi %get3A_1437, %shift_right_arithmetic3A_1447 : i32
      %and3A_1449 = arith.constant 1 : i32
      %and3A_1450 = arith.andi %shift_right_arithmetic3A_1448, %and3A_1449 : i32
      %ne3A_1451 = arith.constant 0 : i32
      %ne3A_1452 = arith.cmpi ne, %and3A_1450, %ne3A_1451 : i32
      %convert_element_type3A_1453 = arith.extui %ne3A_1452 : i1 to i32
      %cond3A_1454 = arith.constant 0 : i32
      %cond3A_1455 = arith.cmpi ne, %convert_element_type3A_1453, %cond3A_1454 : i32
      scf.if %cond3A_1455 {
        %dma_wait3A = arith.constant 1 : i32
        %dma_wait3A_1636 = arith.constant 0 : i32
        %dma_wait3A_1637 = arith.constant 1 : i32
        %dma_wait3A_1638 = arith.constant 0 : i32
        %dma_wait3A_1639 = arith.constant 0 : i32
        %dma_wait3A_1640 = tpu.memref_slice %arg21[%dma_wait3A_1636, %dma_wait3A_1637, %dma_wait3A_1638, %dma_wait3A_1639] : memref<2x16x1x2048xf32, #tpu.memory_space<vmem>> -> memref<1x1x1x2048xf32, #tpu.memory_space<vmem>>
        %dma_wait3A_1641 = tpu.memref_squeeze %dma_wait3A_1640 : memref<1x1x1x2048xf32, #tpu.memory_space<vmem>> -> memref<1x2048xf32, #tpu.memory_space<vmem>>
        %dma_wait3A_1642 = arith.constant 0 : i32
        %dma_wait3A_1643 = tpu.memref_slice %arg20[%dma_wait3A, %dma_wait3A_1642] : memref<17x128xi32, #tpu.memory_space<vmem>> -> memref<1x1xi32, #tpu.memory_space<vmem>>
        %dma_wait3A_1644 = tpu.memref_squeeze %dma_wait3A_1643 : memref<1x1xi32, #tpu.memory_space<vmem>> -> memref<1xi32, #tpu.memory_space<vmem>>
        %dma_wait3A_1645 = arith.constant 0 : i32
        %dma_wait3A_1646 = arith.constant 0 : i32
        %dma_wait3A_1647 = tpu.memref_slice %arg4[%dma_wait3A_1645, %dma_wait3A_1646] : memref<1000x2048xf32, #tpu.memory_space<hbm>> -> memref<1000x2048xf32, #tpu.memory_space<hbm>>
        tpu.wait_indirect_dma semaphore(%arg26 : memref<!tpu.dma_semaphore, #tpu.memory_space<semaphore_mem>>) src(%dma_wait3A_1647 : memref<1000x2048xf32, #tpu.memory_space<hbm>>) dst(%dma_wait3A_1641 : memref<1x2048xf32, #tpu.memory_space<vmem>>)
      } else {
      }
      %shift_right_arithmetic3A_1456 = arith.constant 2 : i32
      %shift_right_arithmetic3A_1457 = arith.shrsi %get3A_1437, %shift_right_arithmetic3A_1456 : i32
      %and3A_1458 = arith.constant 1 : i32
      %and3A_1459 = arith.andi %shift_right_arithmetic3A_1457, %and3A_1458 : i32
      %ne3A_1460 = arith.constant 0 : i32
      %ne3A_1461 = arith.cmpi ne, %and3A_1459, %ne3A_1460 : i32
      %convert_element_type3A_1462 = arith.extui %ne3A_1461 : i1 to i32
      %cond3A_1463 = arith.constant 0 : i32
      %cond3A_1464 = arith.cmpi ne, %convert_element_type3A_1462, %cond3A_1463 : i32
      scf.if %cond3A_1464 {
        %dma_wait3A = arith.constant 2 : i32
        %dma_wait3A_1636 = arith.constant 0 : i32
        %dma_wait3A_1637 = arith.constant 2 : i32
        %dma_wait3A_1638 = arith.constant 0 : i32
        %dma_wait3A_1639 = arith.constant 0 : i32
        %dma_wait3A_1640 = tpu.memref_slice %arg21[%dma_wait3A_1636, %dma_wait3A_1637, %dma_wait3A_1638, %dma_wait3A_1639] : memref<2x16x1x2048xf32, #tpu.memory_space<vmem>> -> memref<1x1x1x2048xf32, #tpu.memory_space<vmem>>
        %dma_wait3A_1641 = tpu.memref_squeeze %dma_wait3A_1640 : memref<1x1x1x2048xf32, #tpu.memory_space<vmem>> -> memref<1x2048xf32, #tpu.memory_space<vmem>>
        %dma_wait3A_1642 = arith.constant 0 : i32
        %dma_wait3A_1643 = tpu.memref_slice %arg20[%dma_wait3A, %dma_wait3A_1642] : memref<17x128xi32, #tpu.memory_space<vmem>> -> memref<1x1xi32, #tpu.memory_space<vmem>>
        %dma_wait3A_1644 = tpu.memref_squeeze %dma_wait3A_1643 : memref<1x1xi32, #tpu.memory_space<vmem>> -> memref<1xi32, #tpu.memory_space<vmem>>
        %dma_wait3A_1645 = arith.constant 0 : i32
        %dma_wait3A_1646 = arith.constant 0 : i32
        %dma_wait3A_1647 = tpu.memref_slice %arg5[%dma_wait3A_1645, %dma_wait3A_1646] : memref<1000x2048xf32, #tpu.memory_space<hbm>> -> memref<1000x2048xf32, #tpu.memory_space<hbm>>
        tpu.wait_indirect_dma semaphore(%arg26 : memref<!tpu.dma_semaphore, #tpu.memory_space<semaphore_mem>>) src(%dma_wait3A_1647 : memref<1000x2048xf32, #tpu.memory_space<hbm>>) dst(%dma_wait3A_1641 : memref<1x2048xf32, #tpu.memory_space<vmem>>)
      } else {
      }
      %shift_right_arithmetic3A_1465 = arith.constant 3 : i32
      %shift_right_arithmetic3A_1466 = arith.shrsi %get3A_1437, %shift_right_arithmetic3A_1465 : i32
      %and3A_1467 = arith.constant 1 : i32
      %and3A_1468 = arith.andi %shift_right_arithmetic3A_1466, %and3A_1467 : i32
      %ne3A_1469 = arith.constant 0 : i32
      %ne3A_1470 = arith.cmpi ne, %and3A_1468, %ne3A_1469 : i32
      %convert_element_type3A_1471 = arith.extui %ne3A_1470 : i1 to i32
      %cond3A_1472 = arith.constant 0 : i32
      %cond3A_1473 = arith.cmpi ne, %convert_element_type3A_1471, %cond3A_1472 : i32
      scf.if %cond3A_1473 {
        %dma_wait3A = arith.constant 3 : i32
        %dma_wait3A_1636 = arith.constant 0 : i32
        %dma_wait3A_1637 = arith.constant 3 : i32
        %dma_wait3A_1638 = arith.constant 0 : i32
        %dma_wait3A_1639 = arith.constant 0 : i32
        %dma_wait3A_1640 = tpu.memref_slice %arg21[%dma_wait3A_1636, %dma_wait3A_1637, %dma_wait3A_1638, %dma_wait3A_1639] : memref<2x16x1x2048xf32, #tpu.memory_space<vmem>> -> memref<1x1x1x2048xf32, #tpu.memory_space<vmem>>
        %dma_wait3A_1641 = tpu.memref_squeeze %dma_wait3A_1640 : memref<1x1x1x2048xf32, #tpu.memory_space<vmem>> -> memref<1x2048xf32, #tpu.memory_space<vmem>>
        %dma_wait3A_1642 = arith.constant 0 : i32
        %dma_wait3A_1643 = tpu.memref_slice %arg20[%dma_wait3A, %dma_wait3A_1642] : memref<17x128xi32, #tpu.memory_space<vmem>> -> memref<1x1xi32, #tpu.memory_space<vmem>>
        %dma_wait3A_1644 = tpu.memref_squeeze %dma_wait3A_1643 : memref<1x1xi32, #tpu.memory_space<vmem>> -> memref<1xi32, #tpu.memory_space<vmem>>
        %dma_wait3A_1645 = arith.constant 0 : i32
        %dma_wait3A_1646 = arith.constant 0 : i32
        %dma_wait3A_1647 = tpu.memref_slice %arg6[%dma_wait3A_1645, %dma_wait3A_1646] : memref<1000x2048xf32, #tpu.memory_space<hbm>> -> memref<1000x2048xf32, #tpu.memory_space<hbm>>
        tpu.wait_indirect_dma semaphore(%arg26 : memref<!tpu.dma_semaphore, #tpu.memory_space<semaphore_mem>>) src(%dma_wait3A_1647 : memref<1000x2048xf32, #tpu.memory_space<hbm>>) dst(%dma_wait3A_1641 : memref<1x2048xf32, #tpu.memory_space<vmem>>)
      } else {
      }
      %shift_right_arithmetic3A_1474 = arith.constant 4 : i32
      %shift_right_arithmetic3A_1475 = arith.shrsi %get3A_1437, %shift_right_arithmetic3A_1474 : i32
      %and3A_1476 = arith.constant 1 : i32
      %and3A_1477 = arith.andi %shift_right_arithmetic3A_1475, %and3A_1476 : i32
      %ne3A_1478 = arith.constant 0 : i32
      %ne3A_1479 = arith.cmpi ne, %and3A_1477, %ne3A_1478 : i32
      %convert_element_type3A_1480 = arith.extui %ne3A_1479 : i1 to i32
      %cond3A_1481 = arith.constant 0 : i32
      %cond3A_1482 = arith.cmpi ne, %convert_element_type3A_1480, %cond3A_1481 : i32
      scf.if %cond3A_1482 {
        %dma_wait3A = arith.constant 4 : i32
        %dma_wait3A_1636 = arith.constant 0 : i32
        %dma_wait3A_1637 = arith.constant 4 : i32
        %dma_wait3A_1638 = arith.constant 0 : i32
        %dma_wait3A_1639 = arith.constant 0 : i32
        %dma_wait3A_1640 = tpu.memref_slice %arg21[%dma_wait3A_1636, %dma_wait3A_1637, %dma_wait3A_1638, %dma_wait3A_1639] : memref<2x16x1x2048xf32, #tpu.memory_space<vmem>> -> memref<1x1x1x2048xf32, #tpu.memory_space<vmem>>
        %dma_wait3A_1641 = tpu.memref_squeeze %dma_wait3A_1640 : memref<1x1x1x2048xf32, #tpu.memory_space<vmem>> -> memref<1x2048xf32, #tpu.memory_space<vmem>>
        %dma_wait3A_1642 = arith.constant 0 : i32
        %dma_wait3A_1643 = tpu.memref_slice %arg20[%dma_wait3A, %dma_wait3A_1642] : memref<17x128xi32, #tpu.memory_space<vmem>> -> memref<1x1xi32, #tpu.memory_space<vmem>>
        %dma_wait3A_1644 = tpu.memref_squeeze %dma_wait3A_1643 : memref<1x1xi32, #tpu.memory_space<vmem>> -> memref<1xi32, #tpu.memory_space<vmem>>
        %dma_wait3A_1645 = arith.constant 0 : i32
        %dma_wait3A_1646 = arith.constant 0 : i32
        %dma_wait3A_1647 = tpu.memref_slice %arg7[%dma_wait3A_1645, %dma_wait3A_1646] : memref<1000x2048xf32, #tpu.memory_space<hbm>> -> memref<1000x2048xf32, #tpu.memory_space<hbm>>
        tpu.wait_indirect_dma semaphore(%arg26 : memref<!tpu.dma_semaphore, #tpu.memory_space<semaphore_mem>>) src(%dma_wait3A_1647 : memref<1000x2048xf32, #tpu.memory_space<hbm>>) dst(%dma_wait3A_1641 : memref<1x2048xf32, #tpu.memory_space<vmem>>)
      } else {
      }
      %shift_right_arithmetic3A_1483 = arith.constant 5 : i32
      %shift_right_arithmetic3A_1484 = arith.shrsi %get3A_1437, %shift_right_arithmetic3A_1483 : i32
      %and3A_1485 = arith.constant 1 : i32
      %and3A_1486 = arith.andi %shift_right_arithmetic3A_1484, %and3A_1485 : i32
      %ne3A_1487 = arith.constant 0 : i32
      %ne3A_1488 = arith.cmpi ne, %and3A_1486, %ne3A_1487 : i32
      %convert_element_type3A_1489 = arith.extui %ne3A_1488 : i1 to i32
      %cond3A_1490 = arith.constant 0 : i32
      %cond3A_1491 = arith.cmpi ne, %convert_element_type3A_1489, %cond3A_1490 : i32
      scf.if %cond3A_1491 {
        %dma_wait3A = arith.constant 5 : i32
        %dma_wait3A_1636 = arith.constant 0 : i32
        %dma_wait3A_1637 = arith.constant 5 : i32
        %dma_wait3A_1638 = arith.constant 0 : i32
        %dma_wait3A_1639 = arith.constant 0 : i32
        %dma_wait3A_1640 = tpu.memref_slice %arg21[%dma_wait3A_1636, %dma_wait3A_1637, %dma_wait3A_1638, %dma_wait3A_1639] : memref<2x16x1x2048xf32, #tpu.memory_space<vmem>> -> memref<1x1x1x2048xf32, #tpu.memory_space<vmem>>
        %dma_wait3A_1641 = tpu.memref_squeeze %dma_wait3A_1640 : memref<1x1x1x2048xf32, #tpu.memory_space<vmem>> -> memref<1x2048xf32, #tpu.memory_space<vmem>>
        %dma_wait3A_1642 = arith.constant 0 : i32
        %dma_wait3A_1643 = tpu.memref_slice %arg20[%dma_wait3A, %dma_wait3A_1642] : memref<17x128xi32, #tpu.memory_space<vmem>> -> memref<1x1xi32, #tpu.memory_space<vmem>>
        %dma_wait3A_1644 = tpu.memref_squeeze %dma_wait3A_1643 : memref<1x1xi32, #tpu.memory_space<vmem>> -> memref<1xi32, #tpu.memory_space<vmem>>
        %dma_wait3A_1645 = arith.constant 0 : i32
        %dma_wait3A_1646 = arith.constant 0 : i32
        %dma_wait3A_1647 = tpu.memref_slice %arg8[%dma_wait3A_1645, %dma_wait3A_1646] : memref<1000x2048xf32, #tpu.memory_space<hbm>> -> memref<1000x2048xf32, #tpu.memory_space<hbm>>
        tpu.wait_indirect_dma semaphore(%arg26 : memref<!tpu.dma_semaphore, #tpu.memory_space<semaphore_mem>>) src(%dma_wait3A_1647 : memref<1000x2048xf32, #tpu.memory_space<hbm>>) dst(%dma_wait3A_1641 : memref<1x2048xf32, #tpu.memory_space<vmem>>)
      } else {
      }
      %shift_right_arithmetic3A_1492 = arith.constant 6 : i32
      %shift_right_arithmetic3A_1493 = arith.shrsi %get3A_1437, %shift_right_arithmetic3A_1492 : i32
      %and3A_1494 = arith.constant 1 : i32
      %and3A_1495 = arith.andi %shift_right_arithmetic3A_1493, %and3A_1494 : i32
      %ne3A_1496 = arith.constant 0 : i32
      %ne3A_1497 = arith.cmpi ne, %and3A_1495, %ne3A_1496 : i32
      %convert_element_type3A_1498 = arith.extui %ne3A_1497 : i1 to i32
      %cond3A_1499 = arith.constant 0 : i32
      %cond3A_1500 = arith.cmpi ne, %convert_element_type3A_1498, %cond3A_1499 : i32
      scf.if %cond3A_1500 {
        %dma_wait3A = arith.constant 6 : i32
        %dma_wait3A_1636 = arith.constant 0 : i32
        %dma_wait3A_1637 = arith.constant 6 : i32
        %dma_wait3A_1638 = arith.constant 0 : i32
        %dma_wait3A_1639 = arith.constant 0 : i32
        %dma_wait3A_1640 = tpu.memref_slice %arg21[%dma_wait3A_1636, %dma_wait3A_1637, %dma_wait3A_1638, %dma_wait3A_1639] : memref<2x16x1x2048xf32, #tpu.memory_space<vmem>> -> memref<1x1x1x2048xf32, #tpu.memory_space<vmem>>
        %dma_wait3A_1641 = tpu.memref_squeeze %dma_wait3A_1640 : memref<1x1x1x2048xf32, #tpu.memory_space<vmem>> -> memref<1x2048xf32, #tpu.memory_space<vmem>>
        %dma_wait3A_1642 = arith.constant 0 : i32
        %dma_wait3A_1643 = tpu.memref_slice %arg20[%dma_wait3A, %dma_wait3A_1642] : memref<17x128xi32, #tpu.memory_space<vmem>> -> memref<1x1xi32, #tpu.memory_space<vmem>>
        %dma_wait3A_1644 = tpu.memref_squeeze %dma_wait3A_1643 : memref<1x1xi32, #tpu.memory_space<vmem>> -> memref<1xi32, #tpu.memory_space<vmem>>
        %dma_wait3A_1645 = arith.constant 0 : i32
        %dma_wait3A_1646 = arith.constant 0 : i32
        %dma_wait3A_1647 = tpu.memref_slice %arg9[%dma_wait3A_1645, %dma_wait3A_1646] : memref<1000x2048xf32, #tpu.memory_space<hbm>> -> memref<1000x2048xf32, #tpu.memory_space<hbm>>
        tpu.wait_indirect_dma semaphore(%arg26 : memref<!tpu.dma_semaphore, #tpu.memory_space<semaphore_mem>>) src(%dma_wait3A_1647 : memref<1000x2048xf32, #tpu.memory_space<hbm>>) dst(%dma_wait3A_1641 : memref<1x2048xf32, #tpu.memory_space<vmem>>)
      } else {
      }
      %shift_right_arithmetic3A_1501 = arith.constant 7 : i32
      %shift_right_arithmetic3A_1502 = arith.shrsi %get3A_1437, %shift_right_arithmetic3A_1501 : i32
      %and3A_1503 = arith.constant 1 : i32
      %and3A_1504 = arith.andi %shift_right_arithmetic3A_1502, %and3A_1503 : i32
      %ne3A_1505 = arith.constant 0 : i32
      %ne3A_1506 = arith.cmpi ne, %and3A_1504, %ne3A_1505 : i32
      %convert_element_type3A_1507 = arith.extui %ne3A_1506 : i1 to i32
      %cond3A_1508 = arith.constant 0 : i32
      %cond3A_1509 = arith.cmpi ne, %convert_element_type3A_1507, %cond3A_1508 : i32
      scf.if %cond3A_1509 {
        %dma_wait3A = arith.constant 7 : i32
        %dma_wait3A_1636 = arith.constant 0 : i32
        %dma_wait3A_1637 = arith.constant 7 : i32
        %dma_wait3A_1638 = arith.constant 0 : i32
        %dma_wait3A_1639 = arith.constant 0 : i32
        %dma_wait3A_1640 = tpu.memref_slice %arg21[%dma_wait3A_1636, %dma_wait3A_1637, %dma_wait3A_1638, %dma_wait3A_1639] : memref<2x16x1x2048xf32, #tpu.memory_space<vmem>> -> memref<1x1x1x2048xf32, #tpu.memory_space<vmem>>
        %dma_wait3A_1641 = tpu.memref_squeeze %dma_wait3A_1640 : memref<1x1x1x2048xf32, #tpu.memory_space<vmem>> -> memref<1x2048xf32, #tpu.memory_space<vmem>>
        %dma_wait3A_1642 = arith.constant 0 : i32
        %dma_wait3A_1643 = tpu.memref_slice %arg20[%dma_wait3A, %dma_wait3A_1642] : memref<17x128xi32, #tpu.memory_space<vmem>> -> memref<1x1xi32, #tpu.memory_space<vmem>>
        %dma_wait3A_1644 = tpu.memref_squeeze %dma_wait3A_1643 : memref<1x1xi32, #tpu.memory_space<vmem>> -> memref<1xi32, #tpu.memory_space<vmem>>
        %dma_wait3A_1645 = arith.constant 0 : i32
        %dma_wait3A_1646 = arith.constant 0 : i32
        %dma_wait3A_1647 = tpu.memref_slice %arg10[%dma_wait3A_1645, %dma_wait3A_1646] : memref<1000x2048xf32, #tpu.memory_space<hbm>> -> memref<1000x2048xf32, #tpu.memory_space<hbm>>
        tpu.wait_indirect_dma semaphore(%arg26 : memref<!tpu.dma_semaphore, #tpu.memory_space<semaphore_mem>>) src(%dma_wait3A_1647 : memref<1000x2048xf32, #tpu.memory_space<hbm>>) dst(%dma_wait3A_1641 : memref<1x2048xf32, #tpu.memory_space<vmem>>)
      } else {
      }
      %shift_right_arithmetic3A_1510 = arith.constant 8 : i32
      %shift_right_arithmetic3A_1511 = arith.shrsi %get3A_1437, %shift_right_arithmetic3A_1510 : i32
      %and3A_1512 = arith.constant 1 : i32
      %and3A_1513 = arith.andi %shift_right_arithmetic3A_1511, %and3A_1512 : i32
      %ne3A_1514 = arith.constant 0 : i32
      %ne3A_1515 = arith.cmpi ne, %and3A_1513, %ne3A_1514 : i32
      %convert_element_type3A_1516 = arith.extui %ne3A_1515 : i1 to i32
      %cond3A_1517 = arith.constant 0 : i32
      %cond3A_1518 = arith.cmpi ne, %convert_element_type3A_1516, %cond3A_1517 : i32
      scf.if %cond3A_1518 {
        %dma_wait3A = arith.constant 8 : i32
        %dma_wait3A_1636 = arith.constant 0 : i32
        %dma_wait3A_1637 = arith.constant 8 : i32
        %dma_wait3A_1638 = arith.constant 0 : i32
        %dma_wait3A_1639 = arith.constant 0 : i32
        %dma_wait3A_1640 = tpu.memref_slice %arg21[%dma_wait3A_1636, %dma_wait3A_1637, %dma_wait3A_1638, %dma_wait3A_1639] : memref<2x16x1x2048xf32, #tpu.memory_space<vmem>> -> memref<1x1x1x2048xf32, #tpu.memory_space<vmem>>
        %dma_wait3A_1641 = tpu.memref_squeeze %dma_wait3A_1640 : memref<1x1x1x2048xf32, #tpu.memory_space<vmem>> -> memref<1x2048xf32, #tpu.memory_space<vmem>>
        %dma_wait3A_1642 = arith.constant 0 : i32
        %dma_wait3A_1643 = tpu.memref_slice %arg20[%dma_wait3A, %dma_wait3A_1642] : memref<17x128xi32, #tpu.memory_space<vmem>> -> memref<1x1xi32, #tpu.memory_space<vmem>>
        %dma_wait3A_1644 = tpu.memref_squeeze %dma_wait3A_1643 : memref<1x1xi32, #tpu.memory_space<vmem>> -> memref<1xi32, #tpu.memory_space<vmem>>
        %dma_wait3A_1645 = arith.constant 0 : i32
        %dma_wait3A_1646 = arith.constant 0 : i32
        %dma_wait3A_1647 = tpu.memref_slice %arg11[%dma_wait3A_1645, %dma_wait3A_1646] : memref<1000x2048xf32, #tpu.memory_space<hbm>> -> memref<1000x2048xf32, #tpu.memory_space<hbm>>
        tpu.wait_indirect_dma semaphore(%arg26 : memref<!tpu.dma_semaphore, #tpu.memory_space<semaphore_mem>>) src(%dma_wait3A_1647 : memref<1000x2048xf32, #tpu.memory_space<hbm>>) dst(%dma_wait3A_1641 : memref<1x2048xf32, #tpu.memory_space<vmem>>)
      } else {
      }
      %shift_right_arithmetic3A_1519 = arith.constant 9 : i32
      %shift_right_arithmetic3A_1520 = arith.shrsi %get3A_1437, %shift_right_arithmetic3A_1519 : i32
      %and3A_1521 = arith.constant 1 : i32
      %and3A_1522 = arith.andi %shift_right_arithmetic3A_1520, %and3A_1521 : i32
      %ne3A_1523 = arith.constant 0 : i32
      %ne3A_1524 = arith.cmpi ne, %and3A_1522, %ne3A_1523 : i32
      %convert_element_type3A_1525 = arith.extui %ne3A_1524 : i1 to i32
      %cond3A_1526 = arith.constant 0 : i32
      %cond3A_1527 = arith.cmpi ne, %convert_element_type3A_1525, %cond3A_1526 : i32
      scf.if %cond3A_1527 {
        %dma_wait3A = arith.constant 9 : i32
        %dma_wait3A_1636 = arith.constant 0 : i32
        %dma_wait3A_1637 = arith.constant 9 : i32
        %dma_wait3A_1638 = arith.constant 0 : i32
        %dma_wait3A_1639 = arith.constant 0 : i32
        %dma_wait3A_1640 = tpu.memref_slice %arg21[%dma_wait3A_1636, %dma_wait3A_1637, %dma_wait3A_1638, %dma_wait3A_1639] : memref<2x16x1x2048xf32, #tpu.memory_space<vmem>> -> memref<1x1x1x2048xf32, #tpu.memory_space<vmem>>
        %dma_wait3A_1641 = tpu.memref_squeeze %dma_wait3A_1640 : memref<1x1x1x2048xf32, #tpu.memory_space<vmem>> -> memref<1x2048xf32, #tpu.memory_space<vmem>>
        %dma_wait3A_1642 = arith.constant 0 : i32
        %dma_wait3A_1643 = tpu.memref_slice %arg20[%dma_wait3A, %dma_wait3A_1642] : memref<17x128xi32, #tpu.memory_space<vmem>> -> memref<1x1xi32, #tpu.memory_space<vmem>>
        %dma_wait3A_1644 = tpu.memref_squeeze %dma_wait3A_1643 : memref<1x1xi32, #tpu.memory_space<vmem>> -> memref<1xi32, #tpu.memory_space<vmem>>
        %dma_wait3A_1645 = arith.constant 0 : i32
        %dma_wait3A_1646 = arith.constant 0 : i32
        %dma_wait3A_1647 = tpu.memref_slice %arg12[%dma_wait3A_1645, %dma_wait3A_1646] : memref<1000x2048xf32, #tpu.memory_space<hbm>> -> memref<1000x2048xf32, #tpu.memory_space<hbm>>
        tpu.wait_indirect_dma semaphore(%arg26 : memref<!tpu.dma_semaphore, #tpu.memory_space<semaphore_mem>>) src(%dma_wait3A_1647 : memref<1000x2048xf32, #tpu.memory_space<hbm>>) dst(%dma_wait3A_1641 : memref<1x2048xf32, #tpu.memory_space<vmem>>)
      } else {
      }
      %shift_right_arithmetic3A_1528 = arith.constant 10 : i32
      %shift_right_arithmetic3A_1529 = arith.shrsi %get3A_1437, %shift_right_arithmetic3A_1528 : i32
      %and3A_1530 = arith.constant 1 : i32
      %and3A_1531 = arith.andi %shift_right_arithmetic3A_1529, %and3A_1530 : i32
      %ne3A_1532 = arith.constant 0 : i32
      %ne3A_1533 = arith.cmpi ne, %and3A_1531, %ne3A_1532 : i32
      %convert_element_type3A_1534 = arith.extui %ne3A_1533 : i1 to i32
      %cond3A_1535 = arith.constant 0 : i32
      %cond3A_1536 = arith.cmpi ne, %convert_element_type3A_1534, %cond3A_1535 : i32
      scf.if %cond3A_1536 {
        %dma_wait3A = arith.constant 10 : i32
        %dma_wait3A_1636 = arith.constant 0 : i32
        %dma_wait3A_1637 = arith.constant 10 : i32
        %dma_wait3A_1638 = arith.constant 0 : i32
        %dma_wait3A_1639 = arith.constant 0 : i32
        %dma_wait3A_1640 = tpu.memref_slice %arg21[%dma_wait3A_1636, %dma_wait3A_1637, %dma_wait3A_1638, %dma_wait3A_1639] : memref<2x16x1x2048xf32, #tpu.memory_space<vmem>> -> memref<1x1x1x2048xf32, #tpu.memory_space<vmem>>
        %dma_wait3A_1641 = tpu.memref_squeeze %dma_wait3A_1640 : memref<1x1x1x2048xf32, #tpu.memory_space<vmem>> -> memref<1x2048xf32, #tpu.memory_space<vmem>>
        %dma_wait3A_1642 = arith.constant 0 : i32
        %dma_wait3A_1643 = tpu.memref_slice %arg20[%dma_wait3A, %dma_wait3A_1642] : memref<17x128xi32, #tpu.memory_space<vmem>> -> memref<1x1xi32, #tpu.memory_space<vmem>>
        %dma_wait3A_1644 = tpu.memref_squeeze %dma_wait3A_1643 : memref<1x1xi32, #tpu.memory_space<vmem>> -> memref<1xi32, #tpu.memory_space<vmem>>
        %dma_wait3A_1645 = arith.constant 0 : i32
        %dma_wait3A_1646 = arith.constant 0 : i32
        %dma_wait3A_1647 = tpu.memref_slice %arg13[%dma_wait3A_1645, %dma_wait3A_1646] : memref<1000x2048xf32, #tpu.memory_space<hbm>> -> memref<1000x2048xf32, #tpu.memory_space<hbm>>
        tpu.wait_indirect_dma semaphore(%arg26 : memref<!tpu.dma_semaphore, #tpu.memory_space<semaphore_mem>>) src(%dma_wait3A_1647 : memref<1000x2048xf32, #tpu.memory_space<hbm>>) dst(%dma_wait3A_1641 : memref<1x2048xf32, #tpu.memory_space<vmem>>)
      } else {
      }
      %shift_right_arithmetic3A_1537 = arith.constant 11 : i32
      %shift_right_arithmetic3A_1538 = arith.shrsi %get3A_1437, %shift_right_arithmetic3A_1537 : i32
      %and3A_1539 = arith.constant 1 : i32
      %and3A_1540 = arith.andi %shift_right_arithmetic3A_1538, %and3A_1539 : i32
      %ne3A_1541 = arith.constant 0 : i32
      %ne3A_1542 = arith.cmpi ne, %and3A_1540, %ne3A_1541 : i32
      %convert_element_type3A_1543 = arith.extui %ne3A_1542 : i1 to i32
      %cond3A_1544 = arith.constant 0 : i32
      %cond3A_1545 = arith.cmpi ne, %convert_element_type3A_1543, %cond3A_1544 : i32
      scf.if %cond3A_1545 {
        %dma_wait3A = arith.constant 11 : i32
        %dma_wait3A_1636 = arith.constant 0 : i32
        %dma_wait3A_1637 = arith.constant 11 : i32
        %dma_wait3A_1638 = arith.constant 0 : i32
        %dma_wait3A_1639 = arith.constant 0 : i32
        %dma_wait3A_1640 = tpu.memref_slice %arg21[%dma_wait3A_1636, %dma_wait3A_1637, %dma_wait3A_1638, %dma_wait3A_1639] : memref<2x16x1x2048xf32, #tpu.memory_space<vmem>> -> memref<1x1x1x2048xf32, #tpu.memory_space<vmem>>
        %dma_wait3A_1641 = tpu.memref_squeeze %dma_wait3A_1640 : memref<1x1x1x2048xf32, #tpu.memory_space<vmem>> -> memref<1x2048xf32, #tpu.memory_space<vmem>>
        %dma_wait3A_1642 = arith.constant 0 : i32
        %dma_wait3A_1643 = tpu.memref_slice %arg20[%dma_wait3A, %dma_wait3A_1642] : memref<17x128xi32, #tpu.memory_space<vmem>> -> memref<1x1xi32, #tpu.memory_space<vmem>>
        %dma_wait3A_1644 = tpu.memref_squeeze %dma_wait3A_1643 : memref<1x1xi32, #tpu.memory_space<vmem>> -> memref<1xi32, #tpu.memory_space<vmem>>
        %dma_wait3A_1645 = arith.constant 0 : i32
        %dma_wait3A_1646 = arith.constant 0 : i32
        %dma_wait3A_1647 = tpu.memref_slice %arg14[%dma_wait3A_1645, %dma_wait3A_1646] : memref<1000x2048xf32, #tpu.memory_space<hbm>> -> memref<1000x2048xf32, #tpu.memory_space<hbm>>
        tpu.wait_indirect_dma semaphore(%arg26 : memref<!tpu.dma_semaphore, #tpu.memory_space<semaphore_mem>>) src(%dma_wait3A_1647 : memref<1000x2048xf32, #tpu.memory_space<hbm>>) dst(%dma_wait3A_1641 : memref<1x2048xf32, #tpu.memory_space<vmem>>)
      } else {
      }
      %shift_right_arithmetic3A_1546 = arith.constant 12 : i32
      %shift_right_arithmetic3A_1547 = arith.shrsi %get3A_1437, %shift_right_arithmetic3A_1546 : i32
      %and3A_1548 = arith.constant 1 : i32
      %and3A_1549 = arith.andi %shift_right_arithmetic3A_1547, %and3A_1548 : i32
      %ne3A_1550 = arith.constant 0 : i32
      %ne3A_1551 = arith.cmpi ne, %and3A_1549, %ne3A_1550 : i32
      %convert_element_type3A_1552 = arith.extui %ne3A_1551 : i1 to i32
      %cond3A_1553 = arith.constant 0 : i32
      %cond3A_1554 = arith.cmpi ne, %convert_element_type3A_1552, %cond3A_1553 : i32
      scf.if %cond3A_1554 {
        %dma_wait3A = arith.constant 12 : i32
        %dma_wait3A_1636 = arith.constant 0 : i32
        %dma_wait3A_1637 = arith.constant 12 : i32
        %dma_wait3A_1638 = arith.constant 0 : i32
        %dma_wait3A_1639 = arith.constant 0 : i32
        %dma_wait3A_1640 = tpu.memref_slice %arg21[%dma_wait3A_1636, %dma_wait3A_1637, %dma_wait3A_1638, %dma_wait3A_1639] : memref<2x16x1x2048xf32, #tpu.memory_space<vmem>> -> memref<1x1x1x2048xf32, #tpu.memory_space<vmem>>
        %dma_wait3A_1641 = tpu.memref_squeeze %dma_wait3A_1640 : memref<1x1x1x2048xf32, #tpu.memory_space<vmem>> -> memref<1x2048xf32, #tpu.memory_space<vmem>>
        %dma_wait3A_1642 = arith.constant 0 : i32
        %dma_wait3A_1643 = tpu.memref_slice %arg20[%dma_wait3A, %dma_wait3A_1642] : memref<17x128xi32, #tpu.memory_space<vmem>> -> memref<1x1xi32, #tpu.memory_space<vmem>>
        %dma_wait3A_1644 = tpu.memref_squeeze %dma_wait3A_1643 : memref<1x1xi32, #tpu.memory_space<vmem>> -> memref<1xi32, #tpu.memory_space<vmem>>
        %dma_wait3A_1645 = arith.constant 0 : i32
        %dma_wait3A_1646 = arith.constant 0 : i32
        %dma_wait3A_1647 = tpu.memref_slice %arg15[%dma_wait3A_1645, %dma_wait3A_1646] : memref<1000x2048xf32, #tpu.memory_space<hbm>> -> memref<1000x2048xf32, #tpu.memory_space<hbm>>
        tpu.wait_indirect_dma semaphore(%arg26 : memref<!tpu.dma_semaphore, #tpu.memory_space<semaphore_mem>>) src(%dma_wait3A_1647 : memref<1000x2048xf32, #tpu.memory_space<hbm>>) dst(%dma_wait3A_1641 : memref<1x2048xf32, #tpu.memory_space<vmem>>)
      } else {
      }
      %shift_right_arithmetic3A_1555 = arith.constant 13 : i32
      %shift_right_arithmetic3A_1556 = arith.shrsi %get3A_1437, %shift_right_arithmetic3A_1555 : i32
      %and3A_1557 = arith.constant 1 : i32
      %and3A_1558 = arith.andi %shift_right_arithmetic3A_1556, %and3A_1557 : i32
      %ne3A_1559 = arith.constant 0 : i32
      %ne3A_1560 = arith.cmpi ne, %and3A_1558, %ne3A_1559 : i32
      %convert_element_type3A_1561 = arith.extui %ne3A_1560 : i1 to i32
      %cond3A_1562 = arith.constant 0 : i32
      %cond3A_1563 = arith.cmpi ne, %convert_element_type3A_1561, %cond3A_1562 : i32
      scf.if %cond3A_1563 {
        %dma_wait3A = arith.constant 13 : i32
        %dma_wait3A_1636 = arith.constant 0 : i32
        %dma_wait3A_1637 = arith.constant 13 : i32
        %dma_wait3A_1638 = arith.constant 0 : i32
        %dma_wait3A_1639 = arith.constant 0 : i32
        %dma_wait3A_1640 = tpu.memref_slice %arg21[%dma_wait3A_1636, %dma_wait3A_1637, %dma_wait3A_1638, %dma_wait3A_1639] : memref<2x16x1x2048xf32, #tpu.memory_space<vmem>> -> memref<1x1x1x2048xf32, #tpu.memory_space<vmem>>
        %dma_wait3A_1641 = tpu.memref_squeeze %dma_wait3A_1640 : memref<1x1x1x2048xf32, #tpu.memory_space<vmem>> -> memref<1x2048xf32, #tpu.memory_space<vmem>>
        %dma_wait3A_1642 = arith.constant 0 : i32
        %dma_wait3A_1643 = tpu.memref_slice %arg20[%dma_wait3A, %dma_wait3A_1642] : memref<17x128xi32, #tpu.memory_space<vmem>> -> memref<1x1xi32, #tpu.memory_space<vmem>>
        %dma_wait3A_1644 = tpu.memref_squeeze %dma_wait3A_1643 : memref<1x1xi32, #tpu.memory_space<vmem>> -> memref<1xi32, #tpu.memory_space<vmem>>
        %dma_wait3A_1645 = arith.constant 0 : i32
        %dma_wait3A_1646 = arith.constant 0 : i32
        %dma_wait3A_1647 = tpu.memref_slice %arg16[%dma_wait3A_1645, %dma_wait3A_1646] : memref<1000x2048xf32, #tpu.memory_space<hbm>> -> memref<1000x2048xf32, #tpu.memory_space<hbm>>
        tpu.wait_indirect_dma semaphore(%arg26 : memref<!tpu.dma_semaphore, #tpu.memory_space<semaphore_mem>>) src(%dma_wait3A_1647 : memref<1000x2048xf32, #tpu.memory_space<hbm>>) dst(%dma_wait3A_1641 : memref<1x2048xf32, #tpu.memory_space<vmem>>)
      } else {
      }
      %shift_right_arithmetic3A_1564 = arith.constant 14 : i32
      %shift_right_arithmetic3A_1565 = arith.shrsi %get3A_1437, %shift_right_arithmetic3A_1564 : i32
      %and3A_1566 = arith.constant 1 : i32
      %and3A_1567 = arith.andi %shift_right_arithmetic3A_1565, %and3A_1566 : i32
      %ne3A_1568 = arith.constant 0 : i32
      %ne3A_1569 = arith.cmpi ne, %and3A_1567, %ne3A_1568 : i32
      %convert_element_type3A_1570 = arith.extui %ne3A_1569 : i1 to i32
      %cond3A_1571 = arith.constant 0 : i32
      %cond3A_1572 = arith.cmpi ne, %convert_element_type3A_1570, %cond3A_1571 : i32
      scf.if %cond3A_1572 {
        %dma_wait3A = arith.constant 14 : i32
        %dma_wait3A_1636 = arith.constant 0 : i32
        %dma_wait3A_1637 = arith.constant 14 : i32
        %dma_wait3A_1638 = arith.constant 0 : i32
        %dma_wait3A_1639 = arith.constant 0 : i32
        %dma_wait3A_1640 = tpu.memref_slice %arg21[%dma_wait3A_1636, %dma_wait3A_1637, %dma_wait3A_1638, %dma_wait3A_1639] : memref<2x16x1x2048xf32, #tpu.memory_space<vmem>> -> memref<1x1x1x2048xf32, #tpu.memory_space<vmem>>
        %dma_wait3A_1641 = tpu.memref_squeeze %dma_wait3A_1640 : memref<1x1x1x2048xf32, #tpu.memory_space<vmem>> -> memref<1x2048xf32, #tpu.memory_space<vmem>>
        %dma_wait3A_1642 = arith.constant 0 : i32
        %dma_wait3A_1643 = tpu.memref_slice %arg20[%dma_wait3A, %dma_wait3A_1642] : memref<17x128xi32, #tpu.memory_space<vmem>> -> memref<1x1xi32, #tpu.memory_space<vmem>>
        %dma_wait3A_1644 = tpu.memref_squeeze %dma_wait3A_1643 : memref<1x1xi32, #tpu.memory_space<vmem>> -> memref<1xi32, #tpu.memory_space<vmem>>
        %dma_wait3A_1645 = arith.constant 0 : i32
        %dma_wait3A_1646 = arith.constant 0 : i32
        %dma_wait3A_1647 = tpu.memref_slice %arg17[%dma_wait3A_1645, %dma_wait3A_1646] : memref<1000x2048xf32, #tpu.memory_space<hbm>> -> memref<1000x2048xf32, #tpu.memory_space<hbm>>
        tpu.wait_indirect_dma semaphore(%arg26 : memref<!tpu.dma_semaphore, #tpu.memory_space<semaphore_mem>>) src(%dma_wait3A_1647 : memref<1000x2048xf32, #tpu.memory_space<hbm>>) dst(%dma_wait3A_1641 : memref<1x2048xf32, #tpu.memory_space<vmem>>)
      } else {
      }
      %shift_right_arithmetic3A_1573 = arith.constant 15 : i32
      %shift_right_arithmetic3A_1574 = arith.shrsi %get3A_1437, %shift_right_arithmetic3A_1573 : i32
      %and3A_1575 = arith.constant 1 : i32
      %and3A_1576 = arith.andi %shift_right_arithmetic3A_1574, %and3A_1575 : i32
      %ne3A_1577 = arith.constant 0 : i32
      %ne3A_1578 = arith.cmpi ne, %and3A_1576, %ne3A_1577 : i32
      %convert_element_type3A_1579 = arith.extui %ne3A_1578 : i1 to i32
      %cond3A_1580 = arith.constant 0 : i32
      %cond3A_1581 = arith.cmpi ne, %convert_element_type3A_1579, %cond3A_1580 : i32
      scf.if %cond3A_1581 {
        %dma_wait3A = arith.constant 15 : i32
        %dma_wait3A_1636 = arith.constant 0 : i32
        %dma_wait3A_1637 = arith.constant 15 : i32
        %dma_wait3A_1638 = arith.constant 0 : i32
        %dma_wait3A_1639 = arith.constant 0 : i32
        %dma_wait3A_1640 = tpu.memref_slice %arg21[%dma_wait3A_1636, %dma_wait3A_1637, %dma_wait3A_1638, %dma_wait3A_1639] : memref<2x16x1x2048xf32, #tpu.memory_space<vmem>> -> memref<1x1x1x2048xf32, #tpu.memory_space<vmem>>
        %dma_wait3A_1641 = tpu.memref_squeeze %dma_wait3A_1640 : memref<1x1x1x2048xf32, #tpu.memory_space<vmem>> -> memref<1x2048xf32, #tpu.memory_space<vmem>>
        %dma_wait3A_1642 = arith.constant 0 : i32
        %dma_wait3A_1643 = tpu.memref_slice %arg20[%dma_wait3A, %dma_wait3A_1642] : memref<17x128xi32, #tpu.memory_space<vmem>> -> memref<1x1xi32, #tpu.memory_space<vmem>>
        %dma_wait3A_1644 = tpu.memref_squeeze %dma_wait3A_1643 : memref<1x1xi32, #tpu.memory_space<vmem>> -> memref<1xi32, #tpu.memory_space<vmem>>
        %dma_wait3A_1645 = arith.constant 0 : i32
        %dma_wait3A_1646 = arith.constant 0 : i32
        %dma_wait3A_1647 = tpu.memref_slice %arg18[%dma_wait3A_1645, %dma_wait3A_1646] : memref<1000x2048xf32, #tpu.memory_space<hbm>> -> memref<1000x2048xf32, #tpu.memory_space<hbm>>
        tpu.wait_indirect_dma semaphore(%arg26 : memref<!tpu.dma_semaphore, #tpu.memory_space<semaphore_mem>>) src(%dma_wait3A_1647 : memref<1000x2048xf32, #tpu.memory_space<hbm>>) dst(%dma_wait3A_1641 : memref<1x2048xf32, #tpu.memory_space<vmem>>)
      } else {
      }
      %get3A_1582 = arith.constant 0 : i32
      %get3A_1583 = arith.index_cast %get3A_1582 : i32 to index
      %get3A_1584 = memref.load %arg24[%get3A_1583] : memref<16xi32, #tpu.memory_space<smem>>
      %get3A_1585 = arith.constant 1 : i32
      %get3A_1586 = arith.index_cast %get3A_1585 : i32 to index
      %get3A_1587 = memref.load %arg24[%get3A_1586] : memref<16xi32, #tpu.memory_space<smem>>
      %get3A_1588 = arith.constant 2 : i32
      %get3A_1589 = arith.index_cast %get3A_1588 : i32 to index
      %get3A_1590 = memref.load %arg24[%get3A_1589] : memref<16xi32, #tpu.memory_space<smem>>
      %get3A_1591 = arith.constant 3 : i32
      %get3A_1592 = arith.index_cast %get3A_1591 : i32 to index
      %get3A_1593 = memref.load %arg24[%get3A_1592] : memref<16xi32, #tpu.memory_space<smem>>
      %get3A_1594 = arith.constant 4 : i32
      %get3A_1595 = arith.index_cast %get3A_1594 : i32 to index
      %get3A_1596 = memref.load %arg24[%get3A_1595] : memref<16xi32, #tpu.memory_space<smem>>
      %get3A_1597 = arith.constant 5 : i32
      %get3A_1598 = arith.index_cast %get3A_1597 : i32 to index
      %get3A_1599 = memref.load %arg24[%get3A_1598] : memref<16xi32, #tpu.memory_space<smem>>
      %get3A_1600 = arith.constant 6 : i32
      %get3A_1601 = arith.index_cast %get3A_1600 : i32 to index
      %get3A_1602 = memref.load %arg24[%get3A_1601] : memref<16xi32, #tpu.memory_space<smem>>
      %get3A_1603 = arith.constant 7 : i32
      %get3A_1604 = arith.index_cast %get3A_1603 : i32 to index
      %get3A_1605 = memref.load %arg24[%get3A_1604] : memref<16xi32, #tpu.memory_space<smem>>
      %get3A_1606 = arith.constant 8 : i32
      %get3A_1607 = arith.index_cast %get3A_1606 : i32 to index
      %get3A_1608 = memref.load %arg24[%get3A_1607] : memref<16xi32, #tpu.memory_space<smem>>
      %get3A_1609 = arith.constant 9 : i32
      %get3A_1610 = arith.index_cast %get3A_1609 : i32 to index
      %get3A_1611 = memref.load %arg24[%get3A_1610] : memref<16xi32, #tpu.memory_space<smem>>
      %get3A_1612 = arith.constant 10 : i32
      %get3A_1613 = arith.index_cast %get3A_1612 : i32 to index
      %get3A_1614 = memref.load %arg24[%get3A_1613] : memref<16xi32, #tpu.memory_space<smem>>
      %get3A_1615 = arith.constant 11 : i32
      %get3A_1616 = arith.index_cast %get3A_1615 : i32 to index
      %get3A_1617 = memref.load %arg24[%get3A_1616] : memref<16xi32, #tpu.memory_space<smem>>
      %get3A_1618 = arith.constant 12 : i32
      %get3A_1619 = arith.index_cast %get3A_1618 : i32 to index
      %get3A_1620 = memref.load %arg24[%get3A_1619] : memref<16xi32, #tpu.memory_space<smem>>
      %get3A_1621 = arith.constant 13 : i32
      %get3A_1622 = arith.index_cast %get3A_1621 : i32 to index
      %get3A_1623 = memref.load %arg24[%get3A_1622] : memref<16xi32, #tpu.memory_space<smem>>
      %get3A_1624 = arith.constant 14 : i32
      %get3A_1625 = arith.index_cast %get3A_1624 : i32 to index
      %get3A_1626 = memref.load %arg24[%get3A_1625] : memref<16xi32, #tpu.memory_space<smem>>
      %get3A_1627 = arith.constant 15 : i32
      %get3A_1628 = arith.index_cast %get3A_1627 : i32 to index
      %get3A_1629 = memref.load %arg24[%get3A_1628] : memref<16xi32, #tpu.memory_space<smem>>
      %scan3A_1630 = arith.constant 0 : i32
      %scan3A_1631 = arith.constant 0 : i32
      %scan3A_1632 = arith.constant 32 : i32
      %scan3A_1633 = arith.addi %scan3A_1631, %scan3A_1632 : i32
      %scan3A_1634 = arith.constant 1 : i32
      scf.for %scan3A_1636 = %scan3A_1631 to %scan3A_1633 step %scan3A_1634  : i32 {
        %mul3A_1637 = arith.constant 64 : i32
        %mul3A_1638 = arith.muli %scan3A_1636, %mul3A_1637 : i32
        %add3A_1639 = arith.constant 0 : i32
        %add3A_1640 = arith.addi %mul3A_1638, %add3A_1639 : i32
        %get3A_1641 = arith.constant 0 : i32
        %get3A_1642 = arith.constant 0 : i32
        %get3A_1643 = arith.index_cast %get3A_1584 : i32 to index
        %get3A_1644 = arith.index_cast %get3A_1641 : i32 to index
        %get3A_1645 = arith.index_cast %get3A_1642 : i32 to index
        %get3A_1646 = arith.index_cast %add3A_1640 : i32 to index
        %get3A_1647 = tpu.vector_load %arg21[%get3A_1643, %get3A_1644, %get3A_1645, %get3A_1646] {strides = array<i32>} : memref<2x16x1x2048xf32, #tpu.memory_space<vmem>>, vector<1x1x1x16xf32>,
        %get3A_1648 = vector.shape_cast %get3A_1647 : vector<1x1x1x16xf32> to vector<16xf32>
        %get3A_1649 = arith.constant 1 : i32
        %get3A_1650 = arith.constant 0 : i32
        %get3A_1651 = arith.index_cast %get3A_1587 : i32 to index
        %get3A_1652 = arith.index_cast %get3A_1649 : i32 to index
        %get3A_1653 = arith.index_cast %get3A_1650 : i32 to index
        %get3A_1654 = arith.index_cast %add3A_1640 : i32 to index
        %get3A_1655 = tpu.vector_load %arg21[%get3A_1651, %get3A_1652, %get3A_1653, %get3A_1654] {strides = array<i32>} : memref<2x16x1x2048xf32, #tpu.memory_space<vmem>>, vector<1x1x1x16xf32>,
        %get3A_1656 = vector.shape_cast %get3A_1655 : vector<1x1x1x16xf32> to vector<16xf32>
        %get3A_1657 = arith.constant 2 : i32
        %get3A_1658 = arith.constant 0 : i32
        %get3A_1659 = arith.index_cast %get3A_1590 : i32 to index
        %get3A_1660 = arith.index_cast %get3A_1657 : i32 to index
        %get3A_1661 = arith.index_cast %get3A_1658 : i32 to index
        %get3A_1662 = arith.index_cast %add3A_1640 : i32 to index
        %get3A_1663 = tpu.vector_load %arg21[%get3A_1659, %get3A_1660, %get3A_1661, %get3A_1662] {strides = array<i32>} : memref<2x16x1x2048xf32, #tpu.memory_space<vmem>>, vector<1x1x1x16xf32>,
        %get3A_1664 = vector.shape_cast %get3A_1663 : vector<1x1x1x16xf32> to vector<16xf32>
        %get3A_1665 = arith.constant 3 : i32
        %get3A_1666 = arith.constant 0 : i32
        %get3A_1667 = arith.index_cast %get3A_1593 : i32 to index
        %get3A_1668 = arith.index_cast %get3A_1665 : i32 to index
        %get3A_1669 = arith.index_cast %get3A_1666 : i32 to index
        %get3A_1670 = arith.index_cast %add3A_1640 : i32 to index
        %get3A_1671 = tpu.vector_load %arg21[%get3A_1667, %get3A_1668, %get3A_1669, %get3A_1670] {strides = array<i32>} : memref<2x16x1x2048xf32, #tpu.memory_space<vmem>>, vector<1x1x1x16xf32>,
        %get3A_1672 = vector.shape_cast %get3A_1671 : vector<1x1x1x16xf32> to vector<16xf32>
        %get3A_1673 = arith.constant 4 : i32
        %get3A_1674 = arith.constant 0 : i32
        %get3A_1675 = arith.index_cast %get3A_1596 : i32 to index
        %get3A_1676 = arith.index_cast %get3A_1673 : i32 to index
        %get3A_1677 = arith.index_cast %get3A_1674 : i32 to index
        %get3A_1678 = arith.index_cast %add3A_1640 : i32 to index
        %get3A_1679 = tpu.vector_load %arg21[%get3A_1675, %get3A_1676, %get3A_1677, %get3A_1678] {strides = array<i32>} : memref<2x16x1x2048xf32, #tpu.memory_space<vmem>>, vector<1x1x1x16xf32>,
        %get3A_1680 = vector.shape_cast %get3A_1679 : vector<1x1x1x16xf32> to vector<16xf32>
        %get3A_1681 = arith.constant 5 : i32
        %get3A_1682 = arith.constant 0 : i32
        %get3A_1683 = arith.index_cast %get3A_1599 : i32 to index
        %get3A_1684 = arith.index_cast %get3A_1681 : i32 to index
        %get3A_1685 = arith.index_cast %get3A_1682 : i32 to index
        %get3A_1686 = arith.index_cast %add3A_1640 : i32 to index
        %get3A_1687 = tpu.vector_load %arg21[%get3A_1683, %get3A_1684, %get3A_1685, %get3A_1686] {strides = array<i32>} : memref<2x16x1x2048xf32, #tpu.memory_space<vmem>>, vector<1x1x1x16xf32>,
        %get3A_1688 = vector.shape_cast %get3A_1687 : vector<1x1x1x16xf32> to vector<16xf32>
        %get3A_1689 = arith.constant 6 : i32
        %get3A_1690 = arith.constant 0 : i32
        %get3A_1691 = arith.index_cast %get3A_1602 : i32 to index
        %get3A_1692 = arith.index_cast %get3A_1689 : i32 to index
        %get3A_1693 = arith.index_cast %get3A_1690 : i32 to index
        %get3A_1694 = arith.index_cast %add3A_1640 : i32 to index
        %get3A_1695 = tpu.vector_load %arg21[%get3A_1691, %get3A_1692, %get3A_1693, %get3A_1694] {strides = array<i32>} : memref<2x16x1x2048xf32, #tpu.memory_space<vmem>>, vector<1x1x1x16xf32>,
        %get3A_1696 = vector.shape_cast %get3A_1695 : vector<1x1x1x16xf32> to vector<16xf32>
        %get3A_1697 = arith.constant 7 : i32
        %get3A_1698 = arith.constant 0 : i32
        %get3A_1699 = arith.index_cast %get3A_1605 : i32 to index
        %get3A_1700 = arith.index_cast %get3A_1697 : i32 to index
        %get3A_1701 = arith.index_cast %get3A_1698 : i32 to index
        %get3A_1702 = arith.index_cast %add3A_1640 : i32 to index
        %get3A_1703 = tpu.vector_load %arg21[%get3A_1699, %get3A_1700, %get3A_1701, %get3A_1702] {strides = array<i32>} : memref<2x16x1x2048xf32, #tpu.memory_space<vmem>>, vector<1x1x1x16xf32>,
        %get3A_1704 = vector.shape_cast %get3A_1703 : vector<1x1x1x16xf32> to vector<16xf32>
        %get3A_1705 = arith.constant 8 : i32
        %get3A_1706 = arith.constant 0 : i32
        %get3A_1707 = arith.index_cast %get3A_1608 : i32 to index
        %get3A_1708 = arith.index_cast %get3A_1705 : i32 to index
        %get3A_1709 = arith.index_cast %get3A_1706 : i32 to index
        %get3A_1710 = arith.index_cast %add3A_1640 : i32 to index
        %get3A_1711 = tpu.vector_load %arg21[%get3A_1707, %get3A_1708, %get3A_1709, %get3A_1710] {strides = array<i32>} : memref<2x16x1x2048xf32, #tpu.memory_space<vmem>>, vector<1x1x1x16xf32>,
        %get3A_1712 = vector.shape_cast %get3A_1711 : vector<1x1x1x16xf32> to vector<16xf32>
        %get3A_1713 = arith.constant 9 : i32
        %get3A_1714 = arith.constant 0 : i32
        %get3A_1715 = arith.index_cast %get3A_1611 : i32 to index
        %get3A_1716 = arith.index_cast %get3A_1713 : i32 to index
        %get3A_1717 = arith.index_cast %get3A_1714 : i32 to index
        %get3A_1718 = arith.index_cast %add3A_1640 : i32 to index
        %get3A_1719 = tpu.vector_load %arg21[%get3A_1715, %get3A_1716, %get3A_1717, %get3A_1718] {strides = array<i32>} : memref<2x16x1x2048xf32, #tpu.memory_space<vmem>>, vector<1x1x1x16xf32>,
        %get3A_1720 = vector.shape_cast %get3A_1719 : vector<1x1x1x16xf32> to vector<16xf32>
        %get3A_1721 = arith.constant 10 : i32
        %get3A_1722 = arith.constant 0 : i32
        %get3A_1723 = arith.index_cast %get3A_1614 : i32 to index
        %get3A_1724 = arith.index_cast %get3A_1721 : i32 to index
        %get3A_1725 = arith.index_cast %get3A_1722 : i32 to index
        %get3A_1726 = arith.index_cast %add3A_1640 : i32 to index
        %get3A_1727 = tpu.vector_load %arg21[%get3A_1723, %get3A_1724, %get3A_1725, %get3A_1726] {strides = array<i32>} : memref<2x16x1x2048xf32, #tpu.memory_space<vmem>>, vector<1x1x1x16xf32>,
        %get3A_1728 = vector.shape_cast %get3A_1727 : vector<1x1x1x16xf32> to vector<16xf32>
        %get3A_1729 = arith.constant 11 : i32
        %get3A_1730 = arith.constant 0 : i32
        %get3A_1731 = arith.index_cast %get3A_1617 : i32 to index
        %get3A_1732 = arith.index_cast %get3A_1729 : i32 to index
        %get3A_1733 = arith.index_cast %get3A_1730 : i32 to index
        %get3A_1734 = arith.index_cast %add3A_1640 : i32 to index
        %get3A_1735 = tpu.vector_load %arg21[%get3A_1731, %get3A_1732, %get3A_1733, %get3A_1734] {strides = array<i32>} : memref<2x16x1x2048xf32, #tpu.memory_space<vmem>>, vector<1x1x1x16xf32>,
        %get3A_1736 = vector.shape_cast %get3A_1735 : vector<1x1x1x16xf32> to vector<16xf32>
        %get3A_1737 = arith.constant 12 : i32
        %get3A_1738 = arith.constant 0 : i32
        %get3A_1739 = arith.index_cast %get3A_1620 : i32 to index
        %get3A_1740 = arith.index_cast %get3A_1737 : i32 to index
        %get3A_1741 = arith.index_cast %get3A_1738 : i32 to index
        %get3A_1742 = arith.index_cast %add3A_1640 : i32 to index
        %get3A_1743 = tpu.vector_load %arg21[%get3A_1739, %get3A_1740, %get3A_1741, %get3A_1742] {strides = array<i32>} : memref<2x16x1x2048xf32, #tpu.memory_space<vmem>>, vector<1x1x1x16xf32>,
        %get3A_1744 = vector.shape_cast %get3A_1743 : vector<1x1x1x16xf32> to vector<16xf32>
        %get3A_1745 = arith.constant 13 : i32
        %get3A_1746 = arith.constant 0 : i32
        %get3A_1747 = arith.index_cast %get3A_1623 : i32 to index
        %get3A_1748 = arith.index_cast %get3A_1745 : i32 to index
        %get3A_1749 = arith.index_cast %get3A_1746 : i32 to index
        %get3A_1750 = arith.index_cast %add3A_1640 : i32 to index
        %get3A_1751 = tpu.vector_load %arg21[%get3A_1747, %get3A_1748, %get3A_1749, %get3A_1750] {strides = array<i32>} : memref<2x16x1x2048xf32, #tpu.memory_space<vmem>>, vector<1x1x1x16xf32>,
        %get3A_1752 = vector.shape_cast %get3A_1751 : vector<1x1x1x16xf32> to vector<16xf32>
        %get3A_1753 = arith.constant 14 : i32
        %get3A_1754 = arith.constant 0 : i32
        %get3A_1755 = arith.index_cast %get3A_1626 : i32 to index
        %get3A_1756 = arith.index_cast %get3A_1753 : i32 to index
        %get3A_1757 = arith.index_cast %get3A_1754 : i32 to index
        %get3A_1758 = arith.index_cast %add3A_1640 : i32 to index
        %get3A_1759 = tpu.vector_load %arg21[%get3A_1755, %get3A_1756, %get3A_1757, %get3A_1758] {strides = array<i32>} : memref<2x16x1x2048xf32, #tpu.memory_space<vmem>>, vector<1x1x1x16xf32>,
        %get3A_1760 = vector.shape_cast %get3A_1759 : vector<1x1x1x16xf32> to vector<16xf32>
        %get3A_1761 = arith.constant 15 : i32
        %get3A_1762 = arith.constant 0 : i32
        %get3A_1763 = arith.index_cast %get3A_1629 : i32 to index
        %get3A_1764 = arith.index_cast %get3A_1761 : i32 to index
        %get3A_1765 = arith.index_cast %get3A_1762 : i32 to index
        %get3A_1766 = arith.index_cast %add3A_1640 : i32 to index
        %get3A_1767 = tpu.vector_load %arg21[%get3A_1763, %get3A_1764, %get3A_1765, %get3A_1766] {strides = array<i32>} : memref<2x16x1x2048xf32, #tpu.memory_space<vmem>>, vector<1x1x1x16xf32>,
        %get3A_1768 = vector.shape_cast %get3A_1767 : vector<1x1x1x16xf32> to vector<16xf32>
        %mul3A_1769 = arith.mulf %get3A_1656, %get3A_1664 : vector<16xf32>
        %mul3A_1770 = arith.mulf %mul3A_1769, %get3A_1672 : vector<16xf32>
        %add3A_1771 = arith.addf %mul3A_1770, %get3A_1680 : vector<16xf32>
        %add3A_1772 = arith.addf %add3A_1771, %get3A_1688 : vector<16xf32>
        %mul3A_1773 = arith.mulf %get3A_1696, %get3A_1704 : vector<16xf32>
        %mul3A_1774 = arith.mulf %mul3A_1773, %get3A_1712 : vector<16xf32>
        %mul3A_1775 = arith.mulf %mul3A_1774, %get3A_1720 : vector<16xf32>
        %mul3A_1776 = arith.mulf %mul3A_1775, %get3A_1728 : vector<16xf32>
        %mul3A_1777 = arith.mulf %mul3A_1776, %get3A_1736 : vector<16xf32>
        %mul3A_1778 = arith.mulf %get3A_1744, %get3A_1752 : vector<16xf32>
        %add3A_1779 = arith.addf %mul3A_1777, %mul3A_1778 : vector<16xf32>
        %mul3A_1780 = arith.mulf %get3A_1760, %get3A_1768 : vector<16xf32>
        %add3A_1781 = arith.addf %add3A_1779, %mul3A_1780 : vector<16xf32>
        %add3A_1782 = arith.addf %add3A_1772, %add3A_1781 : vector<16xf32>
        %mul3A_1783 = arith.mulf %add3A_1782, %get3A_1648 : vector<16xf32>
        %swap3A_1784 = arith.index_cast %add3A_1640 : i32 to index
        %swap3A_1785 = tpu.vector_load %arg22[%swap3A_1784] {strides = array<i32>} : memref<2048xf32, #tpu.memory_space<vmem>>, vector<16xf32>,
        %swap3A_1786 = vector.shape_cast %swap3A_1785 : vector<16xf32> to vector<16xf32>
        %swap3A_1787 = vector.shape_cast %mul3A_1783 : vector<16xf32> to vector<16xf32>
        tpu.vector_store %arg22[%swap3A_1784], %swap3A_1787 {add = true, strides = array<i32>} : memref<2048xf32, #tpu.memory_space<vmem>>, vector<16xf32>,
        %mul3A_1788 = arith.constant 64 : i32
        %mul3A_1789 = arith.muli %scan3A_1636, %mul3A_1788 : i32
        %add3A_1790 = arith.constant 16 : i32
        %add3A_1791 = arith.addi %mul3A_1789, %add3A_1790 : i32
        %get3A_1792 = arith.constant 0 : i32
        %get3A_1793 = arith.constant 0 : i32
        %get3A_1794 = arith.index_cast %get3A_1584 : i32 to index
        %get3A_1795 = arith.index_cast %get3A_1792 : i32 to index
        %get3A_1796 = arith.index_cast %get3A_1793 : i32 to index
        %get3A_1797 = arith.index_cast %add3A_1791 : i32 to index
        %get3A_1798 = tpu.vector_load %arg21[%get3A_1794, %get3A_1795, %get3A_1796, %get3A_1797] {strides = array<i32>} : memref<2x16x1x2048xf32, #tpu.memory_space<vmem>>, vector<1x1x1x16xf32>,
        %get3A_1799 = vector.shape_cast %get3A_1798 : vector<1x1x1x16xf32> to vector<16xf32>
        %get3A_1800 = arith.constant 1 : i32
        %get3A_1801 = arith.constant 0 : i32
        %get3A_1802 = arith.index_cast %get3A_1587 : i32 to index
        %get3A_1803 = arith.index_cast %get3A_1800 : i32 to index
        %get3A_1804 = arith.index_cast %get3A_1801 : i32 to index
        %get3A_1805 = arith.index_cast %add3A_1791 : i32 to index
        %get3A_1806 = tpu.vector_load %arg21[%get3A_1802, %get3A_1803, %get3A_1804, %get3A_1805] {strides = array<i32>} : memref<2x16x1x2048xf32, #tpu.memory_space<vmem>>, vector<1x1x1x16xf32>,
        %get3A_1807 = vector.shape_cast %get3A_1806 : vector<1x1x1x16xf32> to vector<16xf32>
        %get3A_1808 = arith.constant 2 : i32
        %get3A_1809 = arith.constant 0 : i32
        %get3A_1810 = arith.index_cast %get3A_1590 : i32 to index
        %get3A_1811 = arith.index_cast %get3A_1808 : i32 to index
        %get3A_1812 = arith.index_cast %get3A_1809 : i32 to index
        %get3A_1813 = arith.index_cast %add3A_1791 : i32 to index
        %get3A_1814 = tpu.vector_load %arg21[%get3A_1810, %get3A_1811, %get3A_1812, %get3A_1813] {strides = array<i32>} : memref<2x16x1x2048xf32, #tpu.memory_space<vmem>>, vector<1x1x1x16xf32>,
        %get3A_1815 = vector.shape_cast %get3A_1814 : vector<1x1x1x16xf32> to vector<16xf32>
        %get3A_1816 = arith.constant 3 : i32
        %get3A_1817 = arith.constant 0 : i32
        %get3A_1818 = arith.index_cast %get3A_1593 : i32 to index
        %get3A_1819 = arith.index_cast %get3A_1816 : i32 to index
        %get3A_1820 = arith.index_cast %get3A_1817 : i32 to index
        %get3A_1821 = arith.index_cast %add3A_1791 : i32 to index
        %get3A_1822 = tpu.vector_load %arg21[%get3A_1818, %get3A_1819, %get3A_1820, %get3A_1821] {strides = array<i32>} : memref<2x16x1x2048xf32, #tpu.memory_space<vmem>>, vector<1x1x1x16xf32>,
        %get3A_1823 = vector.shape_cast %get3A_1822 : vector<1x1x1x16xf32> to vector<16xf32>
        %get3A_1824 = arith.constant 4 : i32
        %get3A_1825 = arith.constant 0 : i32
        %get3A_1826 = arith.index_cast %get3A_1596 : i32 to index
        %get3A_1827 = arith.index_cast %get3A_1824 : i32 to index
        %get3A_1828 = arith.index_cast %get3A_1825 : i32 to index
        %get3A_1829 = arith.index_cast %add3A_1791 : i32 to index
        %get3A_1830 = tpu.vector_load %arg21[%get3A_1826, %get3A_1827, %get3A_1828, %get3A_1829] {strides = array<i32>} : memref<2x16x1x2048xf32, #tpu.memory_space<vmem>>, vector<1x1x1x16xf32>,
        %get3A_1831 = vector.shape_cast %get3A_1830 : vector<1x1x1x16xf32> to vector<16xf32>
        %get3A_1832 = arith.constant 5 : i32
        %get3A_1833 = arith.constant 0 : i32
        %get3A_1834 = arith.index_cast %get3A_1599 : i32 to index
        %get3A_1835 = arith.index_cast %get3A_1832 : i32 to index
        %get3A_1836 = arith.index_cast %get3A_1833 : i32 to index
        %get3A_1837 = arith.index_cast %add3A_1791 : i32 to index
        %get3A_1838 = tpu.vector_load %arg21[%get3A_1834, %get3A_1835, %get3A_1836, %get3A_1837] {strides = array<i32>} : memref<2x16x1x2048xf32, #tpu.memory_space<vmem>>, vector<1x1x1x16xf32>,
        %get3A_1839 = vector.shape_cast %get3A_1838 : vector<1x1x1x16xf32> to vector<16xf32>
        %get3A_1840 = arith.constant 6 : i32
        %get3A_1841 = arith.constant 0 : i32
        %get3A_1842 = arith.index_cast %get3A_1602 : i32 to index
        %get3A_1843 = arith.index_cast %get3A_1840 : i32 to index
        %get3A_1844 = arith.index_cast %get3A_1841 : i32 to index
        %get3A_1845 = arith.index_cast %add3A_1791 : i32 to index
        %get3A_1846 = tpu.vector_load %arg21[%get3A_1842, %get3A_1843, %get3A_1844, %get3A_1845] {strides = array<i32>} : memref<2x16x1x2048xf32, #tpu.memory_space<vmem>>, vector<1x1x1x16xf32>,
        %get3A_1847 = vector.shape_cast %get3A_1846 : vector<1x1x1x16xf32> to vector<16xf32>
        %get3A_1848 = arith.constant 7 : i32
        %get3A_1849 = arith.constant 0 : i32
        %get3A_1850 = arith.index_cast %get3A_1605 : i32 to index
        %get3A_1851 = arith.index_cast %get3A_1848 : i32 to index
        %get3A_1852 = arith.index_cast %get3A_1849 : i32 to index
        %get3A_1853 = arith.index_cast %add3A_1791 : i32 to index
        %get3A_1854 = tpu.vector_load %arg21[%get3A_1850, %get3A_1851, %get3A_1852, %get3A_1853] {strides = array<i32>} : memref<2x16x1x2048xf32, #tpu.memory_space<vmem>>, vector<1x1x1x16xf32>,
        %get3A_1855 = vector.shape_cast %get3A_1854 : vector<1x1x1x16xf32> to vector<16xf32>
        %get3A_1856 = arith.constant 8 : i32
        %get3A_1857 = arith.constant 0 : i32
        %get3A_1858 = arith.index_cast %get3A_1608 : i32 to index
        %get3A_1859 = arith.index_cast %get3A_1856 : i32 to index
        %get3A_1860 = arith.index_cast %get3A_1857 : i32 to index
        %get3A_1861 = arith.index_cast %add3A_1791 : i32 to index
        %get3A_1862 = tpu.vector_load %arg21[%get3A_1858, %get3A_1859, %get3A_1860, %get3A_1861] {strides = array<i32>} : memref<2x16x1x2048xf32, #tpu.memory_space<vmem>>, vector<1x1x1x16xf32>,
        %get3A_1863 = vector.shape_cast %get3A_1862 : vector<1x1x1x16xf32> to vector<16xf32>
        %get3A_1864 = arith.constant 9 : i32
        %get3A_1865 = arith.constant 0 : i32
        %get3A_1866 = arith.index_cast %get3A_1611 : i32 to index
        %get3A_1867 = arith.index_cast %get3A_1864 : i32 to index
        %get3A_1868 = arith.index_cast %get3A_1865 : i32 to index
        %get3A_1869 = arith.index_cast %add3A_1791 : i32 to index
        %get3A_1870 = tpu.vector_load %arg21[%get3A_1866, %get3A_1867, %get3A_1868, %get3A_1869] {strides = array<i32>} : memref<2x16x1x2048xf32, #tpu.memory_space<vmem>>, vector<1x1x1x16xf32>,
        %get3A_1871 = vector.shape_cast %get3A_1870 : vector<1x1x1x16xf32> to vector<16xf32>
        %get3A_1872 = arith.constant 10 : i32
        %get3A_1873 = arith.constant 0 : i32
        %get3A_1874 = arith.index_cast %get3A_1614 : i32 to index
        %get3A_1875 = arith.index_cast %get3A_1872 : i32 to index
        %get3A_1876 = arith.index_cast %get3A_1873 : i32 to index
        %get3A_1877 = arith.index_cast %add3A_1791 : i32 to index
        %get3A_1878 = tpu.vector_load %arg21[%get3A_1874, %get3A_1875, %get3A_1876, %get3A_1877] {strides = array<i32>} : memref<2x16x1x2048xf32, #tpu.memory_space<vmem>>, vector<1x1x1x16xf32>,
        %get3A_1879 = vector.shape_cast %get3A_1878 : vector<1x1x1x16xf32> to vector<16xf32>
        %get3A_1880 = arith.constant 11 : i32
        %get3A_1881 = arith.constant 0 : i32
        %get3A_1882 = arith.index_cast %get3A_1617 : i32 to index
        %get3A_1883 = arith.index_cast %get3A_1880 : i32 to index
        %get3A_1884 = arith.index_cast %get3A_1881 : i32 to index
        %get3A_1885 = arith.index_cast %add3A_1791 : i32 to index
        %get3A_1886 = tpu.vector_load %arg21[%get3A_1882, %get3A_1883, %get3A_1884, %get3A_1885] {strides = array<i32>} : memref<2x16x1x2048xf32, #tpu.memory_space<vmem>>, vector<1x1x1x16xf32>,
        %get3A_1887 = vector.shape_cast %get3A_1886 : vector<1x1x1x16xf32> to vector<16xf32>
        %get3A_1888 = arith.constant 12 : i32
        %get3A_1889 = arith.constant 0 : i32
        %get3A_1890 = arith.index_cast %get3A_1620 : i32 to index
        %get3A_1891 = arith.index_cast %get3A_1888 : i32 to index
        %get3A_1892 = arith.index_cast %get3A_1889 : i32 to index
        %get3A_1893 = arith.index_cast %add3A_1791 : i32 to index
        %get3A_1894 = tpu.vector_load %arg21[%get3A_1890, %get3A_1891, %get3A_1892, %get3A_1893] {strides = array<i32>} : memref<2x16x1x2048xf32, #tpu.memory_space<vmem>>, vector<1x1x1x16xf32>,
        %get3A_1895 = vector.shape_cast %get3A_1894 : vector<1x1x1x16xf32> to vector<16xf32>
        %get3A_1896 = arith.constant 13 : i32
        %get3A_1897 = arith.constant 0 : i32
        %get3A_1898 = arith.index_cast %get3A_1623 : i32 to index
        %get3A_1899 = arith.index_cast %get3A_1896 : i32 to index
        %get3A_1900 = arith.index_cast %get3A_1897 : i32 to index
        %get3A_1901 = arith.index_cast %add3A_1791 : i32 to index
        %get3A_1902 = tpu.vector_load %arg21[%get3A_1898, %get3A_1899, %get3A_1900, %get3A_1901] {strides = array<i32>} : memref<2x16x1x2048xf32, #tpu.memory_space<vmem>>, vector<1x1x1x16xf32>,
        %get3A_1903 = vector.shape_cast %get3A_1902 : vector<1x1x1x16xf32> to vector<16xf32>
        %get3A_1904 = arith.constant 14 : i32
        %get3A_1905 = arith.constant 0 : i32
        %get3A_1906 = arith.index_cast %get3A_1626 : i32 to index
        %get3A_1907 = arith.index_cast %get3A_1904 : i32 to index
        %get3A_1908 = arith.index_cast %get3A_1905 : i32 to index
        %get3A_1909 = arith.index_cast %add3A_1791 : i32 to index
        %get3A_1910 = tpu.vector_load %arg21[%get3A_1906, %get3A_1907, %get3A_1908, %get3A_1909] {strides = array<i32>} : memref<2x16x1x2048xf32, #tpu.memory_space<vmem>>, vector<1x1x1x16xf32>,
        %get3A_1911 = vector.shape_cast %get3A_1910 : vector<1x1x1x16xf32> to vector<16xf32>
        %get3A_1912 = arith.constant 15 : i32
        %get3A_1913 = arith.constant 0 : i32
        %get3A_1914 = arith.index_cast %get3A_1629 : i32 to index
        %get3A_1915 = arith.index_cast %get3A_1912 : i32 to index
        %get3A_1916 = arith.index_cast %get3A_1913 : i32 to index
        %get3A_1917 = arith.index_cast %add3A_1791 : i32 to index
        %get3A_1918 = tpu.vector_load %arg21[%get3A_1914, %get3A_1915, %get3A_1916, %get3A_1917] {strides = array<i32>} : memref<2x16x1x2048xf32, #tpu.memory_space<vmem>>, vector<1x1x1x16xf32>,
        %get3A_1919 = vector.shape_cast %get3A_1918 : vector<1x1x1x16xf32> to vector<16xf32>
        %mul3A_1920 = arith.mulf %get3A_1807, %get3A_1815 : vector<16xf32>
        %mul3A_1921 = arith.mulf %mul3A_1920, %get3A_1823 : vector<16xf32>
        %add3A_1922 = arith.addf %mul3A_1921, %get3A_1831 : vector<16xf32>
        %add3A_1923 = arith.addf %add3A_1922, %get3A_1839 : vector<16xf32>
        %mul3A_1924 = arith.mulf %get3A_1847, %get3A_1855 : vector<16xf32>
        %mul3A_1925 = arith.mulf %mul3A_1924, %get3A_1863 : vector<16xf32>
        %mul3A_1926 = arith.mulf %mul3A_1925, %get3A_1871 : vector<16xf32>
        %mul3A_1927 = arith.mulf %mul3A_1926, %get3A_1879 : vector<16xf32>
        %mul3A_1928 = arith.mulf %mul3A_1927, %get3A_1887 : vector<16xf32>
        %mul3A_1929 = arith.mulf %get3A_1895, %get3A_1903 : vector<16xf32>
        %add3A_1930 = arith.addf %mul3A_1928, %mul3A_1929 : vector<16xf32>
        %mul3A_1931 = arith.mulf %get3A_1911, %get3A_1919 : vector<16xf32>
        %add3A_1932 = arith.addf %add3A_1930, %mul3A_1931 : vector<16xf32>
        %add3A_1933 = arith.addf %add3A_1923, %add3A_1932 : vector<16xf32>
        %mul3A_1934 = arith.mulf %add3A_1933, %get3A_1799 : vector<16xf32>
        %swap3A_1935 = arith.index_cast %add3A_1791 : i32 to index
        %swap3A_1936 = tpu.vector_load %arg22[%swap3A_1935] {strides = array<i32>} : memref<2048xf32, #tpu.memory_space<vmem>>, vector<16xf32>,
        %swap3A_1937 = vector.shape_cast %swap3A_1936 : vector<16xf32> to vector<16xf32>
        %swap3A_1938 = vector.shape_cast %mul3A_1934 : vector<16xf32> to vector<16xf32>
        tpu.vector_store %arg22[%swap3A_1935], %swap3A_1938 {add = true, strides = array<i32>} : memref<2048xf32, #tpu.memory_space<vmem>>, vector<16xf32>,
        %mul3A_1939 = arith.constant 64 : i32
        %mul3A_1940 = arith.muli %scan3A_1636, %mul3A_1939 : i32
        %add3A_1941 = arith.constant 32 : i32
        %add3A_1942 = arith.addi %mul3A_1940, %add3A_1941 : i32
        %get3A_1943 = arith.constant 0 : i32
        %get3A_1944 = arith.constant 0 : i32
        %get3A_1945 = arith.index_cast %get3A_1584 : i32 to index
        %get3A_1946 = arith.index_cast %get3A_1943 : i32 to index
        %get3A_1947 = arith.index_cast %get3A_1944 : i32 to index
        %get3A_1948 = arith.index_cast %add3A_1942 : i32 to index
        %get3A_1949 = tpu.vector_load %arg21[%get3A_1945, %get3A_1946, %get3A_1947, %get3A_1948] {strides = array<i32>} : memref<2x16x1x2048xf32, #tpu.memory_space<vmem>>, vector<1x1x1x16xf32>,
        %get3A_1950 = vector.shape_cast %get3A_1949 : vector<1x1x1x16xf32> to vector<16xf32>
        %get3A_1951 = arith.constant 1 : i32
        %get3A_1952 = arith.constant 0 : i32
        %get3A_1953 = arith.index_cast %get3A_1587 : i32 to index
        %get3A_1954 = arith.index_cast %get3A_1951 : i32 to index
        %get3A_1955 = arith.index_cast %get3A_1952 : i32 to index
        %get3A_1956 = arith.index_cast %add3A_1942 : i32 to index
        %get3A_1957 = tpu.vector_load %arg21[%get3A_1953, %get3A_1954, %get3A_1955, %get3A_1956] {strides = array<i32>} : memref<2x16x1x2048xf32, #tpu.memory_space<vmem>>, vector<1x1x1x16xf32>,
        %get3A_1958 = vector.shape_cast %get3A_1957 : vector<1x1x1x16xf32> to vector<16xf32>
        %get3A_1959 = arith.constant 2 : i32
        %get3A_1960 = arith.constant 0 : i32
        %get3A_1961 = arith.index_cast %get3A_1590 : i32 to index
        %get3A_1962 = arith.index_cast %get3A_1959 : i32 to index
        %get3A_1963 = arith.index_cast %get3A_1960 : i32 to index
        %get3A_1964 = arith.index_cast %add3A_1942 : i32 to index
        %get3A_1965 = tpu.vector_load %arg21[%get3A_1961, %get3A_1962, %get3A_1963, %get3A_1964] {strides = array<i32>} : memref<2x16x1x2048xf32, #tpu.memory_space<vmem>>, vector<1x1x1x16xf32>,
        %get3A_1966 = vector.shape_cast %get3A_1965 : vector<1x1x1x16xf32> to vector<16xf32>
        %get3A_1967 = arith.constant 3 : i32
        %get3A_1968 = arith.constant 0 : i32
        %get3A_1969 = arith.index_cast %get3A_1593 : i32 to index
        %get3A_1970 = arith.index_cast %get3A_1967 : i32 to index
        %get3A_1971 = arith.index_cast %get3A_1968 : i32 to index
        %get3A_1972 = arith.index_cast %add3A_1942 : i32 to index
        %get3A_1973 = tpu.vector_load %arg21[%get3A_1969, %get3A_1970, %get3A_1971, %get3A_1972] {strides = array<i32>} : memref<2x16x1x2048xf32, #tpu.memory_space<vmem>>, vector<1x1x1x16xf32>,
        %get3A_1974 = vector.shape_cast %get3A_1973 : vector<1x1x1x16xf32> to vector<16xf32>
        %get3A_1975 = arith.constant 4 : i32
        %get3A_1976 = arith.constant 0 : i32
        %get3A_1977 = arith.index_cast %get3A_1596 : i32 to index
        %get3A_1978 = arith.index_cast %get3A_1975 : i32 to index
        %get3A_1979 = arith.index_cast %get3A_1976 : i32 to index
        %get3A_1980 = arith.index_cast %add3A_1942 : i32 to index
        %get3A_1981 = tpu.vector_load %arg21[%get3A_1977, %get3A_1978, %get3A_1979, %get3A_1980] {strides = array<i32>} : memref<2x16x1x2048xf32, #tpu.memory_space<vmem>>, vector<1x1x1x16xf32>,
        %get3A_1982 = vector.shape_cast %get3A_1981 : vector<1x1x1x16xf32> to vector<16xf32>
        %get3A_1983 = arith.constant 5 : i32
        %get3A_1984 = arith.constant 0 : i32
        %get3A_1985 = arith.index_cast %get3A_1599 : i32 to index
        %get3A_1986 = arith.index_cast %get3A_1983 : i32 to index
        %get3A_1987 = arith.index_cast %get3A_1984 : i32 to index
        %get3A_1988 = arith.index_cast %add3A_1942 : i32 to index
        %get3A_1989 = tpu.vector_load %arg21[%get3A_1985, %get3A_1986, %get3A_1987, %get3A_1988] {strides = array<i32>} : memref<2x16x1x2048xf32, #tpu.memory_space<vmem>>, vector<1x1x1x16xf32>,
        %get3A_1990 = vector.shape_cast %get3A_1989 : vector<1x1x1x16xf32> to vector<16xf32>
        %get3A_1991 = arith.constant 6 : i32
        %get3A_1992 = arith.constant 0 : i32
        %get3A_1993 = arith.index_cast %get3A_1602 : i32 to index
        %get3A_1994 = arith.index_cast %get3A_1991 : i32 to index
        %get3A_1995 = arith.index_cast %get3A_1992 : i32 to index
        %get3A_1996 = arith.index_cast %add3A_1942 : i32 to index
        %get3A_1997 = tpu.vector_load %arg21[%get3A_1993, %get3A_1994, %get3A_1995, %get3A_1996] {strides = array<i32>} : memref<2x16x1x2048xf32, #tpu.memory_space<vmem>>, vector<1x1x1x16xf32>,
        %get3A_1998 = vector.shape_cast %get3A_1997 : vector<1x1x1x16xf32> to vector<16xf32>
        %get3A_1999 = arith.constant 7 : i32
        %get3A_2000 = arith.constant 0 : i32
        %get3A_2001 = arith.index_cast %get3A_1605 : i32 to index
        %get3A_2002 = arith.index_cast %get3A_1999 : i32 to index
        %get3A_2003 = arith.index_cast %get3A_2000 : i32 to index
        %get3A_2004 = arith.index_cast %add3A_1942 : i32 to index
        %get3A_2005 = tpu.vector_load %arg21[%get3A_2001, %get3A_2002, %get3A_2003, %get3A_2004] {strides = array<i32>} : memref<2x16x1x2048xf32, #tpu.memory_space<vmem>>, vector<1x1x1x16xf32>,
        %get3A_2006 = vector.shape_cast %get3A_2005 : vector<1x1x1x16xf32> to vector<16xf32>
        %get3A_2007 = arith.constant 8 : i32
        %get3A_2008 = arith.constant 0 : i32
        %get3A_2009 = arith.index_cast %get3A_1608 : i32 to index
        %get3A_2010 = arith.index_cast %get3A_2007 : i32 to index
        %get3A_2011 = arith.index_cast %get3A_2008 : i32 to index
        %get3A_2012 = arith.index_cast %add3A_1942 : i32 to index
        %get3A_2013 = tpu.vector_load %arg21[%get3A_2009, %get3A_2010, %get3A_2011, %get3A_2012] {strides = array<i32>} : memref<2x16x1x2048xf32, #tpu.memory_space<vmem>>, vector<1x1x1x16xf32>,
        %get3A_2014 = vector.shape_cast %get3A_2013 : vector<1x1x1x16xf32> to vector<16xf32>
        %get3A_2015 = arith.constant 9 : i32
        %get3A_2016 = arith.constant 0 : i32
        %get3A_2017 = arith.index_cast %get3A_1611 : i32 to index
        %get3A_2018 = arith.index_cast %get3A_2015 : i32 to index
        %get3A_2019 = arith.index_cast %get3A_2016 : i32 to index
        %get3A_2020 = arith.index_cast %add3A_1942 : i32 to index
        %get3A_2021 = tpu.vector_load %arg21[%get3A_2017, %get3A_2018, %get3A_2019, %get3A_2020] {strides = array<i32>} : memref<2x16x1x2048xf32, #tpu.memory_space<vmem>>, vector<1x1x1x16xf32>,
        %get3A_2022 = vector.shape_cast %get3A_2021 : vector<1x1x1x16xf32> to vector<16xf32>
        %get3A_2023 = arith.constant 10 : i32
        %get3A_2024 = arith.constant 0 : i32
        %get3A_2025 = arith.index_cast %get3A_1614 : i32 to index
        %get3A_2026 = arith.index_cast %get3A_2023 : i32 to index
        %get3A_2027 = arith.index_cast %get3A_2024 : i32 to index
        %get3A_2028 = arith.index_cast %add3A_1942 : i32 to index
        %get3A_2029 = tpu.vector_load %arg21[%get3A_2025, %get3A_2026, %get3A_2027, %get3A_2028] {strides = array<i32>} : memref<2x16x1x2048xf32, #tpu.memory_space<vmem>>, vector<1x1x1x16xf32>,
        %get3A_2030 = vector.shape_cast %get3A_2029 : vector<1x1x1x16xf32> to vector<16xf32>
        %get3A_2031 = arith.constant 11 : i32
        %get3A_2032 = arith.constant 0 : i32
        %get3A_2033 = arith.index_cast %get3A_1617 : i32 to index
        %get3A_2034 = arith.index_cast %get3A_2031 : i32 to index
        %get3A_2035 = arith.index_cast %get3A_2032 : i32 to index
        %get3A_2036 = arith.index_cast %add3A_1942 : i32 to index
        %get3A_2037 = tpu.vector_load %arg21[%get3A_2033, %get3A_2034, %get3A_2035, %get3A_2036] {strides = array<i32>} : memref<2x16x1x2048xf32, #tpu.memory_space<vmem>>, vector<1x1x1x16xf32>,
        %get3A_2038 = vector.shape_cast %get3A_2037 : vector<1x1x1x16xf32> to vector<16xf32>
        %get3A_2039 = arith.constant 12 : i32
        %get3A_2040 = arith.constant 0 : i32
        %get3A_2041 = arith.index_cast %get3A_1620 : i32 to index
        %get3A_2042 = arith.index_cast %get3A_2039 : i32 to index
        %get3A_2043 = arith.index_cast %get3A_2040 : i32 to index
        %get3A_2044 = arith.index_cast %add3A_1942 : i32 to index
        %get3A_2045 = tpu.vector_load %arg21[%get3A_2041, %get3A_2042, %get3A_2043, %get3A_2044] {strides = array<i32>} : memref<2x16x1x2048xf32, #tpu.memory_space<vmem>>, vector<1x1x1x16xf32>,
        %get3A_2046 = vector.shape_cast %get3A_2045 : vector<1x1x1x16xf32> to vector<16xf32>
        %get3A_2047 = arith.constant 13 : i32
        %get3A_2048 = arith.constant 0 : i32
        %get3A_2049 = arith.index_cast %get3A_1623 : i32 to index
        %get3A_2050 = arith.index_cast %get3A_2047 : i32 to index
        %get3A_2051 = arith.index_cast %get3A_2048 : i32 to index
        %get3A_2052 = arith.index_cast %add3A_1942 : i32 to index
        %get3A_2053 = tpu.vector_load %arg21[%get3A_2049, %get3A_2050, %get3A_2051, %get3A_2052] {strides = array<i32>} : memref<2x16x1x2048xf32, #tpu.memory_space<vmem>>, vector<1x1x1x16xf32>,
        %get3A_2054 = vector.shape_cast %get3A_2053 : vector<1x1x1x16xf32> to vector<16xf32>
        %get3A_2055 = arith.constant 14 : i32
        %get3A_2056 = arith.constant 0 : i32
        %get3A_2057 = arith.index_cast %get3A_1626 : i32 to index
        %get3A_2058 = arith.index_cast %get3A_2055 : i32 to index
        %get3A_2059 = arith.index_cast %get3A_2056 : i32 to index
        %get3A_2060 = arith.index_cast %add3A_1942 : i32 to index
        %get3A_2061 = tpu.vector_load %arg21[%get3A_2057, %get3A_2058, %get3A_2059, %get3A_2060] {strides = array<i32>} : memref<2x16x1x2048xf32, #tpu.memory_space<vmem>>, vector<1x1x1x16xf32>,
        %get3A_2062 = vector.shape_cast %get3A_2061 : vector<1x1x1x16xf32> to vector<16xf32>
        %get3A_2063 = arith.constant 15 : i32
        %get3A_2064 = arith.constant 0 : i32
        %get3A_2065 = arith.index_cast %get3A_1629 : i32 to index
        %get3A_2066 = arith.index_cast %get3A_2063 : i32 to index
        %get3A_2067 = arith.index_cast %get3A_2064 : i32 to index
        %get3A_2068 = arith.index_cast %add3A_1942 : i32 to index
        %get3A_2069 = tpu.vector_load %arg21[%get3A_2065, %get3A_2066, %get3A_2067, %get3A_2068] {strides = array<i32>} : memref<2x16x1x2048xf32, #tpu.memory_space<vmem>>, vector<1x1x1x16xf32>,
        %get3A_2070 = vector.shape_cast %get3A_2069 : vector<1x1x1x16xf32> to vector<16xf32>
        %mul3A_2071 = arith.mulf %get3A_1958, %get3A_1966 : vector<16xf32>
        %mul3A_2072 = arith.mulf %mul3A_2071, %get3A_1974 : vector<16xf32>
        %add3A_2073 = arith.addf %mul3A_2072, %get3A_1982 : vector<16xf32>
        %add3A_2074 = arith.addf %add3A_2073, %get3A_1990 : vector<16xf32>
        %mul3A_2075 = arith.mulf %get3A_1998, %get3A_2006 : vector<16xf32>
        %mul3A_2076 = arith.mulf %mul3A_2075, %get3A_2014 : vector<16xf32>
        %mul3A_2077 = arith.mulf %mul3A_2076, %get3A_2022 : vector<16xf32>
        %mul3A_2078 = arith.mulf %mul3A_2077, %get3A_2030 : vector<16xf32>
        %mul3A_2079 = arith.mulf %mul3A_2078, %get3A_2038 : vector<16xf32>
        %mul3A_2080 = arith.mulf %get3A_2046, %get3A_2054 : vector<16xf32>
        %add3A_2081 = arith.addf %mul3A_2079, %mul3A_2080 : vector<16xf32>
        %mul3A_2082 = arith.mulf %get3A_2062, %get3A_2070 : vector<16xf32>
        %add3A_2083 = arith.addf %add3A_2081, %mul3A_2082 : vector<16xf32>
        %add3A_2084 = arith.addf %add3A_2074, %add3A_2083 : vector<16xf32>
        %mul3A_2085 = arith.mulf %add3A_2084, %get3A_1950 : vector<16xf32>
        %swap3A_2086 = arith.index_cast %add3A_1942 : i32 to index
        %swap3A_2087 = tpu.vector_load %arg22[%swap3A_2086] {strides = array<i32>} : memref<2048xf32, #tpu.memory_space<vmem>>, vector<16xf32>,
        %swap3A_2088 = vector.shape_cast %swap3A_2087 : vector<16xf32> to vector<16xf32>
        %swap3A_2089 = vector.shape_cast %mul3A_2085 : vector<16xf32> to vector<16xf32>
        tpu.vector_store %arg22[%swap3A_2086], %swap3A_2089 {add = true, strides = array<i32>} : memref<2048xf32, #tpu.memory_space<vmem>>, vector<16xf32>,
        %mul3A_2090 = arith.constant 64 : i32
        %mul3A_2091 = arith.muli %scan3A_1636, %mul3A_2090 : i32
        %add3A_2092 = arith.constant 48 : i32
        %add3A_2093 = arith.addi %mul3A_2091, %add3A_2092 : i32
        %get3A_2094 = arith.constant 0 : i32
        %get3A_2095 = arith.constant 0 : i32
        %get3A_2096 = arith.index_cast %get3A_1584 : i32 to index
        %get3A_2097 = arith.index_cast %get3A_2094 : i32 to index
        %get3A_2098 = arith.index_cast %get3A_2095 : i32 to index
        %get3A_2099 = arith.index_cast %add3A_2093 : i32 to index
        %get3A_2100 = tpu.vector_load %arg21[%get3A_2096, %get3A_2097, %get3A_2098, %get3A_2099] {strides = array<i32>} : memref<2x16x1x2048xf32, #tpu.memory_space<vmem>>, vector<1x1x1x16xf32>,
        %get3A_2101 = vector.shape_cast %get3A_2100 : vector<1x1x1x16xf32> to vector<16xf32>
        %get3A_2102 = arith.constant 1 : i32
        %get3A_2103 = arith.constant 0 : i32
        %get3A_2104 = arith.index_cast %get3A_1587 : i32 to index
        %get3A_2105 = arith.index_cast %get3A_2102 : i32 to index
        %get3A_2106 = arith.index_cast %get3A_2103 : i32 to index
        %get3A_2107 = arith.index_cast %add3A_2093 : i32 to index
        %get3A_2108 = tpu.vector_load %arg21[%get3A_2104, %get3A_2105, %get3A_2106, %get3A_2107] {strides = array<i32>} : memref<2x16x1x2048xf32, #tpu.memory_space<vmem>>, vector<1x1x1x16xf32>,
        %get3A_2109 = vector.shape_cast %get3A_2108 : vector<1x1x1x16xf32> to vector<16xf32>
        %get3A_2110 = arith.constant 2 : i32
        %get3A_2111 = arith.constant 0 : i32
        %get3A_2112 = arith.index_cast %get3A_1590 : i32 to index
        %get3A_2113 = arith.index_cast %get3A_2110 : i32 to index
        %get3A_2114 = arith.index_cast %get3A_2111 : i32 to index
        %get3A_2115 = arith.index_cast %add3A_2093 : i32 to index
        %get3A_2116 = tpu.vector_load %arg21[%get3A_2112, %get3A_2113, %get3A_2114, %get3A_2115] {strides = array<i32>} : memref<2x16x1x2048xf32, #tpu.memory_space<vmem>>, vector<1x1x1x16xf32>,
        %get3A_2117 = vector.shape_cast %get3A_2116 : vector<1x1x1x16xf32> to vector<16xf32>
        %get3A_2118 = arith.constant 3 : i32
        %get3A_2119 = arith.constant 0 : i32
        %get3A_2120 = arith.index_cast %get3A_1593 : i32 to index
        %get3A_2121 = arith.index_cast %get3A_2118 : i32 to index
        %get3A_2122 = arith.index_cast %get3A_2119 : i32 to index
        %get3A_2123 = arith.index_cast %add3A_2093 : i32 to index
        %get3A_2124 = tpu.vector_load %arg21[%get3A_2120, %get3A_2121, %get3A_2122, %get3A_2123] {strides = array<i32>} : memref<2x16x1x2048xf32, #tpu.memory_space<vmem>>, vector<1x1x1x16xf32>,
        %get3A_2125 = vector.shape_cast %get3A_2124 : vector<1x1x1x16xf32> to vector<16xf32>
        %get3A_2126 = arith.constant 4 : i32
        %get3A_2127 = arith.constant 0 : i32
        %get3A_2128 = arith.index_cast %get3A_1596 : i32 to index
        %get3A_2129 = arith.index_cast %get3A_2126 : i32 to index
        %get3A_2130 = arith.index_cast %get3A_2127 : i32 to index
        %get3A_2131 = arith.index_cast %add3A_2093 : i32 to index
        %get3A_2132 = tpu.vector_load %arg21[%get3A_2128, %get3A_2129, %get3A_2130, %get3A_2131] {strides = array<i32>} : memref<2x16x1x2048xf32, #tpu.memory_space<vmem>>, vector<1x1x1x16xf32>,
        %get3A_2133 = vector.shape_cast %get3A_2132 : vector<1x1x1x16xf32> to vector<16xf32>
        %get3A_2134 = arith.constant 5 : i32
        %get3A_2135 = arith.constant 0 : i32
        %get3A_2136 = arith.index_cast %get3A_1599 : i32 to index
        %get3A_2137 = arith.index_cast %get3A_2134 : i32 to index
        %get3A_2138 = arith.index_cast %get3A_2135 : i32 to index
        %get3A_2139 = arith.index_cast %add3A_2093 : i32 to index
        %get3A_2140 = tpu.vector_load %arg21[%get3A_2136, %get3A_2137, %get3A_2138, %get3A_2139] {strides = array<i32>} : memref<2x16x1x2048xf32, #tpu.memory_space<vmem>>, vector<1x1x1x16xf32>,
        %get3A_2141 = vector.shape_cast %get3A_2140 : vector<1x1x1x16xf32> to vector<16xf32>
        %get3A_2142 = arith.constant 6 : i32
        %get3A_2143 = arith.constant 0 : i32
        %get3A_2144 = arith.index_cast %get3A_1602 : i32 to index
        %get3A_2145 = arith.index_cast %get3A_2142 : i32 to index
        %get3A_2146 = arith.index_cast %get3A_2143 : i32 to index
        %get3A_2147 = arith.index_cast %add3A_2093 : i32 to index
        %get3A_2148 = tpu.vector_load %arg21[%get3A_2144, %get3A_2145, %get3A_2146, %get3A_2147] {strides = array<i32>} : memref<2x16x1x2048xf32, #tpu.memory_space<vmem>>, vector<1x1x1x16xf32>,
        %get3A_2149 = vector.shape_cast %get3A_2148 : vector<1x1x1x16xf32> to vector<16xf32>
        %get3A_2150 = arith.constant 7 : i32
        %get3A_2151 = arith.constant 0 : i32
        %get3A_2152 = arith.index_cast %get3A_1605 : i32 to index
        %get3A_2153 = arith.index_cast %get3A_2150 : i32 to index
        %get3A_2154 = arith.index_cast %get3A_2151 : i32 to index
        %get3A_2155 = arith.index_cast %add3A_2093 : i32 to index
        %get3A_2156 = tpu.vector_load %arg21[%get3A_2152, %get3A_2153, %get3A_2154, %get3A_2155] {strides = array<i32>} : memref<2x16x1x2048xf32, #tpu.memory_space<vmem>>, vector<1x1x1x16xf32>,
        %get3A_2157 = vector.shape_cast %get3A_2156 : vector<1x1x1x16xf32> to vector<16xf32>
        %get3A_2158 = arith.constant 8 : i32
        %get3A_2159 = arith.constant 0 : i32
        %get3A_2160 = arith.index_cast %get3A_1608 : i32 to index
        %get3A_2161 = arith.index_cast %get3A_2158 : i32 to index
        %get3A_2162 = arith.index_cast %get3A_2159 : i32 to index
        %get3A_2163 = arith.index_cast %add3A_2093 : i32 to index
        %get3A_2164 = tpu.vector_load %arg21[%get3A_2160, %get3A_2161, %get3A_2162, %get3A_2163] {strides = array<i32>} : memref<2x16x1x2048xf32, #tpu.memory_space<vmem>>, vector<1x1x1x16xf32>,
        %get3A_2165 = vector.shape_cast %get3A_2164 : vector<1x1x1x16xf32> to vector<16xf32>
        %get3A_2166 = arith.constant 9 : i32
        %get3A_2167 = arith.constant 0 : i32
        %get3A_2168 = arith.index_cast %get3A_1611 : i32 to index
        %get3A_2169 = arith.index_cast %get3A_2166 : i32 to index
        %get3A_2170 = arith.index_cast %get3A_2167 : i32 to index
        %get3A_2171 = arith.index_cast %add3A_2093 : i32 to index
        %get3A_2172 = tpu.vector_load %arg21[%get3A_2168, %get3A_2169, %get3A_2170, %get3A_2171] {strides = array<i32>} : memref<2x16x1x2048xf32, #tpu.memory_space<vmem>>, vector<1x1x1x16xf32>,
        %get3A_2173 = vector.shape_cast %get3A_2172 : vector<1x1x1x16xf32> to vector<16xf32>
        %get3A_2174 = arith.constant 10 : i32
        %get3A_2175 = arith.constant 0 : i32
        %get3A_2176 = arith.index_cast %get3A_1614 : i32 to index
        %get3A_2177 = arith.index_cast %get3A_2174 : i32 to index
        %get3A_2178 = arith.index_cast %get3A_2175 : i32 to index
        %get3A_2179 = arith.index_cast %add3A_2093 : i32 to index
        %get3A_2180 = tpu.vector_load %arg21[%get3A_2176, %get3A_2177, %get3A_2178, %get3A_2179] {strides = array<i32>} : memref<2x16x1x2048xf32, #tpu.memory_space<vmem>>, vector<1x1x1x16xf32>,
        %get3A_2181 = vector.shape_cast %get3A_2180 : vector<1x1x1x16xf32> to vector<16xf32>
        %get3A_2182 = arith.constant 11 : i32
        %get3A_2183 = arith.constant 0 : i32
        %get3A_2184 = arith.index_cast %get3A_1617 : i32 to index
        %get3A_2185 = arith.index_cast %get3A_2182 : i32 to index
        %get3A_2186 = arith.index_cast %get3A_2183 : i32 to index
        %get3A_2187 = arith.index_cast %add3A_2093 : i32 to index
        %get3A_2188 = tpu.vector_load %arg21[%get3A_2184, %get3A_2185, %get3A_2186, %get3A_2187] {strides = array<i32>} : memref<2x16x1x2048xf32, #tpu.memory_space<vmem>>, vector<1x1x1x16xf32>,
        %get3A_2189 = vector.shape_cast %get3A_2188 : vector<1x1x1x16xf32> to vector<16xf32>
        %get3A_2190 = arith.constant 12 : i32
        %get3A_2191 = arith.constant 0 : i32
        %get3A_2192 = arith.index_cast %get3A_1620 : i32 to index
        %get3A_2193 = arith.index_cast %get3A_2190 : i32 to index
        %get3A_2194 = arith.index_cast %get3A_2191 : i32 to index
        %get3A_2195 = arith.index_cast %add3A_2093 : i32 to index
        %get3A_2196 = tpu.vector_load %arg21[%get3A_2192, %get3A_2193, %get3A_2194, %get3A_2195] {strides = array<i32>} : memref<2x16x1x2048xf32, #tpu.memory_space<vmem>>, vector<1x1x1x16xf32>,
        %get3A_2197 = vector.shape_cast %get3A_2196 : vector<1x1x1x16xf32> to vector<16xf32>
        %get3A_2198 = arith.constant 13 : i32
        %get3A_2199 = arith.constant 0 : i32
        %get3A_2200 = arith.index_cast %get3A_1623 : i32 to index
        %get3A_2201 = arith.index_cast %get3A_2198 : i32 to index
        %get3A_2202 = arith.index_cast %get3A_2199 : i32 to index
        %get3A_2203 = arith.index_cast %add3A_2093 : i32 to index
        %get3A_2204 = tpu.vector_load %arg21[%get3A_2200, %get3A_2201, %get3A_2202, %get3A_2203] {strides = array<i32>} : memref<2x16x1x2048xf32, #tpu.memory_space<vmem>>, vector<1x1x1x16xf32>,
        %get3A_2205 = vector.shape_cast %get3A_2204 : vector<1x1x1x16xf32> to vector<16xf32>
        %get3A_2206 = arith.constant 14 : i32
        %get3A_2207 = arith.constant 0 : i32
        %get3A_2208 = arith.index_cast %get3A_1626 : i32 to index
        %get3A_2209 = arith.index_cast %get3A_2206 : i32 to index
        %get3A_2210 = arith.index_cast %get3A_2207 : i32 to index
        %get3A_2211 = arith.index_cast %add3A_2093 : i32 to index
        %get3A_2212 = tpu.vector_load %arg21[%get3A_2208, %get3A_2209, %get3A_2210, %get3A_2211] {strides = array<i32>} : memref<2x16x1x2048xf32, #tpu.memory_space<vmem>>, vector<1x1x1x16xf32>,
        %get3A_2213 = vector.shape_cast %get3A_2212 : vector<1x1x1x16xf32> to vector<16xf32>
        %get3A_2214 = arith.constant 15 : i32
        %get3A_2215 = arith.constant 0 : i32
        %get3A_2216 = arith.index_cast %get3A_1629 : i32 to index
        %get3A_2217 = arith.index_cast %get3A_2214 : i32 to index
        %get3A_2218 = arith.index_cast %get3A_2215 : i32 to index
        %get3A_2219 = arith.index_cast %add3A_2093 : i32 to index
        %get3A_2220 = tpu.vector_load %arg21[%get3A_2216, %get3A_2217, %get3A_2218, %get3A_2219] {strides = array<i32>} : memref<2x16x1x2048xf32, #tpu.memory_space<vmem>>, vector<1x1x1x16xf32>,
        %get3A_2221 = vector.shape_cast %get3A_2220 : vector<1x1x1x16xf32> to vector<16xf32>
        %mul3A_2222 = arith.mulf %get3A_2109, %get3A_2117 : vector<16xf32>
        %mul3A_2223 = arith.mulf %mul3A_2222, %get3A_2125 : vector<16xf32>
        %add3A_2224 = arith.addf %mul3A_2223, %get3A_2133 : vector<16xf32>
        %add3A_2225 = arith.addf %add3A_2224, %get3A_2141 : vector<16xf32>
        %mul3A_2226 = arith.mulf %get3A_2149, %get3A_2157 : vector<16xf32>
        %mul3A_2227 = arith.mulf %mul3A_2226, %get3A_2165 : vector<16xf32>
        %mul3A_2228 = arith.mulf %mul3A_2227, %get3A_2173 : vector<16xf32>
        %mul3A_2229 = arith.mulf %mul3A_2228, %get3A_2181 : vector<16xf32>
        %mul3A_2230 = arith.mulf %mul3A_2229, %get3A_2189 : vector<16xf32>
        %mul3A_2231 = arith.mulf %get3A_2197, %get3A_2205 : vector<16xf32>
        %add3A_2232 = arith.addf %mul3A_2230, %mul3A_2231 : vector<16xf32>
        %mul3A_2233 = arith.mulf %get3A_2213, %get3A_2221 : vector<16xf32>
        %add3A_2234 = arith.addf %add3A_2232, %mul3A_2233 : vector<16xf32>
        %add3A_2235 = arith.addf %add3A_2225, %add3A_2234 : vector<16xf32>
        %mul3A_2236 = arith.mulf %add3A_2235, %get3A_2101 : vector<16xf32>
        %swap3A_2237 = arith.index_cast %add3A_2093 : i32 to index
        %swap3A_2238 = tpu.vector_load %arg22[%swap3A_2237] {strides = array<i32>} : memref<2048xf32, #tpu.memory_space<vmem>>, vector<16xf32>,
        %swap3A_2239 = vector.shape_cast %swap3A_2238 : vector<16xf32> to vector<16xf32>
        %swap3A_2240 = vector.shape_cast %mul3A_2236 : vector<16xf32> to vector<16xf32>
        tpu.vector_store %arg22[%swap3A_2237], %swap3A_2240 {add = true, strides = array<i32>} : memref<2048xf32, #tpu.memory_space<vmem>>, vector<16xf32>,
      }
      %scan3A_1635 = arith.constant 32 : i32
    }
    %scan3A_893 = arith.constant 127 : i32
    %get3A_894 = arith.constant 0 : i32
    %get3A_895 = arith.index_cast %get3A_894 : i32 to index
    %get3A_896 = memref.load %arg23[%get3A_895] : memref<16xi32, #tpu.memory_space<smem>>
    %swap3A_897 = arith.constant 0 : i32
    %swap3A_898 = arith.index_cast %swap3A_897 : i32 to index
    %swap3A_899 = memref.load %arg24[%swap3A_898] : memref<16xi32, #tpu.memory_space<smem>>
    memref.store %get3A_896, %arg24[%swap3A_898] : memref<16xi32, #tpu.memory_space<smem>>
    %get3A_900 = arith.constant 1 : i32
    %get3A_901 = arith.index_cast %get3A_900 : i32 to index
    %get3A_902 = memref.load %arg23[%get3A_901] : memref<16xi32, #tpu.memory_space<smem>>
    %swap3A_903 = arith.constant 1 : i32
    %swap3A_904 = arith.index_cast %swap3A_903 : i32 to index
    %swap3A_905 = memref.load %arg24[%swap3A_904] : memref<16xi32, #tpu.memory_space<smem>>
    memref.store %get3A_902, %arg24[%swap3A_904] : memref<16xi32, #tpu.memory_space<smem>>
    %get3A_906 = arith.constant 2 : i32
    %get3A_907 = arith.index_cast %get3A_906 : i32 to index
    %get3A_908 = memref.load %arg23[%get3A_907] : memref<16xi32, #tpu.memory_space<smem>>
    %swap3A_909 = arith.constant 2 : i32
    %swap3A_910 = arith.index_cast %swap3A_909 : i32 to index
    %swap3A_911 = memref.load %arg24[%swap3A_910] : memref<16xi32, #tpu.memory_space<smem>>
    memref.store %get3A_908, %arg24[%swap3A_910] : memref<16xi32, #tpu.memory_space<smem>>
    %get3A_912 = arith.constant 3 : i32
    %get3A_913 = arith.index_cast %get3A_912 : i32 to index
    %get3A_914 = memref.load %arg23[%get3A_913] : memref<16xi32, #tpu.memory_space<smem>>
    %swap3A_915 = arith.constant 3 : i32
    %swap3A_916 = arith.index_cast %swap3A_915 : i32 to index
    %swap3A_917 = memref.load %arg24[%swap3A_916] : memref<16xi32, #tpu.memory_space<smem>>
    memref.store %get3A_914, %arg24[%swap3A_916] : memref<16xi32, #tpu.memory_space<smem>>
    %get3A_918 = arith.constant 4 : i32
    %get3A_919 = arith.index_cast %get3A_918 : i32 to index
    %get3A_920 = memref.load %arg23[%get3A_919] : memref<16xi32, #tpu.memory_space<smem>>
    %swap3A_921 = arith.constant 4 : i32
    %swap3A_922 = arith.index_cast %swap3A_921 : i32 to index
    %swap3A_923 = memref.load %arg24[%swap3A_922] : memref<16xi32, #tpu.memory_space<smem>>
    memref.store %get3A_920, %arg24[%swap3A_922] : memref<16xi32, #tpu.memory_space<smem>>
    %get3A_924 = arith.constant 5 : i32
    %get3A_925 = arith.index_cast %get3A_924 : i32 to index
    %get3A_926 = memref.load %arg23[%get3A_925] : memref<16xi32, #tpu.memory_space<smem>>
    %swap3A_927 = arith.constant 5 : i32
    %swap3A_928 = arith.index_cast %swap3A_927 : i32 to index
    %swap3A_929 = memref.load %arg24[%swap3A_928] : memref<16xi32, #tpu.memory_space<smem>>
    memref.store %get3A_926, %arg24[%swap3A_928] : memref<16xi32, #tpu.memory_space<smem>>
    %get3A_930 = arith.constant 6 : i32
    %get3A_931 = arith.index_cast %get3A_930 : i32 to index
    %get3A_932 = memref.load %arg23[%get3A_931] : memref<16xi32, #tpu.memory_space<smem>>
    %swap3A_933 = arith.constant 6 : i32
    %swap3A_934 = arith.index_cast %swap3A_933 : i32 to index
    %swap3A_935 = memref.load %arg24[%swap3A_934] : memref<16xi32, #tpu.memory_space<smem>>
    memref.store %get3A_932, %arg24[%swap3A_934] : memref<16xi32, #tpu.memory_space<smem>>
    %get3A_936 = arith.constant 7 : i32
    %get3A_937 = arith.index_cast %get3A_936 : i32 to index
    %get3A_938 = memref.load %arg23[%get3A_937] : memref<16xi32, #tpu.memory_space<smem>>
    %swap3A_939 = arith.constant 7 : i32
    %swap3A_940 = arith.index_cast %swap3A_939 : i32 to index
    %swap3A_941 = memref.load %arg24[%swap3A_940] : memref<16xi32, #tpu.memory_space<smem>>
    memref.store %get3A_938, %arg24[%swap3A_940] : memref<16xi32, #tpu.memory_space<smem>>
    %get3A_942 = arith.constant 8 : i32
    %get3A_943 = arith.index_cast %get3A_942 : i32 to index
    %get3A_944 = memref.load %arg23[%get3A_943] : memref<16xi32, #tpu.memory_space<smem>>
    %swap3A_945 = arith.constant 8 : i32
    %swap3A_946 = arith.index_cast %swap3A_945 : i32 to index
    %swap3A_947 = memref.load %arg24[%swap3A_946] : memref<16xi32, #tpu.memory_space<smem>>
    memref.store %get3A_944, %arg24[%swap3A_946] : memref<16xi32, #tpu.memory_space<smem>>
    %get3A_948 = arith.constant 9 : i32
    %get3A_949 = arith.index_cast %get3A_948 : i32 to index
    %get3A_950 = memref.load %arg23[%get3A_949] : memref<16xi32, #tpu.memory_space<smem>>
    %swap3A_951 = arith.constant 9 : i32
    %swap3A_952 = arith.index_cast %swap3A_951 : i32 to index
    %swap3A_953 = memref.load %arg24[%swap3A_952] : memref<16xi32, #tpu.memory_space<smem>>
    memref.store %get3A_950, %arg24[%swap3A_952] : memref<16xi32, #tpu.memory_space<smem>>
    %get3A_954 = arith.constant 10 : i32
    %get3A_955 = arith.index_cast %get3A_954 : i32 to index
    %get3A_956 = memref.load %arg23[%get3A_955] : memref<16xi32, #tpu.memory_space<smem>>
    %swap3A_957 = arith.constant 10 : i32
    %swap3A_958 = arith.index_cast %swap3A_957 : i32 to index
    %swap3A_959 = memref.load %arg24[%swap3A_958] : memref<16xi32, #tpu.memory_space<smem>>
    memref.store %get3A_956, %arg24[%swap3A_958] : memref<16xi32, #tpu.memory_space<smem>>
    %get3A_960 = arith.constant 11 : i32
    %get3A_961 = arith.index_cast %get3A_960 : i32 to index
    %get3A_962 = memref.load %arg23[%get3A_961] : memref<16xi32, #tpu.memory_space<smem>>
    %swap3A_963 = arith.constant 11 : i32
    %swap3A_964 = arith.index_cast %swap3A_963 : i32 to index
    %swap3A_965 = memref.load %arg24[%swap3A_964] : memref<16xi32, #tpu.memory_space<smem>>
    memref.store %get3A_962, %arg24[%swap3A_964] : memref<16xi32, #tpu.memory_space<smem>>
    %get3A_966 = arith.constant 12 : i32
    %get3A_967 = arith.index_cast %get3A_966 : i32 to index
    %get3A_968 = memref.load %arg23[%get3A_967] : memref<16xi32, #tpu.memory_space<smem>>
    %swap3A_969 = arith.constant 12 : i32
    %swap3A_970 = arith.index_cast %swap3A_969 : i32 to index
    %swap3A_971 = memref.load %arg24[%swap3A_970] : memref<16xi32, #tpu.memory_space<smem>>
    memref.store %get3A_968, %arg24[%swap3A_970] : memref<16xi32, #tpu.memory_space<smem>>
    %get3A_972 = arith.constant 13 : i32
    %get3A_973 = arith.index_cast %get3A_972 : i32 to index
    %get3A_974 = memref.load %arg23[%get3A_973] : memref<16xi32, #tpu.memory_space<smem>>
    %swap3A_975 = arith.constant 13 : i32
    %swap3A_976 = arith.index_cast %swap3A_975 : i32 to index
    %swap3A_977 = memref.load %arg24[%swap3A_976] : memref<16xi32, #tpu.memory_space<smem>>
    memref.store %get3A_974, %arg24[%swap3A_976] : memref<16xi32, #tpu.memory_space<smem>>
    %get3A_978 = arith.constant 14 : i32
    %get3A_979 = arith.index_cast %get3A_978 : i32 to index
    %get3A_980 = memref.load %arg23[%get3A_979] : memref<16xi32, #tpu.memory_space<smem>>
    %swap3A_981 = arith.constant 14 : i32
    %swap3A_982 = arith.index_cast %swap3A_981 : i32 to index
    %swap3A_983 = memref.load %arg24[%swap3A_982] : memref<16xi32, #tpu.memory_space<smem>>
    memref.store %get3A_980, %arg24[%swap3A_982] : memref<16xi32, #tpu.memory_space<smem>>
    %get3A_984 = arith.constant 15 : i32
    %get3A_985 = arith.index_cast %get3A_984 : i32 to index
    %get3A_986 = memref.load %arg23[%get3A_985] : memref<16xi32, #tpu.memory_space<smem>>
    %swap3A_987 = arith.constant 15 : i32
    %swap3A_988 = arith.index_cast %swap3A_987 : i32 to index
    %swap3A_989 = memref.load %arg24[%swap3A_988] : memref<16xi32, #tpu.memory_space<smem>>
    memref.store %get3A_986, %arg24[%swap3A_988] : memref<16xi32, #tpu.memory_space<smem>>
    %get3A_990 = arith.constant 127 : i32
    %get3A_991 = arith.index_cast %get3A_990 : i32 to index
    %get3A_992 = memref.load %arg25[%get3A_991] : memref<128xi32, #tpu.memory_space<smem>>
    %shift_right_arithmetic3A_993 = arith.constant 0 : i32
    %shift_right_arithmetic3A_994 = arith.shrsi %get3A_992, %shift_right_arithmetic3A_993 : i32
    %and3A_995 = arith.constant 1 : i32
    %and3A_996 = arith.andi %shift_right_arithmetic3A_994, %and3A_995 : i32
    %ne3A_997 = arith.constant 0 : i32
    %ne3A_998 = arith.cmpi ne, %and3A_996, %ne3A_997 : i32
    %convert_element_type3A_999 = arith.extui %ne3A_998 : i1 to i32
    %cond3A_1000 = arith.constant 0 : i32
    %cond3A_1001 = arith.cmpi ne, %convert_element_type3A_999, %cond3A_1000 : i32
    scf.if %cond3A_1001 {
      %dma_wait3A = arith.constant 0 : i32
      %dma_wait3A_1191 = arith.constant 0 : i32
      %dma_wait3A_1192 = arith.constant 0 : i32
      %dma_wait3A_1193 = arith.constant 0 : i32
      %dma_wait3A_1194 = arith.constant 0 : i32
      %dma_wait3A_1195 = tpu.memref_slice %arg21[%dma_wait3A_1191, %dma_wait3A_1192, %dma_wait3A_1193, %dma_wait3A_1194] : memref<2x16x1x2048xf32, #tpu.memory_space<vmem>> -> memref<1x1x1x2048xf32, #tpu.memory_space<vmem>>
      %dma_wait3A_1196 = tpu.memref_squeeze %dma_wait3A_1195 : memref<1x1x1x2048xf32, #tpu.memory_space<vmem>> -> memref<1x2048xf32, #tpu.memory_space<vmem>>
      %dma_wait3A_1197 = arith.constant 0 : i32
      %dma_wait3A_1198 = tpu.memref_slice %arg20[%dma_wait3A, %dma_wait3A_1197] : memref<17x128xi32, #tpu.memory_space<vmem>> -> memref<1x1xi32, #tpu.memory_space<vmem>>
      %dma_wait3A_1199 = tpu.memref_squeeze %dma_wait3A_1198 : memref<1x1xi32, #tpu.memory_space<vmem>> -> memref<1xi32, #tpu.memory_space<vmem>>
      %dma_wait3A_1200 = arith.constant 0 : i32
      %dma_wait3A_1201 = arith.constant 0 : i32
      %dma_wait3A_1202 = tpu.memref_slice %arg3[%dma_wait3A_1200, %dma_wait3A_1201] : memref<4096x2048xf32, #tpu.memory_space<hbm>> -> memref<4096x2048xf32, #tpu.memory_space<hbm>>
      tpu.wait_indirect_dma semaphore(%arg26 : memref<!tpu.dma_semaphore, #tpu.memory_space<semaphore_mem>>) src(%dma_wait3A_1202 : memref<4096x2048xf32, #tpu.memory_space<hbm>>) dst(%dma_wait3A_1196 : memref<1x2048xf32, #tpu.memory_space<vmem>>)
    } else {
    }
    %shift_right_arithmetic3A_1002 = arith.constant 1 : i32
    %shift_right_arithmetic3A_1003 = arith.shrsi %get3A_992, %shift_right_arithmetic3A_1002 : i32
    %and3A_1004 = arith.constant 1 : i32
    %and3A_1005 = arith.andi %shift_right_arithmetic3A_1003, %and3A_1004 : i32
    %ne3A_1006 = arith.constant 0 : i32
    %ne3A_1007 = arith.cmpi ne, %and3A_1005, %ne3A_1006 : i32
    %convert_element_type3A_1008 = arith.extui %ne3A_1007 : i1 to i32
    %cond3A_1009 = arith.constant 0 : i32
    %cond3A_1010 = arith.cmpi ne, %convert_element_type3A_1008, %cond3A_1009 : i32
    scf.if %cond3A_1010 {
      %dma_wait3A = arith.constant 1 : i32
      %dma_wait3A_1191 = arith.constant 0 : i32
      %dma_wait3A_1192 = arith.constant 1 : i32
      %dma_wait3A_1193 = arith.constant 0 : i32
      %dma_wait3A_1194 = arith.constant 0 : i32
      %dma_wait3A_1195 = tpu.memref_slice %arg21[%dma_wait3A_1191, %dma_wait3A_1192, %dma_wait3A_1193, %dma_wait3A_1194] : memref<2x16x1x2048xf32, #tpu.memory_space<vmem>> -> memref<1x1x1x2048xf32, #tpu.memory_space<vmem>>
      %dma_wait3A_1196 = tpu.memref_squeeze %dma_wait3A_1195 : memref<1x1x1x2048xf32, #tpu.memory_space<vmem>> -> memref<1x2048xf32, #tpu.memory_space<vmem>>
      %dma_wait3A_1197 = arith.constant 0 : i32
      %dma_wait3A_1198 = tpu.memref_slice %arg20[%dma_wait3A, %dma_wait3A_1197] : memref<17x128xi32, #tpu.memory_space<vmem>> -> memref<1x1xi32, #tpu.memory_space<vmem>>
      %dma_wait3A_1199 = tpu.memref_squeeze %dma_wait3A_1198 : memref<1x1xi32, #tpu.memory_space<vmem>> -> memref<1xi32, #tpu.memory_space<vmem>>
      %dma_wait3A_1200 = arith.constant 0 : i32
      %dma_wait3A_1201 = arith.constant 0 : i32
      %dma_wait3A_1202 = tpu.memref_slice %arg4[%dma_wait3A_1200, %dma_wait3A_1201] : memref<1000x2048xf32, #tpu.memory_space<hbm>> -> memref<1000x2048xf32, #tpu.memory_space<hbm>>
      tpu.wait_indirect_dma semaphore(%arg26 : memref<!tpu.dma_semaphore, #tpu.memory_space<semaphore_mem>>) src(%dma_wait3A_1202 : memref<1000x2048xf32, #tpu.memory_space<hbm>>) dst(%dma_wait3A_1196 : memref<1x2048xf32, #tpu.memory_space<vmem>>)
    } else {
    }
    %shift_right_arithmetic3A_1011 = arith.constant 2 : i32
    %shift_right_arithmetic3A_1012 = arith.shrsi %get3A_992, %shift_right_arithmetic3A_1011 : i32
    %and3A_1013 = arith.constant 1 : i32
    %and3A_1014 = arith.andi %shift_right_arithmetic3A_1012, %and3A_1013 : i32
    %ne3A_1015 = arith.constant 0 : i32
    %ne3A_1016 = arith.cmpi ne, %and3A_1014, %ne3A_1015 : i32
    %convert_element_type3A_1017 = arith.extui %ne3A_1016 : i1 to i32
    %cond3A_1018 = arith.constant 0 : i32
    %cond3A_1019 = arith.cmpi ne, %convert_element_type3A_1017, %cond3A_1018 : i32
    scf.if %cond3A_1019 {
      %dma_wait3A = arith.constant 2 : i32
      %dma_wait3A_1191 = arith.constant 0 : i32
      %dma_wait3A_1192 = arith.constant 2 : i32
      %dma_wait3A_1193 = arith.constant 0 : i32
      %dma_wait3A_1194 = arith.constant 0 : i32
      %dma_wait3A_1195 = tpu.memref_slice %arg21[%dma_wait3A_1191, %dma_wait3A_1192, %dma_wait3A_1193, %dma_wait3A_1194] : memref<2x16x1x2048xf32, #tpu.memory_space<vmem>> -> memref<1x1x1x2048xf32, #tpu.memory_space<vmem>>
      %dma_wait3A_1196 = tpu.memref_squeeze %dma_wait3A_1195 : memref<1x1x1x2048xf32, #tpu.memory_space<vmem>> -> memref<1x2048xf32, #tpu.memory_space<vmem>>
      %dma_wait3A_1197 = arith.constant 0 : i32
      %dma_wait3A_1198 = tpu.memref_slice %arg20[%dma_wait3A, %dma_wait3A_1197] : memref<17x128xi32, #tpu.memory_space<vmem>> -> memref<1x1xi32, #tpu.memory_space<vmem>>
      %dma_wait3A_1199 = tpu.memref_squeeze %dma_wait3A_1198 : memref<1x1xi32, #tpu.memory_space<vmem>> -> memref<1xi32, #tpu.memory_space<vmem>>
      %dma_wait3A_1200 = arith.constant 0 : i32
      %dma_wait3A_1201 = arith.constant 0 : i32
      %dma_wait3A_1202 = tpu.memref_slice %arg5[%dma_wait3A_1200, %dma_wait3A_1201] : memref<1000x2048xf32, #tpu.memory_space<hbm>> -> memref<1000x2048xf32, #tpu.memory_space<hbm>>
      tpu.wait_indirect_dma semaphore(%arg26 : memref<!tpu.dma_semaphore, #tpu.memory_space<semaphore_mem>>) src(%dma_wait3A_1202 : memref<1000x2048xf32, #tpu.memory_space<hbm>>) dst(%dma_wait3A_1196 : memref<1x2048xf32, #tpu.memory_space<vmem>>)
    } else {
    }
    %shift_right_arithmetic3A_1020 = arith.constant 3 : i32
    %shift_right_arithmetic3A_1021 = arith.shrsi %get3A_992, %shift_right_arithmetic3A_1020 : i32
    %and3A_1022 = arith.constant 1 : i32
    %and3A_1023 = arith.andi %shift_right_arithmetic3A_1021, %and3A_1022 : i32
    %ne3A_1024 = arith.constant 0 : i32
    %ne3A_1025 = arith.cmpi ne, %and3A_1023, %ne3A_1024 : i32
    %convert_element_type3A_1026 = arith.extui %ne3A_1025 : i1 to i32
    %cond3A_1027 = arith.constant 0 : i32
    %cond3A_1028 = arith.cmpi ne, %convert_element_type3A_1026, %cond3A_1027 : i32
    scf.if %cond3A_1028 {
      %dma_wait3A = arith.constant 3 : i32
      %dma_wait3A_1191 = arith.constant 0 : i32
      %dma_wait3A_1192 = arith.constant 3 : i32
      %dma_wait3A_1193 = arith.constant 0 : i32
      %dma_wait3A_1194 = arith.constant 0 : i32
      %dma_wait3A_1195 = tpu.memref_slice %arg21[%dma_wait3A_1191, %dma_wait3A_1192, %dma_wait3A_1193, %dma_wait3A_1194] : memref<2x16x1x2048xf32, #tpu.memory_space<vmem>> -> memref<1x1x1x2048xf32, #tpu.memory_space<vmem>>
      %dma_wait3A_1196 = tpu.memref_squeeze %dma_wait3A_1195 : memref<1x1x1x2048xf32, #tpu.memory_space<vmem>> -> memref<1x2048xf32, #tpu.memory_space<vmem>>
      %dma_wait3A_1197 = arith.constant 0 : i32
      %dma_wait3A_1198 = tpu.memref_slice %arg20[%dma_wait3A, %dma_wait3A_1197] : memref<17x128xi32, #tpu.memory_space<vmem>> -> memref<1x1xi32, #tpu.memory_space<vmem>>
      %dma_wait3A_1199 = tpu.memref_squeeze %dma_wait3A_1198 : memref<1x1xi32, #tpu.memory_space<vmem>> -> memref<1xi32, #tpu.memory_space<vmem>>
      %dma_wait3A_1200 = arith.constant 0 : i32
      %dma_wait3A_1201 = arith.constant 0 : i32
      %dma_wait3A_1202 = tpu.memref_slice %arg6[%dma_wait3A_1200, %dma_wait3A_1201] : memref<1000x2048xf32, #tpu.memory_space<hbm>> -> memref<1000x2048xf32, #tpu.memory_space<hbm>>
      tpu.wait_indirect_dma semaphore(%arg26 : memref<!tpu.dma_semaphore, #tpu.memory_space<semaphore_mem>>) src(%dma_wait3A_1202 : memref<1000x2048xf32, #tpu.memory_space<hbm>>) dst(%dma_wait3A_1196 : memref<1x2048xf32, #tpu.memory_space<vmem>>)
    } else {
    }
    %shift_right_arithmetic3A_1029 = arith.constant 4 : i32
    %shift_right_arithmetic3A_1030 = arith.shrsi %get3A_992, %shift_right_arithmetic3A_1029 : i32
    %and3A_1031 = arith.constant 1 : i32
    %and3A_1032 = arith.andi %shift_right_arithmetic3A_1030, %and3A_1031 : i32
    %ne3A_1033 = arith.constant 0 : i32
    %ne3A_1034 = arith.cmpi ne, %and3A_1032, %ne3A_1033 : i32
    %convert_element_type3A_1035 = arith.extui %ne3A_1034 : i1 to i32
    %cond3A_1036 = arith.constant 0 : i32
    %cond3A_1037 = arith.cmpi ne, %convert_element_type3A_1035, %cond3A_1036 : i32
    scf.if %cond3A_1037 {
      %dma_wait3A = arith.constant 4 : i32
      %dma_wait3A_1191 = arith.constant 0 : i32
      %dma_wait3A_1192 = arith.constant 4 : i32
      %dma_wait3A_1193 = arith.constant 0 : i32
      %dma_wait3A_1194 = arith.constant 0 : i32
      %dma_wait3A_1195 = tpu.memref_slice %arg21[%dma_wait3A_1191, %dma_wait3A_1192, %dma_wait3A_1193, %dma_wait3A_1194] : memref<2x16x1x2048xf32, #tpu.memory_space<vmem>> -> memref<1x1x1x2048xf32, #tpu.memory_space<vmem>>
      %dma_wait3A_1196 = tpu.memref_squeeze %dma_wait3A_1195 : memref<1x1x1x2048xf32, #tpu.memory_space<vmem>> -> memref<1x2048xf32, #tpu.memory_space<vmem>>
      %dma_wait3A_1197 = arith.constant 0 : i32
      %dma_wait3A_1198 = tpu.memref_slice %arg20[%dma_wait3A, %dma_wait3A_1197] : memref<17x128xi32, #tpu.memory_space<vmem>> -> memref<1x1xi32, #tpu.memory_space<vmem>>
      %dma_wait3A_1199 = tpu.memref_squeeze %dma_wait3A_1198 : memref<1x1xi32, #tpu.memory_space<vmem>> -> memref<1xi32, #tpu.memory_space<vmem>>
      %dma_wait3A_1200 = arith.constant 0 : i32
      %dma_wait3A_1201 = arith.constant 0 : i32
      %dma_wait3A_1202 = tpu.memref_slice %arg7[%dma_wait3A_1200, %dma_wait3A_1201] : memref<1000x2048xf32, #tpu.memory_space<hbm>> -> memref<1000x2048xf32, #tpu.memory_space<hbm>>
      tpu.wait_indirect_dma semaphore(%arg26 : memref<!tpu.dma_semaphore, #tpu.memory_space<semaphore_mem>>) src(%dma_wait3A_1202 : memref<1000x2048xf32, #tpu.memory_space<hbm>>) dst(%dma_wait3A_1196 : memref<1x2048xf32, #tpu.memory_space<vmem>>)
    } else {
    }
    %shift_right_arithmetic3A_1038 = arith.constant 5 : i32
    %shift_right_arithmetic3A_1039 = arith.shrsi %get3A_992, %shift_right_arithmetic3A_1038 : i32
    %and3A_1040 = arith.constant 1 : i32
    %and3A_1041 = arith.andi %shift_right_arithmetic3A_1039, %and3A_1040 : i32
    %ne3A_1042 = arith.constant 0 : i32
    %ne3A_1043 = arith.cmpi ne, %and3A_1041, %ne3A_1042 : i32
    %convert_element_type3A_1044 = arith.extui %ne3A_1043 : i1 to i32
    %cond3A_1045 = arith.constant 0 : i32
    %cond3A_1046 = arith.cmpi ne, %convert_element_type3A_1044, %cond3A_1045 : i32
    scf.if %cond3A_1046 {
      %dma_wait3A = arith.constant 5 : i32
      %dma_wait3A_1191 = arith.constant 0 : i32
      %dma_wait3A_1192 = arith.constant 5 : i32
      %dma_wait3A_1193 = arith.constant 0 : i32
      %dma_wait3A_1194 = arith.constant 0 : i32
      %dma_wait3A_1195 = tpu.memref_slice %arg21[%dma_wait3A_1191, %dma_wait3A_1192, %dma_wait3A_1193, %dma_wait3A_1194] : memref<2x16x1x2048xf32, #tpu.memory_space<vmem>> -> memref<1x1x1x2048xf32, #tpu.memory_space<vmem>>
      %dma_wait3A_1196 = tpu.memref_squeeze %dma_wait3A_1195 : memref<1x1x1x2048xf32, #tpu.memory_space<vmem>> -> memref<1x2048xf32, #tpu.memory_space<vmem>>
      %dma_wait3A_1197 = arith.constant 0 : i32
      %dma_wait3A_1198 = tpu.memref_slice %arg20[%dma_wait3A, %dma_wait3A_1197] : memref<17x128xi32, #tpu.memory_space<vmem>> -> memref<1x1xi32, #tpu.memory_space<vmem>>
      %dma_wait3A_1199 = tpu.memref_squeeze %dma_wait3A_1198 : memref<1x1xi32, #tpu.memory_space<vmem>> -> memref<1xi32, #tpu.memory_space<vmem>>
      %dma_wait3A_1200 = arith.constant 0 : i32
      %dma_wait3A_1201 = arith.constant 0 : i32
      %dma_wait3A_1202 = tpu.memref_slice %arg8[%dma_wait3A_1200, %dma_wait3A_1201] : memref<1000x2048xf32, #tpu.memory_space<hbm>> -> memref<1000x2048xf32, #tpu.memory_space<hbm>>
      tpu.wait_indirect_dma semaphore(%arg26 : memref<!tpu.dma_semaphore, #tpu.memory_space<semaphore_mem>>) src(%dma_wait3A_1202 : memref<1000x2048xf32, #tpu.memory_space<hbm>>) dst(%dma_wait3A_1196 : memref<1x2048xf32, #tpu.memory_space<vmem>>)
    } else {
    }
    %shift_right_arithmetic3A_1047 = arith.constant 6 : i32
    %shift_right_arithmetic3A_1048 = arith.shrsi %get3A_992, %shift_right_arithmetic3A_1047 : i32
    %and3A_1049 = arith.constant 1 : i32
    %and3A_1050 = arith.andi %shift_right_arithmetic3A_1048, %and3A_1049 : i32
    %ne3A_1051 = arith.constant 0 : i32
    %ne3A_1052 = arith.cmpi ne, %and3A_1050, %ne3A_1051 : i32
    %convert_element_type3A_1053 = arith.extui %ne3A_1052 : i1 to i32
    %cond3A_1054 = arith.constant 0 : i32
    %cond3A_1055 = arith.cmpi ne, %convert_element_type3A_1053, %cond3A_1054 : i32
    scf.if %cond3A_1055 {
      %dma_wait3A = arith.constant 6 : i32
      %dma_wait3A_1191 = arith.constant 0 : i32
      %dma_wait3A_1192 = arith.constant 6 : i32
      %dma_wait3A_1193 = arith.constant 0 : i32
      %dma_wait3A_1194 = arith.constant 0 : i32
      %dma_wait3A_1195 = tpu.memref_slice %arg21[%dma_wait3A_1191, %dma_wait3A_1192, %dma_wait3A_1193, %dma_wait3A_1194] : memref<2x16x1x2048xf32, #tpu.memory_space<vmem>> -> memref<1x1x1x2048xf32, #tpu.memory_space<vmem>>
      %dma_wait3A_1196 = tpu.memref_squeeze %dma_wait3A_1195 : memref<1x1x1x2048xf32, #tpu.memory_space<vmem>> -> memref<1x2048xf32, #tpu.memory_space<vmem>>
      %dma_wait3A_1197 = arith.constant 0 : i32
      %dma_wait3A_1198 = tpu.memref_slice %arg20[%dma_wait3A, %dma_wait3A_1197] : memref<17x128xi32, #tpu.memory_space<vmem>> -> memref<1x1xi32, #tpu.memory_space<vmem>>
      %dma_wait3A_1199 = tpu.memref_squeeze %dma_wait3A_1198 : memref<1x1xi32, #tpu.memory_space<vmem>> -> memref<1xi32, #tpu.memory_space<vmem>>
      %dma_wait3A_1200 = arith.constant 0 : i32
      %dma_wait3A_1201 = arith.constant 0 : i32
      %dma_wait3A_1202 = tpu.memref_slice %arg9[%dma_wait3A_1200, %dma_wait3A_1201] : memref<1000x2048xf32, #tpu.memory_space<hbm>> -> memref<1000x2048xf32, #tpu.memory_space<hbm>>
      tpu.wait_indirect_dma semaphore(%arg26 : memref<!tpu.dma_semaphore, #tpu.memory_space<semaphore_mem>>) src(%dma_wait3A_1202 : memref<1000x2048xf32, #tpu.memory_space<hbm>>) dst(%dma_wait3A_1196 : memref<1x2048xf32, #tpu.memory_space<vmem>>)
    } else {
    }
    %shift_right_arithmetic3A_1056 = arith.constant 7 : i32
    %shift_right_arithmetic3A_1057 = arith.shrsi %get3A_992, %shift_right_arithmetic3A_1056 : i32
    %and3A_1058 = arith.constant 1 : i32
    %and3A_1059 = arith.andi %shift_right_arithmetic3A_1057, %and3A_1058 : i32
    %ne3A_1060 = arith.constant 0 : i32
    %ne3A_1061 = arith.cmpi ne, %and3A_1059, %ne3A_1060 : i32
    %convert_element_type3A_1062 = arith.extui %ne3A_1061 : i1 to i32
    %cond3A_1063 = arith.constant 0 : i32
    %cond3A_1064 = arith.cmpi ne, %convert_element_type3A_1062, %cond3A_1063 : i32
    scf.if %cond3A_1064 {
      %dma_wait3A = arith.constant 7 : i32
      %dma_wait3A_1191 = arith.constant 0 : i32
      %dma_wait3A_1192 = arith.constant 7 : i32
      %dma_wait3A_1193 = arith.constant 0 : i32
      %dma_wait3A_1194 = arith.constant 0 : i32
      %dma_wait3A_1195 = tpu.memref_slice %arg21[%dma_wait3A_1191, %dma_wait3A_1192, %dma_wait3A_1193, %dma_wait3A_1194] : memref<2x16x1x2048xf32, #tpu.memory_space<vmem>> -> memref<1x1x1x2048xf32, #tpu.memory_space<vmem>>
      %dma_wait3A_1196 = tpu.memref_squeeze %dma_wait3A_1195 : memref<1x1x1x2048xf32, #tpu.memory_space<vmem>> -> memref<1x2048xf32, #tpu.memory_space<vmem>>
      %dma_wait3A_1197 = arith.constant 0 : i32
      %dma_wait3A_1198 = tpu.memref_slice %arg20[%dma_wait3A, %dma_wait3A_1197] : memref<17x128xi32, #tpu.memory_space<vmem>> -> memref<1x1xi32, #tpu.memory_space<vmem>>
      %dma_wait3A_1199 = tpu.memref_squeeze %dma_wait3A_1198 : memref<1x1xi32, #tpu.memory_space<vmem>> -> memref<1xi32, #tpu.memory_space<vmem>>
      %dma_wait3A_1200 = arith.constant 0 : i32
      %dma_wait3A_1201 = arith.constant 0 : i32
      %dma_wait3A_1202 = tpu.memref_slice %arg10[%dma_wait3A_1200, %dma_wait3A_1201] : memref<1000x2048xf32, #tpu.memory_space<hbm>> -> memref<1000x2048xf32, #tpu.memory_space<hbm>>
      tpu.wait_indirect_dma semaphore(%arg26 : memref<!tpu.dma_semaphore, #tpu.memory_space<semaphore_mem>>) src(%dma_wait3A_1202 : memref<1000x2048xf32, #tpu.memory_space<hbm>>) dst(%dma_wait3A_1196 : memref<1x2048xf32, #tpu.memory_space<vmem>>)
    } else {
    }
    %shift_right_arithmetic3A_1065 = arith.constant 8 : i32
    %shift_right_arithmetic3A_1066 = arith.shrsi %get3A_992, %shift_right_arithmetic3A_1065 : i32
    %and3A_1067 = arith.constant 1 : i32
    %and3A_1068 = arith.andi %shift_right_arithmetic3A_1066, %and3A_1067 : i32
    %ne3A_1069 = arith.constant 0 : i32
    %ne3A_1070 = arith.cmpi ne, %and3A_1068, %ne3A_1069 : i32
    %convert_element_type3A_1071 = arith.extui %ne3A_1070 : i1 to i32
    %cond3A_1072 = arith.constant 0 : i32
    %cond3A_1073 = arith.cmpi ne, %convert_element_type3A_1071, %cond3A_1072 : i32
    scf.if %cond3A_1073 {
      %dma_wait3A = arith.constant 8 : i32
      %dma_wait3A_1191 = arith.constant 0 : i32
      %dma_wait3A_1192 = arith.constant 8 : i32
      %dma_wait3A_1193 = arith.constant 0 : i32
      %dma_wait3A_1194 = arith.constant 0 : i32
      %dma_wait3A_1195 = tpu.memref_slice %arg21[%dma_wait3A_1191, %dma_wait3A_1192, %dma_wait3A_1193, %dma_wait3A_1194] : memref<2x16x1x2048xf32, #tpu.memory_space<vmem>> -> memref<1x1x1x2048xf32, #tpu.memory_space<vmem>>
      %dma_wait3A_1196 = tpu.memref_squeeze %dma_wait3A_1195 : memref<1x1x1x2048xf32, #tpu.memory_space<vmem>> -> memref<1x2048xf32, #tpu.memory_space<vmem>>
      %dma_wait3A_1197 = arith.constant 0 : i32
      %dma_wait3A_1198 = tpu.memref_slice %arg20[%dma_wait3A, %dma_wait3A_1197] : memref<17x128xi32, #tpu.memory_space<vmem>> -> memref<1x1xi32, #tpu.memory_space<vmem>>
      %dma_wait3A_1199 = tpu.memref_squeeze %dma_wait3A_1198 : memref<1x1xi32, #tpu.memory_space<vmem>> -> memref<1xi32, #tpu.memory_space<vmem>>
      %dma_wait3A_1200 = arith.constant 0 : i32
      %dma_wait3A_1201 = arith.constant 0 : i32
      %dma_wait3A_1202 = tpu.memref_slice %arg11[%dma_wait3A_1200, %dma_wait3A_1201] : memref<1000x2048xf32, #tpu.memory_space<hbm>> -> memref<1000x2048xf32, #tpu.memory_space<hbm>>
      tpu.wait_indirect_dma semaphore(%arg26 : memref<!tpu.dma_semaphore, #tpu.memory_space<semaphore_mem>>) src(%dma_wait3A_1202 : memref<1000x2048xf32, #tpu.memory_space<hbm>>) dst(%dma_wait3A_1196 : memref<1x2048xf32, #tpu.memory_space<vmem>>)
    } else {
    }
    %shift_right_arithmetic3A_1074 = arith.constant 9 : i32
    %shift_right_arithmetic3A_1075 = arith.shrsi %get3A_992, %shift_right_arithmetic3A_1074 : i32
    %and3A_1076 = arith.constant 1 : i32
    %and3A_1077 = arith.andi %shift_right_arithmetic3A_1075, %and3A_1076 : i32
    %ne3A_1078 = arith.constant 0 : i32
    %ne3A_1079 = arith.cmpi ne, %and3A_1077, %ne3A_1078 : i32
    %convert_element_type3A_1080 = arith.extui %ne3A_1079 : i1 to i32
    %cond3A_1081 = arith.constant 0 : i32
    %cond3A_1082 = arith.cmpi ne, %convert_element_type3A_1080, %cond3A_1081 : i32
    scf.if %cond3A_1082 {
      %dma_wait3A = arith.constant 9 : i32
      %dma_wait3A_1191 = arith.constant 0 : i32
      %dma_wait3A_1192 = arith.constant 9 : i32
      %dma_wait3A_1193 = arith.constant 0 : i32
      %dma_wait3A_1194 = arith.constant 0 : i32
      %dma_wait3A_1195 = tpu.memref_slice %arg21[%dma_wait3A_1191, %dma_wait3A_1192, %dma_wait3A_1193, %dma_wait3A_1194] : memref<2x16x1x2048xf32, #tpu.memory_space<vmem>> -> memref<1x1x1x2048xf32, #tpu.memory_space<vmem>>
      %dma_wait3A_1196 = tpu.memref_squeeze %dma_wait3A_1195 : memref<1x1x1x2048xf32, #tpu.memory_space<vmem>> -> memref<1x2048xf32, #tpu.memory_space<vmem>>
      %dma_wait3A_1197 = arith.constant 0 : i32
      %dma_wait3A_1198 = tpu.memref_slice %arg20[%dma_wait3A, %dma_wait3A_1197] : memref<17x128xi32, #tpu.memory_space<vmem>> -> memref<1x1xi32, #tpu.memory_space<vmem>>
      %dma_wait3A_1199 = tpu.memref_squeeze %dma_wait3A_1198 : memref<1x1xi32, #tpu.memory_space<vmem>> -> memref<1xi32, #tpu.memory_space<vmem>>
      %dma_wait3A_1200 = arith.constant 0 : i32
      %dma_wait3A_1201 = arith.constant 0 : i32
      %dma_wait3A_1202 = tpu.memref_slice %arg12[%dma_wait3A_1200, %dma_wait3A_1201] : memref<1000x2048xf32, #tpu.memory_space<hbm>> -> memref<1000x2048xf32, #tpu.memory_space<hbm>>
      tpu.wait_indirect_dma semaphore(%arg26 : memref<!tpu.dma_semaphore, #tpu.memory_space<semaphore_mem>>) src(%dma_wait3A_1202 : memref<1000x2048xf32, #tpu.memory_space<hbm>>) dst(%dma_wait3A_1196 : memref<1x2048xf32, #tpu.memory_space<vmem>>)
    } else {
    }
    %shift_right_arithmetic3A_1083 = arith.constant 10 : i32
    %shift_right_arithmetic3A_1084 = arith.shrsi %get3A_992, %shift_right_arithmetic3A_1083 : i32
    %and3A_1085 = arith.constant 1 : i32
    %and3A_1086 = arith.andi %shift_right_arithmetic3A_1084, %and3A_1085 : i32
    %ne3A_1087 = arith.constant 0 : i32
    %ne3A_1088 = arith.cmpi ne, %and3A_1086, %ne3A_1087 : i32
    %convert_element_type3A_1089 = arith.extui %ne3A_1088 : i1 to i32
    %cond3A_1090 = arith.constant 0 : i32
    %cond3A_1091 = arith.cmpi ne, %convert_element_type3A_1089, %cond3A_1090 : i32
    scf.if %cond3A_1091 {
      %dma_wait3A = arith.constant 10 : i32
      %dma_wait3A_1191 = arith.constant 0 : i32
      %dma_wait3A_1192 = arith.constant 10 : i32
      %dma_wait3A_1193 = arith.constant 0 : i32
      %dma_wait3A_1194 = arith.constant 0 : i32
      %dma_wait3A_1195 = tpu.memref_slice %arg21[%dma_wait3A_1191, %dma_wait3A_1192, %dma_wait3A_1193, %dma_wait3A_1194] : memref<2x16x1x2048xf32, #tpu.memory_space<vmem>> -> memref<1x1x1x2048xf32, #tpu.memory_space<vmem>>
      %dma_wait3A_1196 = tpu.memref_squeeze %dma_wait3A_1195 : memref<1x1x1x2048xf32, #tpu.memory_space<vmem>> -> memref<1x2048xf32, #tpu.memory_space<vmem>>
      %dma_wait3A_1197 = arith.constant 0 : i32
      %dma_wait3A_1198 = tpu.memref_slice %arg20[%dma_wait3A, %dma_wait3A_1197] : memref<17x128xi32, #tpu.memory_space<vmem>> -> memref<1x1xi32, #tpu.memory_space<vmem>>
      %dma_wait3A_1199 = tpu.memref_squeeze %dma_wait3A_1198 : memref<1x1xi32, #tpu.memory_space<vmem>> -> memref<1xi32, #tpu.memory_space<vmem>>
      %dma_wait3A_1200 = arith.constant 0 : i32
      %dma_wait3A_1201 = arith.constant 0 : i32
      %dma_wait3A_1202 = tpu.memref_slice %arg13[%dma_wait3A_1200, %dma_wait3A_1201] : memref<1000x2048xf32, #tpu.memory_space<hbm>> -> memref<1000x2048xf32, #tpu.memory_space<hbm>>
      tpu.wait_indirect_dma semaphore(%arg26 : memref<!tpu.dma_semaphore, #tpu.memory_space<semaphore_mem>>) src(%dma_wait3A_1202 : memref<1000x2048xf32, #tpu.memory_space<hbm>>) dst(%dma_wait3A_1196 : memref<1x2048xf32, #tpu.memory_space<vmem>>)
    } else {
    }
    %shift_right_arithmetic3A_1092 = arith.constant 11 : i32
    %shift_right_arithmetic3A_1093 = arith.shrsi %get3A_992, %shift_right_arithmetic3A_1092 : i32
    %and3A_1094 = arith.constant 1 : i32
    %and3A_1095 = arith.andi %shift_right_arithmetic3A_1093, %and3A_1094 : i32
    %ne3A_1096 = arith.constant 0 : i32
    %ne3A_1097 = arith.cmpi ne, %and3A_1095, %ne3A_1096 : i32
    %convert_element_type3A_1098 = arith.extui %ne3A_1097 : i1 to i32
    %cond3A_1099 = arith.constant 0 : i32
    %cond3A_1100 = arith.cmpi ne, %convert_element_type3A_1098, %cond3A_1099 : i32
    scf.if %cond3A_1100 {
      %dma_wait3A = arith.constant 11 : i32
      %dma_wait3A_1191 = arith.constant 0 : i32
      %dma_wait3A_1192 = arith.constant 11 : i32
      %dma_wait3A_1193 = arith.constant 0 : i32
      %dma_wait3A_1194 = arith.constant 0 : i32
      %dma_wait3A_1195 = tpu.memref_slice %arg21[%dma_wait3A_1191, %dma_wait3A_1192, %dma_wait3A_1193, %dma_wait3A_1194] : memref<2x16x1x2048xf32, #tpu.memory_space<vmem>> -> memref<1x1x1x2048xf32, #tpu.memory_space<vmem>>
      %dma_wait3A_1196 = tpu.memref_squeeze %dma_wait3A_1195 : memref<1x1x1x2048xf32, #tpu.memory_space<vmem>> -> memref<1x2048xf32, #tpu.memory_space<vmem>>
      %dma_wait3A_1197 = arith.constant 0 : i32
      %dma_wait3A_1198 = tpu.memref_slice %arg20[%dma_wait3A, %dma_wait3A_1197] : memref<17x128xi32, #tpu.memory_space<vmem>> -> memref<1x1xi32, #tpu.memory_space<vmem>>
      %dma_wait3A_1199 = tpu.memref_squeeze %dma_wait3A_1198 : memref<1x1xi32, #tpu.memory_space<vmem>> -> memref<1xi32, #tpu.memory_space<vmem>>
      %dma_wait3A_1200 = arith.constant 0 : i32
      %dma_wait3A_1201 = arith.constant 0 : i32
      %dma_wait3A_1202 = tpu.memref_slice %arg14[%dma_wait3A_1200, %dma_wait3A_1201] : memref<1000x2048xf32, #tpu.memory_space<hbm>> -> memref<1000x2048xf32, #tpu.memory_space<hbm>>
      tpu.wait_indirect_dma semaphore(%arg26 : memref<!tpu.dma_semaphore, #tpu.memory_space<semaphore_mem>>) src(%dma_wait3A_1202 : memref<1000x2048xf32, #tpu.memory_space<hbm>>) dst(%dma_wait3A_1196 : memref<1x2048xf32, #tpu.memory_space<vmem>>)
    } else {
    }
    %shift_right_arithmetic3A_1101 = arith.constant 12 : i32
    %shift_right_arithmetic3A_1102 = arith.shrsi %get3A_992, %shift_right_arithmetic3A_1101 : i32
    %and3A_1103 = arith.constant 1 : i32
    %and3A_1104 = arith.andi %shift_right_arithmetic3A_1102, %and3A_1103 : i32
    %ne3A_1105 = arith.constant 0 : i32
    %ne3A_1106 = arith.cmpi ne, %and3A_1104, %ne3A_1105 : i32
    %convert_element_type3A_1107 = arith.extui %ne3A_1106 : i1 to i32
    %cond3A_1108 = arith.constant 0 : i32
    %cond3A_1109 = arith.cmpi ne, %convert_element_type3A_1107, %cond3A_1108 : i32
    scf.if %cond3A_1109 {
      %dma_wait3A = arith.constant 12 : i32
      %dma_wait3A_1191 = arith.constant 0 : i32
      %dma_wait3A_1192 = arith.constant 12 : i32
      %dma_wait3A_1193 = arith.constant 0 : i32
      %dma_wait3A_1194 = arith.constant 0 : i32
      %dma_wait3A_1195 = tpu.memref_slice %arg21[%dma_wait3A_1191, %dma_wait3A_1192, %dma_wait3A_1193, %dma_wait3A_1194] : memref<2x16x1x2048xf32, #tpu.memory_space<vmem>> -> memref<1x1x1x2048xf32, #tpu.memory_space<vmem>>
      %dma_wait3A_1196 = tpu.memref_squeeze %dma_wait3A_1195 : memref<1x1x1x2048xf32, #tpu.memory_space<vmem>> -> memref<1x2048xf32, #tpu.memory_space<vmem>>
      %dma_wait3A_1197 = arith.constant 0 : i32
      %dma_wait3A_1198 = tpu.memref_slice %arg20[%dma_wait3A, %dma_wait3A_1197] : memref<17x128xi32, #tpu.memory_space<vmem>> -> memref<1x1xi32, #tpu.memory_space<vmem>>
      %dma_wait3A_1199 = tpu.memref_squeeze %dma_wait3A_1198 : memref<1x1xi32, #tpu.memory_space<vmem>> -> memref<1xi32, #tpu.memory_space<vmem>>
      %dma_wait3A_1200 = arith.constant 0 : i32
      %dma_wait3A_1201 = arith.constant 0 : i32
      %dma_wait3A_1202 = tpu.memref_slice %arg15[%dma_wait3A_1200, %dma_wait3A_1201] : memref<1000x2048xf32, #tpu.memory_space<hbm>> -> memref<1000x2048xf32, #tpu.memory_space<hbm>>
      tpu.wait_indirect_dma semaphore(%arg26 : memref<!tpu.dma_semaphore, #tpu.memory_space<semaphore_mem>>) src(%dma_wait3A_1202 : memref<1000x2048xf32, #tpu.memory_space<hbm>>) dst(%dma_wait3A_1196 : memref<1x2048xf32, #tpu.memory_space<vmem>>)
    } else {
    }
    %shift_right_arithmetic3A_1110 = arith.constant 13 : i32
    %shift_right_arithmetic3A_1111 = arith.shrsi %get3A_992, %shift_right_arithmetic3A_1110 : i32
    %and3A_1112 = arith.constant 1 : i32
    %and3A_1113 = arith.andi %shift_right_arithmetic3A_1111, %and3A_1112 : i32
    %ne3A_1114 = arith.constant 0 : i32
    %ne3A_1115 = arith.cmpi ne, %and3A_1113, %ne3A_1114 : i32
    %convert_element_type3A_1116 = arith.extui %ne3A_1115 : i1 to i32
    %cond3A_1117 = arith.constant 0 : i32
    %cond3A_1118 = arith.cmpi ne, %convert_element_type3A_1116, %cond3A_1117 : i32
    scf.if %cond3A_1118 {
      %dma_wait3A = arith.constant 13 : i32
      %dma_wait3A_1191 = arith.constant 0 : i32
      %dma_wait3A_1192 = arith.constant 13 : i32
      %dma_wait3A_1193 = arith.constant 0 : i32
      %dma_wait3A_1194 = arith.constant 0 : i32
      %dma_wait3A_1195 = tpu.memref_slice %arg21[%dma_wait3A_1191, %dma_wait3A_1192, %dma_wait3A_1193, %dma_wait3A_1194] : memref<2x16x1x2048xf32, #tpu.memory_space<vmem>> -> memref<1x1x1x2048xf32, #tpu.memory_space<vmem>>
      %dma_wait3A_1196 = tpu.memref_squeeze %dma_wait3A_1195 : memref<1x1x1x2048xf32, #tpu.memory_space<vmem>> -> memref<1x2048xf32, #tpu.memory_space<vmem>>
      %dma_wait3A_1197 = arith.constant 0 : i32
      %dma_wait3A_1198 = tpu.memref_slice %arg20[%dma_wait3A, %dma_wait3A_1197] : memref<17x128xi32, #tpu.memory_space<vmem>> -> memref<1x1xi32, #tpu.memory_space<vmem>>
      %dma_wait3A_1199 = tpu.memref_squeeze %dma_wait3A_1198 : memref<1x1xi32, #tpu.memory_space<vmem>> -> memref<1xi32, #tpu.memory_space<vmem>>
      %dma_wait3A_1200 = arith.constant 0 : i32
      %dma_wait3A_1201 = arith.constant 0 : i32
      %dma_wait3A_1202 = tpu.memref_slice %arg16[%dma_wait3A_1200, %dma_wait3A_1201] : memref<1000x2048xf32, #tpu.memory_space<hbm>> -> memref<1000x2048xf32, #tpu.memory_space<hbm>>
      tpu.wait_indirect_dma semaphore(%arg26 : memref<!tpu.dma_semaphore, #tpu.memory_space<semaphore_mem>>) src(%dma_wait3A_1202 : memref<1000x2048xf32, #tpu.memory_space<hbm>>) dst(%dma_wait3A_1196 : memref<1x2048xf32, #tpu.memory_space<vmem>>)
    } else {
    }
    %shift_right_arithmetic3A_1119 = arith.constant 14 : i32
    %shift_right_arithmetic3A_1120 = arith.shrsi %get3A_992, %shift_right_arithmetic3A_1119 : i32
    %and3A_1121 = arith.constant 1 : i32
    %and3A_1122 = arith.andi %shift_right_arithmetic3A_1120, %and3A_1121 : i32
    %ne3A_1123 = arith.constant 0 : i32
    %ne3A_1124 = arith.cmpi ne, %and3A_1122, %ne3A_1123 : i32
    %convert_element_type3A_1125 = arith.extui %ne3A_1124 : i1 to i32
    %cond3A_1126 = arith.constant 0 : i32
    %cond3A_1127 = arith.cmpi ne, %convert_element_type3A_1125, %cond3A_1126 : i32
    scf.if %cond3A_1127 {
      %dma_wait3A = arith.constant 14 : i32
      %dma_wait3A_1191 = arith.constant 0 : i32
      %dma_wait3A_1192 = arith.constant 14 : i32
      %dma_wait3A_1193 = arith.constant 0 : i32
      %dma_wait3A_1194 = arith.constant 0 : i32
      %dma_wait3A_1195 = tpu.memref_slice %arg21[%dma_wait3A_1191, %dma_wait3A_1192, %dma_wait3A_1193, %dma_wait3A_1194] : memref<2x16x1x2048xf32, #tpu.memory_space<vmem>> -> memref<1x1x1x2048xf32, #tpu.memory_space<vmem>>
      %dma_wait3A_1196 = tpu.memref_squeeze %dma_wait3A_1195 : memref<1x1x1x2048xf32, #tpu.memory_space<vmem>> -> memref<1x2048xf32, #tpu.memory_space<vmem>>
      %dma_wait3A_1197 = arith.constant 0 : i32
      %dma_wait3A_1198 = tpu.memref_slice %arg20[%dma_wait3A, %dma_wait3A_1197] : memref<17x128xi32, #tpu.memory_space<vmem>> -> memref<1x1xi32, #tpu.memory_space<vmem>>
      %dma_wait3A_1199 = tpu.memref_squeeze %dma_wait3A_1198 : memref<1x1xi32, #tpu.memory_space<vmem>> -> memref<1xi32, #tpu.memory_space<vmem>>
      %dma_wait3A_1200 = arith.constant 0 : i32
      %dma_wait3A_1201 = arith.constant 0 : i32
      %dma_wait3A_1202 = tpu.memref_slice %arg17[%dma_wait3A_1200, %dma_wait3A_1201] : memref<1000x2048xf32, #tpu.memory_space<hbm>> -> memref<1000x2048xf32, #tpu.memory_space<hbm>>
      tpu.wait_indirect_dma semaphore(%arg26 : memref<!tpu.dma_semaphore, #tpu.memory_space<semaphore_mem>>) src(%dma_wait3A_1202 : memref<1000x2048xf32, #tpu.memory_space<hbm>>) dst(%dma_wait3A_1196 : memref<1x2048xf32, #tpu.memory_space<vmem>>)
    } else {
    }
    %shift_right_arithmetic3A_1128 = arith.constant 15 : i32
    %shift_right_arithmetic3A_1129 = arith.shrsi %get3A_992, %shift_right_arithmetic3A_1128 : i32
    %and3A_1130 = arith.constant 1 : i32
    %and3A_1131 = arith.andi %shift_right_arithmetic3A_1129, %and3A_1130 : i32
    %ne3A_1132 = arith.constant 0 : i32
    %ne3A_1133 = arith.cmpi ne, %and3A_1131, %ne3A_1132 : i32
    %convert_element_type3A_1134 = arith.extui %ne3A_1133 : i1 to i32
    %cond3A_1135 = arith.constant 0 : i32
    %cond3A_1136 = arith.cmpi ne, %convert_element_type3A_1134, %cond3A_1135 : i32
    scf.if %cond3A_1136 {
      %dma_wait3A = arith.constant 15 : i32
      %dma_wait3A_1191 = arith.constant 0 : i32
      %dma_wait3A_1192 = arith.constant 15 : i32
      %dma_wait3A_1193 = arith.constant 0 : i32
      %dma_wait3A_1194 = arith.constant 0 : i32
      %dma_wait3A_1195 = tpu.memref_slice %arg21[%dma_wait3A_1191, %dma_wait3A_1192, %dma_wait3A_1193, %dma_wait3A_1194] : memref<2x16x1x2048xf32, #tpu.memory_space<vmem>> -> memref<1x1x1x2048xf32, #tpu.memory_space<vmem>>
      %dma_wait3A_1196 = tpu.memref_squeeze %dma_wait3A_1195 : memref<1x1x1x2048xf32, #tpu.memory_space<vmem>> -> memref<1x2048xf32, #tpu.memory_space<vmem>>
      %dma_wait3A_1197 = arith.constant 0 : i32
      %dma_wait3A_1198 = tpu.memref_slice %arg20[%dma_wait3A, %dma_wait3A_1197] : memref<17x128xi32, #tpu.memory_space<vmem>> -> memref<1x1xi32, #tpu.memory_space<vmem>>
      %dma_wait3A_1199 = tpu.memref_squeeze %dma_wait3A_1198 : memref<1x1xi32, #tpu.memory_space<vmem>> -> memref<1xi32, #tpu.memory_space<vmem>>
      %dma_wait3A_1200 = arith.constant 0 : i32
      %dma_wait3A_1201 = arith.constant 0 : i32
      %dma_wait3A_1202 = tpu.memref_slice %arg18[%dma_wait3A_1200, %dma_wait3A_1201] : memref<1000x2048xf32, #tpu.memory_space<hbm>> -> memref<1000x2048xf32, #tpu.memory_space<hbm>>
      tpu.wait_indirect_dma semaphore(%arg26 : memref<!tpu.dma_semaphore, #tpu.memory_space<semaphore_mem>>) src(%dma_wait3A_1202 : memref<1000x2048xf32, #tpu.memory_space<hbm>>) dst(%dma_wait3A_1196 : memref<1x2048xf32, #tpu.memory_space<vmem>>)
    } else {
    }
    %get3A_1137 = arith.constant 0 : i32
    %get3A_1138 = arith.index_cast %get3A_1137 : i32 to index
    %get3A_1139 = memref.load %arg24[%get3A_1138] : memref<16xi32, #tpu.memory_space<smem>>
    %get3A_1140 = arith.constant 1 : i32
    %get3A_1141 = arith.index_cast %get3A_1140 : i32 to index
    %get3A_1142 = memref.load %arg24[%get3A_1141] : memref<16xi32, #tpu.memory_space<smem>>
    %get3A_1143 = arith.constant 2 : i32
    %get3A_1144 = arith.index_cast %get3A_1143 : i32 to index
    %get3A_1145 = memref.load %arg24[%get3A_1144] : memref<16xi32, #tpu.memory_space<smem>>
    %get3A_1146 = arith.constant 3 : i32
    %get3A_1147 = arith.index_cast %get3A_1146 : i32 to index
    %get3A_1148 = memref.load %arg24[%get3A_1147] : memref<16xi32, #tpu.memory_space<smem>>
    %get3A_1149 = arith.constant 4 : i32
    %get3A_1150 = arith.index_cast %get3A_1149 : i32 to index
    %get3A_1151 = memref.load %arg24[%get3A_1150] : memref<16xi32, #tpu.memory_space<smem>>
    %get3A_1152 = arith.constant 5 : i32
    %get3A_1153 = arith.index_cast %get3A_1152 : i32 to index
    %get3A_1154 = memref.load %arg24[%get3A_1153] : memref<16xi32, #tpu.memory_space<smem>>
    %get3A_1155 = arith.constant 6 : i32
    %get3A_1156 = arith.index_cast %get3A_1155 : i32 to index
    %get3A_1157 = memref.load %arg24[%get3A_1156] : memref<16xi32, #tpu.memory_space<smem>>
    %get3A_1158 = arith.constant 7 : i32
    %get3A_1159 = arith.index_cast %get3A_1158 : i32 to index
    %get3A_1160 = memref.load %arg24[%get3A_1159] : memref<16xi32, #tpu.memory_space<smem>>
    %get3A_1161 = arith.constant 8 : i32
    %get3A_1162 = arith.index_cast %get3A_1161 : i32 to index
    %get3A_1163 = memref.load %arg24[%get3A_1162] : memref<16xi32, #tpu.memory_space<smem>>
    %get3A_1164 = arith.constant 9 : i32
    %get3A_1165 = arith.index_cast %get3A_1164 : i32 to index
    %get3A_1166 = memref.load %arg24[%get3A_1165] : memref<16xi32, #tpu.memory_space<smem>>
    %get3A_1167 = arith.constant 10 : i32
    %get3A_1168 = arith.index_cast %get3A_1167 : i32 to index
    %get3A_1169 = memref.load %arg24[%get3A_1168] : memref<16xi32, #tpu.memory_space<smem>>
    %get3A_1170 = arith.constant 11 : i32
    %get3A_1171 = arith.index_cast %get3A_1170 : i32 to index
    %get3A_1172 = memref.load %arg24[%get3A_1171] : memref<16xi32, #tpu.memory_space<smem>>
    %get3A_1173 = arith.constant 12 : i32
    %get3A_1174 = arith.index_cast %get3A_1173 : i32 to index
    %get3A_1175 = memref.load %arg24[%get3A_1174] : memref<16xi32, #tpu.memory_space<smem>>
    %get3A_1176 = arith.constant 13 : i32
    %get3A_1177 = arith.index_cast %get3A_1176 : i32 to index
    %get3A_1178 = memref.load %arg24[%get3A_1177] : memref<16xi32, #tpu.memory_space<smem>>
    %get3A_1179 = arith.constant 14 : i32
    %get3A_1180 = arith.index_cast %get3A_1179 : i32 to index
    %get3A_1181 = memref.load %arg24[%get3A_1180] : memref<16xi32, #tpu.memory_space<smem>>
    %get3A_1182 = arith.constant 15 : i32
    %get3A_1183 = arith.index_cast %get3A_1182 : i32 to index
    %get3A_1184 = memref.load %arg24[%get3A_1183] : memref<16xi32, #tpu.memory_space<smem>>
    %scan3A_1185 = arith.constant 0 : i32
    %scan3A_1186 = arith.constant 0 : i32
    %scan3A_1187 = arith.constant 32 : i32
    %scan3A_1188 = arith.addi %scan3A_1186, %scan3A_1187 : i32
    %scan3A_1189 = arith.constant 1 : i32
    scf.for %scan3A_1191 = %scan3A_1186 to %scan3A_1188 step %scan3A_1189  : i32 {
      %mul3A_1192 = arith.constant 64 : i32
      %mul3A_1193 = arith.muli %scan3A_1191, %mul3A_1192 : i32
      %add3A_1194 = arith.constant 0 : i32
      %add3A_1195 = arith.addi %mul3A_1193, %add3A_1194 : i32
      %get3A_1196 = arith.constant 0 : i32
      %get3A_1197 = arith.constant 0 : i32
      %get3A_1198 = arith.index_cast %get3A_1139 : i32 to index
      %get3A_1199 = arith.index_cast %get3A_1196 : i32 to index
      %get3A_1200 = arith.index_cast %get3A_1197 : i32 to index
      %get3A_1201 = arith.index_cast %add3A_1195 : i32 to index
      %get3A_1202 = tpu.vector_load %arg21[%get3A_1198, %get3A_1199, %get3A_1200, %get3A_1201] {strides = array<i32>} : memref<2x16x1x2048xf32, #tpu.memory_space<vmem>>, vector<1x1x1x16xf32>,
      %get3A_1203 = vector.shape_cast %get3A_1202 : vector<1x1x1x16xf32> to vector<16xf32>
      %get3A_1204 = arith.constant 1 : i32
      %get3A_1205 = arith.constant 0 : i32
      %get3A_1206 = arith.index_cast %get3A_1142 : i32 to index
      %get3A_1207 = arith.index_cast %get3A_1204 : i32 to index
      %get3A_1208 = arith.index_cast %get3A_1205 : i32 to index
      %get3A_1209 = arith.index_cast %add3A_1195 : i32 to index
      %get3A_1210 = tpu.vector_load %arg21[%get3A_1206, %get3A_1207, %get3A_1208, %get3A_1209] {strides = array<i32>} : memref<2x16x1x2048xf32, #tpu.memory_space<vmem>>, vector<1x1x1x16xf32>,
      %get3A_1211 = vector.shape_cast %get3A_1210 : vector<1x1x1x16xf32> to vector<16xf32>
      %get3A_1212 = arith.constant 2 : i32
      %get3A_1213 = arith.constant 0 : i32
      %get3A_1214 = arith.index_cast %get3A_1145 : i32 to index
      %get3A_1215 = arith.index_cast %get3A_1212 : i32 to index
      %get3A_1216 = arith.index_cast %get3A_1213 : i32 to index
      %get3A_1217 = arith.index_cast %add3A_1195 : i32 to index
      %get3A_1218 = tpu.vector_load %arg21[%get3A_1214, %get3A_1215, %get3A_1216, %get3A_1217] {strides = array<i32>} : memref<2x16x1x2048xf32, #tpu.memory_space<vmem>>, vector<1x1x1x16xf32>,
      %get3A_1219 = vector.shape_cast %get3A_1218 : vector<1x1x1x16xf32> to vector<16xf32>
      %get3A_1220 = arith.constant 3 : i32
      %get3A_1221 = arith.constant 0 : i32
      %get3A_1222 = arith.index_cast %get3A_1148 : i32 to index
      %get3A_1223 = arith.index_cast %get3A_1220 : i32 to index
      %get3A_1224 = arith.index_cast %get3A_1221 : i32 to index
      %get3A_1225 = arith.index_cast %add3A_1195 : i32 to index
      %get3A_1226 = tpu.vector_load %arg21[%get3A_1222, %get3A_1223, %get3A_1224, %get3A_1225] {strides = array<i32>} : memref<2x16x1x2048xf32, #tpu.memory_space<vmem>>, vector<1x1x1x16xf32>,
      %get3A_1227 = vector.shape_cast %get3A_1226 : vector<1x1x1x16xf32> to vector<16xf32>
      %get3A_1228 = arith.constant 4 : i32
      %get3A_1229 = arith.constant 0 : i32
      %get3A_1230 = arith.index_cast %get3A_1151 : i32 to index
      %get3A_1231 = arith.index_cast %get3A_1228 : i32 to index
      %get3A_1232 = arith.index_cast %get3A_1229 : i32 to index
      %get3A_1233 = arith.index_cast %add3A_1195 : i32 to index
      %get3A_1234 = tpu.vector_load %arg21[%get3A_1230, %get3A_1231, %get3A_1232, %get3A_1233] {strides = array<i32>} : memref<2x16x1x2048xf32, #tpu.memory_space<vmem>>, vector<1x1x1x16xf32>,
      %get3A_1235 = vector.shape_cast %get3A_1234 : vector<1x1x1x16xf32> to vector<16xf32>
      %get3A_1236 = arith.constant 5 : i32
      %get3A_1237 = arith.constant 0 : i32
      %get3A_1238 = arith.index_cast %get3A_1154 : i32 to index
      %get3A_1239 = arith.index_cast %get3A_1236 : i32 to index
      %get3A_1240 = arith.index_cast %get3A_1237 : i32 to index
      %get3A_1241 = arith.index_cast %add3A_1195 : i32 to index
      %get3A_1242 = tpu.vector_load %arg21[%get3A_1238, %get3A_1239, %get3A_1240, %get3A_1241] {strides = array<i32>} : memref<2x16x1x2048xf32, #tpu.memory_space<vmem>>, vector<1x1x1x16xf32>,
      %get3A_1243 = vector.shape_cast %get3A_1242 : vector<1x1x1x16xf32> to vector<16xf32>
      %get3A_1244 = arith.constant 6 : i32
      %get3A_1245 = arith.constant 0 : i32
      %get3A_1246 = arith.index_cast %get3A_1157 : i32 to index
      %get3A_1247 = arith.index_cast %get3A_1244 : i32 to index
      %get3A_1248 = arith.index_cast %get3A_1245 : i32 to index
      %get3A_1249 = arith.index_cast %add3A_1195 : i32 to index
      %get3A_1250 = tpu.vector_load %arg21[%get3A_1246, %get3A_1247, %get3A_1248, %get3A_1249] {strides = array<i32>} : memref<2x16x1x2048xf32, #tpu.memory_space<vmem>>, vector<1x1x1x16xf32>,
      %get3A_1251 = vector.shape_cast %get3A_1250 : vector<1x1x1x16xf32> to vector<16xf32>
      %get3A_1252 = arith.constant 7 : i32
      %get3A_1253 = arith.constant 0 : i32
      %get3A_1254 = arith.index_cast %get3A_1160 : i32 to index
      %get3A_1255 = arith.index_cast %get3A_1252 : i32 to index
      %get3A_1256 = arith.index_cast %get3A_1253 : i32 to index
      %get3A_1257 = arith.index_cast %add3A_1195 : i32 to index
      %get3A_1258 = tpu.vector_load %arg21[%get3A_1254, %get3A_1255, %get3A_1256, %get3A_1257] {strides = array<i32>} : memref<2x16x1x2048xf32, #tpu.memory_space<vmem>>, vector<1x1x1x16xf32>,
      %get3A_1259 = vector.shape_cast %get3A_1258 : vector<1x1x1x16xf32> to vector<16xf32>
      %get3A_1260 = arith.constant 8 : i32
      %get3A_1261 = arith.constant 0 : i32
      %get3A_1262 = arith.index_cast %get3A_1163 : i32 to index
      %get3A_1263 = arith.index_cast %get3A_1260 : i32 to index
      %get3A_1264 = arith.index_cast %get3A_1261 : i32 to index
      %get3A_1265 = arith.index_cast %add3A_1195 : i32 to index
      %get3A_1266 = tpu.vector_load %arg21[%get3A_1262, %get3A_1263, %get3A_1264, %get3A_1265] {strides = array<i32>} : memref<2x16x1x2048xf32, #tpu.memory_space<vmem>>, vector<1x1x1x16xf32>,
      %get3A_1267 = vector.shape_cast %get3A_1266 : vector<1x1x1x16xf32> to vector<16xf32>
      %get3A_1268 = arith.constant 9 : i32
      %get3A_1269 = arith.constant 0 : i32
      %get3A_1270 = arith.index_cast %get3A_1166 : i32 to index
      %get3A_1271 = arith.index_cast %get3A_1268 : i32 to index
      %get3A_1272 = arith.index_cast %get3A_1269 : i32 to index
      %get3A_1273 = arith.index_cast %add3A_1195 : i32 to index
      %get3A_1274 = tpu.vector_load %arg21[%get3A_1270, %get3A_1271, %get3A_1272, %get3A_1273] {strides = array<i32>} : memref<2x16x1x2048xf32, #tpu.memory_space<vmem>>, vector<1x1x1x16xf32>,
      %get3A_1275 = vector.shape_cast %get3A_1274 : vector<1x1x1x16xf32> to vector<16xf32>
      %get3A_1276 = arith.constant 10 : i32
      %get3A_1277 = arith.constant 0 : i32
      %get3A_1278 = arith.index_cast %get3A_1169 : i32 to index
      %get3A_1279 = arith.index_cast %get3A_1276 : i32 to index
      %get3A_1280 = arith.index_cast %get3A_1277 : i32 to index
      %get3A_1281 = arith.index_cast %add3A_1195 : i32 to index
      %get3A_1282 = tpu.vector_load %arg21[%get3A_1278, %get3A_1279, %get3A_1280, %get3A_1281] {strides = array<i32>} : memref<2x16x1x2048xf32, #tpu.memory_space<vmem>>, vector<1x1x1x16xf32>,
      %get3A_1283 = vector.shape_cast %get3A_1282 : vector<1x1x1x16xf32> to vector<16xf32>
      %get3A_1284 = arith.constant 11 : i32
      %get3A_1285 = arith.constant 0 : i32
      %get3A_1286 = arith.index_cast %get3A_1172 : i32 to index
      %get3A_1287 = arith.index_cast %get3A_1284 : i32 to index
      %get3A_1288 = arith.index_cast %get3A_1285 : i32 to index
      %get3A_1289 = arith.index_cast %add3A_1195 : i32 to index
      %get3A_1290 = tpu.vector_load %arg21[%get3A_1286, %get3A_1287, %get3A_1288, %get3A_1289] {strides = array<i32>} : memref<2x16x1x2048xf32, #tpu.memory_space<vmem>>, vector<1x1x1x16xf32>,
      %get3A_1291 = vector.shape_cast %get3A_1290 : vector<1x1x1x16xf32> to vector<16xf32>
      %get3A_1292 = arith.constant 12 : i32
      %get3A_1293 = arith.constant 0 : i32
      %get3A_1294 = arith.index_cast %get3A_1175 : i32 to index
      %get3A_1295 = arith.index_cast %get3A_1292 : i32 to index
      %get3A_1296 = arith.index_cast %get3A_1293 : i32 to index
      %get3A_1297 = arith.index_cast %add3A_1195 : i32 to index
      %get3A_1298 = tpu.vector_load %arg21[%get3A_1294, %get3A_1295, %get3A_1296, %get3A_1297] {strides = array<i32>} : memref<2x16x1x2048xf32, #tpu.memory_space<vmem>>, vector<1x1x1x16xf32>,
      %get3A_1299 = vector.shape_cast %get3A_1298 : vector<1x1x1x16xf32> to vector<16xf32>
      %get3A_1300 = arith.constant 13 : i32
      %get3A_1301 = arith.constant 0 : i32
      %get3A_1302 = arith.index_cast %get3A_1178 : i32 to index
      %get3A_1303 = arith.index_cast %get3A_1300 : i32 to index
      %get3A_1304 = arith.index_cast %get3A_1301 : i32 to index
      %get3A_1305 = arith.index_cast %add3A_1195 : i32 to index
      %get3A_1306 = tpu.vector_load %arg21[%get3A_1302, %get3A_1303, %get3A_1304, %get3A_1305] {strides = array<i32>} : memref<2x16x1x2048xf32, #tpu.memory_space<vmem>>, vector<1x1x1x16xf32>,
      %get3A_1307 = vector.shape_cast %get3A_1306 : vector<1x1x1x16xf32> to vector<16xf32>
      %get3A_1308 = arith.constant 14 : i32
      %get3A_1309 = arith.constant 0 : i32
      %get3A_1310 = arith.index_cast %get3A_1181 : i32 to index
      %get3A_1311 = arith.index_cast %get3A_1308 : i32 to index
      %get3A_1312 = arith.index_cast %get3A_1309 : i32 to index
      %get3A_1313 = arith.index_cast %add3A_1195 : i32 to index
      %get3A_1314 = tpu.vector_load %arg21[%get3A_1310, %get3A_1311, %get3A_1312, %get3A_1313] {strides = array<i32>} : memref<2x16x1x2048xf32, #tpu.memory_space<vmem>>, vector<1x1x1x16xf32>,
      %get3A_1315 = vector.shape_cast %get3A_1314 : vector<1x1x1x16xf32> to vector<16xf32>
      %get3A_1316 = arith.constant 15 : i32
      %get3A_1317 = arith.constant 0 : i32
      %get3A_1318 = arith.index_cast %get3A_1184 : i32 to index
      %get3A_1319 = arith.index_cast %get3A_1316 : i32 to index
      %get3A_1320 = arith.index_cast %get3A_1317 : i32 to index
      %get3A_1321 = arith.index_cast %add3A_1195 : i32 to index
      %get3A_1322 = tpu.vector_load %arg21[%get3A_1318, %get3A_1319, %get3A_1320, %get3A_1321] {strides = array<i32>} : memref<2x16x1x2048xf32, #tpu.memory_space<vmem>>, vector<1x1x1x16xf32>,
      %get3A_1323 = vector.shape_cast %get3A_1322 : vector<1x1x1x16xf32> to vector<16xf32>
      %mul3A_1324 = arith.mulf %get3A_1211, %get3A_1219 : vector<16xf32>
      %mul3A_1325 = arith.mulf %mul3A_1324, %get3A_1227 : vector<16xf32>
      %add3A_1326 = arith.addf %mul3A_1325, %get3A_1235 : vector<16xf32>
      %add3A_1327 = arith.addf %add3A_1326, %get3A_1243 : vector<16xf32>
      %mul3A_1328 = arith.mulf %get3A_1251, %get3A_1259 : vector<16xf32>
      %mul3A_1329 = arith.mulf %mul3A_1328, %get3A_1267 : vector<16xf32>
      %mul3A_1330 = arith.mulf %mul3A_1329, %get3A_1275 : vector<16xf32>
      %mul3A_1331 = arith.mulf %mul3A_1330, %get3A_1283 : vector<16xf32>
      %mul3A_1332 = arith.mulf %mul3A_1331, %get3A_1291 : vector<16xf32>
      %mul3A_1333 = arith.mulf %get3A_1299, %get3A_1307 : vector<16xf32>
      %add3A_1334 = arith.addf %mul3A_1332, %mul3A_1333 : vector<16xf32>
      %mul3A_1335 = arith.mulf %get3A_1315, %get3A_1323 : vector<16xf32>
      %add3A_1336 = arith.addf %add3A_1334, %mul3A_1335 : vector<16xf32>
      %add3A_1337 = arith.addf %add3A_1327, %add3A_1336 : vector<16xf32>
      %mul3A_1338 = arith.mulf %add3A_1337, %get3A_1203 : vector<16xf32>
      %swap3A_1339 = arith.index_cast %add3A_1195 : i32 to index
      %swap3A_1340 = tpu.vector_load %arg22[%swap3A_1339] {strides = array<i32>} : memref<2048xf32, #tpu.memory_space<vmem>>, vector<16xf32>,
      %swap3A_1341 = vector.shape_cast %swap3A_1340 : vector<16xf32> to vector<16xf32>
      %swap3A_1342 = vector.shape_cast %mul3A_1338 : vector<16xf32> to vector<16xf32>
      tpu.vector_store %arg22[%swap3A_1339], %swap3A_1342 {add = true, strides = array<i32>} : memref<2048xf32, #tpu.memory_space<vmem>>, vector<16xf32>,
      %mul3A_1343 = arith.constant 64 : i32
      %mul3A_1344 = arith.muli %scan3A_1191, %mul3A_1343 : i32
      %add3A_1345 = arith.constant 16 : i32
      %add3A_1346 = arith.addi %mul3A_1344, %add3A_1345 : i32
      %get3A_1347 = arith.constant 0 : i32
      %get3A_1348 = arith.constant 0 : i32
      %get3A_1349 = arith.index_cast %get3A_1139 : i32 to index
      %get3A_1350 = arith.index_cast %get3A_1347 : i32 to index
      %get3A_1351 = arith.index_cast %get3A_1348 : i32 to index
      %get3A_1352 = arith.index_cast %add3A_1346 : i32 to index
      %get3A_1353 = tpu.vector_load %arg21[%get3A_1349, %get3A_1350, %get3A_1351, %get3A_1352] {strides = array<i32>} : memref<2x16x1x2048xf32, #tpu.memory_space<vmem>>, vector<1x1x1x16xf32>,
      %get3A_1354 = vector.shape_cast %get3A_1353 : vector<1x1x1x16xf32> to vector<16xf32>
      %get3A_1355 = arith.constant 1 : i32
      %get3A_1356 = arith.constant 0 : i32
      %get3A_1357 = arith.index_cast %get3A_1142 : i32 to index
      %get3A_1358 = arith.index_cast %get3A_1355 : i32 to index
      %get3A_1359 = arith.index_cast %get3A_1356 : i32 to index
      %get3A_1360 = arith.index_cast %add3A_1346 : i32 to index
      %get3A_1361 = tpu.vector_load %arg21[%get3A_1357, %get3A_1358, %get3A_1359, %get3A_1360] {strides = array<i32>} : memref<2x16x1x2048xf32, #tpu.memory_space<vmem>>, vector<1x1x1x16xf32>,
      %get3A_1362 = vector.shape_cast %get3A_1361 : vector<1x1x1x16xf32> to vector<16xf32>
      %get3A_1363 = arith.constant 2 : i32
      %get3A_1364 = arith.constant 0 : i32
      %get3A_1365 = arith.index_cast %get3A_1145 : i32 to index
      %get3A_1366 = arith.index_cast %get3A_1363 : i32 to index
      %get3A_1367 = arith.index_cast %get3A_1364 : i32 to index
      %get3A_1368 = arith.index_cast %add3A_1346 : i32 to index
      %get3A_1369 = tpu.vector_load %arg21[%get3A_1365, %get3A_1366, %get3A_1367, %get3A_1368] {strides = array<i32>} : memref<2x16x1x2048xf32, #tpu.memory_space<vmem>>, vector<1x1x1x16xf32>,
      %get3A_1370 = vector.shape_cast %get3A_1369 : vector<1x1x1x16xf32> to vector<16xf32>
      %get3A_1371 = arith.constant 3 : i32
      %get3A_1372 = arith.constant 0 : i32
      %get3A_1373 = arith.index_cast %get3A_1148 : i32 to index
      %get3A_1374 = arith.index_cast %get3A_1371 : i32 to index
      %get3A_1375 = arith.index_cast %get3A_1372 : i32 to index
      %get3A_1376 = arith.index_cast %add3A_1346 : i32 to index
      %get3A_1377 = tpu.vector_load %arg21[%get3A_1373, %get3A_1374, %get3A_1375, %get3A_1376] {strides = array<i32>} : memref<2x16x1x2048xf32, #tpu.memory_space<vmem>>, vector<1x1x1x16xf32>,
      %get3A_1378 = vector.shape_cast %get3A_1377 : vector<1x1x1x16xf32> to vector<16xf32>
      %get3A_1379 = arith.constant 4 : i32
      %get3A_1380 = arith.constant 0 : i32
      %get3A_1381 = arith.index_cast %get3A_1151 : i32 to index
      %get3A_1382 = arith.index_cast %get3A_1379 : i32 to index
      %get3A_1383 = arith.index_cast %get3A_1380 : i32 to index
      %get3A_1384 = arith.index_cast %add3A_1346 : i32 to index
      %get3A_1385 = tpu.vector_load %arg21[%get3A_1381, %get3A_1382, %get3A_1383, %get3A_1384] {strides = array<i32>} : memref<2x16x1x2048xf32, #tpu.memory_space<vmem>>, vector<1x1x1x16xf32>,
      %get3A_1386 = vector.shape_cast %get3A_1385 : vector<1x1x1x16xf32> to vector<16xf32>
      %get3A_1387 = arith.constant 5 : i32
      %get3A_1388 = arith.constant 0 : i32
      %get3A_1389 = arith.index_cast %get3A_1154 : i32 to index
      %get3A_1390 = arith.index_cast %get3A_1387 : i32 to index
      %get3A_1391 = arith.index_cast %get3A_1388 : i32 to index
      %get3A_1392 = arith.index_cast %add3A_1346 : i32 to index
      %get3A_1393 = tpu.vector_load %arg21[%get3A_1389, %get3A_1390, %get3A_1391, %get3A_1392] {strides = array<i32>} : memref<2x16x1x2048xf32, #tpu.memory_space<vmem>>, vector<1x1x1x16xf32>,
      %get3A_1394 = vector.shape_cast %get3A_1393 : vector<1x1x1x16xf32> to vector<16xf32>
      %get3A_1395 = arith.constant 6 : i32
      %get3A_1396 = arith.constant 0 : i32
      %get3A_1397 = arith.index_cast %get3A_1157 : i32 to index
      %get3A_1398 = arith.index_cast %get3A_1395 : i32 to index
      %get3A_1399 = arith.index_cast %get3A_1396 : i32 to index
      %get3A_1400 = arith.index_cast %add3A_1346 : i32 to index
      %get3A_1401 = tpu.vector_load %arg21[%get3A_1397, %get3A_1398, %get3A_1399, %get3A_1400] {strides = array<i32>} : memref<2x16x1x2048xf32, #tpu.memory_space<vmem>>, vector<1x1x1x16xf32>,
      %get3A_1402 = vector.shape_cast %get3A_1401 : vector<1x1x1x16xf32> to vector<16xf32>
      %get3A_1403 = arith.constant 7 : i32
      %get3A_1404 = arith.constant 0 : i32
      %get3A_1405 = arith.index_cast %get3A_1160 : i32 to index
      %get3A_1406 = arith.index_cast %get3A_1403 : i32 to index
      %get3A_1407 = arith.index_cast %get3A_1404 : i32 to index
      %get3A_1408 = arith.index_cast %add3A_1346 : i32 to index
      %get3A_1409 = tpu.vector_load %arg21[%get3A_1405, %get3A_1406, %get3A_1407, %get3A_1408] {strides = array<i32>} : memref<2x16x1x2048xf32, #tpu.memory_space<vmem>>, vector<1x1x1x16xf32>,
      %get3A_1410 = vector.shape_cast %get3A_1409 : vector<1x1x1x16xf32> to vector<16xf32>
      %get3A_1411 = arith.constant 8 : i32
      %get3A_1412 = arith.constant 0 : i32
      %get3A_1413 = arith.index_cast %get3A_1163 : i32 to index
      %get3A_1414 = arith.index_cast %get3A_1411 : i32 to index
      %get3A_1415 = arith.index_cast %get3A_1412 : i32 to index
      %get3A_1416 = arith.index_cast %add3A_1346 : i32 to index
      %get3A_1417 = tpu.vector_load %arg21[%get3A_1413, %get3A_1414, %get3A_1415, %get3A_1416] {strides = array<i32>} : memref<2x16x1x2048xf32, #tpu.memory_space<vmem>>, vector<1x1x1x16xf32>,
      %get3A_1418 = vector.shape_cast %get3A_1417 : vector<1x1x1x16xf32> to vector<16xf32>
      %get3A_1419 = arith.constant 9 : i32
      %get3A_1420 = arith.constant 0 : i32
      %get3A_1421 = arith.index_cast %get3A_1166 : i32 to index
      %get3A_1422 = arith.index_cast %get3A_1419 : i32 to index
      %get3A_1423 = arith.index_cast %get3A_1420 : i32 to index
      %get3A_1424 = arith.index_cast %add3A_1346 : i32 to index
      %get3A_1425 = tpu.vector_load %arg21[%get3A_1421, %get3A_1422, %get3A_1423, %get3A_1424] {strides = array<i32>} : memref<2x16x1x2048xf32, #tpu.memory_space<vmem>>, vector<1x1x1x16xf32>,
      %get3A_1426 = vector.shape_cast %get3A_1425 : vector<1x1x1x16xf32> to vector<16xf32>
      %get3A_1427 = arith.constant 10 : i32
      %get3A_1428 = arith.constant 0 : i32
      %get3A_1429 = arith.index_cast %get3A_1169 : i32 to index
      %get3A_1430 = arith.index_cast %get3A_1427 : i32 to index
      %get3A_1431 = arith.index_cast %get3A_1428 : i32 to index
      %get3A_1432 = arith.index_cast %add3A_1346 : i32 to index
      %get3A_1433 = tpu.vector_load %arg21[%get3A_1429, %get3A_1430, %get3A_1431, %get3A_1432] {strides = array<i32>} : memref<2x16x1x2048xf32, #tpu.memory_space<vmem>>, vector<1x1x1x16xf32>,
      %get3A_1434 = vector.shape_cast %get3A_1433 : vector<1x1x1x16xf32> to vector<16xf32>
      %get3A_1435 = arith.constant 11 : i32
      %get3A_1436 = arith.constant 0 : i32
      %get3A_1437 = arith.index_cast %get3A_1172 : i32 to index
      %get3A_1438 = arith.index_cast %get3A_1435 : i32 to index
      %get3A_1439 = arith.index_cast %get3A_1436 : i32 to index
      %get3A_1440 = arith.index_cast %add3A_1346 : i32 to index
      %get3A_1441 = tpu.vector_load %arg21[%get3A_1437, %get3A_1438, %get3A_1439, %get3A_1440] {strides = array<i32>} : memref<2x16x1x2048xf32, #tpu.memory_space<vmem>>, vector<1x1x1x16xf32>,
      %get3A_1442 = vector.shape_cast %get3A_1441 : vector<1x1x1x16xf32> to vector<16xf32>
      %get3A_1443 = arith.constant 12 : i32
      %get3A_1444 = arith.constant 0 : i32
      %get3A_1445 = arith.index_cast %get3A_1175 : i32 to index
      %get3A_1446 = arith.index_cast %get3A_1443 : i32 to index
      %get3A_1447 = arith.index_cast %get3A_1444 : i32 to index
      %get3A_1448 = arith.index_cast %add3A_1346 : i32 to index
      %get3A_1449 = tpu.vector_load %arg21[%get3A_1445, %get3A_1446, %get3A_1447, %get3A_1448] {strides = array<i32>} : memref<2x16x1x2048xf32, #tpu.memory_space<vmem>>, vector<1x1x1x16xf32>,
      %get3A_1450 = vector.shape_cast %get3A_1449 : vector<1x1x1x16xf32> to vector<16xf32>
      %get3A_1451 = arith.constant 13 : i32
      %get3A_1452 = arith.constant 0 : i32
      %get3A_1453 = arith.index_cast %get3A_1178 : i32 to index
      %get3A_1454 = arith.index_cast %get3A_1451 : i32 to index
      %get3A_1455 = arith.index_cast %get3A_1452 : i32 to index
      %get3A_1456 = arith.index_cast %add3A_1346 : i32 to index
      %get3A_1457 = tpu.vector_load %arg21[%get3A_1453, %get3A_1454, %get3A_1455, %get3A_1456] {strides = array<i32>} : memref<2x16x1x2048xf32, #tpu.memory_space<vmem>>, vector<1x1x1x16xf32>,
      %get3A_1458 = vector.shape_cast %get3A_1457 : vector<1x1x1x16xf32> to vector<16xf32>
      %get3A_1459 = arith.constant 14 : i32
      %get3A_1460 = arith.constant 0 : i32
      %get3A_1461 = arith.index_cast %get3A_1181 : i32 to index
      %get3A_1462 = arith.index_cast %get3A_1459 : i32 to index
      %get3A_1463 = arith.index_cast %get3A_1460 : i32 to index
      %get3A_1464 = arith.index_cast %add3A_1346 : i32 to index
      %get3A_1465 = tpu.vector_load %arg21[%get3A_1461, %get3A_1462, %get3A_1463, %get3A_1464] {strides = array<i32>} : memref<2x16x1x2048xf32, #tpu.memory_space<vmem>>, vector<1x1x1x16xf32>,
      %get3A_1466 = vector.shape_cast %get3A_1465 : vector<1x1x1x16xf32> to vector<16xf32>
      %get3A_1467 = arith.constant 15 : i32
      %get3A_1468 = arith.constant 0 : i32
      %get3A_1469 = arith.index_cast %get3A_1184 : i32 to index
      %get3A_1470 = arith.index_cast %get3A_1467 : i32 to index
      %get3A_1471 = arith.index_cast %get3A_1468 : i32 to index
      %get3A_1472 = arith.index_cast %add3A_1346 : i32 to index
      %get3A_1473 = tpu.vector_load %arg21[%get3A_1469, %get3A_1470, %get3A_1471, %get3A_1472] {strides = array<i32>} : memref<2x16x1x2048xf32, #tpu.memory_space<vmem>>, vector<1x1x1x16xf32>,
      %get3A_1474 = vector.shape_cast %get3A_1473 : vector<1x1x1x16xf32> to vector<16xf32>
      %mul3A_1475 = arith.mulf %get3A_1362, %get3A_1370 : vector<16xf32>
      %mul3A_1476 = arith.mulf %mul3A_1475, %get3A_1378 : vector<16xf32>
      %add3A_1477 = arith.addf %mul3A_1476, %get3A_1386 : vector<16xf32>
      %add3A_1478 = arith.addf %add3A_1477, %get3A_1394 : vector<16xf32>
      %mul3A_1479 = arith.mulf %get3A_1402, %get3A_1410 : vector<16xf32>
      %mul3A_1480 = arith.mulf %mul3A_1479, %get3A_1418 : vector<16xf32>
      %mul3A_1481 = arith.mulf %mul3A_1480, %get3A_1426 : vector<16xf32>
      %mul3A_1482 = arith.mulf %mul3A_1481, %get3A_1434 : vector<16xf32>
      %mul3A_1483 = arith.mulf %mul3A_1482, %get3A_1442 : vector<16xf32>
      %mul3A_1484 = arith.mulf %get3A_1450, %get3A_1458 : vector<16xf32>
      %add3A_1485 = arith.addf %mul3A_1483, %mul3A_1484 : vector<16xf32>
      %mul3A_1486 = arith.mulf %get3A_1466, %get3A_1474 : vector<16xf32>
      %add3A_1487 = arith.addf %add3A_1485, %mul3A_1486 : vector<16xf32>
      %add3A_1488 = arith.addf %add3A_1478, %add3A_1487 : vector<16xf32>
      %mul3A_1489 = arith.mulf %add3A_1488, %get3A_1354 : vector<16xf32>
      %swap3A_1490 = arith.index_cast %add3A_1346 : i32 to index
      %swap3A_1491 = tpu.vector_load %arg22[%swap3A_1490] {strides = array<i32>} : memref<2048xf32, #tpu.memory_space<vmem>>, vector<16xf32>,
      %swap3A_1492 = vector.shape_cast %swap3A_1491 : vector<16xf32> to vector<16xf32>
      %swap3A_1493 = vector.shape_cast %mul3A_1489 : vector<16xf32> to vector<16xf32>
      tpu.vector_store %arg22[%swap3A_1490], %swap3A_1493 {add = true, strides = array<i32>} : memref<2048xf32, #tpu.memory_space<vmem>>, vector<16xf32>,
      %mul3A_1494 = arith.constant 64 : i32
      %mul3A_1495 = arith.muli %scan3A_1191, %mul3A_1494 : i32
      %add3A_1496 = arith.constant 32 : i32
      %add3A_1497 = arith.addi %mul3A_1495, %add3A_1496 : i32
      %get3A_1498 = arith.constant 0 : i32
      %get3A_1499 = arith.constant 0 : i32
      %get3A_1500 = arith.index_cast %get3A_1139 : i32 to index
      %get3A_1501 = arith.index_cast %get3A_1498 : i32 to index
      %get3A_1502 = arith.index_cast %get3A_1499 : i32 to index
      %get3A_1503 = arith.index_cast %add3A_1497 : i32 to index
      %get3A_1504 = tpu.vector_load %arg21[%get3A_1500, %get3A_1501, %get3A_1502, %get3A_1503] {strides = array<i32>} : memref<2x16x1x2048xf32, #tpu.memory_space<vmem>>, vector<1x1x1x16xf32>,
      %get3A_1505 = vector.shape_cast %get3A_1504 : vector<1x1x1x16xf32> to vector<16xf32>
      %get3A_1506 = arith.constant 1 : i32
      %get3A_1507 = arith.constant 0 : i32
      %get3A_1508 = arith.index_cast %get3A_1142 : i32 to index
      %get3A_1509 = arith.index_cast %get3A_1506 : i32 to index
      %get3A_1510 = arith.index_cast %get3A_1507 : i32 to index
      %get3A_1511 = arith.index_cast %add3A_1497 : i32 to index
      %get3A_1512 = tpu.vector_load %arg21[%get3A_1508, %get3A_1509, %get3A_1510, %get3A_1511] {strides = array<i32>} : memref<2x16x1x2048xf32, #tpu.memory_space<vmem>>, vector<1x1x1x16xf32>,
      %get3A_1513 = vector.shape_cast %get3A_1512 : vector<1x1x1x16xf32> to vector<16xf32>
      %get3A_1514 = arith.constant 2 : i32
      %get3A_1515 = arith.constant 0 : i32
      %get3A_1516 = arith.index_cast %get3A_1145 : i32 to index
      %get3A_1517 = arith.index_cast %get3A_1514 : i32 to index
      %get3A_1518 = arith.index_cast %get3A_1515 : i32 to index
      %get3A_1519 = arith.index_cast %add3A_1497 : i32 to index
      %get3A_1520 = tpu.vector_load %arg21[%get3A_1516, %get3A_1517, %get3A_1518, %get3A_1519] {strides = array<i32>} : memref<2x16x1x2048xf32, #tpu.memory_space<vmem>>, vector<1x1x1x16xf32>,
      %get3A_1521 = vector.shape_cast %get3A_1520 : vector<1x1x1x16xf32> to vector<16xf32>
      %get3A_1522 = arith.constant 3 : i32
      %get3A_1523 = arith.constant 0 : i32
      %get3A_1524 = arith.index_cast %get3A_1148 : i32 to index
      %get3A_1525 = arith.index_cast %get3A_1522 : i32 to index
      %get3A_1526 = arith.index_cast %get3A_1523 : i32 to index
      %get3A_1527 = arith.index_cast %add3A_1497 : i32 to index
      %get3A_1528 = tpu.vector_load %arg21[%get3A_1524, %get3A_1525, %get3A_1526, %get3A_1527] {strides = array<i32>} : memref<2x16x1x2048xf32, #tpu.memory_space<vmem>>, vector<1x1x1x16xf32>,
      %get3A_1529 = vector.shape_cast %get3A_1528 : vector<1x1x1x16xf32> to vector<16xf32>
      %get3A_1530 = arith.constant 4 : i32
      %get3A_1531 = arith.constant 0 : i32
      %get3A_1532 = arith.index_cast %get3A_1151 : i32 to index
      %get3A_1533 = arith.index_cast %get3A_1530 : i32 to index
      %get3A_1534 = arith.index_cast %get3A_1531 : i32 to index
      %get3A_1535 = arith.index_cast %add3A_1497 : i32 to index
      %get3A_1536 = tpu.vector_load %arg21[%get3A_1532, %get3A_1533, %get3A_1534, %get3A_1535] {strides = array<i32>} : memref<2x16x1x2048xf32, #tpu.memory_space<vmem>>, vector<1x1x1x16xf32>,
      %get3A_1537 = vector.shape_cast %get3A_1536 : vector<1x1x1x16xf32> to vector<16xf32>
      %get3A_1538 = arith.constant 5 : i32
      %get3A_1539 = arith.constant 0 : i32
      %get3A_1540 = arith.index_cast %get3A_1154 : i32 to index
      %get3A_1541 = arith.index_cast %get3A_1538 : i32 to index
      %get3A_1542 = arith.index_cast %get3A_1539 : i32 to index
      %get3A_1543 = arith.index_cast %add3A_1497 : i32 to index
      %get3A_1544 = tpu.vector_load %arg21[%get3A_1540, %get3A_1541, %get3A_1542, %get3A_1543] {strides = array<i32>} : memref<2x16x1x2048xf32, #tpu.memory_space<vmem>>, vector<1x1x1x16xf32>,
      %get3A_1545 = vector.shape_cast %get3A_1544 : vector<1x1x1x16xf32> to vector<16xf32>
      %get3A_1546 = arith.constant 6 : i32
      %get3A_1547 = arith.constant 0 : i32
      %get3A_1548 = arith.index_cast %get3A_1157 : i32 to index
      %get3A_1549 = arith.index_cast %get3A_1546 : i32 to index
      %get3A_1550 = arith.index_cast %get3A_1547 : i32 to index
      %get3A_1551 = arith.index_cast %add3A_1497 : i32 to index
      %get3A_1552 = tpu.vector_load %arg21[%get3A_1548, %get3A_1549, %get3A_1550, %get3A_1551] {strides = array<i32>} : memref<2x16x1x2048xf32, #tpu.memory_space<vmem>>, vector<1x1x1x16xf32>,
      %get3A_1553 = vector.shape_cast %get3A_1552 : vector<1x1x1x16xf32> to vector<16xf32>
      %get3A_1554 = arith.constant 7 : i32
      %get3A_1555 = arith.constant 0 : i32
      %get3A_1556 = arith.index_cast %get3A_1160 : i32 to index
      %get3A_1557 = arith.index_cast %get3A_1554 : i32 to index
      %get3A_1558 = arith.index_cast %get3A_1555 : i32 to index
      %get3A_1559 = arith.index_cast %add3A_1497 : i32 to index
      %get3A_1560 = tpu.vector_load %arg21[%get3A_1556, %get3A_1557, %get3A_1558, %get3A_1559] {strides = array<i32>} : memref<2x16x1x2048xf32, #tpu.memory_space<vmem>>, vector<1x1x1x16xf32>,
      %get3A_1561 = vector.shape_cast %get3A_1560 : vector<1x1x1x16xf32> to vector<16xf32>
      %get3A_1562 = arith.constant 8 : i32
      %get3A_1563 = arith.constant 0 : i32
      %get3A_1564 = arith.index_cast %get3A_1163 : i32 to index
      %get3A_1565 = arith.index_cast %get3A_1562 : i32 to index
      %get3A_1566 = arith.index_cast %get3A_1563 : i32 to index
      %get3A_1567 = arith.index_cast %add3A_1497 : i32 to index
      %get3A_1568 = tpu.vector_load %arg21[%get3A_1564, %get3A_1565, %get3A_1566, %get3A_1567] {strides = array<i32>} : memref<2x16x1x2048xf32, #tpu.memory_space<vmem>>, vector<1x1x1x16xf32>,
      %get3A_1569 = vector.shape_cast %get3A_1568 : vector<1x1x1x16xf32> to vector<16xf32>
      %get3A_1570 = arith.constant 9 : i32
      %get3A_1571 = arith.constant 0 : i32
      %get3A_1572 = arith.index_cast %get3A_1166 : i32 to index
      %get3A_1573 = arith.index_cast %get3A_1570 : i32 to index
      %get3A_1574 = arith.index_cast %get3A_1571 : i32 to index
      %get3A_1575 = arith.index_cast %add3A_1497 : i32 to index
      %get3A_1576 = tpu.vector_load %arg21[%get3A_1572, %get3A_1573, %get3A_1574, %get3A_1575] {strides = array<i32>} : memref<2x16x1x2048xf32, #tpu.memory_space<vmem>>, vector<1x1x1x16xf32>,
      %get3A_1577 = vector.shape_cast %get3A_1576 : vector<1x1x1x16xf32> to vector<16xf32>
      %get3A_1578 = arith.constant 10 : i32
      %get3A_1579 = arith.constant 0 : i32
      %get3A_1580 = arith.index_cast %get3A_1169 : i32 to index
      %get3A_1581 = arith.index_cast %get3A_1578 : i32 to index
      %get3A_1582 = arith.index_cast %get3A_1579 : i32 to index
      %get3A_1583 = arith.index_cast %add3A_1497 : i32 to index
      %get3A_1584 = tpu.vector_load %arg21[%get3A_1580, %get3A_1581, %get3A_1582, %get3A_1583] {strides = array<i32>} : memref<2x16x1x2048xf32, #tpu.memory_space<vmem>>, vector<1x1x1x16xf32>,
      %get3A_1585 = vector.shape_cast %get3A_1584 : vector<1x1x1x16xf32> to vector<16xf32>
      %get3A_1586 = arith.constant 11 : i32
      %get3A_1587 = arith.constant 0 : i32
      %get3A_1588 = arith.index_cast %get3A_1172 : i32 to index
      %get3A_1589 = arith.index_cast %get3A_1586 : i32 to index
      %get3A_1590 = arith.index_cast %get3A_1587 : i32 to index
      %get3A_1591 = arith.index_cast %add3A_1497 : i32 to index
      %get3A_1592 = tpu.vector_load %arg21[%get3A_1588, %get3A_1589, %get3A_1590, %get3A_1591] {strides = array<i32>} : memref<2x16x1x2048xf32, #tpu.memory_space<vmem>>, vector<1x1x1x16xf32>,
      %get3A_1593 = vector.shape_cast %get3A_1592 : vector<1x1x1x16xf32> to vector<16xf32>
      %get3A_1594 = arith.constant 12 : i32
      %get3A_1595 = arith.constant 0 : i32
      %get3A_1596 = arith.index_cast %get3A_1175 : i32 to index
      %get3A_1597 = arith.index_cast %get3A_1594 : i32 to index
      %get3A_1598 = arith.index_cast %get3A_1595 : i32 to index
      %get3A_1599 = arith.index_cast %add3A_1497 : i32 to index
      %get3A_1600 = tpu.vector_load %arg21[%get3A_1596, %get3A_1597, %get3A_1598, %get3A_1599] {strides = array<i32>} : memref<2x16x1x2048xf32, #tpu.memory_space<vmem>>, vector<1x1x1x16xf32>,
      %get3A_1601 = vector.shape_cast %get3A_1600 : vector<1x1x1x16xf32> to vector<16xf32>
      %get3A_1602 = arith.constant 13 : i32
      %get3A_1603 = arith.constant 0 : i32
      %get3A_1604 = arith.index_cast %get3A_1178 : i32 to index
      %get3A_1605 = arith.index_cast %get3A_1602 : i32 to index
      %get3A_1606 = arith.index_cast %get3A_1603 : i32 to index
      %get3A_1607 = arith.index_cast %add3A_1497 : i32 to index
      %get3A_1608 = tpu.vector_load %arg21[%get3A_1604, %get3A_1605, %get3A_1606, %get3A_1607] {strides = array<i32>} : memref<2x16x1x2048xf32, #tpu.memory_space<vmem>>, vector<1x1x1x16xf32>,
      %get3A_1609 = vector.shape_cast %get3A_1608 : vector<1x1x1x16xf32> to vector<16xf32>
      %get3A_1610 = arith.constant 14 : i32
      %get3A_1611 = arith.constant 0 : i32
      %get3A_1612 = arith.index_cast %get3A_1181 : i32 to index
      %get3A_1613 = arith.index_cast %get3A_1610 : i32 to index
      %get3A_1614 = arith.index_cast %get3A_1611 : i32 to index
      %get3A_1615 = arith.index_cast %add3A_1497 : i32 to index
      %get3A_1616 = tpu.vector_load %arg21[%get3A_1612, %get3A_1613, %get3A_1614, %get3A_1615] {strides = array<i32>} : memref<2x16x1x2048xf32, #tpu.memory_space<vmem>>, vector<1x1x1x16xf32>,
      %get3A_1617 = vector.shape_cast %get3A_1616 : vector<1x1x1x16xf32> to vector<16xf32>
      %get3A_1618 = arith.constant 15 : i32
      %get3A_1619 = arith.constant 0 : i32
      %get3A_1620 = arith.index_cast %get3A_1184 : i32 to index
      %get3A_1621 = arith.index_cast %get3A_1618 : i32 to index
      %get3A_1622 = arith.index_cast %get3A_1619 : i32 to index
      %get3A_1623 = arith.index_cast %add3A_1497 : i32 to index
      %get3A_1624 = tpu.vector_load %arg21[%get3A_1620, %get3A_1621, %get3A_1622, %get3A_1623] {strides = array<i32>} : memref<2x16x1x2048xf32, #tpu.memory_space<vmem>>, vector<1x1x1x16xf32>,
      %get3A_1625 = vector.shape_cast %get3A_1624 : vector<1x1x1x16xf32> to vector<16xf32>
      %mul3A_1626 = arith.mulf %get3A_1513, %get3A_1521 : vector<16xf32>
      %mul3A_1627 = arith.mulf %mul3A_1626, %get3A_1529 : vector<16xf32>
      %add3A_1628 = arith.addf %mul3A_1627, %get3A_1537 : vector<16xf32>
      %add3A_1629 = arith.addf %add3A_1628, %get3A_1545 : vector<16xf32>
      %mul3A_1630 = arith.mulf %get3A_1553, %get3A_1561 : vector<16xf32>
      %mul3A_1631 = arith.mulf %mul3A_1630, %get3A_1569 : vector<16xf32>
      %mul3A_1632 = arith.mulf %mul3A_1631, %get3A_1577 : vector<16xf32>
      %mul3A_1633 = arith.mulf %mul3A_1632, %get3A_1585 : vector<16xf32>
      %mul3A_1634 = arith.mulf %mul3A_1633, %get3A_1593 : vector<16xf32>
      %mul3A_1635 = arith.mulf %get3A_1601, %get3A_1609 : vector<16xf32>
      %add3A_1636 = arith.addf %mul3A_1634, %mul3A_1635 : vector<16xf32>
      %mul3A_1637 = arith.mulf %get3A_1617, %get3A_1625 : vector<16xf32>
      %add3A_1638 = arith.addf %add3A_1636, %mul3A_1637 : vector<16xf32>
      %add3A_1639 = arith.addf %add3A_1629, %add3A_1638 : vector<16xf32>
      %mul3A_1640 = arith.mulf %add3A_1639, %get3A_1505 : vector<16xf32>
      %swap3A_1641 = arith.index_cast %add3A_1497 : i32 to index
      %swap3A_1642 = tpu.vector_load %arg22[%swap3A_1641] {strides = array<i32>} : memref<2048xf32, #tpu.memory_space<vmem>>, vector<16xf32>,
      %swap3A_1643 = vector.shape_cast %swap3A_1642 : vector<16xf32> to vector<16xf32>
      %swap3A_1644 = vector.shape_cast %mul3A_1640 : vector<16xf32> to vector<16xf32>
      tpu.vector_store %arg22[%swap3A_1641], %swap3A_1644 {add = true, strides = array<i32>} : memref<2048xf32, #tpu.memory_space<vmem>>, vector<16xf32>,
      %mul3A_1645 = arith.constant 64 : i32
      %mul3A_1646 = arith.muli %scan3A_1191, %mul3A_1645 : i32
      %add3A_1647 = arith.constant 48 : i32
      %add3A_1648 = arith.addi %mul3A_1646, %add3A_1647 : i32
      %get3A_1649 = arith.constant 0 : i32
      %get3A_1650 = arith.constant 0 : i32
      %get3A_1651 = arith.index_cast %get3A_1139 : i32 to index
      %get3A_1652 = arith.index_cast %get3A_1649 : i32 to index
      %get3A_1653 = arith.index_cast %get3A_1650 : i32 to index
      %get3A_1654 = arith.index_cast %add3A_1648 : i32 to index
      %get3A_1655 = tpu.vector_load %arg21[%get3A_1651, %get3A_1652, %get3A_1653, %get3A_1654] {strides = array<i32>} : memref<2x16x1x2048xf32, #tpu.memory_space<vmem>>, vector<1x1x1x16xf32>,
      %get3A_1656 = vector.shape_cast %get3A_1655 : vector<1x1x1x16xf32> to vector<16xf32>
      %get3A_1657 = arith.constant 1 : i32
      %get3A_1658 = arith.constant 0 : i32
      %get3A_1659 = arith.index_cast %get3A_1142 : i32 to index
      %get3A_1660 = arith.index_cast %get3A_1657 : i32 to index
      %get3A_1661 = arith.index_cast %get3A_1658 : i32 to index
      %get3A_1662 = arith.index_cast %add3A_1648 : i32 to index
      %get3A_1663 = tpu.vector_load %arg21[%get3A_1659, %get3A_1660, %get3A_1661, %get3A_1662] {strides = array<i32>} : memref<2x16x1x2048xf32, #tpu.memory_space<vmem>>, vector<1x1x1x16xf32>,
      %get3A_1664 = vector.shape_cast %get3A_1663 : vector<1x1x1x16xf32> to vector<16xf32>
      %get3A_1665 = arith.constant 2 : i32
      %get3A_1666 = arith.constant 0 : i32
      %get3A_1667 = arith.index_cast %get3A_1145 : i32 to index
      %get3A_1668 = arith.index_cast %get3A_1665 : i32 to index
      %get3A_1669 = arith.index_cast %get3A_1666 : i32 to index
      %get3A_1670 = arith.index_cast %add3A_1648 : i32 to index
      %get3A_1671 = tpu.vector_load %arg21[%get3A_1667, %get3A_1668, %get3A_1669, %get3A_1670] {strides = array<i32>} : memref<2x16x1x2048xf32, #tpu.memory_space<vmem>>, vector<1x1x1x16xf32>,
      %get3A_1672 = vector.shape_cast %get3A_1671 : vector<1x1x1x16xf32> to vector<16xf32>
      %get3A_1673 = arith.constant 3 : i32
      %get3A_1674 = arith.constant 0 : i32
      %get3A_1675 = arith.index_cast %get3A_1148 : i32 to index
      %get3A_1676 = arith.index_cast %get3A_1673 : i32 to index
      %get3A_1677 = arith.index_cast %get3A_1674 : i32 to index
      %get3A_1678 = arith.index_cast %add3A_1648 : i32 to index
      %get3A_1679 = tpu.vector_load %arg21[%get3A_1675, %get3A_1676, %get3A_1677, %get3A_1678] {strides = array<i32>} : memref<2x16x1x2048xf32, #tpu.memory_space<vmem>>, vector<1x1x1x16xf32>,
      %get3A_1680 = vector.shape_cast %get3A_1679 : vector<1x1x1x16xf32> to vector<16xf32>
      %get3A_1681 = arith.constant 4 : i32
      %get3A_1682 = arith.constant 0 : i32
      %get3A_1683 = arith.index_cast %get3A_1151 : i32 to index
      %get3A_1684 = arith.index_cast %get3A_1681 : i32 to index
      %get3A_1685 = arith.index_cast %get3A_1682 : i32 to index
      %get3A_1686 = arith.index_cast %add3A_1648 : i32 to index
      %get3A_1687 = tpu.vector_load %arg21[%get3A_1683, %get3A_1684, %get3A_1685, %get3A_1686] {strides = array<i32>} : memref<2x16x1x2048xf32, #tpu.memory_space<vmem>>, vector<1x1x1x16xf32>,
      %get3A_1688 = vector.shape_cast %get3A_1687 : vector<1x1x1x16xf32> to vector<16xf32>
      %get3A_1689 = arith.constant 5 : i32
      %get3A_1690 = arith.constant 0 : i32
      %get3A_1691 = arith.index_cast %get3A_1154 : i32 to index
      %get3A_1692 = arith.index_cast %get3A_1689 : i32 to index
      %get3A_1693 = arith.index_cast %get3A_1690 : i32 to index
      %get3A_1694 = arith.index_cast %add3A_1648 : i32 to index
      %get3A_1695 = tpu.vector_load %arg21[%get3A_1691, %get3A_1692, %get3A_1693, %get3A_1694] {strides = array<i32>} : memref<2x16x1x2048xf32, #tpu.memory_space<vmem>>, vector<1x1x1x16xf32>,
      %get3A_1696 = vector.shape_cast %get3A_1695 : vector<1x1x1x16xf32> to vector<16xf32>
      %get3A_1697 = arith.constant 6 : i32
      %get3A_1698 = arith.constant 0 : i32
      %get3A_1699 = arith.index_cast %get3A_1157 : i32 to index
      %get3A_1700 = arith.index_cast %get3A_1697 : i32 to index
      %get3A_1701 = arith.index_cast %get3A_1698 : i32 to index
      %get3A_1702 = arith.index_cast %add3A_1648 : i32 to index
      %get3A_1703 = tpu.vector_load %arg21[%get3A_1699, %get3A_1700, %get3A_1701, %get3A_1702] {strides = array<i32>} : memref<2x16x1x2048xf32, #tpu.memory_space<vmem>>, vector<1x1x1x16xf32>,
      %get3A_1704 = vector.shape_cast %get3A_1703 : vector<1x1x1x16xf32> to vector<16xf32>
      %get3A_1705 = arith.constant 7 : i32
      %get3A_1706 = arith.constant 0 : i32
      %get3A_1707 = arith.index_cast %get3A_1160 : i32 to index
      %get3A_1708 = arith.index_cast %get3A_1705 : i32 to index
      %get3A_1709 = arith.index_cast %get3A_1706 : i32 to index
      %get3A_1710 = arith.index_cast %add3A_1648 : i32 to index
      %get3A_1711 = tpu.vector_load %arg21[%get3A_1707, %get3A_1708, %get3A_1709, %get3A_1710] {strides = array<i32>} : memref<2x16x1x2048xf32, #tpu.memory_space<vmem>>, vector<1x1x1x16xf32>,
      %get3A_1712 = vector.shape_cast %get3A_1711 : vector<1x1x1x16xf32> to vector<16xf32>
      %get3A_1713 = arith.constant 8 : i32
      %get3A_1714 = arith.constant 0 : i32
      %get3A_1715 = arith.index_cast %get3A_1163 : i32 to index
      %get3A_1716 = arith.index_cast %get3A_1713 : i32 to index
      %get3A_1717 = arith.index_cast %get3A_1714 : i32 to index
      %get3A_1718 = arith.index_cast %add3A_1648 : i32 to index
      %get3A_1719 = tpu.vector_load %arg21[%get3A_1715, %get3A_1716, %get3A_1717, %get3A_1718] {strides = array<i32>} : memref<2x16x1x2048xf32, #tpu.memory_space<vmem>>, vector<1x1x1x16xf32>,
      %get3A_1720 = vector.shape_cast %get3A_1719 : vector<1x1x1x16xf32> to vector<16xf32>
      %get3A_1721 = arith.constant 9 : i32
      %get3A_1722 = arith.constant 0 : i32
      %get3A_1723 = arith.index_cast %get3A_1166 : i32 to index
      %get3A_1724 = arith.index_cast %get3A_1721 : i32 to index
      %get3A_1725 = arith.index_cast %get3A_1722 : i32 to index
      %get3A_1726 = arith.index_cast %add3A_1648 : i32 to index
      %get3A_1727 = tpu.vector_load %arg21[%get3A_1723, %get3A_1724, %get3A_1725, %get3A_1726] {strides = array<i32>} : memref<2x16x1x2048xf32, #tpu.memory_space<vmem>>, vector<1x1x1x16xf32>,
      %get3A_1728 = vector.shape_cast %get3A_1727 : vector<1x1x1x16xf32> to vector<16xf32>
      %get3A_1729 = arith.constant 10 : i32
      %get3A_1730 = arith.constant 0 : i32
      %get3A_1731 = arith.index_cast %get3A_1169 : i32 to index
      %get3A_1732 = arith.index_cast %get3A_1729 : i32 to index
      %get3A_1733 = arith.index_cast %get3A_1730 : i32 to index
      %get3A_1734 = arith.index_cast %add3A_1648 : i32 to index
      %get3A_1735 = tpu.vector_load %arg21[%get3A_1731, %get3A_1732, %get3A_1733, %get3A_1734] {strides = array<i32>} : memref<2x16x1x2048xf32, #tpu.memory_space<vmem>>, vector<1x1x1x16xf32>,
      %get3A_1736 = vector.shape_cast %get3A_1735 : vector<1x1x1x16xf32> to vector<16xf32>
      %get3A_1737 = arith.constant 11 : i32
      %get3A_1738 = arith.constant 0 : i32
      %get3A_1739 = arith.index_cast %get3A_1172 : i32 to index
      %get3A_1740 = arith.index_cast %get3A_1737 : i32 to index
      %get3A_1741 = arith.index_cast %get3A_1738 : i32 to index
      %get3A_1742 = arith.index_cast %add3A_1648 : i32 to index
      %get3A_1743 = tpu.vector_load %arg21[%get3A_1739, %get3A_1740, %get3A_1741, %get3A_1742] {strides = array<i32>} : memref<2x16x1x2048xf32, #tpu.memory_space<vmem>>, vector<1x1x1x16xf32>,
      %get3A_1744 = vector.shape_cast %get3A_1743 : vector<1x1x1x16xf32> to vector<16xf32>
      %get3A_1745 = arith.constant 12 : i32
      %get3A_1746 = arith.constant 0 : i32
      %get3A_1747 = arith.index_cast %get3A_1175 : i32 to index
      %get3A_1748 = arith.index_cast %get3A_1745 : i32 to index
      %get3A_1749 = arith.index_cast %get3A_1746 : i32 to index
      %get3A_1750 = arith.index_cast %add3A_1648 : i32 to index
      %get3A_1751 = tpu.vector_load %arg21[%get3A_1747, %get3A_1748, %get3A_1749, %get3A_1750] {strides = array<i32>} : memref<2x16x1x2048xf32, #tpu.memory_space<vmem>>, vector<1x1x1x16xf32>,
      %get3A_1752 = vector.shape_cast %get3A_1751 : vector<1x1x1x16xf32> to vector<16xf32>
      %get3A_1753 = arith.constant 13 : i32
      %get3A_1754 = arith.constant 0 : i32
      %get3A_1755 = arith.index_cast %get3A_1178 : i32 to index
      %get3A_1756 = arith.index_cast %get3A_1753 : i32 to index
      %get3A_1757 = arith.index_cast %get3A_1754 : i32 to index
      %get3A_1758 = arith.index_cast %add3A_1648 : i32 to index
      %get3A_1759 = tpu.vector_load %arg21[%get3A_1755, %get3A_1756, %get3A_1757, %get3A_1758] {strides = array<i32>} : memref<2x16x1x2048xf32, #tpu.memory_space<vmem>>, vector<1x1x1x16xf32>,
      %get3A_1760 = vector.shape_cast %get3A_1759 : vector<1x1x1x16xf32> to vector<16xf32>
      %get3A_1761 = arith.constant 14 : i32
      %get3A_1762 = arith.constant 0 : i32
      %get3A_1763 = arith.index_cast %get3A_1181 : i32 to index
      %get3A_1764 = arith.index_cast %get3A_1761 : i32 to index
      %get3A_1765 = arith.index_cast %get3A_1762 : i32 to index
      %get3A_1766 = arith.index_cast %add3A_1648 : i32 to index
      %get3A_1767 = tpu.vector_load %arg21[%get3A_1763, %get3A_1764, %get3A_1765, %get3A_1766] {strides = array<i32>} : memref<2x16x1x2048xf32, #tpu.memory_space<vmem>>, vector<1x1x1x16xf32>,
      %get3A_1768 = vector.shape_cast %get3A_1767 : vector<1x1x1x16xf32> to vector<16xf32>
      %get3A_1769 = arith.constant 15 : i32
      %get3A_1770 = arith.constant 0 : i32
      %get3A_1771 = arith.index_cast %get3A_1184 : i32 to index
      %get3A_1772 = arith.index_cast %get3A_1769 : i32 to index
      %get3A_1773 = arith.index_cast %get3A_1770 : i32 to index
      %get3A_1774 = arith.index_cast %add3A_1648 : i32 to index
      %get3A_1775 = tpu.vector_load %arg21[%get3A_1771, %get3A_1772, %get3A_1773, %get3A_1774] {strides = array<i32>} : memref<2x16x1x2048xf32, #tpu.memory_space<vmem>>, vector<1x1x1x16xf32>,
      %get3A_1776 = vector.shape_cast %get3A_1775 : vector<1x1x1x16xf32> to vector<16xf32>
      %mul3A_1777 = arith.mulf %get3A_1664, %get3A_1672 : vector<16xf32>
      %mul3A_1778 = arith.mulf %mul3A_1777, %get3A_1680 : vector<16xf32>
      %add3A_1779 = arith.addf %mul3A_1778, %get3A_1688 : vector<16xf32>
      %add3A_1780 = arith.addf %add3A_1779, %get3A_1696 : vector<16xf32>
      %mul3A_1781 = arith.mulf %get3A_1704, %get3A_1712 : vector<16xf32>
      %mul3A_1782 = arith.mulf %mul3A_1781, %get3A_1720 : vector<16xf32>
      %mul3A_1783 = arith.mulf %mul3A_1782, %get3A_1728 : vector<16xf32>
      %mul3A_1784 = arith.mulf %mul3A_1783, %get3A_1736 : vector<16xf32>
      %mul3A_1785 = arith.mulf %mul3A_1784, %get3A_1744 : vector<16xf32>
      %mul3A_1786 = arith.mulf %get3A_1752, %get3A_1760 : vector<16xf32>
      %add3A_1787 = arith.addf %mul3A_1785, %mul3A_1786 : vector<16xf32>
      %mul3A_1788 = arith.mulf %get3A_1768, %get3A_1776 : vector<16xf32>
      %add3A_1789 = arith.addf %add3A_1787, %mul3A_1788 : vector<16xf32>
      %add3A_1790 = arith.addf %add3A_1780, %add3A_1789 : vector<16xf32>
      %mul3A_1791 = arith.mulf %add3A_1790, %get3A_1656 : vector<16xf32>
      %swap3A_1792 = arith.index_cast %add3A_1648 : i32 to index
      %swap3A_1793 = tpu.vector_load %arg22[%swap3A_1792] {strides = array<i32>} : memref<2048xf32, #tpu.memory_space<vmem>>, vector<16xf32>,
      %swap3A_1794 = vector.shape_cast %swap3A_1793 : vector<16xf32> to vector<16xf32>
      %swap3A_1795 = vector.shape_cast %mul3A_1791 : vector<16xf32> to vector<16xf32>
      tpu.vector_store %arg22[%swap3A_1792], %swap3A_1795 {add = true, strides = array<i32>} : memref<2048xf32, #tpu.memory_space<vmem>>, vector<16xf32>,
    }
    %scan3A_1190 = arith.constant 32 : i32
    "tpu.region"() ({
      %run_scoped3A = tpu.sem_alloc : memref<!tpu.dma_semaphore, #tpu.memory_space<semaphore_mem>>
      %dma_start3A = arith.constant 0 : i32
      %dma_start3A_1191 = tpu.memref_slice %arg19[%add3A, %dma_start3A] : memref<32x2048xf32, #tpu.memory_space<hbm>> -> memref<1x2048xf32, #tpu.memory_space<hbm>>
      %dma_start3A_1192 = tpu.memref_squeeze %dma_start3A_1191 : memref<1x2048xf32, #tpu.memory_space<hbm>> -> memref<2048xf32, #tpu.memory_space<hbm>>
      %dma_start3A_1193 = arith.constant 0 : i32
      %dma_start3A_1194 = tpu.memref_slice %arg19[%add3A, %dma_start3A_1193] : memref<32x2048xf32, #tpu.memory_space<hbm>> -> memref<1x2048xf32, #tpu.memory_space<hbm>>
      %dma_start3A_1195 = tpu.memref_squeeze %dma_start3A_1194 : memref<1x2048xf32, #tpu.memory_space<hbm>> -> memref<2048xf32, #tpu.memory_space<hbm>>
      tpu.enqueue_dma source(%arg22 : memref<2048xf32, #tpu.memory_space<vmem>>) target(%dma_start3A_1195 : memref<2048xf32, #tpu.memory_space<hbm>>) target_semaphore(%run_scoped3A : memref<!tpu.dma_semaphore, #tpu.memory_space<semaphore_mem>>)
      %dma_wait3A = arith.constant 0 : i32
      %dma_wait3A_1196 = tpu.memref_slice %arg19[%add3A, %dma_wait3A] : memref<32x2048xf32, #tpu.memory_space<hbm>> -> memref<1x2048xf32, #tpu.memory_space<hbm>>
      %dma_wait3A_1197 = tpu.memref_squeeze %dma_wait3A_1196 : memref<1x2048xf32, #tpu.memory_space<hbm>> -> memref<2048xf32, #tpu.memory_space<hbm>>
      %dma_wait3A_1198 = arith.constant 0 : i32
      %dma_wait3A_1199 = tpu.memref_slice %arg19[%add3A, %dma_wait3A_1198] : memref<32x2048xf32, #tpu.memory_space<hbm>> -> memref<1x2048xf32, #tpu.memory_space<hbm>>
      %dma_wait3A_1200 = tpu.memref_squeeze %dma_wait3A_1199 : memref<1x2048xf32, #tpu.memory_space<hbm>> -> memref<2048xf32, #tpu.memory_space<hbm>>
      tpu.wait_dma2 semaphore(%run_scoped3A : memref<!tpu.dma_semaphore, #tpu.memory_space<semaphore_mem>>) src(%arg22 : memref<2048xf32, #tpu.memory_space<vmem>>) dst(%dma_wait3A_1200 : memref<2048xf32, #tpu.memory_space<hbm>>)
      tpu.yield
    }) : () -> ()
    return
  }
}

module attributes {stable_mosaic.version = 14 : i64} {
  func.func @_final_body(%arg0: memref<32x2048xf32, #tpu.memory_space<vmem>>, %arg1: memref<1x2048xf32, #tpu.memory_space<vmem>>) attributes {dimension_semantics = [], scalar_prefetch = 0 : i64, scratch_operands = 0 : i64, tpu.core_type = #tpu.core_type<tc>} {
    %get3A = arith.constant 0 : index
    %get3A_0 = arith.constant 0 : index
    %get3A_1 = vector.load %arg0[%get3A, %get3A_0] : memref<32x2048xf32, #tpu.memory_space<vmem>>, vector<32x2048xf32>
    %reduce_sum3A = arith.constant dense<0.000000e+00> : vector<2048xf32>
    %reduce_sum3A_2 = vector.multi_reduction <add>, %get3A_1, %reduce_sum3A [0] : vector<32x2048xf32> to vector<2048xf32>
    %broadcast_in_dim3A = vector.shape_cast %reduce_sum3A_2 : vector<2048xf32> to vector<1x2048xf32>
    %tanh3A = math.tanh %broadcast_in_dim3A : vector<1x2048xf32>
    %swap3A = arith.constant 0 : index
    %swap3A_3 = arith.constant 0 : index
    %swap3A_4 = vector.load %arg1[%swap3A, %swap3A_3] : memref<1x2048xf32, #tpu.memory_space<vmem>>, vector<1x2048xf32>
    tpu.vector_store %arg1[%swap3A, %swap3A_3], %tanh3A {strides = array<i32>} : memref<1x2048xf32, #tpu.memory_space<vmem>>, vector<1x2048xf32>,
    return
  }
}

</mosaic_0001>

<sc_bundles>
// kernel: kernel.4.cloned.1.call-start
scs
__scs_entry_jumppad:
0x0: {  	(pc) =	sbr.rel $0x88, $3  }
0x1: {  	(tag) =	ssettag $0x0;
	lr =	simm.s32 $0x1  }
0x2: {  	[smem:$0x3F90] =	sst lr;
	_ =	strace $0xD0000000  }
0x3: {  	_ = 	snop  }
0x4: {  	_ = 	snop  }
0x5: {  	_ = 	snop  }
0x6: {  	_ = 	snop  }
0x7: {  	_ = 	snop  }
__scs_overlays_trampoline_lowered:
0x8: {  	[smem:$0x3F9F] =	sst s0  }
0x9: {  	[smem:$0x3FA0] =	sst s1  }
0xa: {  	[smem:$0x3FA1] =	sst s2  }
0xb: {  	[smem:$0x3FA2] =	sst s3  }
0xc: {  	[smem:$0x3FA3] =	sst s4  }
0xd: {  	[smem:$0x3FA4] =	sst s5  }
0xe: {  	[smem:$0x3FA5] =	sst s6  }
0xf: {  	[smem:$0x3FA6] =	sst s7  }
0x10: {  	[smem:$0x3FA7] =	sst s8  }
0x11: {  	[smem:$0x3FA8] =	sst s9;
	s0 =	simm.s32 @!p0 $0x0  }
0x12: {  	s1 =	sld [smem:$0x3F8E];
	s0 =	simm.s32 @p0 $0x1  }
0x13: {  	[smem:$0x3FA9] =	sst s0;
	s0 =	simm.s32 @!p1 $0x0  }
0x14: {  	s2 =	sld [smem:$0x3F8D];
	s0 =	simm.s32 @p1 $0x1  }
0x15: {  	[smem:$0x3FAA] =	sst s0;
	s0 =	simm.s32 @!p2 $0x0  }
0x16: {  	s3 =	sld [smem:$0x3FDB];
	s0 =	simm.s32 @p2 $0x1  }
0x17: {  	s4 =	simm.s32 $0x1BF5;
	[smem:$0x3FAC] =	sst s0  }
0x18: {  	s0 =	sld [smem:$0x3F8F];
	_ =	swait.ge [sflag:s4], $0x0  }
0x19: {  	s7 =	sld [smem:$0x3F90]  }
0x1a: {  	s8 =	sadd.s32 $0xFFFFE003, lr  }
0x1b: {  	s9 =	sadd.s32 $0xFFFFFEF7, lr;
	s5 =	simm.s32 $0xFFFFFFFF;
	p2 =	slt.u32 s8, $0xFFFFF086  }
0x1c: {  	p1 =	slt.u32 s9, $0xF7A;
	s5 =	simm.s32 @!p2 $0x0  }
0x1d: {  	s5 =	simm.s32 @p1 $0x1;
	p0 =	seq.s32 s7, s2  }
0x1e: {  	s7 =	smul.u32 @!p0 $0xF7A, s2;
	p2 =	seq.s32 @!p0 s5, $0x0  }
0x1f: {  	s9 =	smul.u32 $0xF7A, s1;
	s8 =	simm.s32 @!p0 $0x1BF5;
	p2 =	por !p2, p0  }
0x20: {  	[sflag:s8] =	ssyncset.s32 @!p0 $0xFFFFF086;
	s6 =	sadd.s32 @!p0 s3, s7;
	s7 =	simm.s32 @!p0 $0x108  }
0x21: {  	s3 =	sadd.s32 s3, s9;
	s6 =	sadd.s32 @!p0 $0x88, s6;
	s7 =	simm.s32 @p2 $0x1082  }
0x22: {  	[simem:s7], [sflag:s8] =	dma.local @!p0 [hbm:s6], $0xF7A  }
0x23: {  	s9 =	sor.u32 $0xD0000000, s2;
	s6 =	simm.s32 $0x108;
	_ =	swait.ge @!p0 [sflag:s8], $0x0  }
0x24: {  	s3 =	sadd.s32 $0x88, s3;
	s6 =	simm.s32 @!p1 $0x1082;
	[sflag:s4] =	ssyncset.s32 $0xFFFFF086  }
0x25: {  	[simem:s6], [sflag:s4] =	dma.local [hbm:s3], $0xF7A  }
0x26: {  	[smem:$0x3F90] =	sst s1;
	(tag) =	ssettag s2;
	_ =	strace s9  }
0x27: {  	s1 =	sld [smem:$0x3FA0]  }
0x28: {  	s2 =	sld [smem:$0x3FA1]  }
0x29: {  	s4 =	sld [smem:$0x3FA3]  }
0x2a: {  	p0 =	seq.s32 s5, $0x0;
	s5 =	sld [smem:$0x3FA4]  }
0x2b: {  	s6 =	sld [smem:$0x3FA5]  }
0x2c: {  	s7 =	sld [smem:$0x3FA6]  }
0x2d: {  	s3 =	simm.s32 $0x108;
	s8 =	sld [smem:$0x3FA7]  }
0x2e: {  	s3 =	simm.s32 @!p0 $0x1082;
	s9 =	sld [smem:$0x3FA8]  }
0x2f: {  	lr =	sadd.s32 s0, s3;
	s0 =	sld [smem:$0x3F9F]  }
0x30: {  	s3 =	sld [smem:$0x3FA2]  }
0x31: {  	[smem:$0x3FAB] =	sst s10  }
0x32: {  	s10 =	sld [smem:$0x3FA9];
	_ =	sdelay $0x3  }
0x33: {  	p0 =	seq.s32 s10, $0x1;
	s10 =	sld [smem:$0x3FAB];
	_ =	sdelay $0x3  }
0x34: {  	[smem:$0x3FAB] =	sst s10  }
0x35: {  	s10 =	sld [smem:$0x3FAA];
	_ =	sdelay $0x3  }
0x36: {  	p1 =	seq.s32 s10, $0x1;
	s10 =	sld [smem:$0x3FAB];
	_ =	sdelay $0x3  }
0x37: {  	[smem:$0x3FAB] =	sst s10  }
0x38: {  	s10 =	sld [smem:$0x3FAC]  }
0x39: {  	_ = 	snop;
	(pc) =	sbr.ind lr, $3  }
0x3a: {  	_ = 	snop  }
0x3b: {  	_ = 	snop  }
0x3c: {  	p2 =	seq.s32 s10, $0x1;
	s10 =	sld [smem:$0x3FAB]  }
0x3d: {  	_ =	shalt  }
0x3e: {  	_ =	shalt  }
0x3f: {  	_ =	shalt  }
0x40: {  	_ =	shalt  }
0x41: {  	_ =	shalt  }
0x42: {  	_ =	shalt  }
0x43: {  	_ =	shalt  }
0x44: {  	_ =	shalt  }
0x45: {  	_ =	shalt  }
0x46: {  	_ =	shalt  }
0x47: {  	_ =	shalt  }
0x48: {  	_ =	shalt  }
0x49: {  	_ =	shalt  }
0x4a: {  	_ =	shalt  }
0x4b: {  	_ =	shalt  }
0x4c: {  	_ =	shalt  }
0x4d: {  	_ =	shalt  }
0x4e: {  	_ =	shalt  }
0x4f: {  	_ =	shalt  }
0x50: {  	_ =	shalt  }
0x51: {  	_ =	shalt  }
0x52: {  	_ =	shalt  }
0x53: {  	_ =	shalt  }
0x54: {  	_ =	shalt  }
0x55: {  	_ =	shalt  }
0x56: {  	_ =	shalt  }
0x57: {  	_ =	shalt  }
0x58: {  	_ =	shalt  }
0x59: {  	_ =	shalt  }
0x5a: {  	_ =	shalt  }
0x5b: {  	_ =	shalt  }
0x5c: {  	_ =	shalt  }
0x5d: {  	_ =	shalt  }
0x5e: {  	_ =	shalt  }
0x5f: {  	_ =	shalt  }
0x60: {  	_ =	shalt  }
0x61: {  	_ =	shalt  }
0x62: {  	_ =	shalt  }
0x63: {  	_ =	shalt  }
0x64: {  	_ =	shalt  }
0x65: {  	_ =	shalt  }
0x66: {  	_ =	shalt  }
0x67: {  	_ =	shalt  }
0x68: {  	_ =	shalt  }
0x69: {  	_ =	shalt  }
0x6a: {  	_ =	shalt  }
0x6b: {  	_ =	shalt  }
0x6c: {  	_ =	shalt  }
0x6d: {  	_ =	shalt  }
0x6e: {  	_ =	shalt  }
0x6f: {  	_ =	shalt  }
0x70: {  	_ =	shalt  }
0x71: {  	_ =	shalt  }
0x72: {  	_ =	shalt  }
0x73: {  	_ =	shalt  }
0x74: {  	_ =	shalt  }
0x75: {  	_ =	shalt  }
0x76: {  	_ =	shalt  }
0x77: {  	_ =	shalt  }
0x78: {  	_ =	shalt  }
0x79: {  	_ =	shalt  }
0x7a: {  	_ =	shalt  }
0x7b: {  	_ =	shalt  }
0x7c: {  	_ =	shalt  }
0x7d: {  	_ =	shalt  }
0x7e: {  	_ =	shalt  }
0x7f: {  	_ =	shalt  }
0x80: {  	_ =	shalt  }
0x81: {  	_ =	shalt  }
0x82: {  	_ =	shalt  }
0x83: {  	_ =	shalt  }
0x84: {  	_ =	shalt  }
0x85: {  	_ =	shalt  }
0x86: {  	_ =	shalt  }
0x87: {  	_ =	shalt  }
.Lfunc_end0:
.L_simem_size_0:
called_computation_lowered:
.L_overlay_start_0:
0x88: {  	s2 =	sld [smem:$0x3FD9]  }
0x89: {  	s3 =	sld [smem:$0x3FFE];
	_ =	sdelay $0x1  }
0x8a: {  	s1 =	srdreg.scid  }
0x8b: {  	s0 =	sand.u32 $0x1, s1  }
0x8c: {  	s23 =	sshll.u32 s0, $0xA;
	s2 =	sadd.s32 s3, s2  }
0x8d: {  	s2 =	sadd.s32 s2, s23  }
0x8e: {  	[smem:$0x3FB7] =	sst s2  }
0x8f: {  	_ = 	snop  }
0x90: {  	s3 =	sld [smem:$0x3FC8]  }
0x91: {  	s4 =	sld [smem:$0x3FC7]  }
0x92: {  	s5 =	sld [smem:$0x3FC6]  }
0x93: {  	s6 =	sld [smem:$0x3FC5]  }
0x94: {  	s7 =	sld [smem:$0x3FC4]  }
0x95: {  	s8 =	sld [smem:$0x3FC3]  }
0x96: {  	s9 =	sld [smem:$0x3FC2]  }
0x97: {  	s10 =	sld [smem:$0x3FC1]  }
0x98: {  	s11 =	sld [smem:$0x3FC0]  }
0x99: {  	s2 =	sld [smem:$0x3FBF]  }
0x9a: {  	s16 =	sld [smem:$0x3FBE]  }
0x9b: {  	s12 =	sld [smem:$0x3FBD]  }
0x9c: {  	s13 =	sld [smem:$0x3FBC]  }
0x9d: {  	s14 =	sld [smem:$0x3FBB]  }
0x9e: {  	s17 =	sld [smem:$0x3FBA]  }
0x9f: {  	s18 =	sld [smem:$0x3FB9];
	(tm) =	ssettm $0x1  }
0xa0: {  	s15 =	sld [smem:$0x3FFB];
	_ =	sdelay $0x3  }
0xa1: {  	_ =	strace s15  }
0xa2: {  	s15 =	sld [smem:$0x3FFC];
	_ =	sdelay $0x3  }
0xa3: {  	_ =	strace s15  }
0xa4: {  	s15 =	sld [smem:$0x3FFD];
	_ =	sdelay $0x3  }
0xa5: {  	_ =	strace s15  }
0xa6: {  	_ =	strace $0x8FFFFFFF  }
0xa7: {  	s24 =	sld [smem:$0x3FDB];
	_ =	sdelay $0x1  }
0xa8: {  	s19 =	simm.s32 $_scs_section_size  }
0xa9: {  	s20 =	simm.s32 $_size__tile_task_arg_handler_lowered;
	s21 =	simm.s32 $_tile_task_arg_handler_lowered  }
0xaa: {  	s28 =	simm.s32 $0x1BFF;
	s26 =	sshll.u32 s21, $0x1;
	s19 =	sadd.s32 s19, s24  }
0xab: {  	s22 =	simm.s32 $0x60;
	s25 =	sshll.u32 s20, $0x1;
	s20 =	sadd.s32 s26, s19  }
0xac: {  	[timem:s22], [sflag:s28] =	dma.local [hbm:s20], s25  }
0xad: {  	_ =	swait.ge [sflag:s28], s25  }
0xae: {  	s29 =	simm.s32 $_tile_overlayer_lowered;
	s15 =	ssub.s32 $0x0, s25;
	[sflag:s28] =	ssyncset.done $0x0  }
0xaf: {  	s30 =	simm.s32 $_size__tile_overlayer_lowered;
	s20 =	sshll.u32 s29, $0x1;
	[sflag:s28] =	ssyncadd.s32 s15  }
0xb0: {  	s31 =	sshll.u32 s30, $0x1;
	s20 =	sadd.s32 s20, s19;
	s15 =	simm.s32 $0x0  }
0xb1: {  	[timem:s15], [sflag:s28] =	dma.local [hbm:s20], s31  }
0xb2: {  	_ =	swait.ge [sflag:s28], s31  }
0xb3: {  	s22 =	ssub.s32 $0x0, s31;
	[sflag:s28] =	ssyncset.done $0x0  }
0xb4: {  	[sflag:s28] =	ssyncadd.s32 s22;
	_ =	sdelay $0x1  }
0xb5: {  	s23 =	simm.s32 $0x1B8B  }
0xb6: {  	_ =	swait.ge [sflag:s23], $0x1  }
0xb7: {  	[sflag:s23] =	ssyncset.done $0x0  }
0xb8: {  	s25 =	simm.s32 $0x1B8E;
	s24 =	sld [smem:$0x3FFE];
	[sflag:s23] =	ssyncadd.s32 $0xFFFFFFFF  }
0xb9: {  	s26 =	simm.s32 $execute0_lowered;
	[smem:$0x3FD2] =	sst s25  }
0xba: {  	s21 =	sshll.u32 s26, $0x1;
	_ =	strace $0x80000046;
	[dreg:$0x1] =	wrdreg $0xFFFFFFFF  }
0xbb: {  	s19 =	sadd.s32 s19, s21;
	s28 =	simm.s32 $_size_execute0_lowered;
	[dreg:$0x0] =	wrdreg $0x0  }
0xbc: {  	s21 =	sshll.u32 s28, $0x1;
	[dreg:$0x2] =	wrdreg s19  }
0xbd: {  	[dreg:$0x3] =	wrdreg s21  }
0xbe: {  	[dreg:$0x4] =	wrdreg $0xC0  }
0xbf: {  	_ =	task [dreg:s15], $0x5FFFF  }
0xc0: {  	[dreg:$0x1] =	wrdreg $0xFFFFFFFF  }
0xc1: {  	[dreg:$0x0] =	wrdreg $0x30  }
0xc2: {  	[dreg:$0x2] =	wrdreg $0x180  }
0xc3: {  	[dreg:$0x3] =	wrdreg s17  }
0xc4: {  	[dreg:$0x4] =	wrdreg s16  }
0xc5: {  	[dreg:$0x5] =	wrdreg s18  }
0xc6: {  	[dreg:$0x6] =	wrdreg $0x9  }
0xc7: {  	_ =	task [dreg:s15], $0x7FFFF  }
0xc8: {  	[dreg:$0x1] =	wrdreg $0xFFFFFFFF  }
0xc9: {  	[dreg:$0x0] =	wrdreg $0x60  }
0xca: {  	[dreg:$0x2] =	wrdreg s24  }
0xcb: {  	[dreg:$0x3] =	wrdreg s3  }
0xcc: {  	[dreg:$0x4] =	wrdreg s4  }
0xcd: {  	[dreg:$0x5] =	wrdreg s5  }
0xce: {  	[dreg:$0x6] =	wrdreg s6  }
0xcf: {  	[dreg:$0x7] =	wrdreg s7  }
0xd0: {  	[dreg:$0x8] =	wrdreg s8  }
0xd1: {  	[dreg:$0x9] =	wrdreg s9  }
0xd2: {  	[dreg:$0xa] =	wrdreg s10  }
0xd3: {  	[dreg:$0xb] =	wrdreg s11  }
0xd4: {  	[dreg:$0xc] =	wrdreg s12  }
0xd5: {  	[dreg:$0xd] =	wrdreg s13  }
0xd6: {  	[dreg:$0xe] =	wrdreg s14  }
0xd7: {  	[dreg:$0xf] =	wrdreg s2  }
0xd8: {  	_ =	task.clear_ibuf [dreg:s15], $0x10FFFF;
	_ =	strace $0x90000046  }
0xd9: {  	s29 =	simm.s32 $0x9;
	_ =	strace $0x80000048  }
0xda: {  	_ =	swait.ge [sflag:s29], $0x1  }
0xdb: {  	[sflag:s29] =	ssyncadd.s32 $0xFFFFFFFF  }
0xdc: {  	_ =	strace $0x90000048  }
0xdd: {  	_ =	sfence  }
0xde: {  	s30 =	sld [smem:$0x0];
	_ =	sdelay $0x2  }
0xdf: {  	s31 =	sshll.u32 s1, $0xD;
	s1 =	sshrl.u32 s1, $0x2  }
0xe0: {  	s3 =	sand.u32 $0x4000, s31;
	s1 =	sadd.s32 s1, s30  }
0xe1: {  	s0 =	sor.u32 s3, s0;
	s1 =	sshll.u32 s1, $0x11  }
0xe2: {  	s0 =	sor.u32 s1, s0  }
0xe3: {  	s0 =	sadd.s32 $0x8F2B, s0  }
0xe4: {  	[sflag:s0] =	ssyncadd.remote.s32 $0x1  }
0xe5: {  	_ =	sfence.sel $0xFFFF  }
0xe6: {  	[dreg:$0x0] =	wrdreg $0xFFFFFFFF;
	(pc) =	sbr.abs _section_cstart, $3  }
0xe7: {  	[dreg:$0x1] =	wrdreg $0xFFFFFFFF  }
0xe8: {  	_ =	task.clear_ibuf [dreg:s15], $0x2FFFF;
	_ =	strace $0x9FFFFFFF  }
0xe9: {  	(tm) =	ssettm $0x7FFFFFFF  }
tec
_tile_task_arg_handler_lowered:
.L_overlay_start_1:
0x0: {  	(tag) =	ssettag $0x1  }
0x1: {  	s0 =	rddreg [dreg:$0x0]  }
0x2: {  	s1 =	rddreg [dreg:$0x1]  }
0x3: {  	s2 =	rddreg [dreg:$0x2]  }
0x4: {  	s3 =	rddreg [dreg:$0x3]  }
0x5: {  	s4 =	rddreg [dreg:$0x4]  }
0x6: {  	s5 =	rddreg [dreg:$0x5]  }
0x7: {  	s6 =	rddreg [dreg:$0x6]  }
0x8: {  	s7 =	rddreg [dreg:$0x7]  }
0x9: {  	s8 =	rddreg [dreg:$0x8]  }
0xa: {  	s9 =	rddreg [dreg:$0x9]  }
0xb: {  	s10 =	rddreg [dreg:$0xa]  }
0xc: {  	s11 =	rddreg [dreg:$0xb]  }
0xd: {  	s12 =	rddreg [dreg:$0xc]  }
0xe: {  	s13 =	rddreg [dreg:$0xd]  }
0xf: {  	[smem:s0] =	sst s1  }
0x10: {  	[smem:s0+$0x1] =	sst s2  }
0x11: {  	[smem:s0+$0x2] =	sst s3  }
0x12: {  	[smem:s0+$0x3] =	sst s4  }
0x13: {  	[smem:s0+$0x4] =	sst s5  }
0x14: {  	[smem:s0+$0x5] =	sst s6  }
0x15: {  	[smem:s0+$0x6] =	sst s7  }
0x16: {  	[smem:s0+$0x7] =	sst s8  }
0x17: {  	[smem:s0+$0x8] =	sst s9  }
0x18: {  	[smem:s0+$0x9] =	sst s10  }
0x19: {  	[smem:s0+$0xA] =	sst s11  }
0x1a: {  	[smem:s0+$0xB] =	sst s12  }
0x1b: {  	[smem:s0+$0xC] =	sst s13;
	_ =	shalt  }
.Lfunc_end2:
execute0_lowered:
.L_overlay_start_2:
0x1c: {  	(tag) =	ssettag $0x2  }
0x1d: {  	s0 =	rddreg [dreg:$0x0];
	s6 =	simm.s32 $0x0  }
0x1e: {  	[smem:$0x7FF] =	sst s6  }
0x1f: {  	s1 =	sld [smem:$0x180]  }
0x20: {  	s25 =	sld [smem:$0x181]  }
0x21: {  	s4 =	sld [smem:$0x182]  }
0x22: {  	s28 =	sld [smem:$0x183]  }
0x23: {  	s3 =	stileid.u32;
	[smem:$0x7F7] =	sst s1  }
0x24: {  	s26 =	srdreg.scid;
	s2 =	sshll.u32 s3, $0x9;
	[smem:$0x7F8] =	sst s25  }
0x25: {  	s3 =	sshll.u32 s3, $0x1;
	s1 =	sand.u32 $0x1, s26;
	[smem:$0x7F9] =	sst s4  }
0x26: {  	s2 =	sand.u32 $0x1800, s2;
	[smem:$0x7FA] =	sst s28;
	s3 =	sor.u32 s1, s3  }
0x27: {  	s1 =	ssub.s32 $0x2, s1;
	s29 =	sshll.u32 s3, $0x4;
	s3 =	smul.u32 $0x180, s3  }
0x28: {  	s2 =	sadd.s32 s2, s0;
	_ =	strace $0x80000047;
	s5 =	sshrl.u32 s1, $0x1  }
0x29: {  	s4 =	sand.u32 $0x70, s29;
	s1 =	ssub.s32 s1, s5;
	s0 =	sadd.s32 s0, s3  }
0x2a: {  	s2 =	sadd.s32 s4, s2;
	s31 =	smax.u32 s1, $0x1;
	[smem:$0x7FB] =	sst s0  }
0x2b: {  	s30 =	sadd.s32 $0x3000, s2;
	[smem:$0x7FD] =	sst s31  }
0x2c: {  	v0 =	vimm.f32 $0.0e+00;
	s1 =	simm.s32 $0x2;
	s2 =	simm.s32 $0x0;
	[smem:$0x7FC] =	sst s30  }
.LBB3_1:
0x2d: {  	s0 =	sld [smem:$0x7FB];
	_ =	sdelay $0x1  }
0x2e: {  	[smem:$0x7F6] =	sst s2  }
0x2f: {  	[tilespmem:s6], [sflag:$0x2] =	stream.linear.gather [hbm4b:s0+s6], $0x880, $0x38;
	[tilespmem:$0x11400] =	vst v63  }
0x30: {  	_ =	swait.ge [sflag:s1], $0x880  }
0x31: {  	[sflag:s1] =	ssyncset.done $0x0  }
0x32: {  	s0 =	simm.s32 $0x40;
	[sflag:s1] =	ssyncadd.s32 $0xFFFFF780;
	s1 =	simm.s32 $0x0  }
.LBB3_2:
0x33: {  	p0 =	sne.s32 s0, $0x1FC0;
	[tilespmem:s1+$0x10C00] =	vst v0;
	s1 =	smov.u32 s0;
	s0 =	sadd.s32 $0x40, s0  }
.Ltmp0:
0x34: {  	(pc) =	sbr.rel @p0 .LBB3_2-.Ltmp0, $2  }
0x35: {  	_ =	sdelay $0x2  }
0x36: {  	s1 =	sshra.s32 s1, $0x2  }
0x37: {  	[tilespmem:s1+$0x10C00] =	vst v0  }
0x38: {  	v1 =	vld [tilespmem:$0x800];
	_ =	sdelay $0x4  }
0x39: {  	(v2sf) =	vpush v1, $0x0  }
0x3a: {  	(v2sf) =	vpush v1, $0x1  }
0x3b: {  	(v2sf) =	vpush v1, $0x2  }
0x3c: {  	(v2sf) =	vpush v1, $0x3  }
0x3d: {  	(v2sf) =	vpush v1, $0x4  }
0x3e: {  	(v2sf) =	vpush v1, $0x5  }
0x3f: {  	(v2sf) =	vpush v1, $0x6  }
0x40: {  	(v2sf) =	vpush v1, $0x7  }
0x41: {  	(v2sf) =	vpush v1, $0x8  }
0x42: {  	(v2sf) =	vpush v1, $0x9  }
0x43: {  	(v2sf) =	vpush v1, $0xA  }
0x44: {  	v2 =	vld [tilespmem:$0x810];
	(v2sf) =	vpush v1, $0xB  }
0x45: {  	(v2sf) =	vpush v1, $0xC  }
0x46: {  	(v2sf) =	vpush v1, $0xD  }
0x47: {  	(v2sf) =	vpush v1, $0xE  }
0x48: {  	s0 =	spop (v2sf);
	(v2sf) =	vpush v1, $0xF  }
0x49: {  	[smem:$0x100] =	sst s0;
	s22 =	spop (v2sf);
	(v2sf) =	vpush v2, $0x0  }
0x4a: {  	[smem:$0x101] =	sst s22;
	s23 =	spop (v2sf);
	(v2sf) =	vpush v2, $0x1  }
0x4b: {  	[smem:$0x102] =	sst s23;
	s24 =	spop (v2sf);
	(v2sf) =	vpush v2, $0x2  }
0x4c: {  	[smem:$0x103] =	sst s24;
	s25 =	spop (v2sf);
	(v2sf) =	vpush v2, $0x3  }
0x4d: {  	[smem:$0x104] =	sst s25;
	s26 =	spop (v2sf);
	(v2sf) =	vpush v2, $0x4  }
0x4e: {  	[smem:$0x105] =	sst s26;
	s28 =	spop (v2sf);
	(v2sf) =	vpush v2, $0x5  }
0x4f: {  	[smem:$0x106] =	sst s28;
	s29 =	spop (v2sf);
	(v2sf) =	vpush v2, $0x6  }
0x50: {  	[smem:$0x107] =	sst s29;
	s30 =	spop (v2sf);
	(v2sf) =	vpush v2, $0x7  }
0x51: {  	[smem:$0x108] =	sst s30;
	s31 =	spop (v2sf);
	(v2sf) =	vpush v2, $0x8  }
0x52: {  	[smem:$0x109] =	sst s31;
	s1 =	spop (v2sf);
	(v2sf) =	vpush v2, $0x9  }
0x53: {  	[smem:$0x10A] =	sst s1;
	s2 =	spop (v2sf);
	(v2sf) =	vpush v2, $0xA  }
0x54: {  	v1 =	vld [tilespmem:$0x820];
	[smem:$0x10B] =	sst s2;
	s3 =	spop (v2sf);
	(v2sf) =	vpush v2, $0xB  }
0x55: {  	[smem:$0x10C] =	sst s3;
	s4 =	spop (v2sf);
	(v2sf) =	vpush v2, $0xC  }
0x56: {  	[smem:$0x10D] =	sst s4;
	s5 =	spop (v2sf);
	(v2sf) =	vpush v2, $0xD  }
0x57: {  	[smem:$0x10E] =	sst s5;
	s7 =	spop (v2sf);
	(v2sf) =	vpush v2, $0xE  }
0x58: {  	[smem:$0x10F] =	sst s7;
	s8 =	spop (v2sf);
	(v2sf) =	vpush v2, $0xF  }
0x59: {  	[smem:$0x110] =	sst s8;
	s9 =	spop (v2sf);
	(v2sf) =	vpush v1, $0x0  }
0x5a: {  	[smem:$0x111] =	sst s9;
	s10 =	spop (v2sf);
	(v2sf) =	vpush v1, $0x1  }
0x5b: {  	[smem:$0x112] =	sst s10;
	s11 =	spop (v2sf);
	(v2sf) =	vpush v1, $0x2  }
0x5c: {  	[smem:$0x113] =	sst s11;
	s12 =	spop (v2sf);
	(v2sf) =	vpush v1, $0x3  }
0x5d: {  	[smem:$0x114] =	sst s12;
	s13 =	spop (v2sf);
	(v2sf) =	vpush v1, $0x4  }
0x5e: {  	[smem:$0x115] =	sst s13;
	s14 =	spop (v2sf);
	(v2sf) =	vpush v1, $0x5  }
0x5f: {  	[smem:$0x116] =	sst s14;
	s15 =	spop (v2sf);
	(v2sf) =	vpush v1, $0x6  }
0x60: {  	[smem:$0x117] =	sst s15;
	s16 =	spop (v2sf);
	(v2sf) =	vpush v1, $0x7  }
0x61: {  	[smem:$0x118] =	sst s16;
	s17 =	spop (v2sf);
	(v2sf) =	vpush v1, $0x8  }
0x62: {  	[smem:$0x119] =	sst s17;
	s18 =	spop (v2sf);
	(v2sf) =	vpush v1, $0x9  }
0x63: {  	[smem:$0x11A] =	sst s18;
	s19 =	spop (v2sf);
	(v2sf) =	vpush v1, $0xA  }
0x64: {  	v2 =	vld [tilespmem:$0x830];
	[smem:$0x11B] =	sst s19;
	s20 =	spop (v2sf);
	(v2sf) =	vpush v1, $0xB  }
0x65: {  	[smem:$0x11C] =	sst s20;
	s21 =	spop (v2sf);
	(v2sf) =	vpush v1, $0xC  }
0x66: {  	[smem:$0x11D] =	sst s21;
	s22 =	spop (v2sf);
	(v2sf) =	vpush v1, $0xD  }
0x67: {  	[smem:$0x11E] =	sst s22;
	s23 =	spop (v2sf);
	(v2sf) =	vpush v1, $0xE  }
0x68: {  	[smem:$0x11F] =	sst s23;
	s24 =	spop (v2sf);
	(v2sf) =	vpush v1, $0xF  }
0x69: {  	[smem:$0x120] =	sst s24;
	s25 =	spop (v2sf);
	(v2sf) =	vpush v2, $0x0  }
0x6a: {  	[smem:$0x121] =	sst s25;
	s26 =	spop (v2sf);
	(v2sf) =	vpush v2, $0x1  }
0x6b: {  	[smem:$0x122] =	sst s26;
	s28 =	spop (v2sf);
	(v2sf) =	vpush v2, $0x2  }
0x6c: {  	[smem:$0x123] =	sst s28;
	s29 =	spop (v2sf);
	(v2sf) =	vpush v2, $0x3  }
0x6d: {  	[smem:$0x124] =	sst s29;
	s30 =	spop (v2sf);
	(v2sf) =	vpush v2, $0x4  }
0x6e: {  	[smem:$0x125] =	sst s30;
	s31 =	spop (v2sf);
	(v2sf) =	vpush v2, $0x5  }
0x6f: {  	[smem:$0x126] =	sst s31;
	s1 =	spop (v2sf);
	(v2sf) =	vpush v2, $0x6  }
0x70: {  	[smem:$0x127] =	sst s1;
	s2 =	spop (v2sf);
	(v2sf) =	vpush v2, $0x7  }
0x71: {  	[smem:$0x128] =	sst s2;
	s3 =	spop (v2sf);
	(v2sf) =	vpush v2, $0x8  }
0x72: {  	[smem:$0x129] =	sst s3;
	s4 =	spop (v2sf);
	(v2sf) =	vpush v2, $0x9  }
0x73: {  	[smem:$0x12A] =	sst s4;
	s5 =	spop (v2sf);
	(v2sf) =	vpush v2, $0xA  }
0x74: {  	v1 =	vld [tilespmem:$0x840];
	[smem:$0x12B] =	sst s5;
	s7 =	spop (v2sf);
	(v2sf) =	vpush v2, $0xB  }
0x75: {  	[smem:$0x12C] =	sst s7;
	s8 =	spop (v2sf);
	(v2sf) =	vpush v2, $0xC  }
0x76: {  	[smem:$0x12D] =	sst s8;
	s9 =	spop (v2sf);
	(v2sf) =	vpush v2, $0xD  }
0x77: {  	[smem:$0x12E] =	sst s9;
	s10 =	spop (v2sf);
	(v2sf) =	vpush v2, $0xE  }
0x78: {  	[smem:$0x12F] =	sst s10;
	s11 =	spop (v2sf);
	(v2sf) =	vpush v2, $0xF  }
0x79: {  	[smem:$0x130] =	sst s11;
	s12 =	spop (v2sf);
	(v2sf) =	vpush v1, $0x0  }
0x7a: {  	[smem:$0x131] =	sst s12;
	s13 =	spop (v2sf);
	(v2sf) =	vpush v1, $0x1  }
0x7b: {  	[smem:$0x132] =	sst s13;
	s14 =	spop (v2sf);
	(v2sf) =	vpush v1, $0x2  }
0x7c: {  	[smem:$0x133] =	sst s14;
	s15 =	spop (v2sf);
	(v2sf) =	vpush v1, $0x3  }
0x7d: {  	[smem:$0x134] =	sst s15;
	s16 =	spop (v2sf);
	(v2sf) =	vpush v1, $0x4  }
0x7e: {  	[smem:$0x135] =	sst s16;
	s17 =	spop (v2sf);
	(v2sf) =	vpush v1, $0x5  }
0x7f: {  	[smem:$0x136] =	sst s17;
	s18 =	spop (v2sf);
	(v2sf) =	vpush v1, $0x6  }
0x80: {  	[smem:$0x137] =	sst s18;
	s19 =	spop (v2sf);
	(v2sf) =	vpush v1, $0x7  }
0x81: {  	[smem:$0x138] =	sst s19;
	s20 =	spop (v2sf);
	(v2sf) =	vpush v1, $0x8  }
0x82: {  	[smem:$0x139] =	sst s20;
	s21 =	spop (v2sf);
	(v2sf) =	vpush v1, $0x9  }
0x83: {  	[smem:$0x13A] =	sst s21;
	s22 =	spop (v2sf);
	(v2sf) =	vpush v1, $0xA  }
0x84: {  	v2 =	vld [tilespmem:$0x850];
	[smem:$0x13B] =	sst s22;
	s23 =	spop (v2sf);
	(v2sf) =	vpush v1, $0xB  }
0x85: {  	[smem:$0x13C] =	sst s23;
	s24 =	spop (v2sf);
	(v2sf) =	vpush v1, $0xC  }
0x86: {  	[smem:$0x13D] =	sst s24;
	s25 =	spop (v2sf);
	(v2sf) =	vpush v1, $0xD  }
0x87: {  	[smem:$0x13E] =	sst s25;
	s26 =	spop (v2sf);
	(v2sf) =	vpush v1, $0xE  }
0x88: {  	[smem:$0x13F] =	sst s26;
	s28 =	spop (v2sf);
	(v2sf) =	vpush v1, $0xF  }
0x89: {  	[smem:$0x140] =	sst s28;
	s29 =	spop (v2sf);
	(v2sf) =	vpush v2, $0x0  }
0x8a: {  	[smem:$0x141] =	sst s29;
	s30 =	spop (v2sf);
	(v2sf) =	vpush v2, $0x1  }
0x8b: {  	[smem:$0x142] =	sst s30;
	s31 =	spop (v2sf);
	(v2sf) =	vpush v2, $0x2  }
0x8c: {  	[smem:$0x143] =	sst s31;
	s1 =	spop (v2sf);
	(v2sf) =	vpush v2, $0x3  }
0x8d: {  	[smem:$0x144] =	sst s1;
	s2 =	spop (v2sf);
	(v2sf) =	vpush v2, $0x4  }
0x8e: {  	[smem:$0x145] =	sst s2;
	s3 =	spop (v2sf);
	(v2sf) =	vpush v2, $0x5  }
0x8f: {  	[smem:$0x146] =	sst s3;
	s4 =	spop (v2sf);
	(v2sf) =	vpush v2, $0x6  }
0x90: {  	[smem:$0x147] =	sst s4;
	s5 =	spop (v2sf);
	(v2sf) =	vpush v2, $0x7  }
0x91: {  	[smem:$0x148] =	sst s5;
	s7 =	spop (v2sf);
	(v2sf) =	vpush v2, $0x8  }
0x92: {  	[smem:$0x149] =	sst s7;
	s8 =	spop (v2sf);
	(v2sf) =	vpush v2, $0x9  }
0x93: {  	[smem:$0x14A] =	sst s8;
	s9 =	spop (v2sf);
	(v2sf) =	vpush v2, $0xA  }
0x94: {  	v1 =	vld [tilespmem:$0x860];
	[smem:$0x14B] =	sst s9;
	s10 =	spop (v2sf);
	(v2sf) =	vpush v2, $0xB  }
0x95: {  	[smem:$0x14C] =	sst s10;
	s11 =	spop (v2sf);
	(v2sf) =	vpush v2, $0xC  }
0x96: {  	[smem:$0x14D] =	sst s11;
	s12 =	spop (v2sf);
	(v2sf) =	vpush v2, $0xD  }
0x97: {  	[smem:$0x14E] =	sst s12;
	s13 =	spop (v2sf);
	(v2sf) =	vpush v2, $0xE  }
0x98: {  	[smem:$0x14F] =	sst s13;
	s14 =	spop (v2sf);
	(v2sf) =	vpush v2, $0xF  }
0x99: {  	[smem:$0x150] =	sst s14;
	s15 =	spop (v2sf);
	(v2sf) =	vpush v1, $0x0  }
0x9a: {  	[smem:$0x151] =	sst s15;
	s16 =	spop (v2sf);
	(v2sf) =	vpush v1, $0x1  }
0x9b: {  	[smem:$0x152] =	sst s16;
	s17 =	spop (v2sf);
	(v2sf) =	vpush v1, $0x2  }
0x9c: {  	[smem:$0x153] =	sst s17;
	s18 =	spop (v2sf);
	(v2sf) =	vpush v1, $0x3  }
0x9d: {  	[smem:$0x154] =	sst s18;
	s19 =	spop (v2sf);
	(v2sf) =	vpush v1, $0x4  }
0x9e: {  	[smem:$0x155] =	sst s19;
	s20 =	spop (v2sf);
	(v2sf) =	vpush v1, $0x5  }
0x9f: {  	[smem:$0x156] =	sst s20;
	s21 =	spop (v2sf);
	(v2sf) =	vpush v1, $0x6  }
0xa0: {  	[smem:$0x157] =	sst s21;
	s22 =	spop (v2sf);
	(v2sf) =	vpush v1, $0x7  }
0xa1: {  	[smem:$0x158] =	sst s22;
	s23 =	spop (v2sf);
	(v2sf) =	vpush v1, $0x8  }
0xa2: {  	[smem:$0x159] =	sst s23;
	s24 =	spop (v2sf);
	(v2sf) =	vpush v1, $0x9  }
0xa3: {  	[smem:$0x15A] =	sst s24;
	s25 =	spop (v2sf);
	(v2sf) =	vpush v1, $0xA  }
0xa4: {  	v2 =	vld [tilespmem:$0x870];
	[smem:$0x15B] =	sst s25;
	s26 =	spop (v2sf);
	(v2sf) =	vpush v1, $0xB  }
0xa5: {  	[smem:$0x15C] =	sst s26;
	s28 =	spop (v2sf);
	(v2sf) =	vpush v1, $0xC  }
0xa6: {  	[smem:$0x15D] =	sst s28;
	s29 =	spop (v2sf);
	(v2sf) =	vpush v1, $0xD  }
0xa7: {  	[smem:$0x15E] =	sst s29;
	s30 =	spop (v2sf);
	(v2sf) =	vpush v1, $0xE  }
0xa8: {  	[smem:$0x15F] =	sst s30;
	s31 =	spop (v2sf);
	(v2sf) =	vpush v1, $0xF  }
0xa9: {  	[smem:$0x160] =	sst s31;
	s1 =	spop (v2sf);
	(v2sf) =	vpush v2, $0x0  }
0xaa: {  	[smem:$0x161] =	sst s1;
	s2 =	spop (v2sf);
	(v2sf) =	vpush v2, $0x1  }
0xab: {  	[smem:$0x162] =	sst s2;
	s3 =	spop (v2sf);
	(v2sf) =	vpush v2, $0x2  }
0xac: {  	[smem:$0x163] =	sst s3;
	s4 =	spop (v2sf);
	(v2sf) =	vpush v2, $0x3  }
0xad: {  	[smem:$0x164] =	sst s4;
	s5 =	spop (v2sf);
	(v2sf) =	vpush v2, $0x4  }
0xae: {  	[smem:$0x165] =	sst s5;
	s7 =	spop (v2sf);
	(v2sf) =	vpush v2, $0x5  }
0xaf: {  	[smem:$0x166] =	sst s7;
	s8 =	spop (v2sf);
	(v2sf) =	vpush v2, $0x6  }
0xb0: {  	[smem:$0x167] =	sst s8;
	s9 =	spop (v2sf);
	(v2sf) =	vpush v2, $0x7  }
0xb1: {  	[smem:$0x168] =	sst s9;
	s10 =	spop (v2sf);
	(v2sf) =	vpush v2, $0x8  }
0xb2: {  	[smem:$0x169] =	sst s10;
	s11 =	spop (v2sf);
	(v2sf) =	vpush v2, $0x9  }
0xb3: {  	[smem:$0x16A] =	sst s11;
	s12 =	spop (v2sf);
	(v2sf) =	vpush v2, $0xA  }
0xb4: {  	[smem:$0x16B] =	sst s12;
	s13 =	spop (v2sf);
	(v2sf) =	vpush v2, $0xB  }
0xb5: {  	[smem:$0x16C] =	sst s13;
	s14 =	spop (v2sf);
	(v2sf) =	vpush v2, $0xC  }
0xb6: {  	[smem:$0x16D] =	sst s14;
	s15 =	spop (v2sf);
	(v2sf) =	vpush v2, $0xD  }
0xb7: {  	[smem:$0x16E] =	sst s15;
	s16 =	spop (v2sf);
	(v2sf) =	vpush v2, $0xE  }
0xb8: {  	[smem:$0x16F] =	sst s16;
	s17 =	spop (v2sf);
	(v2sf) =	vpush v2, $0xF  }
0xb9: {  	s18 =	spop (v2sf);
	[smem:$0x170] =	sst s17  }
0xba: {  	s19 =	spop (v2sf);
	[smem:$0x171] =	sst s18  }
0xbb: {  	s20 =	spop (v2sf);
	[smem:$0x172] =	sst s19  }
0xbc: {  	s21 =	spop (v2sf);
	[smem:$0x173] =	sst s20  }
0xbd: {  	s22 =	spop (v2sf);
	[smem:$0x174] =	sst s21  }
0xbe: {  	s23 =	spop (v2sf);
	[smem:$0x175] =	sst s22  }
0xbf: {  	s24 =	spop (v2sf);
	[smem:$0x176] =	sst s23  }
0xc0: {  	s25 =	spop (v2sf);
	[smem:$0x177] =	sst s24  }
0xc1: {  	s26 =	spop (v2sf);
	[smem:$0x178] =	sst s25  }
0xc2: {  	s28 =	spop (v2sf);
	[smem:$0x179] =	sst s26  }
0xc3: {  	s29 =	spop (v2sf);
	[smem:$0x17A] =	sst s28  }
0xc4: {  	s30 =	spop (v2sf);
	[smem:$0x17B] =	sst s29  }
0xc5: {  	s31 =	spop (v2sf);
	[smem:$0x17C] =	sst s30  }
0xc6: {  	s2 =	spop (v2sf);
	[smem:$0x17D] =	sst s31  }
0xc7: {  	[smem:$0x17E] =	sst s2;
	s3 =	spop (v2sf)  }
0xc8: {  	[smem:$0x17F] =	sst s3  }
0xc9: {  	[smem:$0x0] =	sst s6  }
0xca: {  	[smem:$0x1] =	sst s6  }
0xcb: {  	[smem:$0x2] =	sst s6  }
0xcc: {  	[smem:$0x3] =	sst s6  }
0xcd: {  	[smem:$0x4] =	sst s6  }
0xce: {  	[smem:$0x5] =	sst s6  }
0xcf: {  	[smem:$0x6] =	sst s6  }
0xd0: {  	[smem:$0x7] =	sst s6  }
0xd1: {  	[smem:$0x8] =	sst s6  }
0xd2: {  	[smem:$0x9] =	sst s6  }
0xd3: {  	[smem:$0xA] =	sst s6  }
0xd4: {  	[smem:$0xB] =	sst s6  }
0xd5: {  	[smem:$0xC] =	sst s6  }
0xd6: {  	[smem:$0xD] =	sst s6  }
0xd7: {  	[smem:$0xE] =	sst s6  }
0xd8: {  	[smem:$0xF] =	sst s6  }
0xd9: {  	s4 =	sld [smem:$0x100];
	_ =	sdelay $0x2  }
0xda: {  	s5 =	sand.u32 $0x1, s4  }
0xdb: {  	p0 =	seq.s32 s5, $0x0  }
0xdc: {  	v1 =	vld.msk @!p0 [tilespmem:$0x0], $0x1;
	_ =	sdelay $0x4  }
0xdd: {  	v2 =	vshll.u32 @!p0 v1, $0x4  }
0xde: {  	v1 =	vand.u32 @!p0 $0x7, v1;
	v2 =	vand.u32 @!p0 $0xFFFFFF80, v2  }
0xdf: {  	v3 =	vlaneseq.u32 @!p0;
	v1 =	vor.u32 @!p0 v1, v2;
	v2 =	vimm.s32 @!p0 $0x0  }
0xe0: {  	v1 =	vperm.xlane @!p0 v1, v2;
	v2 =	vmul.u32 @!p0 $0x8, v3;
	_ =	sdelay $0x1  }
0xe1: {  	v1 =	vadd.s32 @!p0 v2, v1;
	_ =	sdelay $0x1  }
0xe2: {  	s1 =	simm.s32 @!p0 $0x0  }
0xe3: {  	s3 =	rddreg [dreg:$0x1];
	s6 =	sand.u32 $0x2, s4;
	s1 =	simm.s32 @p0 $0x1  }
0xe4: {  	vm0 =	vmmov @!p0 $0xffff;
	s2 =	simm.s32 @!p0 $0x8C00;
	[smem:$0x7EC] =	sst s1;
	s1 =	simm.s32 @!p0 $0x0  }
0xe5: {  	[tilespmem:s2], [sflag:$0x1] =	stream.indirect_vreg.gather @!p0 [hbm4b:s3+s1], $0x80, v1, vm0, $0xb8;
	[tilespmem:$0x11400] =	vst v63  }
0xe6: {  	p0 =	seq.s32 s6, $0x0  }
0xe7: {  	v1 =	vld.msk @!p0 [tilespmem:$0x80], $0x1;
	_ =	sdelay $0x4  }
0xe8: {  	v2 =	vshll.u32 @!p0 v1, $0x4  }
0xe9: {  	v1 =	vand.u32 @!p0 $0x7, v1;
	v2 =	vand.u32 @!p0 $0xFFFFFF80, v2  }
0xea: {  	v3 =	vlaneseq.u32 @!p0;
	v1 =	vor.u32 @!p0 v1, v2;
	v2 =	vimm.s32 @!p0 $0x0  }
0xeb: {  	v1 =	vperm.xlane @!p0 v1, v2;
	v2 =	vmul.u32 @!p0 $0x8, v3;
	_ =	sdelay $0x1  }
0xec: {  	v1 =	vadd.s32 @!p0 v2, v1;
	_ =	sdelay $0x1  }
0xed: {  	s1 =	simm.s32 @!p0 $0x0  }
0xee: {  	s7 =	sand.u32 $0x4, s4;
	s3 =	rddreg [dreg:$0x2];
	s1 =	simm.s32 @p0 $0x1  }
0xef: {  	vm0 =	vmmov @!p0 $0xffff;
	s2 =	simm.s32 @!p0 $0x9400;
	[smem:$0x7ED] =	sst s1;
	s1 =	simm.s32 @!p0 $0x0  }
0xf0: {  	[tilespmem:s2], [sflag:$0x1] =	stream.indirect_vreg.gather @!p0 [hbm4b:s3+s1], $0x80, v1, vm0, $0xb8;
	[tilespmem:$0x11400] =	vst v63  }
0xf1: {  	p0 =	seq.s32 s7, $0x0  }
0xf2: {  	v1 =	vld.msk @!p0 [tilespmem:$0x100], $0x1;
	_ =	sdelay $0x4  }
0xf3: {  	v2 =	vshll.u32 @!p0 v1, $0x4  }
0xf4: {  	v1 =	vand.u32 @!p0 $0x7, v1;
	v2 =	vand.u32 @!p0 $0xFFFFFF80, v2  }
0xf5: {  	v3 =	vlaneseq.u32 @!p0;
	v1 =	vor.u32 @!p0 v1, v2;
	v2 =	vimm.s32 @!p0 $0x0  }
0xf6: {  	v1 =	vperm.xlane @!p0 v1, v2;
	v2 =	vmul.u32 @!p0 $0x8, v3;
	_ =	sdelay $0x1  }
0xf7: {  	v1 =	vadd.s32 @!p0 v2, v1;
	_ =	sdelay $0x1  }
0xf8: {  	s1 =	simm.s32 @!p0 $0x0  }
0xf9: {  	s8 =	sand.u32 $0x8, s4;
	s3 =	rddreg [dreg:$0x3];
	s1 =	simm.s32 @p0 $0x1  }
0xfa: {  	vm0 =	vmmov @!p0 $0xffff;
	s2 =	simm.s32 @!p0 $0x9C00;
	[smem:$0x7EE] =	sst s1;
	s1 =	simm.s32 @!p0 $0x0  }
0xfb: {  	[tilespmem:s2], [sflag:$0x1] =	stream.indirect_vreg.gather @!p0 [hbm4b:s3+s1], $0x80, v1, vm0, $0xb8;
	[tilespmem:$0x11400] =	vst v63  }
0xfc: {  	p0 =	seq.s32 s8, $0x0  }
0xfd: {  	v1 =	vld.msk @!p0 [tilespmem:$0x180], $0x1;
	_ =	sdelay $0x4  }
0xfe: {  	v2 =	vshll.u32 @!p0 v1, $0x4  }
0xff: {  	v1 =	vand.u32 @!p0 $0x7, v1;
	v2 =	vand.u32 @!p0 $0xFFFFFF80, v2  }
0x100: {  	v3 =	vlaneseq.u32 @!p0;
	v1 =	vor.u32 @!p0 v1, v2;
	v2 =	vimm.s32 @!p0 $0x0  }
0x101: {  	v1 =	vperm.xlane @!p0 v1, v2;
	v2 =	vmul.u32 @!p0 $0x8, v3;
	_ =	sdelay $0x1  }
0x102: {  	v1 =	vadd.s32 @!p0 v2, v1;
	_ =	sdelay $0x1  }
0x103: {  	s1 =	simm.s32 @!p0 $0x0  }
0x104: {  	s9 =	sand.u32 $0x10, s4;
	s3 =	rddreg [dreg:$0x4];
	s1 =	simm.s32 @p0 $0x1  }
0x105: {  	vm0 =	vmmov @!p0 $0xffff;
	s2 =	simm.s32 @!p0 $0xA400;
	[smem:$0x7EF] =	sst s1;
	s1 =	simm.s32 @!p0 $0x0  }
0x106: {  	[tilespmem:s2], [sflag:$0x1] =	stream.indirect_vreg.gather @!p0 [hbm4b:s3+s1], $0x80, v1, vm0, $0xb8;
	[tilespmem:$0x11400] =	vst v63  }
0x107: {  	p0 =	seq.s32 s9, $0x0  }
0x108: {  	v1 =	vld.msk @!p0 [tilespmem:$0x200], $0x1;
	_ =	sdelay $0x4  }
0x109: {  	v2 =	vshll.u32 @!p0 v1, $0x4  }
0x10a: {  	v1 =	vand.u32 @!p0 $0x7, v1;
	v2 =	vand.u32 @!p0 $0xFFFFFF80, v2  }
0x10b: {  	v3 =	vlaneseq.u32 @!p0;
	v1 =	vor.u32 @!p0 v1, v2;
	v2 =	vimm.s32 @!p0 $0x0  }
0x10c: {  	v1 =	vperm.xlane @!p0 v1, v2;
	v2 =	vmul.u32 @!p0 $0x8, v3;
	_ =	sdelay $0x1  }
0x10d: {  	v1 =	vadd.s32 @!p0 v2, v1;
	_ =	sdelay $0x1  }
0x10e: {  	s1 =	simm.s32 @!p0 $0x0  }
0x10f: {  	s10 =	sand.u32 $0x20, s4;
	s3 =	rddreg [dreg:$0x5];
	s1 =	simm.s32 @p0 $0x1  }
0x110: {  	vm0 =	vmmov @!p0 $0xffff;
	s2 =	simm.s32 @!p0 $0xAC00;
	[smem:$0x7F0] =	sst s1;
	s1 =	simm.s32 @!p0 $0x0  }
0x111: {  	[tilespmem:s2], [sflag:$0x1] =	stream.indirect_vreg.gather @!p0 [hbm4b:s3+s1], $0x80, v1, vm0, $0xb8;
	[tilespmem:$0x11400] =	vst v63  }
0x112: {  	p0 =	seq.s32 s10, $0x0  }
0x113: {  	v1 =	vld.msk @!p0 [tilespmem:$0x280], $0x1;
	_ =	sdelay $0x4  }
0x114: {  	v2 =	vshll.u32 @!p0 v1, $0x4  }
0x115: {  	v1 =	vand.u32 @!p0 $0x7, v1;
	v2 =	vand.u32 @!p0 $0xFFFFFF80, v2  }
0x116: {  	v3 =	vlaneseq.u32 @!p0;
	v1 =	vor.u32 @!p0 v1, v2;
	v2 =	vimm.s32 @!p0 $0x0  }
0x117: {  	v1 =	vperm.xlane @!p0 v1, v2;
	v2 =	vmul.u32 @!p0 $0x8, v3;
	_ =	sdelay $0x1  }
0x118: {  	v1 =	vadd.s32 @!p0 v2, v1;
	_ =	sdelay $0x1  }
0x119: {  	s1 =	simm.s32 @!p0 $0x0  }
0x11a: {  	s11 =	sand.u32 $0x40, s4;
	s3 =	rddreg [dreg:$0x6];
	s1 =	simm.s32 @p0 $0x1  }
0x11b: {  	vm0 =	vmmov @!p0 $0xffff;
	s2 =	simm.s32 @!p0 $0xB400;
	[smem:$0x7F1] =	sst s1;
	s1 =	simm.s32 @!p0 $0x0  }
0x11c: {  	[tilespmem:s2], [sflag:$0x1] =	stream.indirect_vreg.gather @!p0 [hbm4b:s3+s1], $0x80, v1, vm0, $0xb8;
	[tilespmem:$0x11400] =	vst v63  }
0x11d: {  	p0 =	seq.s32 s11, $0x0  }
0x11e: {  	v1 =	vld.msk @!p0 [tilespmem:$0x300], $0x1;
	_ =	sdelay $0x4  }
0x11f: {  	v2 =	vshll.u32 @!p0 v1, $0x4  }
0x120: {  	v1 =	vand.u32 @!p0 $0x7, v1;
	v2 =	vand.u32 @!p0 $0xFFFFFF80, v2  }
0x121: {  	v3 =	vlaneseq.u32 @!p0;
	v1 =	vor.u32 @!p0 v1, v2;
	v2 =	vimm.s32 @!p0 $0x0  }
0x122: {  	v1 =	vperm.xlane @!p0 v1, v2;
	v2 =	vmul.u32 @!p0 $0x8, v3;
	_ =	sdelay $0x1  }
0x123: {  	v1 =	vadd.s32 @!p0 v2, v1;
	_ =	sdelay $0x1  }
0x124: {  	s1 =	simm.s32 @!p0 $0x0  }
0x125: {  	s12 =	sand.u32 $0x80, s4;
	s3 =	rddreg [dreg:$0x7];
	s1 =	simm.s32 @p0 $0x1  }
0x126: {  	vm0 =	vmmov @!p0 $0xffff;
	s2 =	simm.s32 @!p0 $0xBC00;
	[smem:$0x7F2] =	sst s1;
	s1 =	simm.s32 @!p0 $0x0  }
0x127: {  	[tilespmem:s2], [sflag:$0x1] =	stream.indirect_vreg.gather @!p0 [hbm4b:s3+s1], $0x80, v1, vm0, $0xb8;
	[tilespmem:$0x11400] =	vst v63  }
0x128: {  	p0 =	seq.s32 s12, $0x0  }
0x129: {  	v1 =	vld.msk @!p0 [tilespmem:$0x380], $0x1;
	_ =	sdelay $0x4  }
0x12a: {  	v2 =	vshll.u32 @!p0 v1, $0x4  }
0x12b: {  	v1 =	vand.u32 @!p0 $0x7, v1;
	v2 =	vand.u32 @!p0 $0xFFFFFF80, v2  }
0x12c: {  	v3 =	vlaneseq.u32 @!p0;
	v1 =	vor.u32 @!p0 v1, v2;
	v2 =	vimm.s32 @!p0 $0x0  }
0x12d: {  	v1 =	vperm.xlane @!p0 v1, v2;
	v2 =	vmul.u32 @!p0 $0x8, v3;
	_ =	sdelay $0x1  }
0x12e: {  	v1 =	vadd.s32 @!p0 v2, v1;
	_ =	sdelay $0x1  }
0x12f: {  	s1 =	simm.s32 @!p0 $0x0  }
0x130: {  	s13 =	sand.u32 $0x100, s4;
	s3 =	rddreg [dreg:$0x8];
	s1 =	simm.s32 @p0 $0x1  }
0x131: {  	vm0 =	vmmov @!p0 $0xffff;
	s2 =	simm.s32 @!p0 $0xC400;
	[smem:$0x7F3] =	sst s1;
	s1 =	simm.s32 @!p0 $0x0  }
0x132: {  	[tilespmem:s2], [sflag:$0x1] =	stream.indirect_vreg.gather @!p0 [hbm4b:s3+s1], $0x80, v1, vm0, $0xb8;
	[tilespmem:$0x11400] =	vst v63  }
0x133: {  	p0 =	seq.s32 s13, $0x0  }
0x134: {  	v1 =	vld.msk @!p0 [tilespmem:$0x400], $0x1;
	_ =	sdelay $0x4  }
0x135: {  	v2 =	vshll.u32 @!p0 v1, $0x4  }
0x136: {  	v1 =	vand.u32 @!p0 $0x7, v1;
	v2 =	vand.u32 @!p0 $0xFFFFFF80, v2  }
0x137: {  	v3 =	vlaneseq.u32 @!p0;
	v1 =	vor.u32 @!p0 v1, v2;
	v2 =	vimm.s32 @!p0 $0x0  }
0x138: {  	v1 =	vperm.xlane @!p0 v1, v2;
	v2 =	vmul.u32 @!p0 $0x8, v3;
	_ =	sdelay $0x1  }
0x139: {  	v1 =	vadd.s32 @!p0 v2, v1;
	_ =	sdelay $0x1  }
0x13a: {  	s1 =	simm.s32 @!p0 $0x0  }
0x13b: {  	s14 =	sand.u32 $0x200, s4;
	s3 =	rddreg [dreg:$0x9];
	s1 =	simm.s32 @p0 $0x1  }
0x13c: {  	vm0 =	vmmov @!p0 $0xffff;
	s2 =	simm.s32 @!p0 $0xCC00;
	[smem:$0x7F4] =	sst s1;
	s1 =	simm.s32 @!p0 $0x0  }
0x13d: {  	[tilespmem:s2], [sflag:$0x1] =	stream.indirect_vreg.gather @!p0 [hbm4b:s3+s1], $0x80, v1, vm0, $0xb8;
	[tilespmem:$0x11400] =	vst v63  }
0x13e: {  	p0 =	seq.s32 s14, $0x0  }
0x13f: {  	v1 =	vld.msk @!p0 [tilespmem:$0x480], $0x1;
	_ =	sdelay $0x4  }
0x140: {  	v2 =	vshll.u32 @!p0 v1, $0x4  }
0x141: {  	v1 =	vand.u32 @!p0 $0x7, v1;
	v2 =	vand.u32 @!p0 $0xFFFFFF80, v2  }
0x142: {  	v3 =	vlaneseq.u32 @!p0;
	v1 =	vor.u32 @!p0 v1, v2;
	v2 =	vimm.s32 @!p0 $0x0  }
0x143: {  	v1 =	vperm.xlane @!p0 v1, v2;
	v2 =	vmul.u32 @!p0 $0x8, v3;
	_ =	sdelay $0x1  }
0x144: {  	v1 =	vadd.s32 @!p0 v2, v1;
	_ =	sdelay $0x1  }
0x145: {  	s15 =	sand.u32 $0x400, s4;
	s1 =	simm.s32 @!p0 $0x0  }
0x146: {  	p5 =	seq.s32 s15, $0x0;
	s3 =	rddreg [dreg:$0xa];
	s1 =	simm.s32 @p0 $0x1  }
0x147: {  	vm0 =	vmmov @!p0 $0xffff;
	s2 =	simm.s32 @!p0 $0xD400;
	[smem:$0x7F5] =	sst s1;
	s1 =	simm.s32 @!p0 $0x0  }
0x148: {  	[tilespmem:s2], [sflag:$0x1] =	stream.indirect_vreg.gather @!p0 [hbm4b:s3+s1], $0x80, v1, vm0, $0xb8;
	[tilespmem:$0x11400] =	vst v63  }
0x149: {  	v1 =	vld.msk @!p5 [tilespmem:$0x500], $0x1;
	_ =	sdelay $0x4  }
0x14a: {  	v2 =	vshll.u32 @!p5 v1, $0x4  }
0x14b: {  	v1 =	vand.u32 @!p5 $0x7, v1;
	v2 =	vand.u32 @!p5 $0xFFFFFF80, v2  }
0x14c: {  	v3 =	vlaneseq.u32 @!p5;
	v1 =	vor.u32 @!p5 v1, v2;
	v2 =	vimm.s32 @!p5 $0x0  }
0x14d: {  	v1 =	vperm.xlane @!p5 v1, v2;
	v2 =	vmul.u32 @!p5 $0x8, v3;
	_ =	sdelay $0x1  }
0x14e: {  	v1 =	vadd.s32 @!p5 v2, v1;
	_ =	sdelay $0x1  }
0x14f: {  	s16 =	sand.u32 $0x800, s4  }
0x150: {  	p4 =	seq.s32 s16, $0x0  }
0x151: {  	vm0 =	vmmov @!p5 $0xffff;
	s1 =	simm.s32 @!p5 $0x0;
	s2 =	simm.s32 @!p5 $0xDC00;
	s3 =	rddreg [dreg:$0xb]  }
0x152: {  	[tilespmem:s2], [sflag:$0x1] =	stream.indirect_vreg.gather @!p5 [hbm4b:s3+s1], $0x80, v1, vm0, $0xb8;
	[tilespmem:$0x11400] =	vst v63  }
0x153: {  	v1 =	vld.msk @!p4 [tilespmem:$0x580], $0x1;
	_ =	sdelay $0x4  }
0x154: {  	v2 =	vshll.u32 @!p4 v1, $0x4  }
0x155: {  	v1 =	vand.u32 @!p4 $0x7, v1;
	v2 =	vand.u32 @!p4 $0xFFFFFF80, v2  }
0x156: {  	v3 =	vlaneseq.u32 @!p4;
	v1 =	vor.u32 @!p4 v1, v2;
	v2 =	vimm.s32 @!p4 $0x0  }
0x157: {  	v1 =	vperm.xlane @!p4 v1, v2;
	v2 =	vmul.u32 @!p4 $0x8, v3;
	_ =	sdelay $0x1  }
0x158: {  	v1 =	vadd.s32 @!p4 v2, v1;
	_ =	sdelay $0x1  }
0x159: {  	s17 =	sand.u32 $0x1000, s4  }
0x15a: {  	p3 =	seq.s32 s17, $0x0  }
0x15b: {  	vm0 =	vmmov @!p4 $0xffff;
	s1 =	simm.s32 @!p4 $0x0;
	s2 =	simm.s32 @!p4 $0xE400;
	s3 =	rddreg [dreg:$0xc]  }
0x15c: {  	[tilespmem:s2], [sflag:$0x1] =	stream.indirect_vreg.gather @!p4 [hbm4b:s3+s1], $0x80, v1, vm0, $0xb8;
	[tilespmem:$0x11400] =	vst v63  }
0x15d: {  	v1 =	vld.msk @!p3 [tilespmem:$0x600], $0x1;
	_ =	sdelay $0x4  }
0x15e: {  	v2 =	vshll.u32 @!p3 v1, $0x4  }
0x15f: {  	v1 =	vand.u32 @!p3 $0x7, v1;
	v2 =	vand.u32 @!p3 $0xFFFFFF80, v2  }
0x160: {  	v3 =	vlaneseq.u32 @!p3;
	v1 =	vor.u32 @!p3 v1, v2;
	v2 =	vimm.s32 @!p3 $0x0  }
0x161: {  	v1 =	vperm.xlane @!p3 v1, v2;
	v2 =	vmul.u32 @!p3 $0x8, v3;
	_ =	sdelay $0x1  }
0x162: {  	v1 =	vadd.s32 @!p3 v2, v1;
	_ =	sdelay $0x1  }
0x163: {  	s18 =	sand.u32 $0x2000, s4  }
0x164: {  	p2 =	seq.s32 s18, $0x0  }
0x165: {  	vm0 =	vmmov @!p3 $0xffff;
	s1 =	simm.s32 @!p3 $0x0;
	s2 =	simm.s32 @!p3 $0xEC00;
	s3 =	rddreg [dreg:$0xd]  }
0x166: {  	[tilespmem:s2], [sflag:$0x1] =	stream.indirect_vreg.gather @!p3 [hbm4b:s3+s1], $0x80, v1, vm0, $0xb8;
	[tilespmem:$0x11400] =	vst v63  }
0x167: {  	v1 =	vld.msk @!p2 [tilespmem:$0x680], $0x1;
	_ =	sdelay $0x4  }
0x168: {  	v2 =	vshll.u32 @!p2 v1, $0x4  }
0x169: {  	v1 =	vand.u32 @!p2 $0x7, v1;
	v2 =	vand.u32 @!p2 $0xFFFFFF80, v2  }
0x16a: {  	v3 =	vlaneseq.u32 @!p2;
	v1 =	vor.u32 @!p2 v1, v2;
	v2 =	vimm.s32 @!p2 $0x0  }
0x16b: {  	v1 =	vperm.xlane @!p2 v1, v2;
	v2 =	vmul.u32 @!p2 $0x8, v3;
	_ =	sdelay $0x1  }
0x16c: {  	v1 =	vadd.s32 @!p2 v2, v1;
	_ =	sdelay $0x1  }
0x16d: {  	s3 =	sld [smem:$0x7F7]  }
0x16e: {  	s19 =	sand.u32 $0x4000, s4  }
0x16f: {  	p1 =	seq.s32 s19, $0x0;
	vm0 =	vmmov @!p2 $0xffff;
	s1 =	simm.s32 @!p2 $0x0;
	s2 =	simm.s32 @!p2 $0xF400  }
0x170: {  	[tilespmem:s2], [sflag:$0x1] =	stream.indirect_vreg.gather @!p2 [hbm4b:s3+s1], $0x80, v1, vm0, $0xb8;
	[tilespmem:$0x11400] =	vst v63  }
0x171: {  	v1 =	vld.msk @!p1 [tilespmem:$0x700], $0x1;
	_ =	sdelay $0x4  }
0x172: {  	v2 =	vshll.u32 @!p1 v1, $0x4  }
0x173: {  	v1 =	vand.u32 @!p1 $0x7, v1;
	v2 =	vand.u32 @!p1 $0xFFFFFF80, v2  }
0x174: {  	v3 =	vlaneseq.u32 @!p1;
	v1 =	vor.u32 @!p1 v1, v2;
	v2 =	vimm.s32 @!p1 $0x0  }
0x175: {  	v1 =	vperm.xlane @!p1 v1, v2;
	v2 =	vmul.u32 @!p1 $0x8, v3  }
0x176: {  	s20 =	sld [smem:$0x7EC]  }
0x177: {  	s21 =	sld [smem:$0x7EC];
	v1 =	vadd.s32 @!p1 v2, v1  }
0x178: {  	s22 =	sld [smem:$0x7ED]  }
0x179: {  	s3 =	sld [smem:$0x7F8]  }
0x17a: {  	s0 =	sand.u32 $0x8000, s4;
	s23 =	sld [smem:$0x7EE]  }
0x17b: {  	p0 =	seq.s32 s20, $0x1;
	vm0 =	vmmov @!p1 $0xffff;
	s1 =	simm.s32 @!p1 $0x0;
	s2 =	simm.s32 @!p1 $0xFC00  }
0x17c: {  	[tilespmem:s2], [sflag:$0x1] =	stream.indirect_vreg.gather @!p1 [hbm4b:s3+s1], $0x80, v1, vm0, $0xb8;
	[tilespmem:$0x11400] =	vst v63  }
0x17d: {  	p6 =	seq.s32 s21, $0x1;
	s24 =	sld [smem:$0x7EF];
	s1 =	simm.s32 @!p0 $0x1  }
0x17e: {  	p0 =	seq.s32 s0, $0x0;
	[smem:$0x0] =	sst @!p6 s1;
	p6 =	seq.s32 s22, $0x1  }
0x17f: {  	s25 =	sld [smem:$0x7F0];
	v1 =	vld.msk @!p0 [tilespmem:$0x780], $0x1;
	s0 =	simm.s32 @!p6 $0x1  }
0x180: {  	[smem:$0x1] =	sst @!p6 s0;
	p6 =	seq.s32 s23, $0x1  }
0x181: {  	s26 =	sld [smem:$0x7F1];
	s0 =	simm.s32 @!p6 $0x1  }
0x182: {  	[smem:$0x2] =	sst @!p6 s0;
	p6 =	seq.s32 s24, $0x1  }
0x183: {  	s28 =	sld [smem:$0x7F2];
	s0 =	simm.s32 @!p6 $0x1  }
0x184: {  	v2 =	vshll.u32 @!p0 v1, $0x4;
	[smem:$0x3] =	sst @!p6 s0;
	p6 =	seq.s32 s25, $0x1  }
0x185: {  	s29 =	sld [smem:$0x7F3];
	v1 =	vand.u32 @!p0 $0x7, v1;
	v2 =	vand.u32 @!p0 $0xFFFFFF80, v2;
	s0 =	simm.s32 @!p6 $0x1  }
0x186: {  	v3 =	vlaneseq.u32 @!p0;
	v1 =	vor.u32 @!p0 v1, v2;
	v2 =	vimm.s32 @!p0 $0x0;
	[smem:$0x4] =	sst @!p6 s0;
	p6 =	seq.s32 s26, $0x1  }
0x187: {  	s30 =	sld [smem:$0x7F4];
	v1 =	vperm.xlane @!p0 v1, v2;
	v2 =	vmul.u32 @!p0 $0x8, v3;
	s0 =	simm.s32 @!p6 $0x1  }
0x188: {  	[smem:$0x5] =	sst @!p6 s0;
	p6 =	seq.s32 s28, $0x1  }
0x189: {  	s31 =	sld [smem:$0x7F5];
	v1 =	vadd.s32 @!p0 v2, v1;
	s0 =	simm.s32 @!p6 $0x1  }
0x18a: {  	[smem:$0x6] =	sst @!p6 s0;
	p6 =	seq.s32 s29, $0x1  }
0x18b: {  	s3 =	sld [smem:$0x7F9];
	s0 =	simm.s32 @!p6 $0x1  }
0x18c: {  	[smem:$0x7] =	sst @!p6 s0;
	p6 =	seq.s32 s30, $0x1  }
0x18d: {  	vm0 =	vmmov @!p0 $0xffff;
	s1 =	simm.s32 @!p0 $0x0;
	s2 =	simm.s32 @!p0 $0x10400;
	s0 =	simm.s32 @!p6 $0x1  }
0x18e: {  	[tilespmem:s2], [sflag:$0x1] =	stream.indirect_vreg.gather @!p0 [hbm4b:s3+s1], $0x80, v1, vm0, $0xb8;
	[tilespmem:$0x11400] =	vst v63  }
0x18f: {  	[smem:$0x8] =	sst @!p6 s0;
	p6 =	seq.s32 s31, $0x1  }
0x190: {  	s0 =	simm.s32 @!p6 $0x1  }
0x191: {  	[smem:$0x9] =	sst @!p6 s0;
	s0 =	simm.s32 @!p5 $0x1  }
0x192: {  	[smem:$0xA] =	sst @!p5 s0;
	s0 =	simm.s32 @!p4 $0x1  }
0x193: {  	[smem:$0xB] =	sst @!p4 s0;
	s0 =	simm.s32 @!p3 $0x1  }
0x194: {  	[smem:$0xC] =	sst @!p3 s0;
	s0 =	simm.s32 @!p2 $0x1  }
0x195: {  	[smem:$0xD] =	sst @!p2 s0;
	s0 =	simm.s32 @!p1 $0x1  }
0x196: {  	[smem:$0xE] =	sst @!p1 s0;
	s0 =	simm.s32 @!p0 $0x1  }
0x197: {  	s13 =	simm.s32 $0x0;
	[smem:$0xF] =	sst @!p0 s0  }
.LBB3_5:
0x198: {  	s0 =	sld [smem:$0x0];
	_ =	sdelay $0x2  }
0x199: {  	[smem:$0x80] =	sst s0  }
0x19a: {  	s0 =	sld [smem:$0x1];
	_ =	sdelay $0x2  }
0x19b: {  	[smem:$0x81] =	sst s0  }
0x19c: {  	s0 =	sld [smem:$0x2];
	_ =	sdelay $0x2  }
0x19d: {  	[smem:$0x82] =	sst s0  }
0x19e: {  	s0 =	sld [smem:$0x3];
	_ =	sdelay $0x2  }
0x19f: {  	[smem:$0x83] =	sst s0  }
0x1a0: {  	s0 =	sld [smem:$0x4];
	_ =	sdelay $0x2  }
0x1a1: {  	[smem:$0x84] =	sst s0  }
0x1a2: {  	s0 =	sld [smem:$0x5];
	_ =	sdelay $0x2  }
0x1a3: {  	[smem:$0x85] =	sst s0  }
0x1a4: {  	s0 =	sld [smem:$0x6];
	_ =	sdelay $0x2  }
0x1a5: {  	[smem:$0x86] =	sst s0  }
0x1a6: {  	s0 =	sld [smem:$0x7];
	_ =	sdelay $0x2  }
0x1a7: {  	[smem:$0x87] =	sst s0  }
0x1a8: {  	s0 =	sld [smem:$0x8];
	_ =	sdelay $0x2  }
0x1a9: {  	[smem:$0x88] =	sst s0  }
0x1aa: {  	s0 =	sld [smem:$0x9];
	_ =	sdelay $0x2  }
0x1ab: {  	[smem:$0x89] =	sst s0  }
0x1ac: {  	s0 =	sld [smem:$0xA];
	_ =	sdelay $0x2  }
0x1ad: {  	[smem:$0x8A] =	sst s0  }
0x1ae: {  	s0 =	sld [smem:$0xB];
	_ =	sdelay $0x2  }
0x1af: {  	[smem:$0x8B] =	sst s0  }
0x1b0: {  	s0 =	sld [smem:$0xC];
	_ =	sdelay $0x2  }
0x1b1: {  	[smem:$0x8C] =	sst s0  }
0x1b2: {  	s0 =	sld [smem:$0xD];
	_ =	sdelay $0x2  }
0x1b3: {  	[smem:$0x8D] =	sst s0  }
0x1b4: {  	s0 =	sld [smem:$0xE];
	_ =	sdelay $0x2  }
0x1b5: {  	[smem:$0x8E] =	sst s0  }
0x1b6: {  	s30 =	sld [smem:$0xF];
	_ =	sdelay $0x2  }
0x1b7: {  	[smem:$0x8F] =	sst s30  }
0x1b8: {  	s31 =	sld [smem:s13+$0x101];
	_ =	sdelay $0x2  }
0x1b9: {  	s19 =	sand.u32 $0x1, s31  }
0x1ba: {  	p0 =	seq.s32 s19, $0x0  }
0x1bb: {  	v1 =	vld.msk @!p0 [tilespmem:s13+$0x1], $0x1;
	_ =	sdelay $0x4  }
0x1bc: {  	v2 =	vshll.u32 @!p0 v1, $0x4  }
0x1bd: {  	v1 =	vand.u32 @!p0 $0x7, v1;
	v2 =	vand.u32 @!p0 $0xFFFFFF80, v2  }
0x1be: {  	v3 =	vlaneseq.u32 @!p0;
	v1 =	vor.u32 @!p0 v1, v2;
	v2 =	vimm.s32 @!p0 $0x0  }
0x1bf: {  	s0 =	sld @!p0 [smem:$0x0];
	v1 =	vperm.xlane @!p0 v1, v2;
	v2 =	vmul.u32 @!p0 $0x8, v3;
	_ =	sdelay $0x1  }
0x1c0: {  	v1 =	vadd.s32 @!p0 v2, v1  }
0x1c1: {  	s0 =	ssub.s32 @!p0 $0x1, s0  }
0x1c2: {  	s3 =	rddreg [dreg:$0x1];
	s4 =	sadd.s32 $0x1, s13;
	s1 =	sshll.u32 @!p0 s0, $0x11  }
0x1c3: {  	s17 =	sand.u32 $0x80, s4;
	s20 =	sand.u32 $0x2, s31;
	s1 =	sshra.s32 @!p0 s1, $0x2  }
0x1c4: {  	p1 =	seq.s32 s20, $0x0;
	vm0 =	vmmov @!p0 $0xffff;
	s2 =	simm.s32 @!p0 $0x0;
	s1 =	sor.u32 @!p0 $0xC00, s1  }
0x1c5: {  	[tilespmem:s1], [sflag:$0x1] =	stream.indirect_vreg.gather @!p0 [hbm4b:s3+s2], $0x80, v1, vm0, $0xb8;
	[tilespmem:$0x11400] =	vst v63  }
0x1c6: {  	s1 =	sadd.s32 @!p1 s4, s17  }
0x1c7: {  	v1 =	vld.msk @!p1 [tilespmem:s1+$0x80], $0x1;
	_ =	sdelay $0x4  }
0x1c8: {  	v2 =	vshll.u32 @!p1 v1, $0x4  }
0x1c9: {  	v1 =	vand.u32 @!p1 $0x7, v1;
	v2 =	vand.u32 @!p1 $0xFFFFFF80, v2  }
0x1ca: {  	[smem:$0x0] =	sst @!p0 s0;
	v3 =	vlaneseq.u32 @!p1;
	v1 =	vor.u32 @!p1 v1, v2;
	v2 =	vimm.s32 @!p1 $0x0  }
0x1cb: {  	s0 =	sld @!p1 [smem:$0x1];
	v1 =	vperm.xlane @!p1 v1, v2;
	v2 =	vmul.u32 @!p1 $0x8, v3;
	_ =	sdelay $0x1  }
0x1cc: {  	v1 =	vadd.s32 @!p1 v2, v1  }
0x1cd: {  	s0 =	ssub.s32 @!p1 $0x1, s0  }
0x1ce: {  	s1 =	sshll.u32 @!p1 s0, $0x11  }
0x1cf: {  	s21 =	sand.u32 $0x4, s31;
	s2 =	simm.s32 @!p1 $0x0;
	s1 =	sshra.s32 @!p1 s1, $0x2  }
0x1d0: {  	vm0 =	vmmov @!p1 $0xffff;
	s3 =	rddreg [dreg:$0x2];
	p0 =	seq.s32 s21, $0x0;
	s1 =	sor.u32 @!p1 $0x1400, s1  }
0x1d1: {  	[tilespmem:s1], [sflag:$0x1] =	stream.indirect_vreg.gather @!p1 [hbm4b:s3+s2], $0x80, v1, vm0, $0xb8;
	[tilespmem:$0x11400] =	vst v63  }
0x1d2: {  	s1 =	sadd.s32 @!p0 s4, s17  }
0x1d3: {  	v1 =	vld.msk @!p0 [tilespmem:s1+$0x100], $0x1;
	_ =	sdelay $0x4  }
0x1d4: {  	v2 =	vshll.u32 @!p0 v1, $0x4  }
0x1d5: {  	v1 =	vand.u32 @!p0 $0x7, v1;
	v2 =	vand.u32 @!p0 $0xFFFFFF80, v2  }
0x1d6: {  	[smem:$0x1] =	sst @!p1 s0;
	v3 =	vlaneseq.u32 @!p0;
	v1 =	vor.u32 @!p0 v1, v2;
	v2 =	vimm.s32 @!p0 $0x0  }
0x1d7: {  	s0 =	sld @!p0 [smem:$0x2];
	v1 =	vperm.xlane @!p0 v1, v2;
	v2 =	vmul.u32 @!p0 $0x8, v3;
	_ =	sdelay $0x1  }
0x1d8: {  	v1 =	vadd.s32 @!p0 v2, v1  }
0x1d9: {  	s0 =	ssub.s32 @!p0 $0x1, s0  }
0x1da: {  	s1 =	sshll.u32 @!p0 s0, $0x11  }
0x1db: {  	s22 =	sand.u32 $0x8, s31;
	s2 =	simm.s32 @!p0 $0x0;
	s1 =	sshra.s32 @!p0 s1, $0x2  }
0x1dc: {  	vm0 =	vmmov @!p0 $0xffff;
	s3 =	rddreg [dreg:$0x3];
	p1 =	seq.s32 s22, $0x0;
	s1 =	sor.u32 @!p0 $0x1C00, s1  }
0x1dd: {  	[tilespmem:s1], [sflag:$0x1] =	stream.indirect_vreg.gather @!p0 [hbm4b:s3+s2], $0x80, v1, vm0, $0xb8;
	[tilespmem:$0x11400] =	vst v63  }
0x1de: {  	s1 =	sadd.s32 @!p1 s4, s17  }
0x1df: {  	v1 =	vld.msk @!p1 [tilespmem:s1+$0x180], $0x1;
	_ =	sdelay $0x4  }
0x1e0: {  	v2 =	vshll.u32 @!p1 v1, $0x4  }
0x1e1: {  	v1 =	vand.u32 @!p1 $0x7, v1;
	v2 =	vand.u32 @!p1 $0xFFFFFF80, v2  }
0x1e2: {  	[smem:$0x2] =	sst @!p0 s0;
	v3 =	vlaneseq.u32 @!p1;
	v1 =	vor.u32 @!p1 v1, v2;
	v2 =	vimm.s32 @!p1 $0x0  }
0x1e3: {  	s0 =	sld @!p1 [smem:$0x3];
	v1 =	vperm.xlane @!p1 v1, v2;
	v2 =	vmul.u32 @!p1 $0x8, v3;
	_ =	sdelay $0x1  }
0x1e4: {  	v1 =	vadd.s32 @!p1 v2, v1  }
0x1e5: {  	s0 =	ssub.s32 @!p1 $0x1, s0  }
0x1e6: {  	s1 =	sshll.u32 @!p1 s0, $0x11  }
0x1e7: {  	s23 =	sand.u32 $0x10, s31;
	s2 =	simm.s32 @!p1 $0x0;
	s1 =	sshra.s32 @!p1 s1, $0x2  }
0x1e8: {  	vm0 =	vmmov @!p1 $0xffff;
	s3 =	rddreg [dreg:$0x4];
	p0 =	seq.s32 s23, $0x0;
	s1 =	sor.u32 @!p1 $0x2400, s1  }
0x1e9: {  	[tilespmem:s1], [sflag:$0x1] =	stream.indirect_vreg.gather @!p1 [hbm4b:s3+s2], $0x80, v1, vm0, $0xb8;
	[tilespmem:$0x11400] =	vst v63  }
0x1ea: {  	s1 =	sadd.s32 @!p0 s4, s17  }
0x1eb: {  	v1 =	vld.msk @!p0 [tilespmem:s1+$0x200], $0x1;
	_ =	sdelay $0x4  }
0x1ec: {  	v2 =	vshll.u32 @!p0 v1, $0x4  }
0x1ed: {  	v1 =	vand.u32 @!p0 $0x7, v1;
	v2 =	vand.u32 @!p0 $0xFFFFFF80, v2  }
0x1ee: {  	[smem:$0x3] =	sst @!p1 s0;
	v3 =	vlaneseq.u32 @!p0;
	v1 =	vor.u32 @!p0 v1, v2;
	v2 =	vimm.s32 @!p0 $0x0  }
0x1ef: {  	s0 =	sld @!p0 [smem:$0x4];
	v1 =	vperm.xlane @!p0 v1, v2;
	v2 =	vmul.u32 @!p0 $0x8, v3;
	_ =	sdelay $0x1  }
0x1f0: {  	v1 =	vadd.s32 @!p0 v2, v1  }
0x1f1: {  	s0 =	ssub.s32 @!p0 $0x1, s0  }
0x1f2: {  	s1 =	sshll.u32 @!p0 s0, $0x11  }
0x1f3: {  	s24 =	sand.u32 $0x20, s31;
	s2 =	simm.s32 @!p0 $0x0;
	s1 =	sshra.s32 @!p0 s1, $0x2  }
0x1f4: {  	vm0 =	vmmov @!p0 $0xffff;
	s3 =	rddreg [dreg:$0x5];
	p1 =	seq.s32 s24, $0x0;
	s1 =	sor.u32 @!p0 $0x2C00, s1  }
0x1f5: {  	[tilespmem:s1], [sflag:$0x1] =	stream.indirect_vreg.gather @!p0 [hbm4b:s3+s2], $0x80, v1, vm0, $0xb8;
	[tilespmem:$0x11400] =	vst v63  }
0x1f6: {  	s1 =	sadd.s32 @!p1 s4, s17  }
0x1f7: {  	v1 =	vld.msk @!p1 [tilespmem:s1+$0x280], $0x1;
	_ =	sdelay $0x4  }
0x1f8: {  	v2 =	vshll.u32 @!p1 v1, $0x4  }
0x1f9: {  	v1 =	vand.u32 @!p1 $0x7, v1;
	v2 =	vand.u32 @!p1 $0xFFFFFF80, v2  }
0x1fa: {  	[smem:$0x4] =	sst @!p0 s0;
	v3 =	vlaneseq.u32 @!p1;
	v1 =	vor.u32 @!p1 v1, v2;
	v2 =	vimm.s32 @!p1 $0x0  }
0x1fb: {  	s0 =	sld @!p1 [smem:$0x5];
	v1 =	vperm.xlane @!p1 v1, v2;
	v2 =	vmul.u32 @!p1 $0x8, v3;
	_ =	sdelay $0x1  }
0x1fc: {  	v1 =	vadd.s32 @!p1 v2, v1  }
0x1fd: {  	s0 =	ssub.s32 @!p1 $0x1, s0  }
0x1fe: {  	s1 =	sshll.u32 @!p1 s0, $0x11  }
0x1ff: {  	s25 =	sand.u32 $0x40, s31;
	s2 =	simm.s32 @!p1 $0x0;
	s1 =	sshra.s32 @!p1 s1, $0x2  }
0x200: {  	vm0 =	vmmov @!p1 $0xffff;
	s3 =	rddreg [dreg:$0x6];
	p0 =	seq.s32 s25, $0x0;
	s1 =	sor.u32 @!p1 $0x3400, s1  }
0x201: {  	[tilespmem:s1], [sflag:$0x1] =	stream.indirect_vreg.gather @!p1 [hbm4b:s3+s2], $0x80, v1, vm0, $0xb8;
	[tilespmem:$0x11400] =	vst v63  }
0x202: {  	s1 =	sadd.s32 @!p0 s4, s17  }
0x203: {  	v1 =	vld.msk @!p0 [tilespmem:s1+$0x300], $0x1;
	_ =	sdelay $0x4  }
0x204: {  	v2 =	vshll.u32 @!p0 v1, $0x4  }
0x205: {  	v1 =	vand.u32 @!p0 $0x7, v1;
	v2 =	vand.u32 @!p0 $0xFFFFFF80, v2  }
0x206: {  	[smem:$0x5] =	sst @!p1 s0;
	v3 =	vlaneseq.u32 @!p0;
	v1 =	vor.u32 @!p0 v1, v2;
	v2 =	vimm.s32 @!p0 $0x0  }
0x207: {  	s0 =	sld @!p0 [smem:$0x6];
	v1 =	vperm.xlane @!p0 v1, v2;
	v2 =	vmul.u32 @!p0 $0x8, v3;
	_ =	sdelay $0x1  }
0x208: {  	v1 =	vadd.s32 @!p0 v2, v1  }
0x209: {  	s0 =	ssub.s32 @!p0 $0x1, s0  }
0x20a: {  	s1 =	sshll.u32 @!p0 s0, $0x11  }
0x20b: {  	s26 =	sand.u32 $0x80, s31;
	s2 =	simm.s32 @!p0 $0x0;
	s1 =	sshra.s32 @!p0 s1, $0x2  }
0x20c: {  	vm0 =	vmmov @!p0 $0xffff;
	s3 =	rddreg [dreg:$0x7];
	p1 =	seq.s32 s26, $0x0;
	s1 =	sor.u32 @!p0 $0x3C00, s1  }
0x20d: {  	[tilespmem:s1], [sflag:$0x1] =	stream.indirect_vreg.gather @!p0 [hbm4b:s3+s2], $0x80, v1, vm0, $0xb8;
	[tilespmem:$0x11400] =	vst v63  }
0x20e: {  	s1 =	sadd.s32 @!p1 s4, s17  }
0x20f: {  	v1 =	vld.msk @!p1 [tilespmem:s1+$0x380], $0x1;
	_ =	sdelay $0x4  }
0x210: {  	v2 =	vshll.u32 @!p1 v1, $0x4  }
0x211: {  	v1 =	vand.u32 @!p1 $0x7, v1;
	v2 =	vand.u32 @!p1 $0xFFFFFF80, v2  }
0x212: {  	[smem:$0x6] =	sst @!p0 s0;
	v3 =	vlaneseq.u32 @!p1;
	v1 =	vor.u32 @!p1 v1, v2;
	v2 =	vimm.s32 @!p1 $0x0  }
0x213: {  	s0 =	sld @!p1 [smem:$0x7];
	v1 =	vperm.xlane @!p1 v1, v2;
	v2 =	vmul.u32 @!p1 $0x8, v3;
	_ =	sdelay $0x1  }
0x214: {  	v1 =	vadd.s32 @!p1 v2, v1  }
0x215: {  	s0 =	ssub.s32 @!p1 $0x1, s0  }
0x216: {  	s1 =	sshll.u32 @!p1 s0, $0x11  }
0x217: {  	s28 =	sand.u32 $0x100, s31;
	s2 =	simm.s32 @!p1 $0x0;
	s1 =	sshra.s32 @!p1 s1, $0x2  }
0x218: {  	vm0 =	vmmov @!p1 $0xffff;
	s3 =	rddreg [dreg:$0x8];
	p0 =	seq.s32 s28, $0x0;
	s1 =	sor.u32 @!p1 $0x4400, s1  }
0x219: {  	[tilespmem:s1], [sflag:$0x1] =	stream.indirect_vreg.gather @!p1 [hbm4b:s3+s2], $0x80, v1, vm0, $0xb8;
	[tilespmem:$0x11400] =	vst v63  }
0x21a: {  	s1 =	sadd.s32 @!p0 s4, s17  }
0x21b: {  	v1 =	vld.msk @!p0 [tilespmem:s1+$0x400], $0x1;
	_ =	sdelay $0x4  }
0x21c: {  	v2 =	vshll.u32 @!p0 v1, $0x4  }
0x21d: {  	v1 =	vand.u32 @!p0 $0x7, v1;
	v2 =	vand.u32 @!p0 $0xFFFFFF80, v2  }
0x21e: {  	[smem:$0x7] =	sst @!p1 s0;
	v3 =	vlaneseq.u32 @!p0;
	v1 =	vor.u32 @!p0 v1, v2;
	v2 =	vimm.s32 @!p0 $0x0  }
0x21f: {  	s0 =	sld @!p0 [smem:$0x8];
	v1 =	vperm.xlane @!p0 v1, v2;
	v2 =	vmul.u32 @!p0 $0x8, v3;
	_ =	sdelay $0x1  }
0x220: {  	v1 =	vadd.s32 @!p0 v2, v1  }
0x221: {  	s0 =	ssub.s32 @!p0 $0x1, s0  }
0x222: {  	s1 =	sshll.u32 @!p0 s0, $0x11  }
0x223: {  	s29 =	sand.u32 $0x200, s31;
	s2 =	simm.s32 @!p0 $0x0;
	s1 =	sshra.s32 @!p0 s1, $0x2  }
0x224: {  	vm0 =	vmmov @!p0 $0xffff;
	s3 =	rddreg [dreg:$0x9];
	p1 =	seq.s32 s29, $0x0;
	s1 =	sor.u32 @!p0 $0x4C00, s1  }
0x225: {  	[tilespmem:s1], [sflag:$0x1] =	stream.indirect_vreg.gather @!p0 [hbm4b:s3+s2], $0x80, v1, vm0, $0xb8;
	[tilespmem:$0x11400] =	vst v63  }
0x226: {  	s1 =	sadd.s32 @!p1 s4, s17  }
0x227: {  	v1 =	vld.msk @!p1 [tilespmem:s1+$0x480], $0x1;
	_ =	sdelay $0x4  }
0x228: {  	v2 =	vshll.u32 @!p1 v1, $0x4  }
0x229: {  	v1 =	vand.u32 @!p1 $0x7, v1;
	v2 =	vand.u32 @!p1 $0xFFFFFF80, v2  }
0x22a: {  	[smem:$0x8] =	sst @!p0 s0;
	v3 =	vlaneseq.u32 @!p1;
	v1 =	vor.u32 @!p1 v1, v2;
	v2 =	vimm.s32 @!p1 $0x0  }
0x22b: {  	s0 =	sld @!p1 [smem:$0x9];
	v1 =	vperm.xlane @!p1 v1, v2;
	v2 =	vmul.u32 @!p1 $0x8, v3;
	_ =	sdelay $0x1  }
0x22c: {  	v1 =	vadd.s32 @!p1 v2, v1  }
0x22d: {  	s0 =	ssub.s32 @!p1 $0x1, s0  }
0x22e: {  	s1 =	sshll.u32 @!p1 s0, $0x11  }
0x22f: {  	s1 =	sshra.s32 @!p1 s1, $0x2  }
0x230: {  	vm0 =	vmmov @!p1 $0xffff;
	s2 =	simm.s32 @!p1 $0x0;
	s3 =	rddreg [dreg:$0xa];
	s1 =	sor.u32 @!p1 $0x5400, s1  }
0x231: {  	[tilespmem:s1], [sflag:$0x1] =	stream.indirect_vreg.gather @!p1 [hbm4b:s3+s2], $0x80, v1, vm0, $0xb8;
	[tilespmem:$0x11400] =	vst v63  }
0x232: {  	s2 =	sand.u32 $0x400, s31  }
0x233: {  	p0 =	seq.s32 s2, $0x0  }
0x234: {  	s1 =	sadd.s32 @!p0 s4, s17  }
0x235: {  	v1 =	vld.msk @!p0 [tilespmem:s1+$0x500], $0x1;
	_ =	sdelay $0x4  }
0x236: {  	v2 =	vshll.u32 @!p0 v1, $0x4  }
0x237: {  	v1 =	vand.u32 @!p0 $0x7, v1;
	v2 =	vand.u32 @!p0 $0xFFFFFF80, v2  }
0x238: {  	[smem:$0x9] =	sst @!p1 s0;
	v3 =	vlaneseq.u32 @!p0;
	v1 =	vor.u32 @!p0 v1, v2;
	v2 =	vimm.s32 @!p0 $0x0  }
0x239: {  	s0 =	sld @!p0 [smem:$0xA];
	v1 =	vperm.xlane @!p0 v1, v2;
	v2 =	vmul.u32 @!p0 $0x8, v3;
	_ =	sdelay $0x1  }
0x23a: {  	v1 =	vadd.s32 @!p0 v2, v1  }
0x23b: {  	s0 =	ssub.s32 @!p0 $0x1, s0  }
0x23c: {  	s1 =	sshll.u32 @!p0 s0, $0x11  }
0x23d: {  	s1 =	sshra.s32 @!p0 s1, $0x2  }
0x23e: {  	s3 =	rddreg [dreg:$0xb];
	vm0 =	vmmov @!p0 $0xffff;
	s2 =	simm.s32 @!p0 $0x0;
	s1 =	sor.u32 @!p0 $0x5C00, s1  }
0x23f: {  	[tilespmem:s1], [sflag:$0x1] =	stream.indirect_vreg.gather @!p0 [hbm4b:s3+s2], $0x80, v1, vm0, $0xb8;
	[tilespmem:$0x11400] =	vst v63  }
0x240: {  	s3 =	sand.u32 $0x800, s31  }
0x241: {  	p1 =	seq.s32 s3, $0x0  }
0x242: {  	s1 =	sadd.s32 @!p1 s4, s17  }
0x243: {  	v1 =	vld.msk @!p1 [tilespmem:s1+$0x580], $0x1;
	_ =	sdelay $0x4  }
0x244: {  	v2 =	vshll.u32 @!p1 v1, $0x4  }
0x245: {  	v1 =	vand.u32 @!p1 $0x7, v1;
	v2 =	vand.u32 @!p1 $0xFFFFFF80, v2  }
0x246: {  	[smem:$0xA] =	sst @!p0 s0;
	v3 =	vlaneseq.u32 @!p1;
	v1 =	vor.u32 @!p1 v1, v2;
	v2 =	vimm.s32 @!p1 $0x0  }
0x247: {  	s0 =	sld @!p1 [smem:$0xB];
	v1 =	vperm.xlane @!p1 v1, v2;
	v2 =	vmul.u32 @!p1 $0x8, v3;
	_ =	sdelay $0x1  }
0x248: {  	v1 =	vadd.s32 @!p1 v2, v1  }
0x249: {  	s0 =	ssub.s32 @!p1 $0x1, s0  }
0x24a: {  	s5 =	sand.u32 $0x1000, s31;
	s1 =	sshll.u32 @!p1 s0, $0x11  }
0x24b: {  	p0 =	seq.s32 s5, $0x0;
	s1 =	sshra.s32 @!p1 s1, $0x2  }
0x24c: {  	s3 =	rddreg [dreg:$0xc];
	vm0 =	vmmov @!p1 $0xffff;
	s2 =	simm.s32 @!p1 $0x0;
	s1 =	sor.u32 @!p1 $0x6400, s1  }
0x24d: {  	[tilespmem:s1], [sflag:$0x1] =	stream.indirect_vreg.gather @!p1 [hbm4b:s3+s2], $0x80, v1, vm0, $0xb8;
	[tilespmem:$0x11400] =	vst v63  }
0x24e: {  	s1 =	sadd.s32 @!p0 s4, s17  }
0x24f: {  	v1 =	vld.msk @!p0 [tilespmem:s1+$0x600], $0x1;
	_ =	sdelay $0x4  }
0x250: {  	v2 =	vshll.u32 @!p0 v1, $0x4  }
0x251: {  	v1 =	vand.u32 @!p0 $0x7, v1;
	v2 =	vand.u32 @!p0 $0xFFFFFF80, v2  }
0x252: {  	[smem:$0xB] =	sst @!p1 s0;
	v3 =	vlaneseq.u32 @!p0;
	v1 =	vor.u32 @!p0 v1, v2;
	v2 =	vimm.s32 @!p0 $0x0  }
0x253: {  	s0 =	sld @!p0 [smem:$0xC];
	v1 =	vperm.xlane @!p0 v1, v2;
	v2 =	vmul.u32 @!p0 $0x8, v3;
	_ =	sdelay $0x1  }
0x254: {  	v1 =	vadd.s32 @!p0 v2, v1  }
0x255: {  	s0 =	ssub.s32 @!p0 $0x1, s0  }
0x256: {  	s1 =	sshll.u32 @!p0 s0, $0x11  }
0x257: {  	s6 =	sand.u32 $0x2000, s31;
	s2 =	simm.s32 @!p0 $0x0;
	s1 =	sshra.s32 @!p0 s1, $0x2  }
0x258: {  	vm0 =	vmmov @!p0 $0xffff;
	s3 =	rddreg [dreg:$0xd];
	p1 =	seq.s32 s6, $0x0;
	s1 =	sor.u32 @!p0 $0x6C00, s1  }
0x259: {  	[tilespmem:s1], [sflag:$0x1] =	stream.indirect_vreg.gather @!p0 [hbm4b:s3+s2], $0x80, v1, vm0, $0xb8;
	[tilespmem:$0x11400] =	vst v63  }
0x25a: {  	s1 =	sadd.s32 @!p1 s4, s17  }
0x25b: {  	v1 =	vld.msk @!p1 [tilespmem:s1+$0x680], $0x1;
	_ =	sdelay $0x4  }
0x25c: {  	v2 =	vshll.u32 @!p1 v1, $0x4  }
0x25d: {  	v1 =	vand.u32 @!p1 $0x7, v1;
	v2 =	vand.u32 @!p1 $0xFFFFFF80, v2  }
0x25e: {  	[smem:$0xC] =	sst @!p0 s0;
	v3 =	vlaneseq.u32 @!p1;
	v1 =	vor.u32 @!p1 v1, v2;
	v2 =	vimm.s32 @!p1 $0x0  }
0x25f: {  	s0 =	sld @!p1 [smem:$0xD];
	v1 =	vperm.xlane @!p1 v1, v2;
	v2 =	vmul.u32 @!p1 $0x8, v3;
	_ =	sdelay $0x1  }
0x260: {  	v1 =	vadd.s32 @!p1 v2, v1  }
0x261: {  	s0 =	ssub.s32 @!p1 $0x1, s0  }
0x262: {  	s3 =	sld [smem:$0x7F7];
	s1 =	sshll.u32 @!p1 s0, $0x11  }
0x263: {  	s7 =	sand.u32 $0x4000, s31;
	s1 =	sshra.s32 @!p1 s1, $0x2  }
0x264: {  	vm0 =	vmmov @!p1 $0xffff;
	s2 =	simm.s32 @!p1 $0x0;
	p0 =	seq.s32 s7, $0x0;
	s1 =	sor.u32 @!p1 $0x7400, s1  }
0x265: {  	[tilespmem:s1], [sflag:$0x1] =	stream.indirect_vreg.gather @!p1 [hbm4b:s3+s2], $0x80, v1, vm0, $0xb8;
	[tilespmem:$0x11400] =	vst v63  }
0x266: {  	s1 =	sadd.s32 @!p0 s4, s17  }
0x267: {  	v1 =	vld.msk @!p0 [tilespmem:s1+$0x700], $0x1;
	_ =	sdelay $0x4  }
0x268: {  	v2 =	vshll.u32 @!p0 v1, $0x4  }
0x269: {  	v1 =	vand.u32 @!p0 $0x7, v1;
	v2 =	vand.u32 @!p0 $0xFFFFFF80, v2  }
0x26a: {  	[smem:$0xD] =	sst @!p1 s0;
	v3 =	vlaneseq.u32 @!p0;
	v1 =	vor.u32 @!p0 v1, v2;
	v2 =	vimm.s32 @!p0 $0x0  }
0x26b: {  	s0 =	sld @!p0 [smem:$0xE];
	v1 =	vperm.xlane @!p0 v1, v2;
	v2 =	vmul.u32 @!p0 $0x8, v3;
	_ =	sdelay $0x1  }
0x26c: {  	v1 =	vadd.s32 @!p0 v2, v1  }
0x26d: {  	s0 =	ssub.s32 @!p0 $0x1, s0  }
0x26e: {  	s3 =	sld [smem:$0x7F8];
	s1 =	sshll.u32 @!p0 s0, $0x11  }
0x26f: {  	s8 =	sand.u32 $0x8000, s31;
	s1 =	sshra.s32 @!p0 s1, $0x2  }
0x270: {  	vm0 =	vmmov @!p0 $0xffff;
	s2 =	simm.s32 @!p0 $0x0;
	p1 =	seq.s32 s8, $0x0;
	s1 =	sor.u32 @!p0 $0x7C00, s1  }
0x271: {  	[tilespmem:s1], [sflag:$0x1] =	stream.indirect_vreg.gather @!p0 [hbm4b:s3+s2], $0x80, v1, vm0, $0xb8;
	[tilespmem:$0x11400] =	vst v63  }
0x272: {  	s1 =	sadd.s32 @!p1 s4, s17  }
0x273: {  	v1 =	vld.msk @!p1 [tilespmem:s1+$0x780], $0x1;
	_ =	sdelay $0x4  }
0x274: {  	v2 =	vshll.u32 @!p1 v1, $0x4  }
0x275: {  	v1 =	vand.u32 @!p1 $0x7, v1;
	v2 =	vand.u32 @!p1 $0xFFFFFF80, v2  }
0x276: {  	v3 =	vlaneseq.u32 @!p1;
	v1 =	vor.u32 @!p1 v1, v2;
	v2 =	vimm.s32 @!p1 $0x0  }
0x277: {  	[smem:$0xE] =	sst @!p0 s0;
	s0 =	ssub.s32 @!p1 $0x1, s30;
	v1 =	vperm.xlane @!p1 v1, v2;
	v2 =	vmul.u32 @!p1 $0x8, v3  }
0x278: {  	[smem:$0xF] =	sst @!p1 s0  }
0x279: {  	s9 =	sld [smem:s13+$0x100];
	v1 =	vadd.s32 @!p1 v2, v1;
	_ =	sdelay $0x1  }
0x27a: {  	s0 =	sshll.u32 @!p1 s0, $0x11;
	s3 =	sld [smem:$0x7F9]  }
0x27b: {  	s10 =	sand.u32 $0x1, s9;
	s1 =	sshra.s32 @!p1 s0, $0x2  }
0x27c: {  	vm0 =	vmmov @!p1 $0xffff;
	s2 =	simm.s32 @!p1 $0x0;
	p0 =	seq.s32 s10, $0x0;
	s1 =	sadd.s32 @!p1 $0x8400, s1  }
0x27d: {  	[tilespmem:s1], [sflag:$0x1] =	stream.indirect_vreg.gather @!p1 [hbm4b:s3+s2], $0x80, v1, vm0, $0xb8;
	[tilespmem:$0x11400] =	vst v63  }
0x27e: {  	[smem:$0x7EB] =	sst s4;
	s1 =	simm.s32 @!p0 $0x1  }
0x27f: {  	s11 =	sand.u32 $0x2, s9;
	_ =	swait.ge @!p0 [sflag:s1], $0x800  }
0x280: {  	p1 =	seq.s32 s11, $0x0;
	[sflag:s1] =	ssyncset.done @!p0 $0x0  }
0x281: {  	[sflag:s1] =	ssyncadd.s32 @!p0 $0xFFFFF800;
	s1 =	simm.s32 @!p1 $0x1  }
0x282: {  	s12 =	sand.u32 $0x4, s9;
	_ =	swait.ge @!p1 [sflag:s1], $0x800  }
0x283: {  	p0 =	seq.s32 s12, $0x0;
	[sflag:s1] =	ssyncset.done @!p1 $0x0  }
0x284: {  	[sflag:s1] =	ssyncadd.s32 @!p1 $0xFFFFF800;
	s1 =	simm.s32 @!p0 $0x1  }
0x285: {  	s13 =	sand.u32 $0x8, s9;
	_ =	swait.ge @!p0 [sflag:s1], $0x800  }
0x286: {  	p1 =	seq.s32 s13, $0x0;
	[sflag:s1] =	ssyncset.done @!p0 $0x0  }
0x287: {  	[sflag:s1] =	ssyncadd.s32 @!p0 $0xFFFFF800;
	s1 =	simm.s32 @!p1 $0x1  }
0x288: {  	s14 =	sand.u32 $0x10, s9;
	_ =	swait.ge @!p1 [sflag:s1], $0x800  }
0x289: {  	p0 =	seq.s32 s14, $0x0;
	[sflag:s1] =	ssyncset.done @!p1 $0x0  }
0x28a: {  	[sflag:s1] =	ssyncadd.s32 @!p1 $0xFFFFF800;
	s1 =	simm.s32 @!p0 $0x1  }
0x28b: {  	s15 =	sand.u32 $0x20, s9;
	_ =	swait.ge @!p0 [sflag:s1], $0x800  }
0x28c: {  	p1 =	seq.s32 s15, $0x0;
	[sflag:s1] =	ssyncset.done @!p0 $0x0  }
0x28d: {  	[sflag:s1] =	ssyncadd.s32 @!p0 $0xFFFFF800;
	s1 =	simm.s32 @!p1 $0x1  }
0x28e: {  	s16 =	sand.u32 $0x40, s9;
	_ =	swait.ge @!p1 [sflag:s1], $0x800  }
0x28f: {  	p0 =	seq.s32 s16, $0x0;
	[sflag:s1] =	ssyncset.done @!p1 $0x0  }
0x290: {  	[sflag:s1] =	ssyncadd.s32 @!p1 $0xFFFFF800;
	s1 =	simm.s32 @!p0 $0x1  }
0x291: {  	s17 =	sand.u32 $0x80, s9;
	_ =	swait.ge @!p0 [sflag:s1], $0x800  }
0x292: {  	p1 =	seq.s32 s17, $0x0;
	[sflag:s1] =	ssyncset.done @!p0 $0x0  }
0x293: {  	[sflag:s1] =	ssyncadd.s32 @!p0 $0xFFFFF800;
	s1 =	simm.s32 @!p1 $0x1  }
0x294: {  	s18 =	sand.u32 $0x100, s9;
	_ =	swait.ge @!p1 [sflag:s1], $0x800  }
0x295: {  	p0 =	seq.s32 s18, $0x0;
	[sflag:s1] =	ssyncset.done @!p1 $0x0  }
0x296: {  	[sflag:s1] =	ssyncadd.s32 @!p1 $0xFFFFF800;
	s1 =	simm.s32 @!p0 $0x1  }
0x297: {  	s19 =	sand.u32 $0x200, s9;
	_ =	swait.ge @!p0 [sflag:s1], $0x800  }
0x298: {  	p1 =	seq.s32 s19, $0x0;
	[sflag:s1] =	ssyncset.done @!p0 $0x0  }
0x299: {  	[sflag:s1] =	ssyncadd.s32 @!p0 $0xFFFFF800;
	s1 =	simm.s32 @!p1 $0x1  }
0x29a: {  	s20 =	sand.u32 $0x400, s9;
	_ =	swait.ge @!p1 [sflag:s1], $0x800  }
0x29b: {  	p0 =	seq.s32 s20, $0x0;
	[sflag:s1] =	ssyncset.done @!p1 $0x0  }
0x29c: {  	[sflag:s1] =	ssyncadd.s32 @!p1 $0xFFFFF800;
	s1 =	simm.s32 @!p0 $0x1  }
0x29d: {  	s21 =	sand.u32 $0x800, s9;
	_ =	swait.ge @!p0 [sflag:s1], $0x800  }
0x29e: {  	p1 =	seq.s32 s21, $0x0;
	[sflag:s1] =	ssyncset.done @!p0 $0x0  }
0x29f: {  	[sflag:s1] =	ssyncadd.s32 @!p0 $0xFFFFF800;
	s1 =	simm.s32 @!p1 $0x1  }
0x2a0: {  	s22 =	sand.u32 $0x1000, s9;
	_ =	swait.ge @!p1 [sflag:s1], $0x800  }
0x2a1: {  	p0 =	seq.s32 s22, $0x0;
	[sflag:s1] =	ssyncset.done @!p1 $0x0  }
0x2a2: {  	[sflag:s1] =	ssyncadd.s32 @!p1 $0xFFFFF800;
	s1 =	simm.s32 @!p0 $0x1  }
0x2a3: {  	s23 =	sand.u32 $0x2000, s9;
	_ =	swait.ge @!p0 [sflag:s1], $0x800  }
0x2a4: {  	p1 =	seq.s32 s23, $0x0;
	[sflag:s1] =	ssyncset.done @!p0 $0x0  }
0x2a5: {  	[sflag:s1] =	ssyncadd.s32 @!p0 $0xFFFFF800;
	s1 =	simm.s32 @!p1 $0x1  }
0x2a6: {  	s24 =	sand.u32 $0x4000, s9;
	_ =	swait.ge @!p1 [sflag:s1], $0x800  }
0x2a7: {  	p0 =	seq.s32 s24, $0x0;
	[sflag:s1] =	ssyncset.done @!p1 $0x0  }
0x2a8: {  	[sflag:s1] =	ssyncadd.s32 @!p1 $0xFFFFF800;
	s1 =	simm.s32 @!p0 $0x1  }
0x2a9: {  	s0 =	sand.u32 $0x8000, s9;
	_ =	swait.ge @!p0 [sflag:s1], $0x800  }
0x2aa: {  	p1 =	seq.s32 s0, $0x0;
	[sflag:s1] =	ssyncset.done @!p0 $0x0  }
0x2ab: {  	s0 =	simm.s32 @!p1 $0x1;
	[sflag:s1] =	ssyncadd.s32 @!p0 $0xFFFFF800  }
0x2ac: {  	_ =	swait.ge @!p1 [sflag:s0], $0x800  }
0x2ad: {  	[sflag:s0] =	ssyncset.done @!p1 $0x0  }
0x2ae: {  	[sflag:s0] =	ssyncadd.s32 @!p1 $0xFFFFF800  }
0x2af: {  	s0 =	sld [smem:$0x80]  }
0x2b0: {  	s25 =	sld [smem:$0x81]  }
0x2b1: {  	s26 =	sld [smem:$0x82]  }
0x2b2: {  	s28 =	sld [smem:$0x83]  }
0x2b3: {  	s5 =	sld [smem:$0x84]  }
0x2b4: {  	s1 =	sld [smem:$0x85]  }
0x2b5: {  	s6 =	sld [smem:$0x86]  }
0x2b6: {  	s7 =	sld [smem:$0x87]  }
0x2b7: {  	s8 =	sld [smem:$0x88]  }
0x2b8: {  	s29 =	sld [smem:$0x89]  }
0x2b9: {  	s14 =	sld [smem:$0x8A]  }
0x2ba: {  	s17 =	sld [smem:$0x8B]  }
0x2bb: {  	s19 =	sld [smem:$0x8C]  }
0x2bc: {  	s20 =	sld [smem:$0x8D]  }
0x2bd: {  	s21 =	sld [smem:$0x8E]  }
0x2be: {  	s22 =	sld [smem:$0x8F];
	s2 =	sshll.u32 s25, $0x11;
	s3 =	sshll.u32 s26, $0x11  }
0x2bf: {  	s31 =	sshll.u32 s28, $0x11;
	s5 =	sshll.u32 s5, $0x11;
	s9 =	sshll.u32 s6, $0x11  }
0x2c0: {  	s15 =	sshll.u32 s7, $0x11;
	s23 =	sshll.u32 s29, $0x11;
	s2 =	sshra.s32 s2, $0x2  }
0x2c1: {  	s3 =	sshra.s32 s3, $0x2;
	s4 =	sshra.s32 s31, $0x2;
	s2 =	sor.u32 $0x1400, s2  }
0x2c2: {  	s11 =	sshra.s32 s9, $0x2;
	s30 =	sor.u32 $0x1C00, s3;
	[dreg:$0xf] =	wrdreg s2  }
0x2c3: {  	s25 =	sshra.s32 s23, $0x2;
	s12 =	sor.u32 $0x3C00, s11;
	[dreg:$0x10] =	wrdreg s30  }
0x2c4: {  	s31 =	sshll.u32 s19, $0x11;
	s26 =	sor.u32 $0x5400, s25;
	[dreg:$0x14] =	wrdreg s12  }
0x2c5: {  	s3 =	sshra.s32 s5, $0x2;
	s2 =	sor.u32 $0x2400, s4;
	[dreg:$0x17] =	wrdreg s26  }
0x2c6: {  	s6 =	sshra.s32 s31, $0x2;
	s10 =	sor.u32 $0x2C00, s3;
	[dreg:$0x11] =	wrdreg s2  }
0x2c7: {  	s18 =	sshll.u32 s8, $0x11;
	s7 =	sor.u32 $0x6C00, s6;
	[dreg:$0x12] =	wrdreg s10  }
0x2c8: {  	s16 =	sshra.s32 s15, $0x2;
	s11 =	sshll.u32 s22, $0x11;
	[dreg:$0x1a] =	wrdreg s7  }
0x2c9: {  	s3 =	sshra.s32 s18, $0x2;
	s30 =	sshll.u32 s17, $0x11;
	s22 =	rddreg [dreg:$0x14]  }
0x2ca: {  	s24 =	sor.u32 $0x4C00, s3;
	s3 =	sshra.s32 s30, $0x2;
	s30 =	rddreg [dreg:$0x17]  }
0x2cb: {  	s13 =	sshra.s32 s11, $0x2;
	s2 =	sor.u32 $0x4400, s16;
	s11 =	rddreg [dreg:$0xf]  }
0x2cc: {  	s28 =	sshll.u32 s14, $0x11;
	s8 =	sshll.u32 s20, $0x11;
	[dreg:$0x15] =	wrdreg s2  }
0x2cd: {  	s1 =	sshll.u32 s1, $0x11;
	s14 =	sadd.s32 $0x8400, s13;
	[dreg:$0x16] =	wrdreg s24  }
0x2ce: {  	s20 =	simm.s32 $0x0;
	s29 =	sshra.s32 s28, $0x2;
	[dreg:$0x1d] =	wrdreg s14  }
0x2cf: {  	s9 =	sshra.s32 s8, $0x2;
	s8 =	sand.u32 $0x780, s20;
	s17 =	rddreg [dreg:$0x1a]  }
0x2d0: {  	s4 =	sand.u32 $0x40, s20;
	s2 =	sor.u32 $0x5C00, s29;
	s18 =	rddreg [dreg:$0x11]  }
0x2d1: {  	s10 =	sshll.u32 s21, $0x11;
	s5 =	sor.u32 $0x6400, s3;
	[dreg:$0x18] =	wrdreg s2  }
0x2d2: {  	s21 =	sshll.u32 s0, $0x11;
	s16 =	sshra.s32 s1, $0x2;
	[dreg:$0x19] =	wrdreg s5  }
0x2d3: {  	s3 =	sshra.s32 s10, $0x2;
	s6 =	sadd.s32 s8, s22;
	s15 =	rddreg [dreg:$0x15]  }
0x2d4: {  	s2 =	sor.u32 $0x7400, s9;
	s12 =	sor.u32 $0x7C00, s3;
	s25 =	rddreg [dreg:$0x16]  }
0x2d5: {  	s0 =	sadd.s32 s8, s17;
	s31 =	sadd.s32 s4, s6;
	s9 =	rddreg [dreg:$0x10]  }
0x2d6: {  	[dreg:$0x1b] =	wrdreg s2;
	s3 =	sadd.s32 s8, s15;
	s26 =	sadd.s32 s4, s0;
	v4 =	vld [tilespmem:s31+$0x0]  }
0x2d7: {  	[dreg:$0x1c] =	wrdreg s12;
	s2 =	sadd.s32 s8, s18;
	s24 =	sadd.s32 s4, s3;
	v2 =	vld [tilespmem:s26+$0x0]  }
0x2d8: {  	s28 =	rddreg [dreg:$0x18];
	s9 =	sadd.s32 s8, s9;
	s29 =	sadd.s32 s4, s2;
	v1 =	vld [tilespmem:s24+$0x0]  }
0x2d9: {  	s7 =	sadd.s32 s8, s25;
	s23 =	rddreg [dreg:$0x1c];
	s17 =	sadd.s32 s4, s9;
	v3 =	vld [tilespmem:s29+$0x0]  }
0x2da: {  	s5 =	sadd.s32 s8, s28;
	s1 =	sadd.s32 s8, s23;
	s23 =	sadd.s32 s4, s7;
	v9 =	vld [tilespmem:s17+$0x0]  }
0x2db: {  	s19 =	sor.u32 $0x3400, s16;
	s13 =	sadd.s32 s8, s30;
	s15 =	sadd.s32 s4, s5;
	v6 =	vld [tilespmem:s23+$0x0]  }
0x2dc: {  	[dreg:$0x13] =	wrdreg s19;
	s24 =	sadd.s32 s4, s13;
	v7 =	vld [tilespmem:s15+$0x0]  }
0x2dd: {  	s20 =	sadd.s32 s8, s11;
	s12 =	rddreg [dreg:$0x1b];
	s10 =	sadd.s32 s4, s1;
	v8 =	vld [tilespmem:s24+$0x0]  }
0x2de: {  	s16 =	rddreg [dreg:$0x19];
	s18 =	sadd.s32 s4, s20;
	s14 =	sadd.s32 s8, s12;
	v5 =	vld [tilespmem:s10+$0x0];
	v1 =	vmul.f32 v1, v4  }
0x2df: {  	s25 =	rddreg [dreg:$0x1d];
	s22 =	sadd.s32 s8, s16;
	s28 =	sadd.s32 s4, s14;
	v4 =	vld [tilespmem:s18+$0x0]  }
0x2e0: {  	s26 =	rddreg [dreg:$0x12];
	s19 =	sadd.s32 s8, s25;
	s23 =	sadd.s32 s4, s22;
	v10 =	vld [tilespmem:s28+$0x0];
	v1 =	vmul.f32 v6, v1  }
0x2e1: {  	s31 =	sshra.s32 s21, $0x2;
	s21 =	sadd.s32 s8, s26;
	s10 =	sadd.s32 s4, s19;
	v6 =	vld [tilespmem:s23+$0x0]  }
0x2e2: {  	s29 =	rddreg [dreg:$0x13];
	s12 =	sadd.s32 s4, s21;
	v11 =	vld [tilespmem:s10+$0x0];
	v1 =	vmul.f32 v8, v1  }
0x2e3: {  	s10 =	sadd.s32 s8, s29;
	v8 =	vld [tilespmem:s12+$0x0]  }
0x2e4: {  	s11 =	sor.u32 $0xC00, s31;
	s15 =	sadd.s32 s4, s10;
	v4 =	vmul.f32 v9, v4;
	v1 =	vmul.f32 v7, v1  }
0x2e5: {  	[dreg:$0xe] =	wrdreg s11;
	v2 =	vmul.f32 v10, v2;
	v7 =	vld [tilespmem:s15+$0x0]  }
0x2e6: {  	s16 =	rddreg [dreg:$0xe];
	v3 =	vmul.f32 v3, v4;
	v1 =	vmul.f32 v6, v1  }
0x2e7: {  	s11 =	sadd.s32 s8, s16  }
0x2e8: {  	s17 =	sadd.s32 s4, s11;
	v4 =	vmul.f32 v11, v5;
	v1 =	vadd.f32 v2, v1;
	v2 =	vadd.f32 v8, v3  }
0x2e9: {  	v3 =	vld [tilespmem:s17+$0x0]  }
0x2ea: {  	v1 =	vadd.f32 v4, v1;
	v2 =	vadd.f32 v7, v2;
	_ =	sdelay $0x1  }
0x2eb: {  	v1 =	vadd.f32 v1, v2;
	_ =	sdelay $0x1  }
0x2ec: {  	v1 =	vmul.f32 v1, v3  }
0x2ed: {  	s25 =	sor.u32 $0x10, s4;
	s12 =	simm.s32 $0x10C00  }
0x2ee: {  	s18 =	sadd.s32 s25, s6;
	[tilespmem:s12+$0x0] =	vst.add.f32.msk $0xffff, v1  }
0x2ef: {  	s24 =	sadd.s32 s25, s2;
	v1 =	vld [tilespmem:s18+$0x0]  }
0x2f0: {  	s26 =	sadd.s32 s25, s20;
	v2 =	vld [tilespmem:s24+$0x0]  }
0x2f1: {  	s28 =	sadd.s32 s25, s3;
	v3 =	vld [tilespmem:s26+$0x0]  }
0x2f2: {  	s29 =	sadd.s32 s25, s9;
	v4 =	vld [tilespmem:s28+$0x0]  }
0x2f3: {  	s30 =	sadd.s32 s25, s7;
	v5 =	vld [tilespmem:s29+$0x0]  }
0x2f4: {  	s31 =	sadd.s32 s25, s19;
	v6 =	vld [tilespmem:s30+$0x0]  }
0x2f5: {  	s15 =	sadd.s32 s25, s13;
	v7 =	vld [tilespmem:s31+$0x0]  }
0x2f6: {  	s16 =	sadd.s32 s25, s14;
	v8 =	vld [tilespmem:s15+$0x0]  }
0x2f7: {  	s17 =	sadd.s32 s25, s5;
	v58 =	vld [tilespmem:s16+$0x0];
	v1 =	vmul.f32 v4, v1  }
0x2f8: {  	s18 =	sadd.s32 s25, s0;
	v4 =	vld [tilespmem:s17+$0x0]  }
0x2f9: {  	s24 =	sadd.s32 s25, s22;
	v59 =	vld [tilespmem:s18+$0x0];
	v1 =	vmul.f32 v6, v1  }
0x2fa: {  	s26 =	sadd.s32 s25, s1;
	v6 =	vld [tilespmem:s24+$0x0]  }
0x2fb: {  	s28 =	sadd.s32 s25, s21;
	v60 =	vld [tilespmem:s26+$0x0];
	v1 =	vmul.f32 v8, v1  }
0x2fc: {  	v3 =	vmul.f32 v5, v3;
	v5 =	vld [tilespmem:s28+$0x0]  }
0x2fd: {  	s29 =	sadd.s32 s25, s10;
	v1 =	vmul.f32 v4, v1  }
0x2fe: {  	v2 =	vmul.f32 v2, v3;
	v3 =	vld [tilespmem:s29+$0x0]  }
0x2ff: {  	v4 =	vmul.f32 v58, v59;
	v1 =	vmul.f32 v6, v1;
	_ =	sdelay $0x1  }
0x300: {  	s30 =	sadd.s32 s25, s11;
	v2 =	vadd.f32 v5, v2;
	v6 =	vmul.f32 v7, v60;
	v1 =	vadd.f32 v4, v1  }
0x301: {  	v4 =	vld [tilespmem:s30+$0x0]  }
0x302: {  	v2 =	vadd.f32 v3, v2;
	v1 =	vadd.f32 v6, v1;
	_ =	sdelay $0x1  }
0x303: {  	v1 =	vadd.f32 v1, v2;
	_ =	sdelay $0x1  }
0x304: {  	s23 =	sadd.s32 $0x10C00, s8;
	v1 =	vmul.f32 v1, v4  }
0x305: {  	s8 =	sor.u32 s25, s23;
	s25 =	sor.u32 $0x20, s4  }
0x306: {  	s31 =	sadd.s32 s25, s7;
	[tilespmem:s8+$0x0] =	vst.add.f32.msk $0xffff, v1  }
0x307: {  	s15 =	sadd.s32 s25, s3;
	v1 =	vld [tilespmem:s31+$0x0]  }
0x308: {  	s16 =	sadd.s32 s25, s20;
	v2 =	vld [tilespmem:s15+$0x0]  }
0x309: {  	s17 =	sadd.s32 s25, s6;
	v3 =	vld [tilespmem:s16+$0x0]  }
0x30a: {  	s18 =	sadd.s32 s25, s9;
	v4 =	vld [tilespmem:s17+$0x0]  }
0x30b: {  	s24 =	sadd.s32 s25, s2;
	v5 =	vld [tilespmem:s18+$0x0]  }
0x30c: {  	s26 =	sadd.s32 s25, s21;
	v6 =	vld [tilespmem:s24+$0x0]  }
0x30d: {  	s28 =	sadd.s32 s25, s13;
	v7 =	vld [tilespmem:s26+$0x0]  }
0x30e: {  	s29 =	sadd.s32 s25, s14;
	v8 =	vld [tilespmem:s28+$0x0]  }
0x30f: {  	s30 =	sadd.s32 s25, s5;
	v61 =	vld [tilespmem:s29+$0x0];
	v2 =	vmul.f32 v2, v4  }
0x310: {  	s31 =	sadd.s32 s25, s0;
	v4 =	vld [tilespmem:s30+$0x0]  }
0x311: {  	s15 =	sadd.s32 s25, s22;
	v62 =	vld [tilespmem:s31+$0x0];
	v1 =	vmul.f32 v1, v2  }
0x312: {  	s16 =	sadd.s32 s25, s19;
	v2 =	vld [tilespmem:s15+$0x0]  }
0x313: {  	s17 =	sadd.s32 s25, s1;
	v63 =	vld [tilespmem:s16+$0x0];
	v1 =	vmul.f32 v8, v1  }
0x314: {  	v3 =	vmul.f32 v5, v3;
	v5 =	vld [tilespmem:s17+$0x0]  }
0x315: {  	s18 =	sadd.s32 s25, s10;
	v1 =	vmul.f32 v4, v1  }
0x316: {  	v3 =	vmul.f32 v6, v3;
	v4 =	vld [tilespmem:s18+$0x0]  }
0x317: {  	v6 =	vmul.f32 v61, v62;
	v1 =	vmul.f32 v2, v1;
	_ =	sdelay $0x1  }
0x318: {  	s24 =	sadd.s32 s25, s11;
	v2 =	vadd.f32 v7, v3;
	v3 =	vmul.f32 v63, v5;
	v1 =	vadd.f32 v6, v1  }
0x319: {  	v5 =	vld [tilespmem:s24+$0x0]  }
0x31a: {  	v2 =	vadd.f32 v4, v2;
	v1 =	vadd.f32 v3, v1;
	_ =	sdelay $0x1  }
0x31b: {  	v1 =	vadd.f32 v1, v2;
	_ =	sdelay $0x1  }
0x31c: {  	v1 =	vmul.f32 v1, v5  }
0x31d: {  	s8 =	sor.u32 $0x30, s4;
	s25 =	sor.u32 s25, s23  }
0x31e: {  	s4 =	sadd.s32 s8, s6;
	[tilespmem:s25+$0x0] =	vst.add.f32.msk $0xffff, v1  }
0x31f: {  	s3 =	sadd.s32 s8, s3;
	v7 =	vld [tilespmem:s4+$0x0]  }
0x320: {  	s26 =	sadd.s32 s8, s7;
	v8 =	vld [tilespmem:s3+$0x0]  }
0x321: {  	s28 =	sadd.s32 s8, s13;
	v2 =	vld [tilespmem:s26+$0x0]  }
0x322: {  	s29 =	sadd.s32 s8, s20;
	v1 =	vld [tilespmem:s28+$0x0]  }
0x323: {  	s2 =	sadd.s32 s8, s2;
	s30 =	sadd.s32 s8, s9;
	v4 =	vld [tilespmem:s29+$0x0]  }
0x324: {  	s7 =	sadd.s32 s8, s22;
	s22 =	sadd.s32 s8, s0;
	s31 =	sadd.s32 s8, s5;
	v5 =	vld [tilespmem:s30+$0x0]  }
0x325: {  	s0 =	sadd.s32 s8, s10;
	s1 =	sadd.s32 s8, s1;
	s5 =	sadd.s32 s8, s14;
	v3 =	vld [tilespmem:s31+$0x0]  }
0x326: {  	s25 =	simm.s32 $0x40;
	v6 =	vld [tilespmem:s2+$0x0];
	s4 =	sadd.s32 s8, s19;
	s2 =	sadd.s32 s8, s21;
	v7 =	vmul.f32 v8, v7  }
.LBB3_6:
0x327: {  	v8 =	vld [tilespmem:s2+$0x0]  }
0x328: {  	v9 =	vld [tilespmem:s7+$0x0]  }
0x329: {  	v10 =	vld [tilespmem:s22+$0x0];
	v2 =	vmul.f32 v2, v7  }
0x32a: {  	v4 =	vmul.f32 v5, v4;
	v5 =	vld [tilespmem:s5+$0x0]  }
0x32b: {  	v7 =	vld [tilespmem:s1+$0x0];
	v1 =	vmul.f32 v1, v2  }
0x32c: {  	v2 =	vld [tilespmem:s4+$0x0]  }
0x32d: {  	v1 =	vmul.f32 v3, v1  }
0x32e: {  	v4 =	vmul.f32 v6, v4;
	v6 =	vld [tilespmem:s0+$0x0]  }
0x32f: {  	v5 =	vmul.f32 v5, v10;
	v1 =	vmul.f32 v9, v1;
	_ =	sdelay $0x1  }
0x330: {  	s10 =	sadd.s32 s8, s11;
	v4 =	vadd.f32 v8, v4;
	v2 =	vmul.f32 v2, v7;
	v1 =	vadd.f32 v5, v1  }
0x331: {  	v3 =	vld [tilespmem:s10+$0x0]  }
0x332: {  	v4 =	vadd.f32 v6, v4;
	v1 =	vadd.f32 v2, v1  }
0x333: {  	s11 =	rddreg [dreg:$0x16]  }
0x334: {  	s18 =	rddreg [dreg:$0x1d];
	v1 =	vadd.f32 v1, v4  }
0x335: {  	s6 =	smov.u32 s25;
	s20 =	rddreg [dreg:$0x1a]  }
0x336: {  	s21 =	rddreg [dreg:$0x15];
	s7 =	sand.u32 $0x780, s6;
	v1 =	vmul.f32 v1, v3  }
0x337: {  	s28 =	sor.u32 s8, s23;
	s22 =	sand.u32 $0x40, s6;
	s16 =	sadd.s32 s7, s21  }
0x338: {  	s19 =	rddreg [dreg:$0x11];
	s6 =	sadd.s32 s22, s16;
	s10 =	sadd.s32 s7, s20;
	[tilespmem:s28+$0x0] =	vst.add.f32.msk $0xffff, v1  }
0x339: {  	s26 =	rddreg [dreg:$0x14];
	s15 =	sadd.s32 s7, s19;
	s29 =	sadd.s32 s22, s10;
	v1 =	vld [tilespmem:s6+$0x0]  }
0x33a: {  	s14 =	rddreg [dreg:$0x1b];
	s13 =	sadd.s32 s7, s26;
	s30 =	sadd.s32 s22, s15;
	v2 =	vld [tilespmem:s29+$0x0]  }
0x33b: {  	s24 =	sadd.s32 s7, s14;
	s23 =	sadd.s32 s22, s13;
	s5 =	sadd.s32 s7, s18;
	v3 =	vld [tilespmem:s30+$0x0]  }
0x33c: {  	s14 =	sadd.s32 s22, s5;
	s0 =	rddreg [dreg:$0x18];
	s20 =	sadd.s32 s7, s11;
	v6 =	vld [tilespmem:s23+$0x0]  }
0x33d: {  	s4 =	rddreg [dreg:$0x17];
	s21 =	sadd.s32 s7, s0;
	s11 =	sadd.s32 s22, s20;
	v5 =	vld [tilespmem:s14+$0x0]  }
0x33e: {  	s3 =	rddreg [dreg:$0x10];
	s26 =	sadd.s32 s7, s4;
	s18 =	sadd.s32 s22, s21;
	v7 =	vld [tilespmem:s11+$0x0]  }
0x33f: {  	s2 =	rddreg [dreg:$0xf];
	s4 =	sadd.s32 s7, s3;
	s29 =	sadd.s32 s22, s26;
	v8 =	vld [tilespmem:s18+$0x0]  }
0x340: {  	s17 =	rddreg [dreg:$0x1c];
	s19 =	sadd.s32 s7, s2;
	s30 =	sadd.s32 s22, s4;
	v61 =	vld [tilespmem:s29+$0x0]  }
0x341: {  	s2 =	sadd.s32 s22, s19;
	s28 =	rddreg [dreg:$0x19];
	v11 =	vld [tilespmem:s30+$0x0];
	v1 =	vmul.f32 v1, v6  }
0x342: {  	s31 =	sadd.s32 s22, s24;
	s0 =	smov.u32 s5;
	s5 =	sadd.s32 s7, s28;
	v6 =	vld [tilespmem:s2+$0x0]  }
0x343: {  	s9 =	sadd.s32 s7, s17;
	s14 =	rddreg [dreg:$0x12];
	v12 =	vld [tilespmem:s31+$0x0];
	s18 =	sadd.s32 s22, s5;
	v1 =	vmul.f32 v7, v1  }
0x344: {  	s6 =	sadd.s32 s22, s9;
	s14 =	sadd.s32 s7, s14;
	v62 =	vld [tilespmem:s18+$0x0]  }
0x345: {  	s28 =	rddreg [dreg:$0x13];
	v4 =	vld [tilespmem:s6+$0x0];
	s29 =	sadd.s32 s22, s14;
	v1 =	vmul.f32 v61, v1  }
0x346: {  	s6 =	sadd.s32 s7, s28;
	v13 =	vld [tilespmem:s29+$0x0]  }
0x347: {  	s1 =	smov.u32 s9;
	s9 =	sadd.s32 s22, s6;
	v6 =	vmul.f32 v11, v6;
	v1 =	vmul.f32 v8, v1  }
0x348: {  	v2 =	vmul.f32 v12, v2;
	v7 =	vld [tilespmem:s9+$0x0]  }
0x349: {  	s30 =	rddreg [dreg:$0xe];
	v3 =	vmul.f32 v3, v6;
	v1 =	vmul.f32 v62, v1  }
0x34a: {  	s3 =	sadd.s32 s7, s30  }
0x34b: {  	s8 =	sadd.s32 s22, s3;
	v4 =	vmul.f32 v5, v4;
	v1 =	vadd.f32 v2, v1;
	v2 =	vadd.f32 v13, v3  }
0x34c: {  	v3 =	vld [tilespmem:s8+$0x0]  }
0x34d: {  	v1 =	vadd.f32 v4, v1;
	v2 =	vadd.f32 v7, v2;
	_ =	sdelay $0x1  }
0x34e: {  	v1 =	vadd.f32 v1, v2;
	_ =	sdelay $0x1  }
0x34f: {  	v1 =	vmul.f32 v1, v3  }
0x350: {  	s12 =	sadd.s32 $0x40, s12;
	s8 =	sor.u32 $0x10, s22  }
0x351: {  	s18 =	sadd.s32 s8, s13;
	[tilespmem:s12+$0x0] =	vst.add.f32.msk $0xffff, v1  }
0x352: {  	s31 =	sadd.s32 s8, s15;
	v1 =	vld [tilespmem:s18+$0x0]  }
0x353: {  	s28 =	sadd.s32 s8, s19;
	v2 =	vld [tilespmem:s31+$0x0]  }
0x354: {  	s11 =	sadd.s32 s8, s16;
	v3 =	vld [tilespmem:s28+$0x0]  }
0x355: {  	s28 =	sadd.s32 s8, s4;
	v5 =	vld [tilespmem:s11+$0x0]  }
0x356: {  	s31 =	sadd.s32 s8, s20;
	v4 =	vld [tilespmem:s28+$0x0]  }
0x357: {  	s17 =	smov.u32 s10;
	s10 =	sadd.s32 s8, s26;
	v6 =	vld [tilespmem:s31+$0x0]  }
0x358: {  	s18 =	sadd.s32 s8, s0;
	v8 =	vld [tilespmem:s10+$0x0]  }
0x359: {  	[smem:$0x7E9] =	sst s12;
	s12 =	sadd.s32 s8, s21;
	v7 =	vld [tilespmem:s18+$0x0]  }
0x35a: {  	[smem:$0x7E8] =	sst s13;
	s13 =	smov.u32 s16;
	s16 =	sadd.s32 s8, s24;
	v1 =	vmul.f32 v5, v1;
	v5 =	vld [tilespmem:s12+$0x0]  }
0x35b: {  	s9 =	sadd.s32 s8, s5;
	v3 =	vmul.f32 v4, v3;
	v4 =	vld [tilespmem:s16+$0x0]  }
0x35c: {  	s29 =	sadd.s32 s8, s17;
	v1 =	vmul.f32 v6, v1;
	v6 =	vld [tilespmem:s9+$0x0]  }
0x35d: {  	s28 =	sadd.s32 s8, s1;
	v2 =	vmul.f32 v2, v3;
	v3 =	vld [tilespmem:s29+$0x0]  }
0x35e: {  	s23 =	sadd.s32 s8, s14;
	v63 =	vld [tilespmem:s28+$0x0];
	v1 =	vmul.f32 v8, v1  }
0x35f: {  	v8 =	vld [tilespmem:s23+$0x0]  }
0x360: {  	s2 =	sadd.s32 s8, s6;
	v1 =	vmul.f32 v5, v1  }
0x361: {  	v5 =	vld [tilespmem:s2+$0x0]  }
0x362: {  	v3 =	vmul.f32 v4, v3;
	v1 =	vmul.f32 v6, v1;
	_ =	sdelay $0x1  }
0x363: {  	s30 =	sadd.s32 s8, s3;
	v4 =	vmul.f32 v7, v63;
	v2 =	vadd.f32 v8, v2;
	v1 =	vadd.f32 v3, v1  }
0x364: {  	v3 =	vld [tilespmem:s30+$0x0]  }
0x365: {  	v2 =	vadd.f32 v5, v2;
	v1 =	vadd.f32 v4, v1;
	_ =	sdelay $0x1  }
0x366: {  	v1 =	vadd.f32 v1, v2;
	_ =	sdelay $0x1  }
0x367: {  	s23 =	sadd.s32 $0x10C00, s7;
	v1 =	vmul.f32 v1, v3  }
0x368: {  	s7 =	sor.u32 s8, s23;
	s8 =	sor.u32 $0x20, s22  }
0x369: {  	[smem:$0x7EA] =	sst s0;
	s29 =	sadd.s32 s8, s20;
	[tilespmem:s7+$0x0] =	vst.add.f32.msk $0xffff, v1  }
0x36a: {  	s28 =	sadd.s32 s8, s13;
	s12 =	sadd.s32 s8, s0;
	s0 =	sld [smem:$0x7E8];
	v1 =	vld [tilespmem:s29+$0x0]  }
0x36b: {  	s30 =	sadd.s32 s8, s19;
	v2 =	vld [tilespmem:s28+$0x0]  }
0x36c: {  	s2 =	smov.u32 s15;
	s11 =	sadd.s32 s8, s6;
	s31 =	sadd.s32 s8, s4;
	v3 =	vld [tilespmem:s30+$0x0]  }
0x36d: {  	s10 =	sadd.s32 s8, s5;
	s9 =	sadd.s32 s8, s17;
	s18 =	sadd.s32 s8, s0;
	v4 =	vld [tilespmem:s31+$0x0]  }
0x36e: {  	s16 =	sadd.s32 s8, s21;
	s7 =	sadd.s32 s8, s15;
	s15 =	sadd.s32 s8, s3;
	v6 =	vld [tilespmem:s18+$0x0]  }
0x36f: {  	s28 =	sadd.s32 s8, s26;
	s29 =	sadd.s32 s8, s24;
	s31 =	smov.u32 s1;
	v5 =	vld [tilespmem:s7+$0x0]  }
0x370: {  	s30 =	sadd.s32 s8, s1;
	s1 =	sor.u32 s8, s23;
	s8 =	sadd.s32 s8, s14  }
0x371: {  	v7 =	vld [tilespmem:s8+$0x0]  }
0x372: {  	v3 =	vmul.f32 v4, v3;
	v4 =	vld [tilespmem:s28+$0x0]  }
0x373: {  	v8 =	vld [tilespmem:s29+$0x0];
	v2 =	vmul.f32 v2, v6  }
0x374: {  	v3 =	vmul.f32 v5, v3;
	v5 =	vld [tilespmem:s16+$0x0]  }
0x375: {  	v6 =	vld [tilespmem:s9+$0x0];
	v1 =	vmul.f32 v1, v2  }
0x376: {  	v2 =	vld [tilespmem:s10+$0x0]  }
0x377: {  	v3 =	vadd.f32 v7, v3;
	v7 =	vld [tilespmem:s12+$0x0];
	v1 =	vmul.f32 v4, v1  }
0x378: {  	v4 =	vld [tilespmem:s30+$0x0]  }
0x379: {  	v1 =	vmul.f32 v5, v1  }
0x37a: {  	v5 =	vld [tilespmem:s11+$0x0]  }
0x37b: {  	v6 =	vmul.f32 v8, v6;
	v1 =	vmul.f32 v2, v1;
	_ =	sdelay $0x1  }
0x37c: {  	v2 =	vmul.f32 v7, v4;
	v1 =	vadd.f32 v6, v1  }
0x37d: {  	v4 =	vld [tilespmem:s15+$0x0]  }
0x37e: {  	v3 =	vadd.f32 v5, v3;
	v1 =	vadd.f32 v2, v1;
	_ =	sdelay $0x1  }
0x37f: {  	v1 =	vadd.f32 v1, v3;
	_ =	sdelay $0x1  }
0x380: {  	v1 =	vmul.f32 v1, v4  }
0x381: {  	s8 =	sor.u32 $0x30, s22  }
0x382: {  	s11 =	sadd.s32 s8, s0;
	[tilespmem:s1+$0x0] =	vst.add.f32.msk $0xffff, v1  }
0x383: {  	s15 =	sadd.s32 s8, s13;
	v6 =	vld [tilespmem:s11+$0x0]  }
0x384: {  	s16 =	sadd.s32 s8, s20;
	v7 =	vld [tilespmem:s15+$0x0]  }
0x385: {  	p0 =	seq.s32 s25, $0x7C0;
	s29 =	sld [smem:$0x7EA];
	s28 =	sadd.s32 s8, s26;
	v2 =	vld [tilespmem:s16+$0x0]  }
.Ltmp1:
0x386: {  	s25 =	sadd.s32 $0x40, s25;
	s30 =	sadd.s32 s8, s19;
	v1 =	vld [tilespmem:s28+$0x0];
	(pc) =	sbr.rel @!p0 .LBB3_6-.Ltmp1, $4  }
0x387: {  	s18 =	sadd.s32 s8, s4;
	s7 =	sadd.s32 s8, s5;
	s21 =	sadd.s32 s8, s21;
	v4 =	vld [tilespmem:s30+$0x0]  }
0x388: {  	s22 =	sadd.s32 s8, s17;
	s5 =	sadd.s32 s8, s24;
	s4 =	sadd.s32 s8, s29;
	v5 =	vld [tilespmem:s18+$0x0]  }
0x389: {  	s20 =	sadd.s32 s8, s2;
	s2 =	sadd.s32 s8, s14;
	s12 =	sld [smem:$0x7E9];
	v3 =	vld [tilespmem:s21+$0x0]  }
0x38a: {  	s0 =	sadd.s32 s8, s6;
	s1 =	sadd.s32 s8, s31;
	s11 =	smov.u32 s3;
	v7 =	vmul.f32 v7, v6;
	v6 =	vld [tilespmem:s20+$0x0]  }
0x38b: {  	v8 =	vld [tilespmem:s2+$0x0]  }
0x38c: {  	v9 =	vld [tilespmem:s7+$0x0]  }
0x38d: {  	v10 =	vld [tilespmem:s22+$0x0];
	v2 =	vmul.f32 v2, v7  }
0x38e: {  	v59 =	vld [tilespmem:s5+$0x0]  }
0x38f: {  	v60 =	vld [tilespmem:s4+$0x0];
	v1 =	vmul.f32 v1, v2  }
0x390: {  	v4 =	vmul.f32 v5, v4;
	v2 =	vld [tilespmem:s1+$0x0]  }
0x391: {  	v1 =	vmul.f32 v3, v1  }
0x392: {  	v61 =	vld [tilespmem:s0+$0x0];
	v3 =	vmul.f32 v6, v4  }
0x393: {  	v62 =	vmul.f32 v59, v10;
	v1 =	vmul.f32 v9, v1;
	_ =	sdelay $0x1  }
0x394: {  	s30 =	sadd.s32 s8, s11;
	v3 =	vadd.f32 v8, v3;
	v2 =	vmul.f32 v60, v2;
	v1 =	vadd.f32 v62, v1  }
0x395: {  	v63 =	vld [tilespmem:s30+$0x0]  }
0x396: {  	v3 =	vadd.f32 v61, v3;
	v1 =	vadd.f32 v2, v1;
	_ =	sdelay $0x1  }
0x397: {  	v1 =	vadd.f32 v1, v3;
	_ =	sdelay $0x1  }
0x398: {  	v1 =	vmul.f32 v1, v63  }
0x399: {  	s31 =	sor.u32 s8, s23  }
0x39a: {  	[tilespmem:s31+$0x0] =	vst.add.f32.msk $0xffff, v1  }
0x39b: {  	s13 =	sld [smem:$0x7EB];
	_ =	sdelay $0x2  }
0x39c: {  	p0 =	seq.s32 s13, $0x7F  }
.Ltmp2:
0x39d: {  	_ = 	snop;
	(pc) =	sbr.rel @!p0 .LBB3_5-.Ltmp2, $1  }
0x39e: {  	_ =	sdelay $0x3  }
0x39f: {  	s0 =	sld [smem:$0x0];
	_ =	sdelay $0x2  }
0x3a0: {  	[smem:$0x80] =	sst s0  }
0x3a1: {  	s22 =	sld [smem:$0x1];
	_ =	sdelay $0x2  }
0x3a2: {  	[smem:$0x81] =	sst s22  }
0x3a3: {  	s21 =	sld [smem:$0x2];
	_ =	sdelay $0x2  }
0x3a4: {  	[smem:$0x82] =	sst s21  }
0x3a5: {  	s19 =	sld [smem:$0x3];
	_ =	sdelay $0x2  }
0x3a6: {  	[smem:$0x83] =	sst s19  }
0x3a7: {  	s17 =	sld [smem:$0x4];
	_ =	sdelay $0x2  }
0x3a8: {  	[smem:$0x84] =	sst s17  }
0x3a9: {  	s1 =	sld [smem:$0x5];
	_ =	sdelay $0x2  }
0x3aa: {  	[smem:$0x85] =	sst s1  }
0x3ab: {  	s20 =	sld [smem:$0x6];
	_ =	sdelay $0x2  }
0x3ac: {  	[smem:$0x86] =	sst s20  }
0x3ad: {  	s14 =	sld [smem:$0x7];
	_ =	sdelay $0x2  }
0x3ae: {  	[smem:$0x87] =	sst s14  }
0x3af: {  	s13 =	sld [smem:$0x8];
	_ =	sdelay $0x2  }
0x3b0: {  	[smem:$0x88] =	sst s13  }
0x3b1: {  	s8 =	sld [smem:$0x9];
	_ =	sdelay $0x2  }
0x3b2: {  	[smem:$0x89] =	sst s8  }
0x3b3: {  	s7 =	sld [smem:$0xA];
	_ =	sdelay $0x2  }
0x3b4: {  	[smem:$0x8A] =	sst s7  }
0x3b5: {  	s6 =	sld [smem:$0xB];
	_ =	sdelay $0x2  }
0x3b6: {  	[smem:$0x8B] =	sst s6  }
0x3b7: {  	s5 =	sld [smem:$0xC];
	_ =	sdelay $0x2  }
0x3b8: {  	[smem:$0x8C] =	sst s5  }
0x3b9: {  	s4 =	sld [smem:$0xD];
	_ =	sdelay $0x2  }
0x3ba: {  	[smem:$0x8D] =	sst s4  }
0x3bb: {  	s3 =	sld [smem:$0xE];
	_ =	sdelay $0x2  }
0x3bc: {  	[smem:$0x8E] =	sst s3  }
0x3bd: {  	s2 =	sld [smem:$0xF];
	_ =	sdelay $0x2  }
0x3be: {  	[smem:$0x8F] =	sst s2  }
0x3bf: {  	s23 =	sld [smem:$0x17F];
	_ =	sdelay $0x2  }
0x3c0: {  	s9 =	sand.u32 $0x1, s23  }
0x3c1: {  	p0 =	seq.s32 s9, $0x0  }
0x3c2: {  	s9 =	simm.s32 @!p0 $0x1  }
0x3c3: {  	s10 =	sand.u32 $0x2, s23;
	_ =	swait.ge @!p0 [sflag:s9], $0x800  }
0x3c4: {  	p1 =	seq.s32 s10, $0x0;
	[sflag:s9] =	ssyncset.done @!p0 $0x0  }
0x3c5: {  	[sflag:s9] =	ssyncadd.s32 @!p0 $0xFFFFF800;
	s9 =	simm.s32 @!p1 $0x1  }
0x3c6: {  	s24 =	sand.u32 $0x4, s23;
	_ =	swait.ge @!p1 [sflag:s9], $0x800  }
0x3c7: {  	p0 =	seq.s32 s24, $0x0;
	[sflag:s9] =	ssyncset.done @!p1 $0x0  }
0x3c8: {  	[sflag:s9] =	ssyncadd.s32 @!p1 $0xFFFFF800;
	s9 =	simm.s32 @!p0 $0x1  }
0x3c9: {  	s25 =	sand.u32 $0x8, s23;
	_ =	swait.ge @!p0 [sflag:s9], $0x800  }
0x3ca: {  	p1 =	seq.s32 s25, $0x0;
	[sflag:s9] =	ssyncset.done @!p0 $0x0  }
0x3cb: {  	[sflag:s9] =	ssyncadd.s32 @!p0 $0xFFFFF800;
	s9 =	simm.s32 @!p1 $0x1  }
0x3cc: {  	s26 =	sand.u32 $0x10, s23;
	_ =	swait.ge @!p1 [sflag:s9], $0x800  }
0x3cd: {  	p0 =	seq.s32 s26, $0x0;
	[sflag:s9] =	ssyncset.done @!p1 $0x0  }
0x3ce: {  	[sflag:s9] =	ssyncadd.s32 @!p1 $0xFFFFF800;
	s9 =	simm.s32 @!p0 $0x1  }
0x3cf: {  	s28 =	sand.u32 $0x20, s23;
	_ =	swait.ge @!p0 [sflag:s9], $0x800  }
0x3d0: {  	p1 =	seq.s32 s28, $0x0;
	[sflag:s9] =	ssyncset.done @!p0 $0x0  }
0x3d1: {  	[sflag:s9] =	ssyncadd.s32 @!p0 $0xFFFFF800;
	s9 =	simm.s32 @!p1 $0x1  }
0x3d2: {  	s29 =	sand.u32 $0x40, s23;
	_ =	swait.ge @!p1 [sflag:s9], $0x800  }
0x3d3: {  	p0 =	seq.s32 s29, $0x0;
	[sflag:s9] =	ssyncset.done @!p1 $0x0  }
0x3d4: {  	[sflag:s9] =	ssyncadd.s32 @!p1 $0xFFFFF800;
	s9 =	simm.s32 @!p0 $0x1  }
0x3d5: {  	s30 =	sand.u32 $0x80, s23;
	_ =	swait.ge @!p0 [sflag:s9], $0x800  }
0x3d6: {  	p1 =	seq.s32 s30, $0x0;
	[sflag:s9] =	ssyncset.done @!p0 $0x0  }
0x3d7: {  	[sflag:s9] =	ssyncadd.s32 @!p0 $0xFFFFF800;
	s9 =	simm.s32 @!p1 $0x1  }
0x3d8: {  	s31 =	sand.u32 $0x100, s23;
	_ =	swait.ge @!p1 [sflag:s9], $0x800  }
0x3d9: {  	p0 =	seq.s32 s31, $0x0;
	[sflag:s9] =	ssyncset.done @!p1 $0x0  }
0x3da: {  	[sflag:s9] =	ssyncadd.s32 @!p1 $0xFFFFF800;
	s9 =	simm.s32 @!p0 $0x1  }
0x3db: {  	s11 =	sand.u32 $0x200, s23;
	_ =	swait.ge @!p0 [sflag:s9], $0x800  }
0x3dc: {  	p1 =	seq.s32 s11, $0x0;
	[sflag:s9] =	ssyncset.done @!p0 $0x0  }
0x3dd: {  	[sflag:s9] =	ssyncadd.s32 @!p0 $0xFFFFF800;
	s9 =	simm.s32 @!p1 $0x1  }
0x3de: {  	s12 =	sand.u32 $0x400, s23;
	_ =	swait.ge @!p1 [sflag:s9], $0x800  }
0x3df: {  	p0 =	seq.s32 s12, $0x0;
	[sflag:s9] =	ssyncset.done @!p1 $0x0  }
0x3e0: {  	[sflag:s9] =	ssyncadd.s32 @!p1 $0xFFFFF800;
	s9 =	simm.s32 @!p0 $0x1  }
0x3e1: {  	s15 =	sand.u32 $0x800, s23;
	_ =	swait.ge @!p0 [sflag:s9], $0x800  }
0x3e2: {  	s8 =	sshll.u32 s8, $0x11;
	p1 =	seq.s32 s15, $0x0;
	[sflag:s9] =	ssyncset.done @!p0 $0x0  }
0x3e3: {  	s8 =	sshra.s32 s8, $0x2;
	[sflag:s9] =	ssyncadd.s32 @!p0 $0xFFFFF800;
	s9 =	simm.s32 @!p1 $0x1  }
0x3e4: {  	s8 =	sor.u32 $0x5400, s8;
	s16 =	sand.u32 $0x1000, s23;
	_ =	swait.ge @!p1 [sflag:s9], $0x800  }
0x3e5: {  	s7 =	sshll.u32 s7, $0x11;
	p0 =	seq.s32 s16, $0x0;
	[sflag:s9] =	ssyncset.done @!p1 $0x0  }
0x3e6: {  	s7 =	sshra.s32 s7, $0x2;
	[sflag:s9] =	ssyncadd.s32 @!p1 $0xFFFFF800;
	s9 =	simm.s32 @!p0 $0x1  }
0x3e7: {  	s7 =	sor.u32 $0x5C00, s7;
	s18 =	sand.u32 $0x2000, s23;
	_ =	swait.ge @!p0 [sflag:s9], $0x800  }
0x3e8: {  	s6 =	sshll.u32 s6, $0x11;
	p1 =	seq.s32 s18, $0x0;
	[sflag:s9] =	ssyncset.done @!p0 $0x0  }
0x3e9: {  	s6 =	sshra.s32 s6, $0x2;
	[sflag:s9] =	ssyncadd.s32 @!p0 $0xFFFFF800;
	s9 =	simm.s32 @!p1 $0x1  }
0x3ea: {  	s24 =	sand.u32 $0x4000, s23;
	s25 =	sand.u32 $0x8000, s23;
	_ =	swait.ge @!p1 [sflag:s9], $0x800  }
0x3eb: {  	s26 =	sshll.u32 s22, $0x11;
	p0 =	seq.s32 s24, $0x0;
	[sflag:s9] =	ssyncset.done @!p1 $0x0  }
0x3ec: {  	s29 =	sshll.u32 s19, $0x11;
	[sflag:s9] =	ssyncadd.s32 @!p1 $0xFFFFF800;
	s9 =	simm.s32 @!p0 $0x1  }
0x3ed: {  	s30 =	sshra.s32 s29, $0x2;
	s11 =	sshll.u32 s21, $0x11;
	_ =	swait.ge @!p0 [sflag:s9], $0x800  }
0x3ee: {  	s31 =	sshll.u32 s17, $0x11;
	s11 =	sshra.s32 s11, $0x2;
	[sflag:s9] =	ssyncset.done @!p0 $0x0  }
0x3ef: {  	[sflag:s9] =	ssyncadd.s32 @!p0 $0xFFFFF800;
	p0 =	seq.s32 s25, $0x0;
	s9 =	sshra.s32 s26, $0x2  }
0x3f0: {  	s28 =	sor.u32 $0x1C00, s11;
	s10 =	simm.s32 @!p0 $0x1;
	s9 =	sor.u32 $0x1400, s9  }
0x3f1: {  	s11 =	sshra.s32 s31, $0x2;
	_ =	swait.ge @!p0 [sflag:s10], $0x800;
	[dreg:$0x1f] =	wrdreg s9  }
0x3f2: {  	s12 =	sshll.u32 s20, $0x11;
	s9 =	sor.u32 $0x2400, s30;
	[smem:$0x7E2] =	sst s28  }
0x3f3: {  	s11 =	sor.u32 $0x2C00, s11;
	s15 =	sshra.s32 s12, $0x2;
	[smem:$0x7DC] =	sst s9  }
0x3f4: {  	s5 =	sshll.u32 s5, $0x11;
	s16 =	sor.u32 $0x3C00, s15;
	[smem:$0x7E6] =	sst s11  }
0x3f5: {  	s6 =	sor.u32 $0x6400, s6;
	s5 =	sshra.s32 s5, $0x2;
	[smem:$0x7DD] =	sst s16  }
0x3f6: {  	s5 =	sor.u32 $0x6C00, s5;
	s4 =	sshll.u32 s4, $0x11;
	[smem:$0x7E1] =	sst s8  }
0x3f7: {  	s4 =	sshra.s32 s4, $0x2;
	s3 =	sshll.u32 s3, $0x11;
	[smem:$0x7E0] =	sst s7  }
0x3f8: {  	s4 =	sor.u32 $0x7400, s4;
	s3 =	sshra.s32 s3, $0x2;
	[smem:$0x7E4] =	sst s6  }
0x3f9: {  	s3 =	sor.u32 $0x7C00, s3;
	s2 =	sshll.u32 s2, $0x11;
	[smem:$0x7DB] =	sst s5  }
0x3fa: {  	s2 =	sshra.s32 s2, $0x2;
	s17 =	sshll.u32 s14, $0x11;
	[smem:$0x7E3] =	sst s4  }
0x3fb: {  	s2 =	sadd.s32 $0x8400, s2;
	s18 =	sshra.s32 s17, $0x2;
	[smem:$0x7DE] =	sst s3  }
0x3fc: {  	s23 =	simm.s32 $0x0;
	s9 =	sor.u32 $0x4400, s18;
	[smem:$0x7E5] =	sst s2  }
0x3fd: {  	s19 =	sshll.u32 s13, $0x11;
	s21 =	sshll.u32 s1, $0x11;
	[smem:$0x7DA] =	sst s9  }
0x3fe: {  	s11 =	sshra.s32 s19, $0x2;
	[sflag:s10] =	ssyncset.done @!p0 $0x0;
	s5 =	sld [smem:$0x7DB]  }
0x3ff: {  	s8 =	sand.u32 $0x780, s23;
	s4 =	sand.u32 $0x40, s23;
	s24 =	sld [smem:$0x7DC]  }
0x400: {  	s20 =	sor.u32 $0x4C00, s11;
	[sflag:s10] =	ssyncadd.s32 @!p0 $0xFFFFF800;
	s25 =	sld [smem:$0x7DD]  }
0x401: {  	s9 =	sshll.u32 s0, $0x11;
	s0 =	sshra.s32 s21, $0x2;
	s26 =	sld [smem:$0x7DE]  }
0x402: {  	s22 =	sld [smem:$0x7DA];
	s10 =	sor.u32 $0x3400, s0;
	s0 =	sadd.s32 s8, s5  }
0x403: {  	[smem:$0x7DF] =	sst s20;
	s2 =	sadd.s32 s8, s24;
	s30 =	sadd.s32 s4, s0  }
0x404: {  	s29 =	sld [smem:$0x7DF];
	s6 =	sadd.s32 s8, s25;
	s13 =	sadd.s32 s4, s2;
	v2 =	vld [tilespmem:s30+$0x0]  }
0x405: {  	s31 =	sld [smem:$0x7E0];
	s3 =	sadd.s32 s8, s22;
	s16 =	sadd.s32 s4, s6;
	v3 =	vld [tilespmem:s13+$0x0]  }
0x406: {  	s14 =	sld [smem:$0x7E1];
	s1 =	sadd.s32 s8, s26;
	s28 =	sadd.s32 s4, s3;
	v4 =	vld [tilespmem:s16+$0x0]  }
0x407: {  	s17 =	sld [smem:$0x7E2];
	s18 =	sadd.s32 s4, s1;
	s7 =	sadd.s32 s8, s29;
	v1 =	vld [tilespmem:s28+$0x0]  }
0x408: {  	s15 =	rddreg [dreg:$0x1f];
	s5 =	sadd.s32 s8, s31;
	v5 =	vld [tilespmem:s18+$0x0];
	s16 =	sadd.s32 s4, s7  }
0x409: {  	s19 =	sld [smem:$0x7E3];
	s21 =	sadd.s32 s4, s5;
	s13 =	sadd.s32 s8, s14;
	v6 =	vld [tilespmem:s16+$0x0]  }
0x40a: {  	s17 =	sadd.s32 s8, s17;
	s22 =	sld [smem:$0x7E4];
	v7 =	vld [tilespmem:s21+$0x0];
	s23 =	sadd.s32 s4, s13  }
0x40b: {  	s20 =	sadd.s32 s8, s15;
	s24 =	sld [smem:$0x7E5];
	s25 =	sadd.s32 s4, s17;
	v8 =	vld [tilespmem:s23+$0x0]  }
0x40c: {  	s26 =	sadd.s32 s4, s20;
	s14 =	sadd.s32 s8, s19;
	s18 =	sld [smem:$0x7E6];
	v9 =	vld [tilespmem:s25+$0x0];
	v1 =	vmul.f32 v1, v4  }
0x40d: {  	[smem:$0x7E7] =	sst s10;
	s28 =	sadd.s32 s4, s14;
	s22 =	sadd.s32 s8, s22;
	v4 =	vld [tilespmem:s26+$0x0]  }
0x40e: {  	s30 =	sld [smem:$0x7E7];
	s19 =	sadd.s32 s8, s24;
	v10 =	vld [tilespmem:s28+$0x0];
	s29 =	sadd.s32 s4, s22;
	v1 =	vmul.f32 v6, v1  }
0x40f: {  	s31 =	sadd.s32 s4, s19;
	s21 =	sadd.s32 s8, s18;
	v6 =	vld [tilespmem:s29+$0x0]  }
0x410: {  	v11 =	vld [tilespmem:s31+$0x0];
	s15 =	sadd.s32 s4, s21;
	v1 =	vmul.f32 v8, v1  }
0x411: {  	s9 =	sshra.s32 s9, $0x2;
	s11 =	sadd.s32 s8, s30;
	v8 =	vld [tilespmem:s15+$0x0]  }
0x412: {  	s9 =	sor.u32 $0xC00, s9;
	s16 =	sadd.s32 s4, s11;
	v4 =	vmul.f32 v9, v4;
	v1 =	vmul.f32 v7, v1  }
0x413: {  	[dreg:$0x1e] =	wrdreg s9;
	v2 =	vmul.f32 v10, v2;
	v7 =	vld [tilespmem:s16+$0x0]  }
0x414: {  	s18 =	rddreg [dreg:$0x1e];
	v3 =	vmul.f32 v3, v4;
	v1 =	vmul.f32 v6, v1  }
0x415: {  	s12 =	sadd.s32 s8, s18  }
0x416: {  	s23 =	sadd.s32 s4, s12;
	v4 =	vmul.f32 v11, v5;
	v1 =	vadd.f32 v2, v1;
	v2 =	vadd.f32 v8, v3  }
0x417: {  	v3 =	vld [tilespmem:s23+$0x0]  }
0x418: {  	v1 =	vadd.f32 v4, v1;
	v2 =	vadd.f32 v7, v2;
	_ =	sdelay $0x1  }
0x419: {  	v1 =	vadd.f32 v1, v2;
	_ =	sdelay $0x1  }
0x41a: {  	v1 =	vmul.f32 v1, v3  }
0x41b: {  	s9 =	sor.u32 $0x10, s4;
	s16 =	simm.s32 $0x10C00  }
0x41c: {  	s24 =	sadd.s32 s9, s6;
	[tilespmem:s16+$0x0] =	vst.add.f32.msk $0xffff, v1  }
0x41d: {  	s25 =	sadd.s32 s9, s2;
	v1 =	vld [tilespmem:s24+$0x0]  }
0x41e: {  	s26 =	sadd.s32 s9, s20;
	v2 =	vld [tilespmem:s25+$0x0]  }
0x41f: {  	s28 =	sadd.s32 s9, s3;
	v3 =	vld [tilespmem:s26+$0x0]  }
0x420: {  	s29 =	sadd.s32 s9, s17;
	v4 =	vld [tilespmem:s28+$0x0]  }
0x421: {  	s30 =	sadd.s32 s9, s7;
	v5 =	vld [tilespmem:s29+$0x0]  }
0x422: {  	s31 =	sadd.s32 s9, s19;
	v6 =	vld [tilespmem:s30+$0x0]  }
0x423: {  	s15 =	sadd.s32 s9, s13;
	v7 =	vld [tilespmem:s31+$0x0]  }
0x424: {  	s18 =	sadd.s32 s9, s14;
	v8 =	vld [tilespmem:s15+$0x0]  }
0x425: {  	s23 =	sadd.s32 s9, s5;
	v58 =	vld [tilespmem:s18+$0x0];
	v1 =	vmul.f32 v4, v1  }
0x426: {  	s24 =	sadd.s32 s9, s0;
	v4 =	vld [tilespmem:s23+$0x0]  }
0x427: {  	s25 =	sadd.s32 s9, s22;
	v59 =	vld [tilespmem:s24+$0x0];
	v1 =	vmul.f32 v6, v1  }
0x428: {  	s26 =	sadd.s32 s9, s1;
	v6 =	vld [tilespmem:s25+$0x0]  }
0x429: {  	s28 =	sadd.s32 s9, s21;
	v60 =	vld [tilespmem:s26+$0x0];
	v1 =	vmul.f32 v8, v1  }
0x42a: {  	v3 =	vmul.f32 v5, v3;
	v5 =	vld [tilespmem:s28+$0x0]  }
0x42b: {  	s29 =	sadd.s32 s9, s11;
	v1 =	vmul.f32 v4, v1  }
0x42c: {  	v2 =	vmul.f32 v2, v3;
	v3 =	vld [tilespmem:s29+$0x0]  }
0x42d: {  	v4 =	vmul.f32 v58, v59;
	v1 =	vmul.f32 v6, v1;
	_ =	sdelay $0x1  }
0x42e: {  	s30 =	sadd.s32 s9, s12;
	v2 =	vadd.f32 v5, v2;
	v6 =	vmul.f32 v7, v60;
	v1 =	vadd.f32 v4, v1  }
0x42f: {  	v4 =	vld [tilespmem:s30+$0x0]  }
0x430: {  	v2 =	vadd.f32 v3, v2;
	v1 =	vadd.f32 v6, v1;
	_ =	sdelay $0x1  }
0x431: {  	v1 =	vadd.f32 v1, v2;
	_ =	sdelay $0x1  }
0x432: {  	s25 =	sadd.s32 $0x10C00, s8;
	v1 =	vmul.f32 v1, v4  }
0x433: {  	s8 =	sor.u32 s9, s25;
	s9 =	sor.u32 $0x20, s4  }
0x434: {  	s31 =	sadd.s32 s9, s7;
	[tilespmem:s8+$0x0] =	vst.add.f32.msk $0xffff, v1  }
0x435: {  	s10 =	sadd.s32 s9, s3;
	v1 =	vld [tilespmem:s31+$0x0]  }
0x436: {  	s15 =	sadd.s32 s9, s20;
	v2 =	vld [tilespmem:s10+$0x0]  }
0x437: {  	s18 =	sadd.s32 s9, s6;
	v3 =	vld [tilespmem:s15+$0x0]  }
0x438: {  	s23 =	sadd.s32 s9, s17;
	v4 =	vld [tilespmem:s18+$0x0]  }
0x439: {  	s24 =	sadd.s32 s9, s2;
	v5 =	vld [tilespmem:s23+$0x0]  }
0x43a: {  	s26 =	sadd.s32 s9, s21;
	v6 =	vld [tilespmem:s24+$0x0]  }
0x43b: {  	s28 =	sadd.s32 s9, s13;
	v7 =	vld [tilespmem:s26+$0x0]  }
0x43c: {  	s29 =	sadd.s32 s9, s14;
	v8 =	vld [tilespmem:s28+$0x0]  }
0x43d: {  	s30 =	sadd.s32 s9, s5;
	v61 =	vld [tilespmem:s29+$0x0];
	v2 =	vmul.f32 v2, v4  }
0x43e: {  	s31 =	sadd.s32 s9, s0;
	v4 =	vld [tilespmem:s30+$0x0]  }
0x43f: {  	s10 =	sadd.s32 s9, s22;
	v62 =	vld [tilespmem:s31+$0x0];
	v1 =	vmul.f32 v1, v2  }
0x440: {  	s15 =	sadd.s32 s9, s19;
	v2 =	vld [tilespmem:s10+$0x0]  }
0x441: {  	s18 =	sadd.s32 s9, s1;
	v63 =	vld [tilespmem:s15+$0x0];
	v1 =	vmul.f32 v8, v1  }
0x442: {  	v3 =	vmul.f32 v5, v3;
	v5 =	vld [tilespmem:s18+$0x0]  }
0x443: {  	s23 =	sadd.s32 s9, s11;
	v1 =	vmul.f32 v4, v1  }
0x444: {  	v3 =	vmul.f32 v6, v3;
	v4 =	vld [tilespmem:s23+$0x0]  }
0x445: {  	v6 =	vmul.f32 v61, v62;
	v1 =	vmul.f32 v2, v1;
	_ =	sdelay $0x1  }
0x446: {  	s24 =	sadd.s32 s9, s12;
	v2 =	vadd.f32 v7, v3;
	v3 =	vmul.f32 v63, v5;
	v1 =	vadd.f32 v6, v1  }
0x447: {  	v5 =	vld [tilespmem:s24+$0x0]  }
0x448: {  	v2 =	vadd.f32 v4, v2;
	v1 =	vadd.f32 v3, v1;
	_ =	sdelay $0x1  }
0x449: {  	v1 =	vadd.f32 v1, v2;
	_ =	sdelay $0x1  }
0x44a: {  	v1 =	vmul.f32 v1, v5  }
0x44b: {  	s8 =	sor.u32 $0x30, s4;
	s9 =	sor.u32 s9, s25  }
0x44c: {  	s4 =	sadd.s32 s8, s6;
	[tilespmem:s9+$0x0] =	vst.add.f32.msk $0xffff, v1  }
0x44d: {  	s3 =	sadd.s32 s8, s3;
	v7 =	vld [tilespmem:s4+$0x0]  }
0x44e: {  	s26 =	sadd.s32 s8, s7;
	v8 =	vld [tilespmem:s3+$0x0]  }
0x44f: {  	s28 =	sadd.s32 s8, s13;
	v2 =	vld [tilespmem:s26+$0x0]  }
0x450: {  	s29 =	sadd.s32 s8, s20;
	v1 =	vld [tilespmem:s28+$0x0]  }
0x451: {  	s2 =	sadd.s32 s8, s2;
	s30 =	sadd.s32 s8, s17;
	v4 =	vld [tilespmem:s29+$0x0]  }
0x452: {  	s7 =	sadd.s32 s8, s22;
	s22 =	sadd.s32 s8, s0;
	s31 =	sadd.s32 s8, s5;
	v5 =	vld [tilespmem:s30+$0x0]  }
0x453: {  	s0 =	sadd.s32 s8, s11;
	s1 =	sadd.s32 s8, s1;
	s5 =	sadd.s32 s8, s14;
	v3 =	vld [tilespmem:s31+$0x0]  }
0x454: {  	s24 =	simm.s32 $0x40;
	v6 =	vld [tilespmem:s2+$0x0];
	s4 =	sadd.s32 s8, s19;
	s2 =	sadd.s32 s8, s21;
	v7 =	vmul.f32 v8, v7  }
.LBB3_9:
0x455: {  	v8 =	vld [tilespmem:s2+$0x0]  }
0x456: {  	v9 =	vld [tilespmem:s7+$0x0]  }
0x457: {  	v10 =	vld [tilespmem:s22+$0x0];
	v2 =	vmul.f32 v2, v7  }
0x458: {  	v4 =	vmul.f32 v5, v4;
	v5 =	vld [tilespmem:s5+$0x0]  }
0x459: {  	v7 =	vld [tilespmem:s1+$0x0];
	v1 =	vmul.f32 v1, v2  }
0x45a: {  	v2 =	vld [tilespmem:s4+$0x0]  }
0x45b: {  	v1 =	vmul.f32 v3, v1  }
0x45c: {  	v4 =	vmul.f32 v6, v4;
	v6 =	vld [tilespmem:s0+$0x0]  }
0x45d: {  	v5 =	vmul.f32 v5, v10;
	v1 =	vmul.f32 v9, v1;
	_ =	sdelay $0x1  }
0x45e: {  	s18 =	sadd.s32 s8, s12;
	v4 =	vadd.f32 v8, v4;
	v2 =	vmul.f32 v2, v7;
	v1 =	vadd.f32 v5, v1  }
0x45f: {  	s2 =	rddreg [dreg:$0x1f];
	v3 =	vld [tilespmem:s18+$0x0]  }
0x460: {  	s19 =	sld [smem:$0x7E0];
	v4 =	vadd.f32 v6, v4;
	v1 =	vadd.f32 v2, v1  }
0x461: {  	s10 =	sld [smem:$0x7DE]  }
0x462: {  	s14 =	sld [smem:$0x7DA];
	v1 =	vadd.f32 v1, v4  }
0x463: {  	s6 =	smov.u32 s24;
	s28 =	sld [smem:$0x7DB]  }
0x464: {  	s11 =	sld [smem:$0x7DC];
	s7 =	sand.u32 $0x780, s6;
	v1 =	vmul.f32 v1, v3  }
0x465: {  	s29 =	sor.u32 s8, s25;
	s22 =	sand.u32 $0x40, s6;
	s18 =	sadd.s32 s7, s14  }
0x466: {  	s15 =	sld [smem:$0x7DD];
	s17 =	sadd.s32 s7, s28;
	s6 =	sadd.s32 s22, s18;
	[tilespmem:s29+$0x0] =	vst.add.f32.msk $0xffff, v1  }
0x467: {  	s26 =	sld [smem:$0x7E5];
	s13 =	sadd.s32 s7, s11;
	s31 =	sadd.s32 s22, s17;
	v1 =	vld [tilespmem:s6+$0x0]  }
0x468: {  	s21 =	sld [smem:$0x7DF];
	s30 =	sadd.s32 s7, s10;
	s10 =	sadd.s32 s22, s13;
	v2 =	vld [tilespmem:s31+$0x0]  }
0x469: {  	s3 =	sld [smem:$0x7E2];
	s25 =	sadd.s32 s7, s15;
	s14 =	sadd.s32 s22, s30;
	v3 =	vld [tilespmem:s10+$0x0]  }
0x46a: {  	s28 =	sadd.s32 s7, s26;
	s12 =	sadd.s32 s22, s25;
	s4 =	sld [smem:$0x7E1];
	v4 =	vld [tilespmem:s14+$0x0]  }
0x46b: {  	s20 =	sadd.s32 s7, s21;
	s21 =	sadd.s32 s7, s19;
	s19 =	sadd.s32 s22, s28;
	v6 =	vld [tilespmem:s12+$0x0]  }
0x46c: {  	s9 =	sld [smem:$0x7E3];
	s15 =	sadd.s32 s22, s20;
	v5 =	vld [tilespmem:s19+$0x0]  }
0x46d: {  	[smem:$0x7D5] =	sst s30;
	s26 =	sadd.s32 s7, s4;
	s29 =	sadd.s32 s22, s21;
	v7 =	vld [tilespmem:s15+$0x0]  }
0x46e: {  	s30 =	sld [smem:$0x7E4];
	s4 =	sadd.s32 s7, s3;
	s31 =	sadd.s32 s22, s26;
	v8 =	vld [tilespmem:s29+$0x0]  }
0x46f: {  	s0 =	sadd.s32 s22, s4;
	s19 =	sadd.s32 s7, s2;
	v61 =	vld [tilespmem:s31+$0x0]  }
0x470: {  	s23 =	sadd.s32 s7, s9;
	s2 =	sld [smem:$0x7E6];
	v11 =	vld [tilespmem:s0+$0x0];
	s1 =	sadd.s32 s22, s19;
	v1 =	vmul.f32 v1, v6  }
0x471: {  	s9 =	sadd.s32 s22, s23;
	s5 =	sadd.s32 s7, s30;
	v6 =	vld [tilespmem:s1+$0x0]  }
0x472: {  	s11 =	sadd.s32 s22, s5;
	s12 =	sld [smem:$0x7E7];
	v12 =	vld [tilespmem:s9+$0x0];
	v1 =	vmul.f32 v7, v1  }
0x473: {  	v62 =	vld [tilespmem:s11+$0x0];
	s14 =	sadd.s32 s7, s2  }
0x474: {  	s15 =	sadd.s32 s22, s14;
	v1 =	vmul.f32 v61, v1  }
0x475: {  	s6 =	sadd.s32 s7, s12;
	v13 =	vld [tilespmem:s15+$0x0]  }
0x476: {  	s29 =	sadd.s32 s22, s6;
	v6 =	vmul.f32 v11, v6;
	v1 =	vmul.f32 v8, v1  }
0x477: {  	v2 =	vmul.f32 v12, v2;
	v7 =	vld [tilespmem:s29+$0x0]  }
0x478: {  	s30 =	rddreg [dreg:$0x1e];
	v3 =	vmul.f32 v3, v6;
	v1 =	vmul.f32 v62, v1  }
0x479: {  	s0 =	sadd.s32 s7, s30  }
0x47a: {  	s8 =	sadd.s32 s22, s0;
	v4 =	vmul.f32 v5, v4;
	v1 =	vadd.f32 v2, v1;
	v2 =	vadd.f32 v13, v3  }
0x47b: {  	v3 =	vld [tilespmem:s8+$0x0]  }
0x47c: {  	v1 =	vadd.f32 v4, v1;
	v2 =	vadd.f32 v7, v2;
	_ =	sdelay $0x1  }
0x47d: {  	v1 =	vadd.f32 v1, v2;
	_ =	sdelay $0x1  }
0x47e: {  	v1 =	vmul.f32 v1, v3  }
0x47f: {  	s16 =	sadd.s32 $0x40, s16;
	s8 =	sor.u32 $0x10, s22  }
0x480: {  	s2 =	sadd.s32 s8, s25;
	[tilespmem:s16+$0x0] =	vst.add.f32.msk $0xffff, v1  }
0x481: {  	s30 =	sadd.s32 s8, s19;
	v1 =	vld [tilespmem:s2+$0x0]  }
0x482: {  	s1 =	smov.u32 s13;
	s31 =	sadd.s32 s8, s13;
	s13 =	sadd.s32 s8, s4;
	v3 =	vld [tilespmem:s30+$0x0]  }
0x483: {  	s11 =	sadd.s32 s8, s18;
	v4 =	vld [tilespmem:s13+$0x0]  }
0x484: {  	v5 =	vld [tilespmem:s11+$0x0]  }
0x485: {  	[smem:$0x7D7] =	sst s23;
	s29 =	sadd.s32 s8, s20;
	v2 =	vld [tilespmem:s31+$0x0]  }
0x486: {  	s3 =	smov.u32 s18;
	s18 =	sadd.s32 s8, s23;
	s23 =	sadd.s32 s8, s28;
	v6 =	vld [tilespmem:s29+$0x0]  }
0x487: {  	s10 =	sadd.s32 s8, s26;
	v7 =	vld [tilespmem:s23+$0x0]  }
0x488: {  	v8 =	vld [tilespmem:s10+$0x0]  }
0x489: {  	s15 =	sadd.s32 s8, s21;
	s13 =	sld [smem:$0x7D5];
	v3 =	vmul.f32 v4, v3;
	v4 =	vld [tilespmem:s18+$0x0];
	v1 =	vmul.f32 v5, v1  }
0x48a: {  	s31 =	sadd.s32 s8, s17;
	v5 =	vld [tilespmem:s15+$0x0]  }
0x48b: {  	s9 =	sadd.s32 s8, s5;
	v2 =	vmul.f32 v2, v3;
	v3 =	vld [tilespmem:s31+$0x0];
	v1 =	vmul.f32 v6, v1  }
0x48c: {  	[smem:$0x7D6] =	sst s25;
	s25 =	sadd.s32 s8, s13;
	v6 =	vld [tilespmem:s9+$0x0]  }
0x48d: {  	s12 =	sadd.s32 s8, s14;
	v63 =	vld [tilespmem:s25+$0x0];
	v1 =	vmul.f32 v8, v1  }
0x48e: {  	v8 =	vld [tilespmem:s12+$0x0]  }
0x48f: {  	[smem:$0x7D8] =	sst s16;
	s16 =	sadd.s32 s8, s6;
	v1 =	vmul.f32 v5, v1  }
0x490: {  	v5 =	vld [tilespmem:s16+$0x0]  }
0x491: {  	v3 =	vmul.f32 v4, v3;
	v1 =	vmul.f32 v6, v1;
	_ =	sdelay $0x1  }
0x492: {  	s2 =	sadd.s32 s8, s0;
	v4 =	vmul.f32 v7, v63;
	v2 =	vadd.f32 v8, v2;
	v1 =	vadd.f32 v3, v1  }
0x493: {  	v3 =	vld [tilespmem:s2+$0x0]  }
0x494: {  	v2 =	vadd.f32 v5, v2;
	v1 =	vadd.f32 v4, v1;
	_ =	sdelay $0x1  }
0x495: {  	v1 =	vadd.f32 v1, v2;
	_ =	sdelay $0x1  }
0x496: {  	s25 =	sadd.s32 $0x10C00, s7;
	v1 =	vmul.f32 v1, v3  }
0x497: {  	s7 =	sor.u32 s8, s25;
	s8 =	sor.u32 $0x20, s22  }
0x498: {  	s18 =	sadd.s32 s8, s3;
	s23 =	sadd.s32 s8, s20;
	s31 =	sadd.s32 s8, s1;
	[tilespmem:s7+$0x0] =	vst.add.f32.msk $0xffff, v1  }
0x499: {  	s2 =	smov.u32 s1;
	s1 =	smov.u32 s3;
	s3 =	sld [smem:$0x7D6];
	v1 =	vld [tilespmem:s23+$0x0]  }
0x49a: {  	s29 =	sadd.s32 s8, s19;
	v2 =	vld [tilespmem:s18+$0x0]  }
0x49b: {  	[smem:$0x7D9] =	sst s28;
	s11 =	sadd.s32 s8, s6;
	s30 =	sadd.s32 s8, s4;
	v3 =	vld [tilespmem:s29+$0x0]  }
0x49c: {  	s10 =	sadd.s32 s8, s5;
	s18 =	sadd.s32 s8, s3;
	v4 =	vld [tilespmem:s30+$0x0];
	s23 =	sld [smem:$0x7D7]  }
0x49d: {  	s15 =	sadd.s32 s8, s0;
	s9 =	sadd.s32 s8, s17;
	s12 =	sadd.s32 s8, s28;
	v6 =	vld [tilespmem:s18+$0x0]  }
0x49e: {  	s28 =	sadd.s32 s8, s26;
	s16 =	sadd.s32 s8, s21;
	s30 =	sadd.s32 s8, s13;
	v5 =	vld [tilespmem:s31+$0x0]  }
0x49f: {  	s31 =	sor.u32 s8, s25;
	s29 =	sadd.s32 s8, s23;
	s8 =	sadd.s32 s8, s14  }
0x4a0: {  	v7 =	vld [tilespmem:s8+$0x0]  }
0x4a1: {  	v3 =	vmul.f32 v4, v3;
	v4 =	vld [tilespmem:s28+$0x0]  }
0x4a2: {  	v8 =	vld [tilespmem:s29+$0x0];
	v2 =	vmul.f32 v2, v6  }
0x4a3: {  	v3 =	vmul.f32 v5, v3;
	v5 =	vld [tilespmem:s16+$0x0]  }
0x4a4: {  	v6 =	vld [tilespmem:s9+$0x0];
	v1 =	vmul.f32 v1, v2  }
0x4a5: {  	v2 =	vld [tilespmem:s10+$0x0]  }
0x4a6: {  	v3 =	vadd.f32 v7, v3;
	v7 =	vld [tilespmem:s12+$0x0];
	v1 =	vmul.f32 v4, v1  }
0x4a7: {  	v4 =	vld [tilespmem:s30+$0x0]  }
0x4a8: {  	v1 =	vmul.f32 v5, v1  }
0x4a9: {  	v5 =	vld [tilespmem:s11+$0x0]  }
0x4aa: {  	v6 =	vmul.f32 v8, v6;
	v1 =	vmul.f32 v2, v1;
	_ =	sdelay $0x1  }
0x4ab: {  	v2 =	vmul.f32 v7, v4;
	v1 =	vadd.f32 v6, v1  }
0x4ac: {  	v4 =	vld [tilespmem:s15+$0x0]  }
0x4ad: {  	v3 =	vadd.f32 v5, v3;
	v1 =	vadd.f32 v2, v1;
	_ =	sdelay $0x1  }
0x4ae: {  	v1 =	vadd.f32 v1, v3;
	_ =	sdelay $0x1  }
0x4af: {  	v1 =	vmul.f32 v1, v4  }
0x4b0: {  	s8 =	sor.u32 $0x30, s22  }
0x4b1: {  	s10 =	sadd.s32 s8, s3;
	[tilespmem:s31+$0x0] =	vst.add.f32.msk $0xffff, v1  }
0x4b2: {  	s11 =	sadd.s32 s8, s1;
	v6 =	vld [tilespmem:s10+$0x0]  }
0x4b3: {  	s15 =	sadd.s32 s8, s20;
	v7 =	vld [tilespmem:s11+$0x0]  }
0x4b4: {  	p0 =	sne.s32 s24, $0x7C0;
	s24 =	sadd.s32 $0x40, s24;
	s29 =	sadd.s32 s8, s26;
	v2 =	vld [tilespmem:s15+$0x0]  }
.Ltmp3:
0x4b5: {  	s18 =	sadd.s32 s8, s4;
	s31 =	sadd.s32 s8, s19;
	v1 =	vld [tilespmem:s29+$0x0];
	(pc) =	sbr.rel @p0 .LBB3_9-.Ltmp3, $4  }
0x4b6: {  	s7 =	sadd.s32 s8, s5;
	s28 =	sadd.s32 s8, s21;
	s30 =	sld [smem:$0x7D9];
	v4 =	vld [tilespmem:s31+$0x0]  }
0x4b7: {  	s22 =	sadd.s32 s8, s17;
	s5 =	sadd.s32 s8, s23;
	s16 =	sld [smem:$0x7D8];
	v5 =	vld [tilespmem:s18+$0x0]  }
0x4b8: {  	s12 =	smov.u32 s0;
	s0 =	sadd.s32 s8, s6;
	s20 =	sadd.s32 s8, s2;
	v3 =	vld [tilespmem:s28+$0x0]  }
0x4b9: {  	s1 =	sadd.s32 s8, s13;
	s4 =	sadd.s32 s8, s30;
	s2 =	sadd.s32 s8, s14;
	v7 =	vmul.f32 v7, v6;
	v6 =	vld [tilespmem:s20+$0x0]  }
0x4ba: {  	v8 =	vld [tilespmem:s2+$0x0]  }
0x4bb: {  	v9 =	vld [tilespmem:s7+$0x0]  }
0x4bc: {  	v10 =	vld [tilespmem:s22+$0x0];
	v2 =	vmul.f32 v2, v7  }
0x4bd: {  	v59 =	vld [tilespmem:s5+$0x0]  }
0x4be: {  	v60 =	vld [tilespmem:s4+$0x0];
	v1 =	vmul.f32 v1, v2  }
0x4bf: {  	v4 =	vmul.f32 v5, v4;
	v2 =	vld [tilespmem:s1+$0x0]  }
0x4c0: {  	v1 =	vmul.f32 v3, v1  }
0x4c1: {  	v61 =	vld [tilespmem:s0+$0x0];
	v3 =	vmul.f32 v6, v4  }
0x4c2: {  	v62 =	vmul.f32 v59, v10;
	v1 =	vmul.f32 v9, v1;
	_ =	sdelay $0x1  }
0x4c3: {  	s24 =	sadd.s32 s8, s12;
	v3 =	vadd.f32 v8, v3;
	v2 =	vmul.f32 v60, v2;
	v1 =	vadd.f32 v62, v1  }
0x4c4: {  	v63 =	vld [tilespmem:s24+$0x0]  }
0x4c5: {  	v3 =	vadd.f32 v61, v3;
	v1 =	vadd.f32 v2, v1;
	_ =	sdelay $0x1  }
0x4c6: {  	v1 =	vadd.f32 v1, v3;
	_ =	sdelay $0x1  }
0x4c7: {  	s26 =	sld [smem:$0x7FC];
	v1 =	vmul.f32 v1, v63  }
0x4c8: {  	s25 =	sor.u32 s8, s25;
	s28 =	simm.s32 $0x80  }
0x4c9: {  	s29 =	simm.s32 $0x400;
	s3 =	simm.s32 $0x10C00;
	s1 =	simm.s32 $0x2;
	[tilespmem:s25+$0x0] =	vst.add.f32.msk $0xffff, v1  }
0x4ca: {  	[hbm4b:s26+s28] =	stream.strided.scatter [tilespmem:s3], [sflag:$0x2], $0x800, s29, s28, $0x38;
	[tilespmem:$0x11400] =	vst v63  }
0x4cb: {  	_ =	swait.ge [sflag:s1], $0x800  }
0x4cc: {  	s30 =	sld [smem:$0x7F6]  }
0x4cd: {  	s31 =	sld [smem:$0x7FD];
	_ =	sdelay $0x1  }
0x4ce: {  	s2 =	sadd.s32 $0x1, s30  }
0x4cf: {  	p0 =	sne.s32 s2, s31  }
.Ltmp4:
0x4d0: {  	_ = 	snop;
	(pc) =	sbr.rel @p0 .LBB3_1-.Ltmp4, $3  }
0x4d1: {  	_ =	sdelay $0x1  }
0x4d2: {  	[sflag:s1] =	ssyncset.done $0x0  }
0x4d3: {  	s6 =	simm.s32 $0x0;
	[sflag:s1] =	ssyncadd.s32 $0xFFFFF800  }
0x4d4: {  	_ =	sfence.sel $0x180000  }
0x4d5: {  	[bflag:$0x0] =	sbarrier.arrive $0xFFFF  }
0x4d6: {  	_ =	strace $0x90000047  }
0x4d7: {  	s0 =	stileid.u32;
	[bflag:$0x2] =	sbarrier.arrive $0xFFFF  }
0x4d8: {  	p0 =	sne.s32 s0, $0x0;
	s0 =	sld [smem:$0x7FA];
	_ =	sdelay $0x2  }
0x4d9: {  	s0 =	sadd.s32 @!p0 $0x100000, s0  }
0x4da: {  	[sflag:s0] =	ssyncadd.tile.s32 @!p0 $0x1;
	_ =	shalt  }
.Lfunc_end3:
_tile_overlayer_lowered:
.L_overlay_start_3:
0x4db: {  	(tag) =	ssettag $0x3  }
0x4dc: {  	s0 =	rddreg [dreg:$0x0];
	s2 =	stileid.u32  }
0x4dd: {  	s1 =	rddreg [dreg:$0x1];
	p0 =	sne.s32 s2, $0x0  }
0x4de: {  	s3 =	rddreg [dreg:$0x2];
	[bflag:$0x3] =	sbarrier.arrive $0xFFFF;
	s2 =	simm.s32 @!p0 $0x1C02  }
0x4df: {  	[timem:s3], [sflag:s2] =	dma.local @!p0 [hbm:s0], s1  }
0x4e0: {  	s0 =	simm.s32 @!p0 $0x2  }
0x4e1: {  	_ =	swait.ge @!p0 [sflag:s0], s1  }
0x4e2: {  	s1 =	ssub.s32 @!p0 $0x0, s1;
	[sflag:s0] =	ssyncset.done @!p0 $0x0  }
0x4e3: {  	[sflag:s0] =	ssyncadd.s32 @!p0 s1  }
0x4e4: {  	[bflag:$0x3] =	sbarrier.arrive $0xFFFF  }
0x4e5: {  	_ =	shalt  }

</sc_bundles>
